<compile_context>
chip_gen: v7x
topology: tpu7x:2x2x1
jax: 0.10.2.dev20260603
libtpu: 0.0.44.dev20260713+nightly
codegen_flags: <defaults>
</compile_context>

<pallas_src>
import functools

import jax
import jax.numpy as jnp
from jax import lax
from jax.experimental import pallas as pl
from jax.experimental.pallas import tpu as pltpu
from jax.experimental.pallas import tpu_sc as plsc

_D = 32
_B = 16384
_NC = 2
_NS = 16
_NW = _NC * _NS
_BPW = _B // _NW
_GROUP = 16
_NGROUP = _BPW // _GROUP
_FLIGHT = 4
_NFLIGHT = _GROUP // _FLIGHT

_mesh = plsc.VectorSubcoreMesh(core_axis_name="c", subcore_axis_name="s")


@functools.partial(
    pl.kernel,
    mesh=_mesh,
    out_type=jax.ShapeDtypeStruct((_B,), jnp.float32),
    compiler_params=pltpu.CompilerParams(needs_layout_passes=False),
    scratch_types=[
        pltpu.VMEM((_BPW,), jnp.int32),
        pltpu.VMEM((_BPW,), jnp.int32),
        pltpu.VMEM((_D,), jnp.int32),
        pltpu.VMEM((2 * _FLIGHT * _D, 128), jnp.float32),
        pltpu.VMEM((2 * _FLIGHT * _D, 128), jnp.float32),
        pltpu.VMEM((_D,), jnp.float32),
        pltpu.VMEM((16,), jnp.float32),
        pltpu.VMEM((_GROUP * 16,), jnp.float32),
        pltpu.VMEM((_BPW,), jnp.float32),
        pltpu.SemaphoreType.DMA,
        pltpu.SemaphoreType.DMA,
    ],
)
def _gmf_sc(uidx_hbm, iidx_hbm, utab_hbm, itab_hbm, w_hbm, b_hbm, out_hbm,
            uidx_v, iidx_v, diota_v, uslab_v, islab_v, w_v, b_v, sred_v,
            out_v, sem0, sem1):
    cid = lax.axis_index("c")
    sid = lax.axis_index("s")
    wid = sid * _NC + cid
    base = wid * _BPW
    sems = [sem0, sem1]

    pltpu.sync_copy(uidx_hbm.at[pl.ds(base, _BPW)], uidx_v)
    pltpu.sync_copy(iidx_hbm.at[pl.ds(base, _BPW)], iidx_v)
    pltpu.sync_copy(w_hbm, w_v)
    pltpu.sync_copy(b_hbm, b_v)

    lane = lax.iota(jnp.int32, 16)
    diota_v[pl.ds(0, 16)] = lane
    diota_v[pl.ds(16, 16)] = lane + 16

    bias = b_v[...]
    w_lo = w_v[pl.ds(0, 16)]
    w_hi = w_v[pl.ds(16, 16)]
    col_idx = [lane * 16 + c for c in range(16)]

    def fire(q, ju_vec, ji_vec):
        buf = q % 2
        copies = []
        for r in range(_FLIGHT):
            ju = ju_vec[q * _FLIGHT + r]
            ji = ji_vec[q * _FLIGHT + r]
            cu = pl.multiple_of(jax.lax.shift_right_logical(ju, 7) * 128, 128)
            ci = pl.multiple_of(jax.lax.shift_right_logical(ji, 7) * 128, 128)
            dst = pl.ds((buf * _FLIGHT + r) * _D, _D)
            copies.append(pltpu.async_copy(
                utab_hbm.at[diota_v, pl.ds(cu, 128)],
                uslab_v.at[dst, pl.ds(0, 128)], sems[buf]))
            copies.append(pltpu.async_copy(
                itab_hbm.at[diota_v, pl.ds(ci, 128)],
                islab_v.at[dst, pl.ds(0, 128)], sems[buf]))
        return copies

    def group_body(g, carry):
        gbase = g * _GROUP
        ju_vec = uidx_v[pl.ds(gbase, _GROUP)]
        ji_vec = iidx_v[pl.ds(gbase, _GROUP)]
        inflight = fire(0, ju_vec, ji_vec)
        for q in range(_NFLIGHT):
            nxt = fire(q + 1, ju_vec, ji_vec) if q + 1 < _NFLIGHT else []
            for c in inflight:
                c.wait()
            inflight = nxt
            buf = q % 2
            for r in range(_FLIGHT):
                i = q * _FLIGHT + r
                lu = jnp.full((16,), ju_vec[i] & 127, jnp.int32)
                li = jnp.full((16,), ji_vec[i] & 127, jnp.int32)
                rbase = (buf * _FLIGHT + r) * _D
                u0 = plsc.load_gather(uslab_v, [lane + rbase, lu])
                u1 = plsc.load_gather(uslab_v, [lane + (rbase + 16), lu])
                i0 = plsc.load_gather(islab_v, [lane + rbase, li])
                i1 = plsc.load_gather(islab_v, [lane + (rbase + 16), li])
                sred_v[pl.ds(i * 16, 16)] = u0 * i0 * w_lo + u1 * i1 * w_hi
        acc = bias
        for k in range(16):
            acc = acc + plsc.load_gather(sred_v, [col_idx[k]])
        out_v[pl.ds(gbase, _GROUP)] = 1.0 / (1.0 + jnp.exp(-acc))
        return carry

    lax.fori_loop(0, _NGROUP, group_body, 0)

    pltpu.sync_copy(out_v, out_hbm.at[pl.ds(base, _BPW)])


def kernel(user_indices, item_indices, user_table, item_table, W, b):
    uidx = user_indices.astype(jnp.int32)
    iidx = item_indices.astype(jnp.int32)
    wvec = W.reshape(_D)
    bvec = jnp.broadcast_to(b.reshape(1), (16,))
    return _gmf_sc(uidx, iidx, user_table.T, item_table.T, wvec, bvec)

# --- scband reference (transcript-rebuilt; emitter-appended) ---
"""Pipeline reference for scband-generalized-matrix-factorization-29695403885161 (READ-ONLY COPY).

The authoritative reference and input builder live on the scoring server;
editing this copy changes nothing except your own understanding.
"""

import jax, jax.numpy as jnp
import numpy as np

NUM_USERS = 1000000
NUM_ITEMS = 1000000
EMBED_DIM = 32
BATCH = 16384


def setup_inputs(seed: int = 0) -> dict:
    key = jax.random.key(seed)
    k1, k2, k3, k4, k5, k6 = jax.random.split(key, 6)
    user_indices = jax.random.randint(k1, (BATCH,), 0, NUM_USERS, dtype=jnp.int64 if jax.config.jax_enable_x64 else jnp.int32)
    item_indices = jax.random.randint(k2, (BATCH,), 0, NUM_ITEMS, dtype=jnp.int64 if jax.config.jax_enable_x64 else jnp.int32)
    user_table = jax.random.normal(k3, (NUM_USERS, EMBED_DIM), dtype=jnp.float32)
    item_table = jax.random.normal(k4, (NUM_ITEMS, EMBED_DIM), dtype=jnp.float32)
    W = jax.random.normal(k5, (EMBED_DIM, 1), dtype=jnp.float32) * (1.0 / np.sqrt(EMBED_DIM))
    b = jax.random.normal(k6, (1,), dtype=jnp.float32) * 0.01
    return {"user_indices": user_indices, "item_indices": item_indices,
            "user_table": user_table, "item_table": item_table, "W": W, "b": b}


def reference(user_indices, item_indices, user_table, item_table, W, b):
    user_embedding = jnp.take(user_table, user_indices, axis=0)
    item_embedding = jnp.take(item_table, item_indices, axis=0)
    element_product = user_embedding * item_embedding
    logits = element_product @ W + b
    rating = jax.nn.sigmoid(logits)
    return jnp.squeeze(rating, axis=-1)

if __name__ == "__main__":
    import jax
    _d = setup_inputs()
    print(jax.jit(kernel)(*tuple(_d.values())))

</pallas_src>

<mosaic_0001>
#map = affine_map<(d0, d1) -> (0)>
#map1 = affine_map<(d0, d1) -> (0, 0)>
module attributes {stable_mosaic.version = 14 : i64} {
  func.func @_gmf_sc(%arg0: i32, %arg1: i32, %arg2: memref<16384xi32, #tpu.memory_space<hbm>>, %arg3: memref<16384xi32, #tpu.memory_space<hbm>>, %arg4: memref<32x1000000xf32, #tpu.memory_space<hbm>>, %arg5: memref<32x1000000xf32, #tpu.memory_space<hbm>>, %arg6: memref<32xf32, #tpu.memory_space<hbm>>, %arg7: memref<16xf32, #tpu.memory_space<hbm>>, %arg8: memref<16384xf32, #tpu.memory_space<hbm>>, %arg9: memref<512xi32, #tpu.memory_space<vmem>>, %arg10: memref<512xi32, #tpu.memory_space<vmem>>, %arg11: memref<32xi32, #tpu.memory_space<vmem>>, %arg12: memref<256x128xf32, #tpu.memory_space<vmem>>, %arg13: memref<256x128xf32, #tpu.memory_space<vmem>>, %arg14: memref<32xf32, #tpu.memory_space<vmem>>, %arg15: memref<16xf32, #tpu.memory_space<vmem>>, %arg16: memref<256xf32, #tpu.memory_space<vmem>>, %arg17: memref<512xf32, #tpu.memory_space<vmem>>, %arg18: memref<!tpu.dma_semaphore, #tpu.memory_space<semaphore_mem>>, %arg19: memref<!tpu.dma_semaphore, #tpu.memory_space<semaphore_mem>>) attributes {dimension_semantics = [#tpu.dimension_semantics<core_parallel>, #tpu.dimension_semantics<subcore_parallel>], iteration_bounds = array<i64: 2, 16>, scalar_prefetch = 0 : i64, scratch_operands = 11 : i64, tpu.core_type = #tpu.core_type<sc_vector_subcore>, window_params = [{transform_indices = #map}, {transform_indices = #map}, {transform_indices = #map1}, {transform_indices = #map1}, {transform_indices = #map}, {transform_indices = #map}, {transform_indices = #map}]} {
    %mul3A = arith.constant 2 : i32
    %mul3A_0 = arith.muli %arg1, %mul3A : i32
    %add3A = arith.addi %mul3A_0, %arg0 : i32
    %mul3A_1 = arith.constant 512 : i32
    %mul3A_2 = arith.muli %add3A, %mul3A_1 : i32
    "tpu.region"() ({
      %run_scoped3A = tpu.sem_alloc : memref<!tpu.dma_semaphore, #tpu.memory_space<semaphore_mem>>
      %dma_start3A = tpu.memref_slice %arg2[%mul3A_2] : memref<16384xi32, #tpu.memory_space<hbm>> -> memref<512xi32, #tpu.memory_space<hbm>>
      %dma_start3A_115 = tpu.memref_slice %arg2[%mul3A_2] : memref<16384xi32, #tpu.memory_space<hbm>> -> memref<512xi32, #tpu.memory_space<hbm>>
      tpu.enqueue_dma source(%dma_start3A_115 : memref<512xi32, #tpu.memory_space<hbm>>) target(%arg9 : memref<512xi32, #tpu.memory_space<vmem>>) target_semaphore(%run_scoped3A : memref<!tpu.dma_semaphore, #tpu.memory_space<semaphore_mem>>)
      %dma_wait3A = tpu.memref_slice %arg2[%mul3A_2] : memref<16384xi32, #tpu.memory_space<hbm>> -> memref<512xi32, #tpu.memory_space<hbm>>
      %dma_wait3A_116 = tpu.memref_slice %arg2[%mul3A_2] : memref<16384xi32, #tpu.memory_space<hbm>> -> memref<512xi32, #tpu.memory_space<hbm>>
      tpu.wait_dma2 semaphore(%run_scoped3A : memref<!tpu.dma_semaphore, #tpu.memory_space<semaphore_mem>>) src(%dma_wait3A_116 : memref<512xi32, #tpu.memory_space<hbm>>) dst(%arg9 : memref<512xi32, #tpu.memory_space<vmem>>)
      tpu.yield
    }) : () -> ()
    "tpu.region"() ({
      %run_scoped3A = tpu.sem_alloc : memref<!tpu.dma_semaphore, #tpu.memory_space<semaphore_mem>>
      %dma_start3A = tpu.memref_slice %arg3[%mul3A_2] : memref<16384xi32, #tpu.memory_space<hbm>> -> memref<512xi32, #tpu.memory_space<hbm>>
      %dma_start3A_115 = tpu.memref_slice %arg3[%mul3A_2] : memref<16384xi32, #tpu.memory_space<hbm>> -> memref<512xi32, #tpu.memory_space<hbm>>
      tpu.enqueue_dma source(%dma_start3A_115 : memref<512xi32, #tpu.memory_space<hbm>>) target(%arg10 : memref<512xi32, #tpu.memory_space<vmem>>) target_semaphore(%run_scoped3A : memref<!tpu.dma_semaphore, #tpu.memory_space<semaphore_mem>>)
      %dma_wait3A = tpu.memref_slice %arg3[%mul3A_2] : memref<16384xi32, #tpu.memory_space<hbm>> -> memref<512xi32, #tpu.memory_space<hbm>>
      %dma_wait3A_116 = tpu.memref_slice %arg3[%mul3A_2] : memref<16384xi32, #tpu.memory_space<hbm>> -> memref<512xi32, #tpu.memory_space<hbm>>
      tpu.wait_dma2 semaphore(%run_scoped3A : memref<!tpu.dma_semaphore, #tpu.memory_space<semaphore_mem>>) src(%dma_wait3A_116 : memref<512xi32, #tpu.memory_space<hbm>>) dst(%arg10 : memref<512xi32, #tpu.memory_space<vmem>>)
      tpu.yield
    }) : () -> ()
    "tpu.region"() ({
      %run_scoped3A = tpu.sem_alloc : memref<!tpu.dma_semaphore, #tpu.memory_space<semaphore_mem>>
      tpu.enqueue_dma source(%arg6 : memref<32xf32, #tpu.memory_space<hbm>>) target(%arg14 : memref<32xf32, #tpu.memory_space<vmem>>) target_semaphore(%run_scoped3A : memref<!tpu.dma_semaphore, #tpu.memory_space<semaphore_mem>>)
      tpu.wait_dma2 semaphore(%run_scoped3A : memref<!tpu.dma_semaphore, #tpu.memory_space<semaphore_mem>>) src(%arg6 : memref<32xf32, #tpu.memory_space<hbm>>) dst(%arg14 : memref<32xf32, #tpu.memory_space<vmem>>)
      tpu.yield
    }) : () -> ()
    "tpu.region"() ({
      %run_scoped3A = tpu.sem_alloc : memref<!tpu.dma_semaphore, #tpu.memory_space<semaphore_mem>>
      tpu.enqueue_dma source(%arg7 : memref<16xf32, #tpu.memory_space<hbm>>) target(%arg15 : memref<16xf32, #tpu.memory_space<vmem>>) target_semaphore(%run_scoped3A : memref<!tpu.dma_semaphore, #tpu.memory_space<semaphore_mem>>)
      tpu.wait_dma2 semaphore(%run_scoped3A : memref<!tpu.dma_semaphore, #tpu.memory_space<semaphore_mem>>) src(%arg7 : memref<16xf32, #tpu.memory_space<hbm>>) dst(%arg15 : memref<16xf32, #tpu.memory_space<vmem>>)
      tpu.yield
    }) : () -> ()
    %iota3A = tpu.iota {dimensions = array<i32: 0>} : vector<16xi32>
    %swap3A = arith.constant 0 : index
    %swap3A_3 = tpu.vector_load %arg11[%swap3A] {strides = array<i32>} : memref<32xi32, #tpu.memory_space<vmem>>, vector<16xi32>,
    tpu.vector_store %arg11[%swap3A], %iota3A {strides = array<i32>} : memref<32xi32, #tpu.memory_space<vmem>>, vector<16xi32>,
    %add3A_4 = arith.constant 16 : i32
    %add3A_5 = vector.broadcast %add3A_4 : i32 to vector<16xi32>
    %add3A_6 = arith.addi %iota3A, %add3A_5 : vector<16xi32>
    %swap3A_7 = arith.constant 16 : index
    %swap3A_8 = tpu.vector_load %arg11[%swap3A_7] {strides = array<i32>} : memref<32xi32, #tpu.memory_space<vmem>>, vector<16xi32>,
    tpu.vector_store %arg11[%swap3A_7], %add3A_6 {strides = array<i32>} : memref<32xi32, #tpu.memory_space<vmem>>, vector<16xi32>,
    %get3A = arith.constant 0 : index
    %get3A_9 = tpu.vector_load %arg15[%get3A] {strides = array<i32>} : memref<16xf32, #tpu.memory_space<vmem>>, vector<16xf32>,
    %get3A_10 = arith.constant 0 : index
    %get3A_11 = tpu.vector_load %arg14[%get3A_10] {strides = array<i32>} : memref<32xf32, #tpu.memory_space<vmem>>, vector<16xf32>,
    %get3A_12 = arith.constant 16 : index
    %get3A_13 = tpu.vector_load %arg14[%get3A_12] {strides = array<i32>} : memref<32xf32, #tpu.memory_space<vmem>>, vector<16xf32>,
    %mul3A_14 = arith.constant 16 : i32
    %mul3A_15 = vector.broadcast %mul3A_14 : i32 to vector<16xi32>
    %mul3A_16 = arith.muli %iota3A, %mul3A_15 : vector<16xi32>
    %add3A_17 = arith.constant 0 : i32
    %add3A_18 = vector.broadcast %add3A_17 : i32 to vector<16xi32>
    %add3A_19 = arith.addi %mul3A_16, %add3A_18 : vector<16xi32>
    %mul3A_20 = arith.constant 16 : i32
    %mul3A_21 = vector.broadcast %mul3A_20 : i32 to vector<16xi32>
    %mul3A_22 = arith.muli %iota3A, %mul3A_21 : vector<16xi32>
    %add3A_23 = arith.constant 1 : i32
    %add3A_24 = vector.broadcast %add3A_23 : i32 to vector<16xi32>
    %add3A_25 = arith.addi %mul3A_22, %add3A_24 : vector<16xi32>
    %mul3A_26 = arith.constant 16 : i32
    %mul3A_27 = vector.broadcast %mul3A_26 : i32 to vector<16xi32>
    %mul3A_28 = arith.muli %iota3A, %mul3A_27 : vector<16xi32>
    %add3A_29 = arith.constant 2 : i32
    %add3A_30 = vector.broadcast %add3A_29 : i32 to vector<16xi32>
    %add3A_31 = arith.addi %mul3A_28, %add3A_30 : vector<16xi32>
    %mul3A_32 = arith.constant 16 : i32
    %mul3A_33 = vector.broadcast %mul3A_32 : i32 to vector<16xi32>
    %mul3A_34 = arith.muli %iota3A, %mul3A_33 : vector<16xi32>
    %add3A_35 = arith.constant 3 : i32
    %add3A_36 = vector.broadcast %add3A_35 : i32 to vector<16xi32>
    %add3A_37 = arith.addi %mul3A_34, %add3A_36 : vector<16xi32>
    %mul3A_38 = arith.constant 16 : i32
    %mul3A_39 = vector.broadcast %mul3A_38 : i32 to vector<16xi32>
    %mul3A_40 = arith.muli %iota3A, %mul3A_39 : vector<16xi32>
    %add3A_41 = arith.constant 4 : i32
    %add3A_42 = vector.broadcast %add3A_41 : i32 to vector<16xi32>
    %add3A_43 = arith.addi %mul3A_40, %add3A_42 : vector<16xi32>
    %mul3A_44 = arith.constant 16 : i32
    %mul3A_45 = vector.broadcast %mul3A_44 : i32 to vector<16xi32>
    %mul3A_46 = arith.muli %iota3A, %mul3A_45 : vector<16xi32>
    %add3A_47 = arith.constant 5 : i32
    %add3A_48 = vector.broadcast %add3A_47 : i32 to vector<16xi32>
    %add3A_49 = arith.addi %mul3A_46, %add3A_48 : vector<16xi32>
    %mul3A_50 = arith.constant 16 : i32
    %mul3A_51 = vector.broadcast %mul3A_50 : i32 to vector<16xi32>
    %mul3A_52 = arith.muli %iota3A, %mul3A_51 : vector<16xi32>
    %add3A_53 = arith.constant 6 : i32
    %add3A_54 = vector.broadcast %add3A_53 : i32 to vector<16xi32>
    %add3A_55 = arith.addi %mul3A_52, %add3A_54 : vector<16xi32>
    %mul3A_56 = arith.constant 16 : i32
    %mul3A_57 = vector.broadcast %mul3A_56 : i32 to vector<16xi32>
    %mul3A_58 = arith.muli %iota3A, %mul3A_57 : vector<16xi32>
    %add3A_59 = arith.constant 7 : i32
    %add3A_60 = vector.broadcast %add3A_59 : i32 to vector<16xi32>
    %add3A_61 = arith.addi %mul3A_58, %add3A_60 : vector<16xi32>
    %mul3A_62 = arith.constant 16 : i32
    %mul3A_63 = vector.broadcast %mul3A_62 : i32 to vector<16xi32>
    %mul3A_64 = arith.muli %iota3A, %mul3A_63 : vector<16xi32>
    %add3A_65 = arith.constant 8 : i32
    %add3A_66 = vector.broadcast %add3A_65 : i32 to vector<16xi32>
    %add3A_67 = arith.addi %mul3A_64, %add3A_66 : vector<16xi32>
    %mul3A_68 = arith.constant 16 : i32
    %mul3A_69 = vector.broadcast %mul3A_68 : i32 to vector<16xi32>
    %mul3A_70 = arith.muli %iota3A, %mul3A_69 : vector<16xi32>
    %add3A_71 = arith.constant 9 : i32
    %add3A_72 = vector.broadcast %add3A_71 : i32 to vector<16xi32>
    %add3A_73 = arith.addi %mul3A_70, %add3A_72 : vector<16xi32>
    %mul3A_74 = arith.constant 16 : i32
    %mul3A_75 = vector.broadcast %mul3A_74 : i32 to vector<16xi32>
    %mul3A_76 = arith.muli %iota3A, %mul3A_75 : vector<16xi32>
    %add3A_77 = arith.constant 10 : i32
    %add3A_78 = vector.broadcast %add3A_77 : i32 to vector<16xi32>
    %add3A_79 = arith.addi %mul3A_76, %add3A_78 : vector<16xi32>
    %mul3A_80 = arith.constant 16 : i32
    %mul3A_81 = vector.broadcast %mul3A_80 : i32 to vector<16xi32>
    %mul3A_82 = arith.muli %iota3A, %mul3A_81 : vector<16xi32>
    %add3A_83 = arith.constant 11 : i32
    %add3A_84 = vector.broadcast %add3A_83 : i32 to vector<16xi32>
    %add3A_85 = arith.addi %mul3A_82, %add3A_84 : vector<16xi32>
    %mul3A_86 = arith.constant 16 : i32
    %mul3A_87 = vector.broadcast %mul3A_86 : i32 to vector<16xi32>
    %mul3A_88 = arith.muli %iota3A, %mul3A_87 : vector<16xi32>
    %add3A_89 = arith.constant 12 : i32
    %add3A_90 = vector.broadcast %add3A_89 : i32 to vector<16xi32>
    %add3A_91 = arith.addi %mul3A_88, %add3A_90 : vector<16xi32>
    %mul3A_92 = arith.constant 16 : i32
    %mul3A_93 = vector.broadcast %mul3A_92 : i32 to vector<16xi32>
    %mul3A_94 = arith.muli %iota3A, %mul3A_93 : vector<16xi32>
    %add3A_95 = arith.constant 13 : i32
    %add3A_96 = vector.broadcast %add3A_95 : i32 to vector<16xi32>
    %add3A_97 = arith.addi %mul3A_94, %add3A_96 : vector<16xi32>
    %mul3A_98 = arith.constant 16 : i32
    %mul3A_99 = vector.broadcast %mul3A_98 : i32 to vector<16xi32>
    %mul3A_100 = arith.muli %iota3A, %mul3A_99 : vector<16xi32>
    %add3A_101 = arith.constant 14 : i32
    %add3A_102 = vector.broadcast %add3A_101 : i32 to vector<16xi32>
    %add3A_103 = arith.addi %mul3A_100, %add3A_102 : vector<16xi32>
    %mul3A_104 = arith.constant 16 : i32
    %mul3A_105 = vector.broadcast %mul3A_104 : i32 to vector<16xi32>
    %mul3A_106 = arith.muli %iota3A, %mul3A_105 : vector<16xi32>
    %add3A_107 = arith.constant 15 : i32
    %add3A_108 = vector.broadcast %add3A_107 : i32 to vector<16xi32>
    %add3A_109 = arith.addi %mul3A_106, %add3A_108 : vector<16xi32>
    %scan3A = arith.constant 0 : i32
    %scan3A_110 = arith.constant 0 : i32
    %scan3A_111 = arith.constant 32 : i32
    %scan3A_112 = arith.addi %scan3A_110, %scan3A_111 : i32
    %scan3A_113 = arith.constant 1 : i32
    scf.for %scan3A_115 = %scan3A_110 to %scan3A_112 step %scan3A_113  : i32 {
      %mul3A_116 = arith.constant 16 : i32
      %mul3A_117 = arith.muli %scan3A_115, %mul3A_116 : i32
      %get3A_118 = arith.index_cast %mul3A_117 : i32 to index
      %get3A_119 = tpu.vector_load %arg9[%get3A_118] {strides = array<i32>} : memref<512xi32, #tpu.memory_space<vmem>>, vector<16xi32>,
      %get3A_120 = arith.index_cast %mul3A_117 : i32 to index
      %get3A_121 = tpu.vector_load %arg10[%get3A_120] {strides = array<i32>} : memref<512xi32, #tpu.memory_space<vmem>>, vector<16xi32>,
      %slice3A = vector.extract_strided_slice %get3A_119 {offsets = [0], sizes = [1], strides = [1]} : vector<16xi32> to vector<1xi32>
      %squeeze3A = vector.extract %slice3A[0] : i32 from vector<1xi32>
      %slice3A_122 = vector.extract_strided_slice %get3A_121 {offsets = [0], sizes = [1], strides = [1]} : vector<16xi32> to vector<1xi32>
      %squeeze3A_123 = vector.extract %slice3A_122[0] : i32 from vector<1xi32>
      %shift_right_logical3A = arith.constant 7 : i32
      %shift_right_logical3A_124 = arith.shrui %squeeze3A, %shift_right_logical3A : i32
      %mul3A_125 = arith.constant 128 : i32
      %mul3A_126 = arith.muli %shift_right_logical3A_124, %mul3A_125 : i32
      %multiple_of3A = tpu.assume_multiple %mul3A_126, 128 : i32
      %shift_right_logical3A_127 = arith.constant 7 : i32
      %shift_right_logical3A_128 = arith.shrui %squeeze3A_123, %shift_right_logical3A_127 : i32
      %mul3A_129 = arith.constant 128 : i32
      %mul3A_130 = arith.muli %shift_right_logical3A_128, %mul3A_129 : i32
      %multiple_of3A_131 = tpu.assume_multiple %mul3A_130, 128 : i32
      %dma_start3A = arith.constant 0 : i32
      %dma_start3A_132 = arith.constant 0 : i32
      %dma_start3A_133 = tpu.memref_slice %arg12[%dma_start3A, %dma_start3A_132] : memref<256x128xf32, #tpu.memory_space<vmem>> -> memref<32x128xf32, #tpu.memory_space<vmem>>
      %dma_start3A_134 = arith.constant 0 : i32
      %dma_start3A_135 = tpu.memref_slice %arg4[%dma_start3A_134, %multiple_of3A] : memref<32x1000000xf32, #tpu.memory_space<hbm>> -> memref<32x128xf32, #tpu.memory_space<hbm>>
      tpu.enqueue_indirect_dma source(%dma_start3A_135 : memref<32x128xf32, #tpu.memory_space<hbm>>) target(%dma_start3A_133 : memref<32x128xf32, #tpu.memory_space<vmem>>) offsets(%arg11 : memref<32xi32, #tpu.memory_space<vmem>>) semaphore(%arg18 : memref<!tpu.dma_semaphore, #tpu.memory_space<semaphore_mem>>)
      %dma_start3A_136 = arith.constant 0 : i32
      %dma_start3A_137 = arith.constant 0 : i32
      %dma_start3A_138 = tpu.memref_slice %arg13[%dma_start3A_136, %dma_start3A_137] : memref<256x128xf32, #tpu.memory_space<vmem>> -> memref<32x128xf32, #tpu.memory_space<vmem>>
      %dma_start3A_139 = arith.constant 0 : i32
      %dma_start3A_140 = tpu.memref_slice %arg5[%dma_start3A_139, %multiple_of3A_131] : memref<32x1000000xf32, #tpu.memory_space<hbm>> -> memref<32x128xf32, #tpu.memory_space<hbm>>
      tpu.enqueue_indirect_dma source(%dma_start3A_140 : memref<32x128xf32, #tpu.memory_space<hbm>>) target(%dma_start3A_138 : memref<32x128xf32, #tpu.memory_space<vmem>>) offsets(%arg11 : memref<32xi32, #tpu.memory_space<vmem>>) semaphore(%arg18 : memref<!tpu.dma_semaphore, #tpu.memory_space<semaphore_mem>>)
      %slice3A_141 = vector.extract_strided_slice %get3A_119 {offsets = [1], sizes = [1], strides = [1]} : vector<16xi32> to vector<1xi32>
      %squeeze3A_142 = vector.extract %slice3A_141[0] : i32 from vector<1xi32>
      %slice3A_143 = vector.extract_strided_slice %get3A_121 {offsets = [1], sizes = [1], strides = [1]} : vector<16xi32> to vector<1xi32>
      %squeeze3A_144 = vector.extract %slice3A_143[0] : i32 from vector<1xi32>
      %shift_right_logical3A_145 = arith.constant 7 : i32
      %shift_right_logical3A_146 = arith.shrui %squeeze3A_142, %shift_right_logical3A_145 : i32
      %mul3A_147 = arith.constant 128 : i32
      %mul3A_148 = arith.muli %shift_right_logical3A_146, %mul3A_147 : i32
      %multiple_of3A_149 = tpu.assume_multiple %mul3A_148, 128 : i32
      %shift_right_logical3A_150 = arith.constant 7 : i32
      %shift_right_logical3A_151 = arith.shrui %squeeze3A_144, %shift_right_logical3A_150 : i32
      %mul3A_152 = arith.constant 128 : i32
      %mul3A_153 = arith.muli %shift_right_logical3A_151, %mul3A_152 : i32
      %multiple_of3A_154 = tpu.assume_multiple %mul3A_153, 128 : i32
      %dma_start3A_155 = arith.constant 32 : i32
      %dma_start3A_156 = arith.constant 0 : i32
      %dma_start3A_157 = tpu.memref_slice %arg12[%dma_start3A_155, %dma_start3A_156] : memref<256x128xf32, #tpu.memory_space<vmem>> -> memref<32x128xf32, #tpu.memory_space<vmem>>
      %dma_start3A_158 = arith.constant 0 : i32
      %dma_start3A_159 = tpu.memref_slice %arg4[%dma_start3A_158, %multiple_of3A_149] : memref<32x1000000xf32, #tpu.memory_space<hbm>> -> memref<32x128xf32, #tpu.memory_space<hbm>>
      tpu.enqueue_indirect_dma source(%dma_start3A_159 : memref<32x128xf32, #tpu.memory_space<hbm>>) target(%dma_start3A_157 : memref<32x128xf32, #tpu.memory_space<vmem>>) offsets(%arg11 : memref<32xi32, #tpu.memory_space<vmem>>) semaphore(%arg18 : memref<!tpu.dma_semaphore, #tpu.memory_space<semaphore_mem>>)
      %dma_start3A_160 = arith.constant 32 : i32
      %dma_start3A_161 = arith.constant 0 : i32
      %dma_start3A_162 = tpu.memref_slice %arg13[%dma_start3A_160, %dma_start3A_161] : memref<256x128xf32, #tpu.memory_space<vmem>> -> memref<32x128xf32, #tpu.memory_space<vmem>>
      %dma_start3A_163 = arith.constant 0 : i32
      %dma_start3A_164 = tpu.memref_slice %arg5[%dma_start3A_163, %multiple_of3A_154] : memref<32x1000000xf32, #tpu.memory_space<hbm>> -> memref<32x128xf32, #tpu.memory_space<hbm>>
      tpu.enqueue_indirect_dma source(%dma_start3A_164 : memref<32x128xf32, #tpu.memory_space<hbm>>) target(%dma_start3A_162 : memref<32x128xf32, #tpu.memory_space<vmem>>) offsets(%arg11 : memref<32xi32, #tpu.memory_space<vmem>>) semaphore(%arg18 : memref<!tpu.dma_semaphore, #tpu.memory_space<semaphore_mem>>)
      %slice3A_165 = vector.extract_strided_slice %get3A_119 {offsets = [2], sizes = [1], strides = [1]} : vector<16xi32> to vector<1xi32>
      %squeeze3A_166 = vector.extract %slice3A_165[0] : i32 from vector<1xi32>
      %slice3A_167 = vector.extract_strided_slice %get3A_121 {offsets = [2], sizes = [1], strides = [1]} : vector<16xi32> to vector<1xi32>
      %squeeze3A_168 = vector.extract %slice3A_167[0] : i32 from vector<1xi32>
      %shift_right_logical3A_169 = arith.constant 7 : i32
      %shift_right_logical3A_170 = arith.shrui %squeeze3A_166, %shift_right_logical3A_169 : i32
      %mul3A_171 = arith.constant 128 : i32
      %mul3A_172 = arith.muli %shift_right_logical3A_170, %mul3A_171 : i32
      %multiple_of3A_173 = tpu.assume_multiple %mul3A_172, 128 : i32
      %shift_right_logical3A_174 = arith.constant 7 : i32
      %shift_right_logical3A_175 = arith.shrui %squeeze3A_168, %shift_right_logical3A_174 : i32
      %mul3A_176 = arith.constant 128 : i32
      %mul3A_177 = arith.muli %shift_right_logical3A_175, %mul3A_176 : i32
      %multiple_of3A_178 = tpu.assume_multiple %mul3A_177, 128 : i32
      %dma_start3A_179 = arith.constant 64 : i32
      %dma_start3A_180 = arith.constant 0 : i32
      %dma_start3A_181 = tpu.memref_slice %arg12[%dma_start3A_179, %dma_start3A_180] : memref<256x128xf32, #tpu.memory_space<vmem>> -> memref<32x128xf32, #tpu.memory_space<vmem>>
      %dma_start3A_182 = arith.constant 0 : i32
      %dma_start3A_183 = tpu.memref_slice %arg4[%dma_start3A_182, %multiple_of3A_173] : memref<32x1000000xf32, #tpu.memory_space<hbm>> -> memref<32x128xf32, #tpu.memory_space<hbm>>
      tpu.enqueue_indirect_dma source(%dma_start3A_183 : memref<32x128xf32, #tpu.memory_space<hbm>>) target(%dma_start3A_181 : memref<32x128xf32, #tpu.memory_space<vmem>>) offsets(%arg11 : memref<32xi32, #tpu.memory_space<vmem>>) semaphore(%arg18 : memref<!tpu.dma_semaphore, #tpu.memory_space<semaphore_mem>>)
      %dma_start3A_184 = arith.constant 64 : i32
      %dma_start3A_185 = arith.constant 0 : i32
      %dma_start3A_186 = tpu.memref_slice %arg13[%dma_start3A_184, %dma_start3A_185] : memref<256x128xf32, #tpu.memory_space<vmem>> -> memref<32x128xf32, #tpu.memory_space<vmem>>
      %dma_start3A_187 = arith.constant 0 : i32
      %dma_start3A_188 = tpu.memref_slice %arg5[%dma_start3A_187, %multiple_of3A_178] : memref<32x1000000xf32, #tpu.memory_space<hbm>> -> memref<32x128xf32, #tpu.memory_space<hbm>>
      tpu.enqueue_indirect_dma source(%dma_start3A_188 : memref<32x128xf32, #tpu.memory_space<hbm>>) target(%dma_start3A_186 : memref<32x128xf32, #tpu.memory_space<vmem>>) offsets(%arg11 : memref<32xi32, #tpu.memory_space<vmem>>) semaphore(%arg18 : memref<!tpu.dma_semaphore, #tpu.memory_space<semaphore_mem>>)
      %slice3A_189 = vector.extract_strided_slice %get3A_119 {offsets = [3], sizes = [1], strides = [1]} : vector<16xi32> to vector<1xi32>
      %squeeze3A_190 = vector.extract %slice3A_189[0] : i32 from vector<1xi32>
      %slice3A_191 = vector.extract_strided_slice %get3A_121 {offsets = [3], sizes = [1], strides = [1]} : vector<16xi32> to vector<1xi32>
      %squeeze3A_192 = vector.extract %slice3A_191[0] : i32 from vector<1xi32>
      %shift_right_logical3A_193 = arith.constant 7 : i32
      %shift_right_logical3A_194 = arith.shrui %squeeze3A_190, %shift_right_logical3A_193 : i32
      %mul3A_195 = arith.constant 128 : i32
      %mul3A_196 = arith.muli %shift_right_logical3A_194, %mul3A_195 : i32
      %multiple_of3A_197 = tpu.assume_multiple %mul3A_196, 128 : i32
      %shift_right_logical3A_198 = arith.constant 7 : i32
      %shift_right_logical3A_199 = arith.shrui %squeeze3A_192, %shift_right_logical3A_198 : i32
      %mul3A_200 = arith.constant 128 : i32
      %mul3A_201 = arith.muli %shift_right_logical3A_199, %mul3A_200 : i32
      %multiple_of3A_202 = tpu.assume_multiple %mul3A_201, 128 : i32
      %dma_start3A_203 = arith.constant 96 : i32
      %dma_start3A_204 = arith.constant 0 : i32
      %dma_start3A_205 = tpu.memref_slice %arg12[%dma_start3A_203, %dma_start3A_204] : memref<256x128xf32, #tpu.memory_space<vmem>> -> memref<32x128xf32, #tpu.memory_space<vmem>>
      %dma_start3A_206 = arith.constant 0 : i32
      %dma_start3A_207 = tpu.memref_slice %arg4[%dma_start3A_206, %multiple_of3A_197] : memref<32x1000000xf32, #tpu.memory_space<hbm>> -> memref<32x128xf32, #tpu.memory_space<hbm>>
      tpu.enqueue_indirect_dma source(%dma_start3A_207 : memref<32x128xf32, #tpu.memory_space<hbm>>) target(%dma_start3A_205 : memref<32x128xf32, #tpu.memory_space<vmem>>) offsets(%arg11 : memref<32xi32, #tpu.memory_space<vmem>>) semaphore(%arg18 : memref<!tpu.dma_semaphore, #tpu.memory_space<semaphore_mem>>)
      %dma_start3A_208 = arith.constant 96 : i32
      %dma_start3A_209 = arith.constant 0 : i32
      %dma_start3A_210 = tpu.memref_slice %arg13[%dma_start3A_208, %dma_start3A_209] : memref<256x128xf32, #tpu.memory_space<vmem>> -> memref<32x128xf32, #tpu.memory_space<vmem>>
      %dma_start3A_211 = arith.constant 0 : i32
      %dma_start3A_212 = tpu.memref_slice %arg5[%dma_start3A_211, %multiple_of3A_202] : memref<32x1000000xf32, #tpu.memory_space<hbm>> -> memref<32x128xf32, #tpu.memory_space<hbm>>
      tpu.enqueue_indirect_dma source(%dma_start3A_212 : memref<32x128xf32, #tpu.memory_space<hbm>>) target(%dma_start3A_210 : memref<32x128xf32, #tpu.memory_space<vmem>>) offsets(%arg11 : memref<32xi32, #tpu.memory_space<vmem>>) semaphore(%arg18 : memref<!tpu.dma_semaphore, #tpu.memory_space<semaphore_mem>>)
      %slice3A_213 = vector.extract_strided_slice %get3A_119 {offsets = [4], sizes = [1], strides = [1]} : vector<16xi32> to vector<1xi32>
      %squeeze3A_214 = vector.extract %slice3A_213[0] : i32 from vector<1xi32>
      %slice3A_215 = vector.extract_strided_slice %get3A_121 {offsets = [4], sizes = [1], strides = [1]} : vector<16xi32> to vector<1xi32>
      %squeeze3A_216 = vector.extract %slice3A_215[0] : i32 from vector<1xi32>
      %shift_right_logical3A_217 = arith.constant 7 : i32
      %shift_right_logical3A_218 = arith.shrui %squeeze3A_214, %shift_right_logical3A_217 : i32
      %mul3A_219 = arith.constant 128 : i32
      %mul3A_220 = arith.muli %shift_right_logical3A_218, %mul3A_219 : i32
      %multiple_of3A_221 = tpu.assume_multiple %mul3A_220, 128 : i32
      %shift_right_logical3A_222 = arith.constant 7 : i32
      %shift_right_logical3A_223 = arith.shrui %squeeze3A_216, %shift_right_logical3A_222 : i32
      %mul3A_224 = arith.constant 128 : i32
      %mul3A_225 = arith.muli %shift_right_logical3A_223, %mul3A_224 : i32
      %multiple_of3A_226 = tpu.assume_multiple %mul3A_225, 128 : i32
      %dma_start3A_227 = arith.constant 128 : i32
      %dma_start3A_228 = arith.constant 0 : i32
      %dma_start3A_229 = tpu.memref_slice %arg12[%dma_start3A_227, %dma_start3A_228] : memref<256x128xf32, #tpu.memory_space<vmem>> -> memref<32x128xf32, #tpu.memory_space<vmem>>
      %dma_start3A_230 = arith.constant 0 : i32
      %dma_start3A_231 = tpu.memref_slice %arg4[%dma_start3A_230, %multiple_of3A_221] : memref<32x1000000xf32, #tpu.memory_space<hbm>> -> memref<32x128xf32, #tpu.memory_space<hbm>>
      tpu.enqueue_indirect_dma source(%dma_start3A_231 : memref<32x128xf32, #tpu.memory_space<hbm>>) target(%dma_start3A_229 : memref<32x128xf32, #tpu.memory_space<vmem>>) offsets(%arg11 : memref<32xi32, #tpu.memory_space<vmem>>) semaphore(%arg19 : memref<!tpu.dma_semaphore, #tpu.memory_space<semaphore_mem>>)
      %dma_start3A_232 = arith.constant 128 : i32
      %dma_start3A_233 = arith.constant 0 : i32
      %dma_start3A_234 = tpu.memref_slice %arg13[%dma_start3A_232, %dma_start3A_233] : memref<256x128xf32, #tpu.memory_space<vmem>> -> memref<32x128xf32, #tpu.memory_space<vmem>>
      %dma_start3A_235 = arith.constant 0 : i32
      %dma_start3A_236 = tpu.memref_slice %arg5[%dma_start3A_235, %multiple_of3A_226] : memref<32x1000000xf32, #tpu.memory_space<hbm>> -> memref<32x128xf32, #tpu.memory_space<hbm>>
      tpu.enqueue_indirect_dma source(%dma_start3A_236 : memref<32x128xf32, #tpu.memory_space<hbm>>) target(%dma_start3A_234 : memref<32x128xf32, #tpu.memory_space<vmem>>) offsets(%arg11 : memref<32xi32, #tpu.memory_space<vmem>>) semaphore(%arg19 : memref<!tpu.dma_semaphore, #tpu.memory_space<semaphore_mem>>)
      %slice3A_237 = vector.extract_strided_slice %get3A_119 {offsets = [5], sizes = [1], strides = [1]} : vector<16xi32> to vector<1xi32>
      %squeeze3A_238 = vector.extract %slice3A_237[0] : i32 from vector<1xi32>
      %slice3A_239 = vector.extract_strided_slice %get3A_121 {offsets = [5], sizes = [1], strides = [1]} : vector<16xi32> to vector<1xi32>
      %squeeze3A_240 = vector.extract %slice3A_239[0] : i32 from vector<1xi32>
      %shift_right_logical3A_241 = arith.constant 7 : i32
      %shift_right_logical3A_242 = arith.shrui %squeeze3A_238, %shift_right_logical3A_241 : i32
      %mul3A_243 = arith.constant 128 : i32
      %mul3A_244 = arith.muli %shift_right_logical3A_242, %mul3A_243 : i32
      %multiple_of3A_245 = tpu.assume_multiple %mul3A_244, 128 : i32
      %shift_right_logical3A_246 = arith.constant 7 : i32
      %shift_right_logical3A_247 = arith.shrui %squeeze3A_240, %shift_right_logical3A_246 : i32
      %mul3A_248 = arith.constant 128 : i32
      %mul3A_249 = arith.muli %shift_right_logical3A_247, %mul3A_248 : i32
      %multiple_of3A_250 = tpu.assume_multiple %mul3A_249, 128 : i32
      %dma_start3A_251 = arith.constant 160 : i32
      %dma_start3A_252 = arith.constant 0 : i32
      %dma_start3A_253 = tpu.memref_slice %arg12[%dma_start3A_251, %dma_start3A_252] : memref<256x128xf32, #tpu.memory_space<vmem>> -> memref<32x128xf32, #tpu.memory_space<vmem>>
      %dma_start3A_254 = arith.constant 0 : i32
      %dma_start3A_255 = tpu.memref_slice %arg4[%dma_start3A_254, %multiple_of3A_245] : memref<32x1000000xf32, #tpu.memory_space<hbm>> -> memref<32x128xf32, #tpu.memory_space<hbm>>
      tpu.enqueue_indirect_dma source(%dma_start3A_255 : memref<32x128xf32, #tpu.memory_space<hbm>>) target(%dma_start3A_253 : memref<32x128xf32, #tpu.memory_space<vmem>>) offsets(%arg11 : memref<32xi32, #tpu.memory_space<vmem>>) semaphore(%arg19 : memref<!tpu.dma_semaphore, #tpu.memory_space<semaphore_mem>>)
      %dma_start3A_256 = arith.constant 160 : i32
      %dma_start3A_257 = arith.constant 0 : i32
      %dma_start3A_258 = tpu.memref_slice %arg13[%dma_start3A_256, %dma_start3A_257] : memref<256x128xf32, #tpu.memory_space<vmem>> -> memref<32x128xf32, #tpu.memory_space<vmem>>
      %dma_start3A_259 = arith.constant 0 : i32
      %dma_start3A_260 = tpu.memref_slice %arg5[%dma_start3A_259, %multiple_of3A_250] : memref<32x1000000xf32, #tpu.memory_space<hbm>> -> memref<32x128xf32, #tpu.memory_space<hbm>>
      tpu.enqueue_indirect_dma source(%dma_start3A_260 : memref<32x128xf32, #tpu.memory_space<hbm>>) target(%dma_start3A_258 : memref<32x128xf32, #tpu.memory_space<vmem>>) offsets(%arg11 : memref<32xi32, #tpu.memory_space<vmem>>) semaphore(%arg19 : memref<!tpu.dma_semaphore, #tpu.memory_space<semaphore_mem>>)
      %slice3A_261 = vector.extract_strided_slice %get3A_119 {offsets = [6], sizes = [1], strides = [1]} : vector<16xi32> to vector<1xi32>
      %squeeze3A_262 = vector.extract %slice3A_261[0] : i32 from vector<1xi32>
      %slice3A_263 = vector.extract_strided_slice %get3A_121 {offsets = [6], sizes = [1], strides = [1]} : vector<16xi32> to vector<1xi32>
      %squeeze3A_264 = vector.extract %slice3A_263[0] : i32 from vector<1xi32>
      %shift_right_logical3A_265 = arith.constant 7 : i32
      %shift_right_logical3A_266 = arith.shrui %squeeze3A_262, %shift_right_logical3A_265 : i32
      %mul3A_267 = arith.constant 128 : i32
      %mul3A_268 = arith.muli %shift_right_logical3A_266, %mul3A_267 : i32
      %multiple_of3A_269 = tpu.assume_multiple %mul3A_268, 128 : i32
      %shift_right_logical3A_270 = arith.constant 7 : i32
      %shift_right_logical3A_271 = arith.shrui %squeeze3A_264, %shift_right_logical3A_270 : i32
      %mul3A_272 = arith.constant 128 : i32
      %mul3A_273 = arith.muli %shift_right_logical3A_271, %mul3A_272 : i32
      %multiple_of3A_274 = tpu.assume_multiple %mul3A_273, 128 : i32
      %dma_start3A_275 = arith.constant 192 : i32
      %dma_start3A_276 = arith.constant 0 : i32
      %dma_start3A_277 = tpu.memref_slice %arg12[%dma_start3A_275, %dma_start3A_276] : memref<256x128xf32, #tpu.memory_space<vmem>> -> memref<32x128xf32, #tpu.memory_space<vmem>>
      %dma_start3A_278 = arith.constant 0 : i32
      %dma_start3A_279 = tpu.memref_slice %arg4[%dma_start3A_278, %multiple_of3A_269] : memref<32x1000000xf32, #tpu.memory_space<hbm>> -> memref<32x128xf32, #tpu.memory_space<hbm>>
      tpu.enqueue_indirect_dma source(%dma_start3A_279 : memref<32x128xf32, #tpu.memory_space<hbm>>) target(%dma_start3A_277 : memref<32x128xf32, #tpu.memory_space<vmem>>) offsets(%arg11 : memref<32xi32, #tpu.memory_space<vmem>>) semaphore(%arg19 : memref<!tpu.dma_semaphore, #tpu.memory_space<semaphore_mem>>)
      %dma_start3A_280 = arith.constant 192 : i32
      %dma_start3A_281 = arith.constant 0 : i32
      %dma_start3A_282 = tpu.memref_slice %arg13[%dma_start3A_280, %dma_start3A_281] : memref<256x128xf32, #tpu.memory_space<vmem>> -> memref<32x128xf32, #tpu.memory_space<vmem>>
      %dma_start3A_283 = arith.constant 0 : i32
      %dma_start3A_284 = tpu.memref_slice %arg5[%dma_start3A_283, %multiple_of3A_274] : memref<32x1000000xf32, #tpu.memory_space<hbm>> -> memref<32x128xf32, #tpu.memory_space<hbm>>
      tpu.enqueue_indirect_dma source(%dma_start3A_284 : memref<32x128xf32, #tpu.memory_space<hbm>>) target(%dma_start3A_282 : memref<32x128xf32, #tpu.memory_space<vmem>>) offsets(%arg11 : memref<32xi32, #tpu.memory_space<vmem>>) semaphore(%arg19 : memref<!tpu.dma_semaphore, #tpu.memory_space<semaphore_mem>>)
      %slice3A_285 = vector.extract_strided_slice %get3A_119 {offsets = [7], sizes = [1], strides = [1]} : vector<16xi32> to vector<1xi32>
      %squeeze3A_286 = vector.extract %slice3A_285[0] : i32 from vector<1xi32>
      %slice3A_287 = vector.extract_strided_slice %get3A_121 {offsets = [7], sizes = [1], strides = [1]} : vector<16xi32> to vector<1xi32>
      %squeeze3A_288 = vector.extract %slice3A_287[0] : i32 from vector<1xi32>
      %shift_right_logical3A_289 = arith.constant 7 : i32
      %shift_right_logical3A_290 = arith.shrui %squeeze3A_286, %shift_right_logical3A_289 : i32
      %mul3A_291 = arith.constant 128 : i32
      %mul3A_292 = arith.muli %shift_right_logical3A_290, %mul3A_291 : i32
      %multiple_of3A_293 = tpu.assume_multiple %mul3A_292, 128 : i32
      %shift_right_logical3A_294 = arith.constant 7 : i32
      %shift_right_logical3A_295 = arith.shrui %squeeze3A_288, %shift_right_logical3A_294 : i32
      %mul3A_296 = arith.constant 128 : i32
      %mul3A_297 = arith.muli %shift_right_logical3A_295, %mul3A_296 : i32
      %multiple_of3A_298 = tpu.assume_multiple %mul3A_297, 128 : i32
      %dma_start3A_299 = arith.constant 224 : i32
      %dma_start3A_300 = arith.constant 0 : i32
      %dma_start3A_301 = tpu.memref_slice %arg12[%dma_start3A_299, %dma_start3A_300] : memref<256x128xf32, #tpu.memory_space<vmem>> -> memref<32x128xf32, #tpu.memory_space<vmem>>
      %dma_start3A_302 = arith.constant 0 : i32
      %dma_start3A_303 = tpu.memref_slice %arg4[%dma_start3A_302, %multiple_of3A_293] : memref<32x1000000xf32, #tpu.memory_space<hbm>> -> memref<32x128xf32, #tpu.memory_space<hbm>>
      tpu.enqueue_indirect_dma source(%dma_start3A_303 : memref<32x128xf32, #tpu.memory_space<hbm>>) target(%dma_start3A_301 : memref<32x128xf32, #tpu.memory_space<vmem>>) offsets(%arg11 : memref<32xi32, #tpu.memory_space<vmem>>) semaphore(%arg19 : memref<!tpu.dma_semaphore, #tpu.memory_space<semaphore_mem>>)
      %dma_start3A_304 = arith.constant 224 : i32
      %dma_start3A_305 = arith.constant 0 : i32
      %dma_start3A_306 = tpu.memref_slice %arg13[%dma_start3A_304, %dma_start3A_305] : memref<256x128xf32, #tpu.memory_space<vmem>> -> memref<32x128xf32, #tpu.memory_space<vmem>>
      %dma_start3A_307 = arith.constant 0 : i32
      %dma_start3A_308 = tpu.memref_slice %arg5[%dma_start3A_307, %multiple_of3A_298] : memref<32x1000000xf32, #tpu.memory_space<hbm>> -> memref<32x128xf32, #tpu.memory_space<hbm>>
      tpu.enqueue_indirect_dma source(%dma_start3A_308 : memref<32x128xf32, #tpu.memory_space<hbm>>) target(%dma_start3A_306 : memref<32x128xf32, #tpu.memory_space<vmem>>) offsets(%arg11 : memref<32xi32, #tpu.memory_space<vmem>>) semaphore(%arg19 : memref<!tpu.dma_semaphore, #tpu.memory_space<semaphore_mem>>)
      %dma_wait3A = arith.constant 0 : i32
      %dma_wait3A_309 = arith.constant 0 : i32
      %dma_wait3A_310 = tpu.memref_slice %arg12[%dma_wait3A, %dma_wait3A_309] : memref<256x128xf32, #tpu.memory_space<vmem>> -> memref<32x128xf32, #tpu.memory_space<vmem>>
      %dma_wait3A_311 = arith.constant 0 : i32
      %dma_wait3A_312 = tpu.memref_slice %arg4[%dma_wait3A_311, %multiple_of3A] : memref<32x1000000xf32, #tpu.memory_space<hbm>> -> memref<32x128xf32, #tpu.memory_space<hbm>>
      tpu.wait_indirect_dma semaphore(%arg18 : memref<!tpu.dma_semaphore, #tpu.memory_space<semaphore_mem>>) src(%dma_wait3A_312 : memref<32x128xf32, #tpu.memory_space<hbm>>) dst(%dma_wait3A_310 : memref<32x128xf32, #tpu.memory_space<vmem>>)
      %dma_wait3A_313 = arith.constant 0 : i32
      %dma_wait3A_314 = arith.constant 0 : i32
      %dma_wait3A_315 = tpu.memref_slice %arg13[%dma_wait3A_313, %dma_wait3A_314] : memref<256x128xf32, #tpu.memory_space<vmem>> -> memref<32x128xf32, #tpu.memory_space<vmem>>
      %dma_wait3A_316 = arith.constant 0 : i32
      %dma_wait3A_317 = tpu.memref_slice %arg5[%dma_wait3A_316, %multiple_of3A_131] : memref<32x1000000xf32, #tpu.memory_space<hbm>> -> memref<32x128xf32, #tpu.memory_space<hbm>>
      tpu.wait_indirect_dma semaphore(%arg18 : memref<!tpu.dma_semaphore, #tpu.memory_space<semaphore_mem>>) src(%dma_wait3A_317 : memref<32x128xf32, #tpu.memory_space<hbm>>) dst(%dma_wait3A_315 : memref<32x128xf32, #tpu.memory_space<vmem>>)
      %dma_wait3A_318 = arith.constant 32 : i32
      %dma_wait3A_319 = arith.constant 0 : i32
      %dma_wait3A_320 = tpu.memref_slice %arg12[%dma_wait3A_318, %dma_wait3A_319] : memref<256x128xf32, #tpu.memory_space<vmem>> -> memref<32x128xf32, #tpu.memory_space<vmem>>
      %dma_wait3A_321 = arith.constant 0 : i32
      %dma_wait3A_322 = tpu.memref_slice %arg4[%dma_wait3A_321, %multiple_of3A_149] : memref<32x1000000xf32, #tpu.memory_space<hbm>> -> memref<32x128xf32, #tpu.memory_space<hbm>>
      tpu.wait_indirect_dma semaphore(%arg18 : memref<!tpu.dma_semaphore, #tpu.memory_space<semaphore_mem>>) src(%dma_wait3A_322 : memref<32x128xf32, #tpu.memory_space<hbm>>) dst(%dma_wait3A_320 : memref<32x128xf32, #tpu.memory_space<vmem>>)
      %dma_wait3A_323 = arith.constant 32 : i32
      %dma_wait3A_324 = arith.constant 0 : i32
      %dma_wait3A_325 = tpu.memref_slice %arg13[%dma_wait3A_323, %dma_wait3A_324] : memref<256x128xf32, #tpu.memory_space<vmem>> -> memref<32x128xf32, #tpu.memory_space<vmem>>
      %dma_wait3A_326 = arith.constant 0 : i32
      %dma_wait3A_327 = tpu.memref_slice %arg5[%dma_wait3A_326, %multiple_of3A_154] : memref<32x1000000xf32, #tpu.memory_space<hbm>> -> memref<32x128xf32, #tpu.memory_space<hbm>>
      tpu.wait_indirect_dma semaphore(%arg18 : memref<!tpu.dma_semaphore, #tpu.memory_space<semaphore_mem>>) src(%dma_wait3A_327 : memref<32x128xf32, #tpu.memory_space<hbm>>) dst(%dma_wait3A_325 : memref<32x128xf32, #tpu.memory_space<vmem>>)
      %dma_wait3A_328 = arith.constant 64 : i32
      %dma_wait3A_329 = arith.constant 0 : i32
      %dma_wait3A_330 = tpu.memref_slice %arg12[%dma_wait3A_328, %dma_wait3A_329] : memref<256x128xf32, #tpu.memory_space<vmem>> -> memref<32x128xf32, #tpu.memory_space<vmem>>
      %dma_wait3A_331 = arith.constant 0 : i32
      %dma_wait3A_332 = tpu.memref_slice %arg4[%dma_wait3A_331, %multiple_of3A_173] : memref<32x1000000xf32, #tpu.memory_space<hbm>> -> memref<32x128xf32, #tpu.memory_space<hbm>>
      tpu.wait_indirect_dma semaphore(%arg18 : memref<!tpu.dma_semaphore, #tpu.memory_space<semaphore_mem>>) src(%dma_wait3A_332 : memref<32x128xf32, #tpu.memory_space<hbm>>) dst(%dma_wait3A_330 : memref<32x128xf32, #tpu.memory_space<vmem>>)
      %dma_wait3A_333 = arith.constant 64 : i32
      %dma_wait3A_334 = arith.constant 0 : i32
      %dma_wait3A_335 = tpu.memref_slice %arg13[%dma_wait3A_333, %dma_wait3A_334] : memref<256x128xf32, #tpu.memory_space<vmem>> -> memref<32x128xf32, #tpu.memory_space<vmem>>
      %dma_wait3A_336 = arith.constant 0 : i32
      %dma_wait3A_337 = tpu.memref_slice %arg5[%dma_wait3A_336, %multiple_of3A_178] : memref<32x1000000xf32, #tpu.memory_space<hbm>> -> memref<32x128xf32, #tpu.memory_space<hbm>>
      tpu.wait_indirect_dma semaphore(%arg18 : memref<!tpu.dma_semaphore, #tpu.memory_space<semaphore_mem>>) src(%dma_wait3A_337 : memref<32x128xf32, #tpu.memory_space<hbm>>) dst(%dma_wait3A_335 : memref<32x128xf32, #tpu.memory_space<vmem>>)
      %dma_wait3A_338 = arith.constant 96 : i32
      %dma_wait3A_339 = arith.constant 0 : i32
      %dma_wait3A_340 = tpu.memref_slice %arg12[%dma_wait3A_338, %dma_wait3A_339] : memref<256x128xf32, #tpu.memory_space<vmem>> -> memref<32x128xf32, #tpu.memory_space<vmem>>
      %dma_wait3A_341 = arith.constant 0 : i32
      %dma_wait3A_342 = tpu.memref_slice %arg4[%dma_wait3A_341, %multiple_of3A_197] : memref<32x1000000xf32, #tpu.memory_space<hbm>> -> memref<32x128xf32, #tpu.memory_space<hbm>>
      tpu.wait_indirect_dma semaphore(%arg18 : memref<!tpu.dma_semaphore, #tpu.memory_space<semaphore_mem>>) src(%dma_wait3A_342 : memref<32x128xf32, #tpu.memory_space<hbm>>) dst(%dma_wait3A_340 : memref<32x128xf32, #tpu.memory_space<vmem>>)
      %dma_wait3A_343 = arith.constant 96 : i32
      %dma_wait3A_344 = arith.constant 0 : i32
      %dma_wait3A_345 = tpu.memref_slice %arg13[%dma_wait3A_343, %dma_wait3A_344] : memref<256x128xf32, #tpu.memory_space<vmem>> -> memref<32x128xf32, #tpu.memory_space<vmem>>
      %dma_wait3A_346 = arith.constant 0 : i32
      %dma_wait3A_347 = tpu.memref_slice %arg5[%dma_wait3A_346, %multiple_of3A_202] : memref<32x1000000xf32, #tpu.memory_space<hbm>> -> memref<32x128xf32, #tpu.memory_space<hbm>>
      tpu.wait_indirect_dma semaphore(%arg18 : memref<!tpu.dma_semaphore, #tpu.memory_space<semaphore_mem>>) src(%dma_wait3A_347 : memref<32x128xf32, #tpu.memory_space<hbm>>) dst(%dma_wait3A_345 : memref<32x128xf32, #tpu.memory_space<vmem>>)
      %slice3A_348 = vector.extract_strided_slice %get3A_119 {offsets = [0], sizes = [1], strides = [1]} : vector<16xi32> to vector<1xi32>
      %squeeze3A_349 = vector.extract %slice3A_348[0] : i32 from vector<1xi32>
      %and3A = arith.constant 127 : i32
      %and3A_350 = arith.andi %squeeze3A_349, %and3A : i32
      %broadcast_in_dim3A = vector.broadcast %and3A_350 : i32 to vector<16xi32>
      %slice3A_351 = vector.extract_strided_slice %get3A_121 {offsets = [0], sizes = [1], strides = [1]} : vector<16xi32> to vector<1xi32>
      %squeeze3A_352 = vector.extract %slice3A_351[0] : i32 from vector<1xi32>
      %and3A_353 = arith.constant 127 : i32
      %and3A_354 = arith.andi %squeeze3A_352, %and3A_353 : i32
      %broadcast_in_dim3A_355 = vector.broadcast %and3A_354 : i32 to vector<16xi32>
      %add3A_356 = arith.constant 0 : i32
      %add3A_357 = vector.broadcast %add3A_356 : i32 to vector<16xi32>
      %add3A_358 = arith.addi %iota3A, %add3A_357 : vector<16xi32>
      %gather3A = tpu.vector_load_idx %arg12[%add3A_358, %broadcast_in_dim3A] : memref<256x128xf32, #tpu.memory_space<vmem>>[vector<16xi32>, vector<16xi32>], vector<16xf32>,
      %add3A_359 = arith.constant 16 : i32
      %add3A_360 = vector.broadcast %add3A_359 : i32 to vector<16xi32>
      %add3A_361 = arith.addi %iota3A, %add3A_360 : vector<16xi32>
      %gather3A_362 = tpu.vector_load_idx %arg12[%add3A_361, %broadcast_in_dim3A] : memref<256x128xf32, #tpu.memory_space<vmem>>[vector<16xi32>, vector<16xi32>], vector<16xf32>,
      %add3A_363 = arith.constant 0 : i32
      %add3A_364 = vector.broadcast %add3A_363 : i32 to vector<16xi32>
      %add3A_365 = arith.addi %iota3A, %add3A_364 : vector<16xi32>
      %gather3A_366 = tpu.vector_load_idx %arg13[%add3A_365, %broadcast_in_dim3A_355] : memref<256x128xf32, #tpu.memory_space<vmem>>[vector<16xi32>, vector<16xi32>], vector<16xf32>,
      %add3A_367 = arith.constant 16 : i32
      %add3A_368 = vector.broadcast %add3A_367 : i32 to vector<16xi32>
      %add3A_369 = arith.addi %iota3A, %add3A_368 : vector<16xi32>
      %gather3A_370 = tpu.vector_load_idx %arg13[%add3A_369, %broadcast_in_dim3A_355] : memref<256x128xf32, #tpu.memory_space<vmem>>[vector<16xi32>, vector<16xi32>], vector<16xf32>,
      %mul3A_371 = arith.mulf %gather3A, %gather3A_366 : vector<16xf32>
      %mul3A_372 = arith.mulf %mul3A_371, %get3A_11 : vector<16xf32>
      %mul3A_373 = arith.mulf %gather3A_362, %gather3A_370 : vector<16xf32>
      %mul3A_374 = arith.mulf %mul3A_373, %get3A_13 : vector<16xf32>
      %add3A_375 = arith.addf %mul3A_372, %mul3A_374 : vector<16xf32>
      %swap3A_376 = arith.constant 0 : index
      %swap3A_377 = tpu.vector_load %arg16[%swap3A_376] {strides = array<i32>} : memref<256xf32, #tpu.memory_space<vmem>>, vector<16xf32>,
      tpu.vector_store %arg16[%swap3A_376], %add3A_375 {strides = array<i32>} : memref<256xf32, #tpu.memory_space<vmem>>, vector<16xf32>,
      %slice3A_378 = vector.extract_strided_slice %get3A_119 {offsets = [1], sizes = [1], strides = [1]} : vector<16xi32> to vector<1xi32>
      %squeeze3A_379 = vector.extract %slice3A_378[0] : i32 from vector<1xi32>
      %and3A_380 = arith.constant 127 : i32
      %and3A_381 = arith.andi %squeeze3A_379, %and3A_380 : i32
      %broadcast_in_dim3A_382 = vector.broadcast %and3A_381 : i32 to vector<16xi32>
      %slice3A_383 = vector.extract_strided_slice %get3A_121 {offsets = [1], sizes = [1], strides = [1]} : vector<16xi32> to vector<1xi32>
      %squeeze3A_384 = vector.extract %slice3A_383[0] : i32 from vector<1xi32>
      %and3A_385 = arith.constant 127 : i32
      %and3A_386 = arith.andi %squeeze3A_384, %and3A_385 : i32
      %broadcast_in_dim3A_387 = vector.broadcast %and3A_386 : i32 to vector<16xi32>
      %add3A_388 = arith.constant 32 : i32
      %add3A_389 = vector.broadcast %add3A_388 : i32 to vector<16xi32>
      %add3A_390 = arith.addi %iota3A, %add3A_389 : vector<16xi32>
      %gather3A_391 = tpu.vector_load_idx %arg12[%add3A_390, %broadcast_in_dim3A_382] : memref<256x128xf32, #tpu.memory_space<vmem>>[vector<16xi32>, vector<16xi32>], vector<16xf32>,
      %add3A_392 = arith.constant 48 : i32
      %add3A_393 = vector.broadcast %add3A_392 : i32 to vector<16xi32>
      %add3A_394 = arith.addi %iota3A, %add3A_393 : vector<16xi32>
      %gather3A_395 = tpu.vector_load_idx %arg12[%add3A_394, %broadcast_in_dim3A_382] : memref<256x128xf32, #tpu.memory_space<vmem>>[vector<16xi32>, vector<16xi32>], vector<16xf32>,
      %add3A_396 = arith.constant 32 : i32
      %add3A_397 = vector.broadcast %add3A_396 : i32 to vector<16xi32>
      %add3A_398 = arith.addi %iota3A, %add3A_397 : vector<16xi32>
      %gather3A_399 = tpu.vector_load_idx %arg13[%add3A_398, %broadcast_in_dim3A_387] : memref<256x128xf32, #tpu.memory_space<vmem>>[vector<16xi32>, vector<16xi32>], vector<16xf32>,
      %add3A_400 = arith.constant 48 : i32
      %add3A_401 = vector.broadcast %add3A_400 : i32 to vector<16xi32>
      %add3A_402 = arith.addi %iota3A, %add3A_401 : vector<16xi32>
      %gather3A_403 = tpu.vector_load_idx %arg13[%add3A_402, %broadcast_in_dim3A_387] : memref<256x128xf32, #tpu.memory_space<vmem>>[vector<16xi32>, vector<16xi32>], vector<16xf32>,
      %mul3A_404 = arith.mulf %gather3A_391, %gather3A_399 : vector<16xf32>
      %mul3A_405 = arith.mulf %mul3A_404, %get3A_11 : vector<16xf32>
      %mul3A_406 = arith.mulf %gather3A_395, %gather3A_403 : vector<16xf32>
      %mul3A_407 = arith.mulf %mul3A_406, %get3A_13 : vector<16xf32>
      %add3A_408 = arith.addf %mul3A_405, %mul3A_407 : vector<16xf32>
      %swap3A_409 = arith.constant 16 : index
      %swap3A_410 = tpu.vector_load %arg16[%swap3A_409] {strides = array<i32>} : memref<256xf32, #tpu.memory_space<vmem>>, vector<16xf32>,
      tpu.vector_store %arg16[%swap3A_409], %add3A_408 {strides = array<i32>} : memref<256xf32, #tpu.memory_space<vmem>>, vector<16xf32>,
      %slice3A_411 = vector.extract_strided_slice %get3A_119 {offsets = [2], sizes = [1], strides = [1]} : vector<16xi32> to vector<1xi32>
      %squeeze3A_412 = vector.extract %slice3A_411[0] : i32 from vector<1xi32>
      %and3A_413 = arith.constant 127 : i32
      %and3A_414 = arith.andi %squeeze3A_412, %and3A_413 : i32
      %broadcast_in_dim3A_415 = vector.broadcast %and3A_414 : i32 to vector<16xi32>
      %slice3A_416 = vector.extract_strided_slice %get3A_121 {offsets = [2], sizes = [1], strides = [1]} : vector<16xi32> to vector<1xi32>
      %squeeze3A_417 = vector.extract %slice3A_416[0] : i32 from vector<1xi32>
      %and3A_418 = arith.constant 127 : i32
      %and3A_419 = arith.andi %squeeze3A_417, %and3A_418 : i32
      %broadcast_in_dim3A_420 = vector.broadcast %and3A_419 : i32 to vector<16xi32>
      %add3A_421 = arith.constant 64 : i32
      %add3A_422 = vector.broadcast %add3A_421 : i32 to vector<16xi32>
      %add3A_423 = arith.addi %iota3A, %add3A_422 : vector<16xi32>
      %gather3A_424 = tpu.vector_load_idx %arg12[%add3A_423, %broadcast_in_dim3A_415] : memref<256x128xf32, #tpu.memory_space<vmem>>[vector<16xi32>, vector<16xi32>], vector<16xf32>,
      %add3A_425 = arith.constant 80 : i32
      %add3A_426 = vector.broadcast %add3A_425 : i32 to vector<16xi32>
      %add3A_427 = arith.addi %iota3A, %add3A_426 : vector<16xi32>
      %gather3A_428 = tpu.vector_load_idx %arg12[%add3A_427, %broadcast_in_dim3A_415] : memref<256x128xf32, #tpu.memory_space<vmem>>[vector<16xi32>, vector<16xi32>], vector<16xf32>,
      %add3A_429 = arith.constant 64 : i32
      %add3A_430 = vector.broadcast %add3A_429 : i32 to vector<16xi32>
      %add3A_431 = arith.addi %iota3A, %add3A_430 : vector<16xi32>
      %gather3A_432 = tpu.vector_load_idx %arg13[%add3A_431, %broadcast_in_dim3A_420] : memref<256x128xf32, #tpu.memory_space<vmem>>[vector<16xi32>, vector<16xi32>], vector<16xf32>,
      %add3A_433 = arith.constant 80 : i32
      %add3A_434 = vector.broadcast %add3A_433 : i32 to vector<16xi32>
      %add3A_435 = arith.addi %iota3A, %add3A_434 : vector<16xi32>
      %gather3A_436 = tpu.vector_load_idx %arg13[%add3A_435, %broadcast_in_dim3A_420] : memref<256x128xf32, #tpu.memory_space<vmem>>[vector<16xi32>, vector<16xi32>], vector<16xf32>,
      %mul3A_437 = arith.mulf %gather3A_424, %gather3A_432 : vector<16xf32>
      %mul3A_438 = arith.mulf %mul3A_437, %get3A_11 : vector<16xf32>
      %mul3A_439 = arith.mulf %gather3A_428, %gather3A_436 : vector<16xf32>
      %mul3A_440 = arith.mulf %mul3A_439, %get3A_13 : vector<16xf32>
      %add3A_441 = arith.addf %mul3A_438, %mul3A_440 : vector<16xf32>
      %swap3A_442 = arith.constant 32 : index
      %swap3A_443 = tpu.vector_load %arg16[%swap3A_442] {strides = array<i32>} : memref<256xf32, #tpu.memory_space<vmem>>, vector<16xf32>,
      tpu.vector_store %arg16[%swap3A_442], %add3A_441 {strides = array<i32>} : memref<256xf32, #tpu.memory_space<vmem>>, vector<16xf32>,
      %slice3A_444 = vector.extract_strided_slice %get3A_119 {offsets = [3], sizes = [1], strides = [1]} : vector<16xi32> to vector<1xi32>
      %squeeze3A_445 = vector.extract %slice3A_444[0] : i32 from vector<1xi32>
      %and3A_446 = arith.constant 127 : i32
      %and3A_447 = arith.andi %squeeze3A_445, %and3A_446 : i32
      %broadcast_in_dim3A_448 = vector.broadcast %and3A_447 : i32 to vector<16xi32>
      %slice3A_449 = vector.extract_strided_slice %get3A_121 {offsets = [3], sizes = [1], strides = [1]} : vector<16xi32> to vector<1xi32>
      %squeeze3A_450 = vector.extract %slice3A_449[0] : i32 from vector<1xi32>
      %and3A_451 = arith.constant 127 : i32
      %and3A_452 = arith.andi %squeeze3A_450, %and3A_451 : i32
      %broadcast_in_dim3A_453 = vector.broadcast %and3A_452 : i32 to vector<16xi32>
      %add3A_454 = arith.constant 96 : i32
      %add3A_455 = vector.broadcast %add3A_454 : i32 to vector<16xi32>
      %add3A_456 = arith.addi %iota3A, %add3A_455 : vector<16xi32>
      %gather3A_457 = tpu.vector_load_idx %arg12[%add3A_456, %broadcast_in_dim3A_448] : memref<256x128xf32, #tpu.memory_space<vmem>>[vector<16xi32>, vector<16xi32>], vector<16xf32>,
      %add3A_458 = arith.constant 112 : i32
      %add3A_459 = vector.broadcast %add3A_458 : i32 to vector<16xi32>
      %add3A_460 = arith.addi %iota3A, %add3A_459 : vector<16xi32>
      %gather3A_461 = tpu.vector_load_idx %arg12[%add3A_460, %broadcast_in_dim3A_448] : memref<256x128xf32, #tpu.memory_space<vmem>>[vector<16xi32>, vector<16xi32>], vector<16xf32>,
      %add3A_462 = arith.constant 96 : i32
      %add3A_463 = vector.broadcast %add3A_462 : i32 to vector<16xi32>
      %add3A_464 = arith.addi %iota3A, %add3A_463 : vector<16xi32>
      %gather3A_465 = tpu.vector_load_idx %arg13[%add3A_464, %broadcast_in_dim3A_453] : memref<256x128xf32, #tpu.memory_space<vmem>>[vector<16xi32>, vector<16xi32>], vector<16xf32>,
      %add3A_466 = arith.constant 112 : i32
      %add3A_467 = vector.broadcast %add3A_466 : i32 to vector<16xi32>
      %add3A_468 = arith.addi %iota3A, %add3A_467 : vector<16xi32>
      %gather3A_469 = tpu.vector_load_idx %arg13[%add3A_468, %broadcast_in_dim3A_453] : memref<256x128xf32, #tpu.memory_space<vmem>>[vector<16xi32>, vector<16xi32>], vector<16xf32>,
      %mul3A_470 = arith.mulf %gather3A_457, %gather3A_465 : vector<16xf32>
      %mul3A_471 = arith.mulf %mul3A_470, %get3A_11 : vector<16xf32>
      %mul3A_472 = arith.mulf %gather3A_461, %gather3A_469 : vector<16xf32>
      %mul3A_473 = arith.mulf %mul3A_472, %get3A_13 : vector<16xf32>
      %add3A_474 = arith.addf %mul3A_471, %mul3A_473 : vector<16xf32>
      %swap3A_475 = arith.constant 48 : index
      %swap3A_476 = tpu.vector_load %arg16[%swap3A_475] {strides = array<i32>} : memref<256xf32, #tpu.memory_space<vmem>>, vector<16xf32>,
      tpu.vector_store %arg16[%swap3A_475], %add3A_474 {strides = array<i32>} : memref<256xf32, #tpu.memory_space<vmem>>, vector<16xf32>,
      %slice3A_477 = vector.extract_strided_slice %get3A_119 {offsets = [8], sizes = [1], strides = [1]} : vector<16xi32> to vector<1xi32>
      %squeeze3A_478 = vector.extract %slice3A_477[0] : i32 from vector<1xi32>
      %slice3A_479 = vector.extract_strided_slice %get3A_121 {offsets = [8], sizes = [1], strides = [1]} : vector<16xi32> to vector<1xi32>
      %squeeze3A_480 = vector.extract %slice3A_479[0] : i32 from vector<1xi32>
      %shift_right_logical3A_481 = arith.constant 7 : i32
      %shift_right_logical3A_482 = arith.shrui %squeeze3A_478, %shift_right_logical3A_481 : i32
      %mul3A_483 = arith.constant 128 : i32
      %mul3A_484 = arith.muli %shift_right_logical3A_482, %mul3A_483 : i32
      %multiple_of3A_485 = tpu.assume_multiple %mul3A_484, 128 : i32
      %shift_right_logical3A_486 = arith.constant 7 : i32
      %shift_right_logical3A_487 = arith.shrui %squeeze3A_480, %shift_right_logical3A_486 : i32
      %mul3A_488 = arith.constant 128 : i32
      %mul3A_489 = arith.muli %shift_right_logical3A_487, %mul3A_488 : i32
      %multiple_of3A_490 = tpu.assume_multiple %mul3A_489, 128 : i32
      %dma_start3A_491 = arith.constant 0 : i32
      %dma_start3A_492 = arith.constant 0 : i32
      %dma_start3A_493 = tpu.memref_slice %arg12[%dma_start3A_491, %dma_start3A_492] : memref<256x128xf32, #tpu.memory_space<vmem>> -> memref<32x128xf32, #tpu.memory_space<vmem>>
      %dma_start3A_494 = arith.constant 0 : i32
      %dma_start3A_495 = tpu.memref_slice %arg4[%dma_start3A_494, %multiple_of3A_485] : memref<32x1000000xf32, #tpu.memory_space<hbm>> -> memref<32x128xf32, #tpu.memory_space<hbm>>
      tpu.enqueue_indirect_dma source(%dma_start3A_495 : memref<32x128xf32, #tpu.memory_space<hbm>>) target(%dma_start3A_493 : memref<32x128xf32, #tpu.memory_space<vmem>>) offsets(%arg11 : memref<32xi32, #tpu.memory_space<vmem>>) semaphore(%arg18 : memref<!tpu.dma_semaphore, #tpu.memory_space<semaphore_mem>>)
      %dma_start3A_496 = arith.constant 0 : i32
      %dma_start3A_497 = arith.constant 0 : i32
      %dma_start3A_498 = tpu.memref_slice %arg13[%dma_start3A_496, %dma_start3A_497] : memref<256x128xf32, #tpu.memory_space<vmem>> -> memref<32x128xf32, #tpu.memory_space<vmem>>
      %dma_start3A_499 = arith.constant 0 : i32
      %dma_start3A_500 = tpu.memref_slice %arg5[%dma_start3A_499, %multiple_of3A_490] : memref<32x1000000xf32, #tpu.memory_space<hbm>> -> memref<32x128xf32, #tpu.memory_space<hbm>>
      tpu.enqueue_indirect_dma source(%dma_start3A_500 : memref<32x128xf32, #tpu.memory_space<hbm>>) target(%dma_start3A_498 : memref<32x128xf32, #tpu.memory_space<vmem>>) offsets(%arg11 : memref<32xi32, #tpu.memory_space<vmem>>) semaphore(%arg18 : memref<!tpu.dma_semaphore, #tpu.memory_space<semaphore_mem>>)
      %slice3A_501 = vector.extract_strided_slice %get3A_119 {offsets = [9], sizes = [1], strides = [1]} : vector<16xi32> to vector<1xi32>
      %squeeze3A_502 = vector.extract %slice3A_501[0] : i32 from vector<1xi32>
      %slice3A_503 = vector.extract_strided_slice %get3A_121 {offsets = [9], sizes = [1], strides = [1]} : vector<16xi32> to vector<1xi32>
      %squeeze3A_504 = vector.extract %slice3A_503[0] : i32 from vector<1xi32>
      %shift_right_logical3A_505 = arith.constant 7 : i32
      %shift_right_logical3A_506 = arith.shrui %squeeze3A_502, %shift_right_logical3A_505 : i32
      %mul3A_507 = arith.constant 128 : i32
      %mul3A_508 = arith.muli %shift_right_logical3A_506, %mul3A_507 : i32
      %multiple_of3A_509 = tpu.assume_multiple %mul3A_508, 128 : i32
      %shift_right_logical3A_510 = arith.constant 7 : i32
      %shift_right_logical3A_511 = arith.shrui %squeeze3A_504, %shift_right_logical3A_510 : i32
      %mul3A_512 = arith.constant 128 : i32
      %mul3A_513 = arith.muli %shift_right_logical3A_511, %mul3A_512 : i32
      %multiple_of3A_514 = tpu.assume_multiple %mul3A_513, 128 : i32
      %dma_start3A_515 = arith.constant 32 : i32
      %dma_start3A_516 = arith.constant 0 : i32
      %dma_start3A_517 = tpu.memref_slice %arg12[%dma_start3A_515, %dma_start3A_516] : memref<256x128xf32, #tpu.memory_space<vmem>> -> memref<32x128xf32, #tpu.memory_space<vmem>>
      %dma_start3A_518 = arith.constant 0 : i32
      %dma_start3A_519 = tpu.memref_slice %arg4[%dma_start3A_518, %multiple_of3A_509] : memref<32x1000000xf32, #tpu.memory_space<hbm>> -> memref<32x128xf32, #tpu.memory_space<hbm>>
      tpu.enqueue_indirect_dma source(%dma_start3A_519 : memref<32x128xf32, #tpu.memory_space<hbm>>) target(%dma_start3A_517 : memref<32x128xf32, #tpu.memory_space<vmem>>) offsets(%arg11 : memref<32xi32, #tpu.memory_space<vmem>>) semaphore(%arg18 : memref<!tpu.dma_semaphore, #tpu.memory_space<semaphore_mem>>)
      %dma_start3A_520 = arith.constant 32 : i32
      %dma_start3A_521 = arith.constant 0 : i32
      %dma_start3A_522 = tpu.memref_slice %arg13[%dma_start3A_520, %dma_start3A_521] : memref<256x128xf32, #tpu.memory_space<vmem>> -> memref<32x128xf32, #tpu.memory_space<vmem>>
      %dma_start3A_523 = arith.constant 0 : i32
      %dma_start3A_524 = tpu.memref_slice %arg5[%dma_start3A_523, %multiple_of3A_514] : memref<32x1000000xf32, #tpu.memory_space<hbm>> -> memref<32x128xf32, #tpu.memory_space<hbm>>
      tpu.enqueue_indirect_dma source(%dma_start3A_524 : memref<32x128xf32, #tpu.memory_space<hbm>>) target(%dma_start3A_522 : memref<32x128xf32, #tpu.memory_space<vmem>>) offsets(%arg11 : memref<32xi32, #tpu.memory_space<vmem>>) semaphore(%arg18 : memref<!tpu.dma_semaphore, #tpu.memory_space<semaphore_mem>>)
      %slice3A_525 = vector.extract_strided_slice %get3A_119 {offsets = [10], sizes = [1], strides = [1]} : vector<16xi32> to vector<1xi32>
      %squeeze3A_526 = vector.extract %slice3A_525[0] : i32 from vector<1xi32>
      %slice3A_527 = vector.extract_strided_slice %get3A_121 {offsets = [10], sizes = [1], strides = [1]} : vector<16xi32> to vector<1xi32>
      %squeeze3A_528 = vector.extract %slice3A_527[0] : i32 from vector<1xi32>
      %shift_right_logical3A_529 = arith.constant 7 : i32
      %shift_right_logical3A_530 = arith.shrui %squeeze3A_526, %shift_right_logical3A_529 : i32
      %mul3A_531 = arith.constant 128 : i32
      %mul3A_532 = arith.muli %shift_right_logical3A_530, %mul3A_531 : i32
      %multiple_of3A_533 = tpu.assume_multiple %mul3A_532, 128 : i32
      %shift_right_logical3A_534 = arith.constant 7 : i32
      %shift_right_logical3A_535 = arith.shrui %squeeze3A_528, %shift_right_logical3A_534 : i32
      %mul3A_536 = arith.constant 128 : i32
      %mul3A_537 = arith.muli %shift_right_logical3A_535, %mul3A_536 : i32
      %multiple_of3A_538 = tpu.assume_multiple %mul3A_537, 128 : i32
      %dma_start3A_539 = arith.constant 64 : i32
      %dma_start3A_540 = arith.constant 0 : i32
      %dma_start3A_541 = tpu.memref_slice %arg12[%dma_start3A_539, %dma_start3A_540] : memref<256x128xf32, #tpu.memory_space<vmem>> -> memref<32x128xf32, #tpu.memory_space<vmem>>
      %dma_start3A_542 = arith.constant 0 : i32
      %dma_start3A_543 = tpu.memref_slice %arg4[%dma_start3A_542, %multiple_of3A_533] : memref<32x1000000xf32, #tpu.memory_space<hbm>> -> memref<32x128xf32, #tpu.memory_space<hbm>>
      tpu.enqueue_indirect_dma source(%dma_start3A_543 : memref<32x128xf32, #tpu.memory_space<hbm>>) target(%dma_start3A_541 : memref<32x128xf32, #tpu.memory_space<vmem>>) offsets(%arg11 : memref<32xi32, #tpu.memory_space<vmem>>) semaphore(%arg18 : memref<!tpu.dma_semaphore, #tpu.memory_space<semaphore_mem>>)
      %dma_start3A_544 = arith.constant 64 : i32
      %dma_start3A_545 = arith.constant 0 : i32
      %dma_start3A_546 = tpu.memref_slice %arg13[%dma_start3A_544, %dma_start3A_545] : memref<256x128xf32, #tpu.memory_space<vmem>> -> memref<32x128xf32, #tpu.memory_space<vmem>>
      %dma_start3A_547 = arith.constant 0 : i32
      %dma_start3A_548 = tpu.memref_slice %arg5[%dma_start3A_547, %multiple_of3A_538] : memref<32x1000000xf32, #tpu.memory_space<hbm>> -> memref<32x128xf32, #tpu.memory_space<hbm>>
      tpu.enqueue_indirect_dma source(%dma_start3A_548 : memref<32x128xf32, #tpu.memory_space<hbm>>) target(%dma_start3A_546 : memref<32x128xf32, #tpu.memory_space<vmem>>) offsets(%arg11 : memref<32xi32, #tpu.memory_space<vmem>>) semaphore(%arg18 : memref<!tpu.dma_semaphore, #tpu.memory_space<semaphore_mem>>)
      %slice3A_549 = vector.extract_strided_slice %get3A_119 {offsets = [11], sizes = [1], strides = [1]} : vector<16xi32> to vector<1xi32>
      %squeeze3A_550 = vector.extract %slice3A_549[0] : i32 from vector<1xi32>
      %slice3A_551 = vector.extract_strided_slice %get3A_121 {offsets = [11], sizes = [1], strides = [1]} : vector<16xi32> to vector<1xi32>
      %squeeze3A_552 = vector.extract %slice3A_551[0] : i32 from vector<1xi32>
      %shift_right_logical3A_553 = arith.constant 7 : i32
      %shift_right_logical3A_554 = arith.shrui %squeeze3A_550, %shift_right_logical3A_553 : i32
      %mul3A_555 = arith.constant 128 : i32
      %mul3A_556 = arith.muli %shift_right_logical3A_554, %mul3A_555 : i32
      %multiple_of3A_557 = tpu.assume_multiple %mul3A_556, 128 : i32
      %shift_right_logical3A_558 = arith.constant 7 : i32
      %shift_right_logical3A_559 = arith.shrui %squeeze3A_552, %shift_right_logical3A_558 : i32
      %mul3A_560 = arith.constant 128 : i32
      %mul3A_561 = arith.muli %shift_right_logical3A_559, %mul3A_560 : i32
      %multiple_of3A_562 = tpu.assume_multiple %mul3A_561, 128 : i32
      %dma_start3A_563 = arith.constant 96 : i32
      %dma_start3A_564 = arith.constant 0 : i32
      %dma_start3A_565 = tpu.memref_slice %arg12[%dma_start3A_563, %dma_start3A_564] : memref<256x128xf32, #tpu.memory_space<vmem>> -> memref<32x128xf32, #tpu.memory_space<vmem>>
      %dma_start3A_566 = arith.constant 0 : i32
      %dma_start3A_567 = tpu.memref_slice %arg4[%dma_start3A_566, %multiple_of3A_557] : memref<32x1000000xf32, #tpu.memory_space<hbm>> -> memref<32x128xf32, #tpu.memory_space<hbm>>
      tpu.enqueue_indirect_dma source(%dma_start3A_567 : memref<32x128xf32, #tpu.memory_space<hbm>>) target(%dma_start3A_565 : memref<32x128xf32, #tpu.memory_space<vmem>>) offsets(%arg11 : memref<32xi32, #tpu.memory_space<vmem>>) semaphore(%arg18 : memref<!tpu.dma_semaphore, #tpu.memory_space<semaphore_mem>>)
      %dma_start3A_568 = arith.constant 96 : i32
      %dma_start3A_569 = arith.constant 0 : i32
      %dma_start3A_570 = tpu.memref_slice %arg13[%dma_start3A_568, %dma_start3A_569] : memref<256x128xf32, #tpu.memory_space<vmem>> -> memref<32x128xf32, #tpu.memory_space<vmem>>
      %dma_start3A_571 = arith.constant 0 : i32
      %dma_start3A_572 = tpu.memref_slice %arg5[%dma_start3A_571, %multiple_of3A_562] : memref<32x1000000xf32, #tpu.memory_space<hbm>> -> memref<32x128xf32, #tpu.memory_space<hbm>>
      tpu.enqueue_indirect_dma source(%dma_start3A_572 : memref<32x128xf32, #tpu.memory_space<hbm>>) target(%dma_start3A_570 : memref<32x128xf32, #tpu.memory_space<vmem>>) offsets(%arg11 : memref<32xi32, #tpu.memory_space<vmem>>) semaphore(%arg18 : memref<!tpu.dma_semaphore, #tpu.memory_space<semaphore_mem>>)
      %dma_wait3A_573 = arith.constant 128 : i32
      %dma_wait3A_574 = arith.constant 0 : i32
      %dma_wait3A_575 = tpu.memref_slice %arg12[%dma_wait3A_573, %dma_wait3A_574] : memref<256x128xf32, #tpu.memory_space<vmem>> -> memref<32x128xf32, #tpu.memory_space<vmem>>
      %dma_wait3A_576 = arith.constant 0 : i32
      %dma_wait3A_577 = tpu.memref_slice %arg4[%dma_wait3A_576, %multiple_of3A_221] : memref<32x1000000xf32, #tpu.memory_space<hbm>> -> memref<32x128xf32, #tpu.memory_space<hbm>>
      tpu.wait_indirect_dma semaphore(%arg19 : memref<!tpu.dma_semaphore, #tpu.memory_space<semaphore_mem>>) src(%dma_wait3A_577 : memref<32x128xf32, #tpu.memory_space<hbm>>) dst(%dma_wait3A_575 : memref<32x128xf32, #tpu.memory_space<vmem>>)
      %dma_wait3A_578 = arith.constant 128 : i32
      %dma_wait3A_579 = arith.constant 0 : i32
      %dma_wait3A_580 = tpu.memref_slice %arg13[%dma_wait3A_578, %dma_wait3A_579] : memref<256x128xf32, #tpu.memory_space<vmem>> -> memref<32x128xf32, #tpu.memory_space<vmem>>
      %dma_wait3A_581 = arith.constant 0 : i32
      %dma_wait3A_582 = tpu.memref_slice %arg5[%dma_wait3A_581, %multiple_of3A_226] : memref<32x1000000xf32, #tpu.memory_space<hbm>> -> memref<32x128xf32, #tpu.memory_space<hbm>>
      tpu.wait_indirect_dma semaphore(%arg19 : memref<!tpu.dma_semaphore, #tpu.memory_space<semaphore_mem>>) src(%dma_wait3A_582 : memref<32x128xf32, #tpu.memory_space<hbm>>) dst(%dma_wait3A_580 : memref<32x128xf32, #tpu.memory_space<vmem>>)
      %dma_wait3A_583 = arith.constant 160 : i32
      %dma_wait3A_584 = arith.constant 0 : i32
      %dma_wait3A_585 = tpu.memref_slice %arg12[%dma_wait3A_583, %dma_wait3A_584] : memref<256x128xf32, #tpu.memory_space<vmem>> -> memref<32x128xf32, #tpu.memory_space<vmem>>
      %dma_wait3A_586 = arith.constant 0 : i32
      %dma_wait3A_587 = tpu.memref_slice %arg4[%dma_wait3A_586, %multiple_of3A_245] : memref<32x1000000xf32, #tpu.memory_space<hbm>> -> memref<32x128xf32, #tpu.memory_space<hbm>>
      tpu.wait_indirect_dma semaphore(%arg19 : memref<!tpu.dma_semaphore, #tpu.memory_space<semaphore_mem>>) src(%dma_wait3A_587 : memref<32x128xf32, #tpu.memory_space<hbm>>) dst(%dma_wait3A_585 : memref<32x128xf32, #tpu.memory_space<vmem>>)
      %dma_wait3A_588 = arith.constant 160 : i32
      %dma_wait3A_589 = arith.constant 0 : i32
      %dma_wait3A_590 = tpu.memref_slice %arg13[%dma_wait3A_588, %dma_wait3A_589] : memref<256x128xf32, #tpu.memory_space<vmem>> -> memref<32x128xf32, #tpu.memory_space<vmem>>
      %dma_wait3A_591 = arith.constant 0 : i32
      %dma_wait3A_592 = tpu.memref_slice %arg5[%dma_wait3A_591, %multiple_of3A_250] : memref<32x1000000xf32, #tpu.memory_space<hbm>> -> memref<32x128xf32, #tpu.memory_space<hbm>>
      tpu.wait_indirect_dma semaphore(%arg19 : memref<!tpu.dma_semaphore, #tpu.memory_space<semaphore_mem>>) src(%dma_wait3A_592 : memref<32x128xf32, #tpu.memory_space<hbm>>) dst(%dma_wait3A_590 : memref<32x128xf32, #tpu.memory_space<vmem>>)
      %dma_wait3A_593 = arith.constant 192 : i32
      %dma_wait3A_594 = arith.constant 0 : i32
      %dma_wait3A_595 = tpu.memref_slice %arg12[%dma_wait3A_593, %dma_wait3A_594] : memref<256x128xf32, #tpu.memory_space<vmem>> -> memref<32x128xf32, #tpu.memory_space<vmem>>
      %dma_wait3A_596 = arith.constant 0 : i32
      %dma_wait3A_597 = tpu.memref_slice %arg4[%dma_wait3A_596, %multiple_of3A_269] : memref<32x1000000xf32, #tpu.memory_space<hbm>> -> memref<32x128xf32, #tpu.memory_space<hbm>>
      tpu.wait_indirect_dma semaphore(%arg19 : memref<!tpu.dma_semaphore, #tpu.memory_space<semaphore_mem>>) src(%dma_wait3A_597 : memref<32x128xf32, #tpu.memory_space<hbm>>) dst(%dma_wait3A_595 : memref<32x128xf32, #tpu.memory_space<vmem>>)
      %dma_wait3A_598 = arith.constant 192 : i32
      %dma_wait3A_599 = arith.constant 0 : i32
      %dma_wait3A_600 = tpu.memref_slice %arg13[%dma_wait3A_598, %dma_wait3A_599] : memref<256x128xf32, #tpu.memory_space<vmem>> -> memref<32x128xf32, #tpu.memory_space<vmem>>
      %dma_wait3A_601 = arith.constant 0 : i32
      %dma_wait3A_602 = tpu.memref_slice %arg5[%dma_wait3A_601, %multiple_of3A_274] : memref<32x1000000xf32, #tpu.memory_space<hbm>> -> memref<32x128xf32, #tpu.memory_space<hbm>>
      tpu.wait_indirect_dma semaphore(%arg19 : memref<!tpu.dma_semaphore, #tpu.memory_space<semaphore_mem>>) src(%dma_wait3A_602 : memref<32x128xf32, #tpu.memory_space<hbm>>) dst(%dma_wait3A_600 : memref<32x128xf32, #tpu.memory_space<vmem>>)
      %dma_wait3A_603 = arith.constant 224 : i32
      %dma_wait3A_604 = arith.constant 0 : i32
      %dma_wait3A_605 = tpu.memref_slice %arg12[%dma_wait3A_603, %dma_wait3A_604] : memref<256x128xf32, #tpu.memory_space<vmem>> -> memref<32x128xf32, #tpu.memory_space<vmem>>
      %dma_wait3A_606 = arith.constant 0 : i32
      %dma_wait3A_607 = tpu.memref_slice %arg4[%dma_wait3A_606, %multiple_of3A_293] : memref<32x1000000xf32, #tpu.memory_space<hbm>> -> memref<32x128xf32, #tpu.memory_space<hbm>>
      tpu.wait_indirect_dma semaphore(%arg19 : memref<!tpu.dma_semaphore, #tpu.memory_space<semaphore_mem>>) src(%dma_wait3A_607 : memref<32x128xf32, #tpu.memory_space<hbm>>) dst(%dma_wait3A_605 : memref<32x128xf32, #tpu.memory_space<vmem>>)
      %dma_wait3A_608 = arith.constant 224 : i32
      %dma_wait3A_609 = arith.constant 0 : i32
      %dma_wait3A_610 = tpu.memref_slice %arg13[%dma_wait3A_608, %dma_wait3A_609] : memref<256x128xf32, #tpu.memory_space<vmem>> -> memref<32x128xf32, #tpu.memory_space<vmem>>
      %dma_wait3A_611 = arith.constant 0 : i32
      %dma_wait3A_612 = tpu.memref_slice %arg5[%dma_wait3A_611, %multiple_of3A_298] : memref<32x1000000xf32, #tpu.memory_space<hbm>> -> memref<32x128xf32, #tpu.memory_space<hbm>>
      tpu.wait_indirect_dma semaphore(%arg19 : memref<!tpu.dma_semaphore, #tpu.memory_space<semaphore_mem>>) src(%dma_wait3A_612 : memref<32x128xf32, #tpu.memory_space<hbm>>) dst(%dma_wait3A_610 : memref<32x128xf32, #tpu.memory_space<vmem>>)
      %slice3A_613 = vector.extract_strided_slice %get3A_119 {offsets = [4], sizes = [1], strides = [1]} : vector<16xi32> to vector<1xi32>
      %squeeze3A_614 = vector.extract %slice3A_613[0] : i32 from vector<1xi32>
      %and3A_615 = arith.constant 127 : i32
      %and3A_616 = arith.andi %squeeze3A_614, %and3A_615 : i32
      %broadcast_in_dim3A_617 = vector.broadcast %and3A_616 : i32 to vector<16xi32>
      %slice3A_618 = vector.extract_strided_slice %get3A_121 {offsets = [4], sizes = [1], strides = [1]} : vector<16xi32> to vector<1xi32>
      %squeeze3A_619 = vector.extract %slice3A_618[0] : i32 from vector<1xi32>
      %and3A_620 = arith.constant 127 : i32
      %and3A_621 = arith.andi %squeeze3A_619, %and3A_620 : i32
      %broadcast_in_dim3A_622 = vector.broadcast %and3A_621 : i32 to vector<16xi32>
      %add3A_623 = arith.constant 128 : i32
      %add3A_624 = vector.broadcast %add3A_623 : i32 to vector<16xi32>
      %add3A_625 = arith.addi %iota3A, %add3A_624 : vector<16xi32>
      %gather3A_626 = tpu.vector_load_idx %arg12[%add3A_625, %broadcast_in_dim3A_617] : memref<256x128xf32, #tpu.memory_space<vmem>>[vector<16xi32>, vector<16xi32>], vector<16xf32>,
      %add3A_627 = arith.constant 144 : i32
      %add3A_628 = vector.broadcast %add3A_627 : i32 to vector<16xi32>
      %add3A_629 = arith.addi %iota3A, %add3A_628 : vector<16xi32>
      %gather3A_630 = tpu.vector_load_idx %arg12[%add3A_629, %broadcast_in_dim3A_617] : memref<256x128xf32, #tpu.memory_space<vmem>>[vector<16xi32>, vector<16xi32>], vector<16xf32>,
      %add3A_631 = arith.constant 128 : i32
      %add3A_632 = vector.broadcast %add3A_631 : i32 to vector<16xi32>
      %add3A_633 = arith.addi %iota3A, %add3A_632 : vector<16xi32>
      %gather3A_634 = tpu.vector_load_idx %arg13[%add3A_633, %broadcast_in_dim3A_622] : memref<256x128xf32, #tpu.memory_space<vmem>>[vector<16xi32>, vector<16xi32>], vector<16xf32>,
      %add3A_635 = arith.constant 144 : i32
      %add3A_636 = vector.broadcast %add3A_635 : i32 to vector<16xi32>
      %add3A_637 = arith.addi %iota3A, %add3A_636 : vector<16xi32>
      %gather3A_638 = tpu.vector_load_idx %arg13[%add3A_637, %broadcast_in_dim3A_622] : memref<256x128xf32, #tpu.memory_space<vmem>>[vector<16xi32>, vector<16xi32>], vector<16xf32>,
      %mul3A_639 = arith.mulf %gather3A_626, %gather3A_634 : vector<16xf32>
      %mul3A_640 = arith.mulf %mul3A_639, %get3A_11 : vector<16xf32>
      %mul3A_641 = arith.mulf %gather3A_630, %gather3A_638 : vector<16xf32>
      %mul3A_642 = arith.mulf %mul3A_641, %get3A_13 : vector<16xf32>
      %add3A_643 = arith.addf %mul3A_640, %mul3A_642 : vector<16xf32>
      %swap3A_644 = arith.constant 64 : index
      %swap3A_645 = tpu.vector_load %arg16[%swap3A_644] {strides = array<i32>} : memref<256xf32, #tpu.memory_space<vmem>>, vector<16xf32>,
      tpu.vector_store %arg16[%swap3A_644], %add3A_643 {strides = array<i32>} : memref<256xf32, #tpu.memory_space<vmem>>, vector<16xf32>,
      %slice3A_646 = vector.extract_strided_slice %get3A_119 {offsets = [5], sizes = [1], strides = [1]} : vector<16xi32> to vector<1xi32>
      %squeeze3A_647 = vector.extract %slice3A_646[0] : i32 from vector<1xi32>
      %and3A_648 = arith.constant 127 : i32
      %and3A_649 = arith.andi %squeeze3A_647, %and3A_648 : i32
      %broadcast_in_dim3A_650 = vector.broadcast %and3A_649 : i32 to vector<16xi32>
      %slice3A_651 = vector.extract_strided_slice %get3A_121 {offsets = [5], sizes = [1], strides = [1]} : vector<16xi32> to vector<1xi32>
      %squeeze3A_652 = vector.extract %slice3A_651[0] : i32 from vector<1xi32>
      %and3A_653 = arith.constant 127 : i32
      %and3A_654 = arith.andi %squeeze3A_652, %and3A_653 : i32
      %broadcast_in_dim3A_655 = vector.broadcast %and3A_654 : i32 to vector<16xi32>
      %add3A_656 = arith.constant 160 : i32
      %add3A_657 = vector.broadcast %add3A_656 : i32 to vector<16xi32>
      %add3A_658 = arith.addi %iota3A, %add3A_657 : vector<16xi32>
      %gather3A_659 = tpu.vector_load_idx %arg12[%add3A_658, %broadcast_in_dim3A_650] : memref<256x128xf32, #tpu.memory_space<vmem>>[vector<16xi32>, vector<16xi32>], vector<16xf32>,
      %add3A_660 = arith.constant 176 : i32
      %add3A_661 = vector.broadcast %add3A_660 : i32 to vector<16xi32>
      %add3A_662 = arith.addi %iota3A, %add3A_661 : vector<16xi32>
      %gather3A_663 = tpu.vector_load_idx %arg12[%add3A_662, %broadcast_in_dim3A_650] : memref<256x128xf32, #tpu.memory_space<vmem>>[vector<16xi32>, vector<16xi32>], vector<16xf32>,
      %add3A_664 = arith.constant 160 : i32
      %add3A_665 = vector.broadcast %add3A_664 : i32 to vector<16xi32>
      %add3A_666 = arith.addi %iota3A, %add3A_665 : vector<16xi32>
      %gather3A_667 = tpu.vector_load_idx %arg13[%add3A_666, %broadcast_in_dim3A_655] : memref<256x128xf32, #tpu.memory_space<vmem>>[vector<16xi32>, vector<16xi32>], vector<16xf32>,
      %add3A_668 = arith.constant 176 : i32
      %add3A_669 = vector.broadcast %add3A_668 : i32 to vector<16xi32>
      %add3A_670 = arith.addi %iota3A, %add3A_669 : vector<16xi32>
      %gather3A_671 = tpu.vector_load_idx %arg13[%add3A_670, %broadcast_in_dim3A_655] : memref<256x128xf32, #tpu.memory_space<vmem>>[vector<16xi32>, vector<16xi32>], vector<16xf32>,
      %mul3A_672 = arith.mulf %gather3A_659, %gather3A_667 : vector<16xf32>
      %mul3A_673 = arith.mulf %mul3A_672, %get3A_11 : vector<16xf32>
      %mul3A_674 = arith.mulf %gather3A_663, %gather3A_671 : vector<16xf32>
      %mul3A_675 = arith.mulf %mul3A_674, %get3A_13 : vector<16xf32>
      %add3A_676 = arith.addf %mul3A_673, %mul3A_675 : vector<16xf32>
      %swap3A_677 = arith.constant 80 : index
      %swap3A_678 = tpu.vector_load %arg16[%swap3A_677] {strides = array<i32>} : memref<256xf32, #tpu.memory_space<vmem>>, vector<16xf32>,
      tpu.vector_store %arg16[%swap3A_677], %add3A_676 {strides = array<i32>} : memref<256xf32, #tpu.memory_space<vmem>>, vector<16xf32>,
      %slice3A_679 = vector.extract_strided_slice %get3A_119 {offsets = [6], sizes = [1], strides = [1]} : vector<16xi32> to vector<1xi32>
      %squeeze3A_680 = vector.extract %slice3A_679[0] : i32 from vector<1xi32>
      %and3A_681 = arith.constant 127 : i32
      %and3A_682 = arith.andi %squeeze3A_680, %and3A_681 : i32
      %broadcast_in_dim3A_683 = vector.broadcast %and3A_682 : i32 to vector<16xi32>
      %slice3A_684 = vector.extract_strided_slice %get3A_121 {offsets = [6], sizes = [1], strides = [1]} : vector<16xi32> to vector<1xi32>
      %squeeze3A_685 = vector.extract %slice3A_684[0] : i32 from vector<1xi32>
      %and3A_686 = arith.constant 127 : i32
      %and3A_687 = arith.andi %squeeze3A_685, %and3A_686 : i32
      %broadcast_in_dim3A_688 = vector.broadcast %and3A_687 : i32 to vector<16xi32>
      %add3A_689 = arith.constant 192 : i32
      %add3A_690 = vector.broadcast %add3A_689 : i32 to vector<16xi32>
      %add3A_691 = arith.addi %iota3A, %add3A_690 : vector<16xi32>
      %gather3A_692 = tpu.vector_load_idx %arg12[%add3A_691, %broadcast_in_dim3A_683] : memref<256x128xf32, #tpu.memory_space<vmem>>[vector<16xi32>, vector<16xi32>], vector<16xf32>,
      %add3A_693 = arith.constant 208 : i32
      %add3A_694 = vector.broadcast %add3A_693 : i32 to vector<16xi32>
      %add3A_695 = arith.addi %iota3A, %add3A_694 : vector<16xi32>
      %gather3A_696 = tpu.vector_load_idx %arg12[%add3A_695, %broadcast_in_dim3A_683] : memref<256x128xf32, #tpu.memory_space<vmem>>[vector<16xi32>, vector<16xi32>], vector<16xf32>,
      %add3A_697 = arith.constant 192 : i32
      %add3A_698 = vector.broadcast %add3A_697 : i32 to vector<16xi32>
      %add3A_699 = arith.addi %iota3A, %add3A_698 : vector<16xi32>
      %gather3A_700 = tpu.vector_load_idx %arg13[%add3A_699, %broadcast_in_dim3A_688] : memref<256x128xf32, #tpu.memory_space<vmem>>[vector<16xi32>, vector<16xi32>], vector<16xf32>,
      %add3A_701 = arith.constant 208 : i32
      %add3A_702 = vector.broadcast %add3A_701 : i32 to vector<16xi32>
      %add3A_703 = arith.addi %iota3A, %add3A_702 : vector<16xi32>
      %gather3A_704 = tpu.vector_load_idx %arg13[%add3A_703, %broadcast_in_dim3A_688] : memref<256x128xf32, #tpu.memory_space<vmem>>[vector<16xi32>, vector<16xi32>], vector<16xf32>,
      %mul3A_705 = arith.mulf %gather3A_692, %gather3A_700 : vector<16xf32>
      %mul3A_706 = arith.mulf %mul3A_705, %get3A_11 : vector<16xf32>
      %mul3A_707 = arith.mulf %gather3A_696, %gather3A_704 : vector<16xf32>
      %mul3A_708 = arith.mulf %mul3A_707, %get3A_13 : vector<16xf32>
      %add3A_709 = arith.addf %mul3A_706, %mul3A_708 : vector<16xf32>
      %swap3A_710 = arith.constant 96 : index
      %swap3A_711 = tpu.vector_load %arg16[%swap3A_710] {strides = array<i32>} : memref<256xf32, #tpu.memory_space<vmem>>, vector<16xf32>,
      tpu.vector_store %arg16[%swap3A_710], %add3A_709 {strides = array<i32>} : memref<256xf32, #tpu.memory_space<vmem>>, vector<16xf32>,
      %slice3A_712 = vector.extract_strided_slice %get3A_119 {offsets = [7], sizes = [1], strides = [1]} : vector<16xi32> to vector<1xi32>
      %squeeze3A_713 = vector.extract %slice3A_712[0] : i32 from vector<1xi32>
      %and3A_714 = arith.constant 127 : i32
      %and3A_715 = arith.andi %squeeze3A_713, %and3A_714 : i32
      %broadcast_in_dim3A_716 = vector.broadcast %and3A_715 : i32 to vector<16xi32>
      %slice3A_717 = vector.extract_strided_slice %get3A_121 {offsets = [7], sizes = [1], strides = [1]} : vector<16xi32> to vector<1xi32>
      %squeeze3A_718 = vector.extract %slice3A_717[0] : i32 from vector<1xi32>
      %and3A_719 = arith.constant 127 : i32
      %and3A_720 = arith.andi %squeeze3A_718, %and3A_719 : i32
      %broadcast_in_dim3A_721 = vector.broadcast %and3A_720 : i32 to vector<16xi32>
      %add3A_722 = arith.constant 224 : i32
      %add3A_723 = vector.broadcast %add3A_722 : i32 to vector<16xi32>
      %add3A_724 = arith.addi %iota3A, %add3A_723 : vector<16xi32>
      %gather3A_725 = tpu.vector_load_idx %arg12[%add3A_724, %broadcast_in_dim3A_716] : memref<256x128xf32, #tpu.memory_space<vmem>>[vector<16xi32>, vector<16xi32>], vector<16xf32>,
      %add3A_726 = arith.constant 240 : i32
      %add3A_727 = vector.broadcast %add3A_726 : i32 to vector<16xi32>
      %add3A_728 = arith.addi %iota3A, %add3A_727 : vector<16xi32>
      %gather3A_729 = tpu.vector_load_idx %arg12[%add3A_728, %broadcast_in_dim3A_716] : memref<256x128xf32, #tpu.memory_space<vmem>>[vector<16xi32>, vector<16xi32>], vector<16xf32>,
      %add3A_730 = arith.constant 224 : i32
      %add3A_731 = vector.broadcast %add3A_730 : i32 to vector<16xi32>
      %add3A_732 = arith.addi %iota3A, %add3A_731 : vector<16xi32>
      %gather3A_733 = tpu.vector_load_idx %arg13[%add3A_732, %broadcast_in_dim3A_721] : memref<256x128xf32, #tpu.memory_space<vmem>>[vector<16xi32>, vector<16xi32>], vector<16xf32>,
      %add3A_734 = arith.constant 240 : i32
      %add3A_735 = vector.broadcast %add3A_734 : i32 to vector<16xi32>
      %add3A_736 = arith.addi %iota3A, %add3A_735 : vector<16xi32>
      %gather3A_737 = tpu.vector_load_idx %arg13[%add3A_736, %broadcast_in_dim3A_721] : memref<256x128xf32, #tpu.memory_space<vmem>>[vector<16xi32>, vector<16xi32>], vector<16xf32>,
      %mul3A_738 = arith.mulf %gather3A_725, %gather3A_733 : vector<16xf32>
      %mul3A_739 = arith.mulf %mul3A_738, %get3A_11 : vector<16xf32>
      %mul3A_740 = arith.mulf %gather3A_729, %gather3A_737 : vector<16xf32>
      %mul3A_741 = arith.mulf %mul3A_740, %get3A_13 : vector<16xf32>
      %add3A_742 = arith.addf %mul3A_739, %mul3A_741 : vector<16xf32>
      %swap3A_743 = arith.constant 112 : index
      %swap3A_744 = tpu.vector_load %arg16[%swap3A_743] {strides = array<i32>} : memref<256xf32, #tpu.memory_space<vmem>>, vector<16xf32>,
      tpu.vector_store %arg16[%swap3A_743], %add3A_742 {strides = array<i32>} : memref<256xf32, #tpu.memory_space<vmem>>, vector<16xf32>,
      %slice3A_745 = vector.extract_strided_slice %get3A_119 {offsets = [12], sizes = [1], strides = [1]} : vector<16xi32> to vector<1xi32>
      %squeeze3A_746 = vector.extract %slice3A_745[0] : i32 from vector<1xi32>
      %slice3A_747 = vector.extract_strided_slice %get3A_121 {offsets = [12], sizes = [1], strides = [1]} : vector<16xi32> to vector<1xi32>
      %squeeze3A_748 = vector.extract %slice3A_747[0] : i32 from vector<1xi32>
      %shift_right_logical3A_749 = arith.constant 7 : i32
      %shift_right_logical3A_750 = arith.shrui %squeeze3A_746, %shift_right_logical3A_749 : i32
      %mul3A_751 = arith.constant 128 : i32
      %mul3A_752 = arith.muli %shift_right_logical3A_750, %mul3A_751 : i32
      %multiple_of3A_753 = tpu.assume_multiple %mul3A_752, 128 : i32
      %shift_right_logical3A_754 = arith.constant 7 : i32
      %shift_right_logical3A_755 = arith.shrui %squeeze3A_748, %shift_right_logical3A_754 : i32
      %mul3A_756 = arith.constant 128 : i32
      %mul3A_757 = arith.muli %shift_right_logical3A_755, %mul3A_756 : i32
      %multiple_of3A_758 = tpu.assume_multiple %mul3A_757, 128 : i32
      %dma_start3A_759 = arith.constant 128 : i32
      %dma_start3A_760 = arith.constant 0 : i32
      %dma_start3A_761 = tpu.memref_slice %arg12[%dma_start3A_759, %dma_start3A_760] : memref<256x128xf32, #tpu.memory_space<vmem>> -> memref<32x128xf32, #tpu.memory_space<vmem>>
      %dma_start3A_762 = arith.constant 0 : i32
      %dma_start3A_763 = tpu.memref_slice %arg4[%dma_start3A_762, %multiple_of3A_753] : memref<32x1000000xf32, #tpu.memory_space<hbm>> -> memref<32x128xf32, #tpu.memory_space<hbm>>
      tpu.enqueue_indirect_dma source(%dma_start3A_763 : memref<32x128xf32, #tpu.memory_space<hbm>>) target(%dma_start3A_761 : memref<32x128xf32, #tpu.memory_space<vmem>>) offsets(%arg11 : memref<32xi32, #tpu.memory_space<vmem>>) semaphore(%arg19 : memref<!tpu.dma_semaphore, #tpu.memory_space<semaphore_mem>>)
      %dma_start3A_764 = arith.constant 128 : i32
      %dma_start3A_765 = arith.constant 0 : i32
      %dma_start3A_766 = tpu.memref_slice %arg13[%dma_start3A_764, %dma_start3A_765] : memref<256x128xf32, #tpu.memory_space<vmem>> -> memref<32x128xf32, #tpu.memory_space<vmem>>
      %dma_start3A_767 = arith.constant 0 : i32
      %dma_start3A_768 = tpu.memref_slice %arg5[%dma_start3A_767, %multiple_of3A_758] : memref<32x1000000xf32, #tpu.memory_space<hbm>> -> memref<32x128xf32, #tpu.memory_space<hbm>>
      tpu.enqueue_indirect_dma source(%dma_start3A_768 : memref<32x128xf32, #tpu.memory_space<hbm>>) target(%dma_start3A_766 : memref<32x128xf32, #tpu.memory_space<vmem>>) offsets(%arg11 : memref<32xi32, #tpu.memory_space<vmem>>) semaphore(%arg19 : memref<!tpu.dma_semaphore, #tpu.memory_space<semaphore_mem>>)
      %slice3A_769 = vector.extract_strided_slice %get3A_119 {offsets = [13], sizes = [1], strides = [1]} : vector<16xi32> to vector<1xi32>
      %squeeze3A_770 = vector.extract %slice3A_769[0] : i32 from vector<1xi32>
      %slice3A_771 = vector.extract_strided_slice %get3A_121 {offsets = [13], sizes = [1], strides = [1]} : vector<16xi32> to vector<1xi32>
      %squeeze3A_772 = vector.extract %slice3A_771[0] : i32 from vector<1xi32>
      %shift_right_logical3A_773 = arith.constant 7 : i32
      %shift_right_logical3A_774 = arith.shrui %squeeze3A_770, %shift_right_logical3A_773 : i32
      %mul3A_775 = arith.constant 128 : i32
      %mul3A_776 = arith.muli %shift_right_logical3A_774, %mul3A_775 : i32
      %multiple_of3A_777 = tpu.assume_multiple %mul3A_776, 128 : i32
      %shift_right_logical3A_778 = arith.constant 7 : i32
      %shift_right_logical3A_779 = arith.shrui %squeeze3A_772, %shift_right_logical3A_778 : i32
      %mul3A_780 = arith.constant 128 : i32
      %mul3A_781 = arith.muli %shift_right_logical3A_779, %mul3A_780 : i32
      %multiple_of3A_782 = tpu.assume_multiple %mul3A_781, 128 : i32
      %dma_start3A_783 = arith.constant 160 : i32
      %dma_start3A_784 = arith.constant 0 : i32
      %dma_start3A_785 = tpu.memref_slice %arg12[%dma_start3A_783, %dma_start3A_784] : memref<256x128xf32, #tpu.memory_space<vmem>> -> memref<32x128xf32, #tpu.memory_space<vmem>>
      %dma_start3A_786 = arith.constant 0 : i32
      %dma_start3A_787 = tpu.memref_slice %arg4[%dma_start3A_786, %multiple_of3A_777] : memref<32x1000000xf32, #tpu.memory_space<hbm>> -> memref<32x128xf32, #tpu.memory_space<hbm>>
      tpu.enqueue_indirect_dma source(%dma_start3A_787 : memref<32x128xf32, #tpu.memory_space<hbm>>) target(%dma_start3A_785 : memref<32x128xf32, #tpu.memory_space<vmem>>) offsets(%arg11 : memref<32xi32, #tpu.memory_space<vmem>>) semaphore(%arg19 : memref<!tpu.dma_semaphore, #tpu.memory_space<semaphore_mem>>)
      %dma_start3A_788 = arith.constant 160 : i32
      %dma_start3A_789 = arith.constant 0 : i32
      %dma_start3A_790 = tpu.memref_slice %arg13[%dma_start3A_788, %dma_start3A_789] : memref<256x128xf32, #tpu.memory_space<vmem>> -> memref<32x128xf32, #tpu.memory_space<vmem>>
      %dma_start3A_791 = arith.constant 0 : i32
      %dma_start3A_792 = tpu.memref_slice %arg5[%dma_start3A_791, %multiple_of3A_782] : memref<32x1000000xf32, #tpu.memory_space<hbm>> -> memref<32x128xf32, #tpu.memory_space<hbm>>
      tpu.enqueue_indirect_dma source(%dma_start3A_792 : memref<32x128xf32, #tpu.memory_space<hbm>>) target(%dma_start3A_790 : memref<32x128xf32, #tpu.memory_space<vmem>>) offsets(%arg11 : memref<32xi32, #tpu.memory_space<vmem>>) semaphore(%arg19 : memref<!tpu.dma_semaphore, #tpu.memory_space<semaphore_mem>>)
      %slice3A_793 = vector.extract_strided_slice %get3A_119 {offsets = [14], sizes = [1], strides = [1]} : vector<16xi32> to vector<1xi32>
      %squeeze3A_794 = vector.extract %slice3A_793[0] : i32 from vector<1xi32>
      %slice3A_795 = vector.extract_strided_slice %get3A_121 {offsets = [14], sizes = [1], strides = [1]} : vector<16xi32> to vector<1xi32>
      %squeeze3A_796 = vector.extract %slice3A_795[0] : i32 from vector<1xi32>
      %shift_right_logical3A_797 = arith.constant 7 : i32
      %shift_right_logical3A_798 = arith.shrui %squeeze3A_794, %shift_right_logical3A_797 : i32
      %mul3A_799 = arith.constant 128 : i32
      %mul3A_800 = arith.muli %shift_right_logical3A_798, %mul3A_799 : i32
      %multiple_of3A_801 = tpu.assume_multiple %mul3A_800, 128 : i32
      %shift_right_logical3A_802 = arith.constant 7 : i32
      %shift_right_logical3A_803 = arith.shrui %squeeze3A_796, %shift_right_logical3A_802 : i32
      %mul3A_804 = arith.constant 128 : i32
      %mul3A_805 = arith.muli %shift_right_logical3A_803, %mul3A_804 : i32
      %multiple_of3A_806 = tpu.assume_multiple %mul3A_805, 128 : i32
      %dma_start3A_807 = arith.constant 192 : i32
      %dma_start3A_808 = arith.constant 0 : i32
      %dma_start3A_809 = tpu.memref_slice %arg12[%dma_start3A_807, %dma_start3A_808] : memref<256x128xf32, #tpu.memory_space<vmem>> -> memref<32x128xf32, #tpu.memory_space<vmem>>
      %dma_start3A_810 = arith.constant 0 : i32
      %dma_start3A_811 = tpu.memref_slice %arg4[%dma_start3A_810, %multiple_of3A_801] : memref<32x1000000xf32, #tpu.memory_space<hbm>> -> memref<32x128xf32, #tpu.memory_space<hbm>>
      tpu.enqueue_indirect_dma source(%dma_start3A_811 : memref<32x128xf32, #tpu.memory_space<hbm>>) target(%dma_start3A_809 : memref<32x128xf32, #tpu.memory_space<vmem>>) offsets(%arg11 : memref<32xi32, #tpu.memory_space<vmem>>) semaphore(%arg19 : memref<!tpu.dma_semaphore, #tpu.memory_space<semaphore_mem>>)
      %dma_start3A_812 = arith.constant 192 : i32
      %dma_start3A_813 = arith.constant 0 : i32
      %dma_start3A_814 = tpu.memref_slice %arg13[%dma_start3A_812, %dma_start3A_813] : memref<256x128xf32, #tpu.memory_space<vmem>> -> memref<32x128xf32, #tpu.memory_space<vmem>>
      %dma_start3A_815 = arith.constant 0 : i32
      %dma_start3A_816 = tpu.memref_slice %arg5[%dma_start3A_815, %multiple_of3A_806] : memref<32x1000000xf32, #tpu.memory_space<hbm>> -> memref<32x128xf32, #tpu.memory_space<hbm>>
      tpu.enqueue_indirect_dma source(%dma_start3A_816 : memref<32x128xf32, #tpu.memory_space<hbm>>) target(%dma_start3A_814 : memref<32x128xf32, #tpu.memory_space<vmem>>) offsets(%arg11 : memref<32xi32, #tpu.memory_space<vmem>>) semaphore(%arg19 : memref<!tpu.dma_semaphore, #tpu.memory_space<semaphore_mem>>)
      %slice3A_817 = vector.extract_strided_slice %get3A_119 {offsets = [15], sizes = [1], strides = [1]} : vector<16xi32> to vector<1xi32>
      %squeeze3A_818 = vector.extract %slice3A_817[0] : i32 from vector<1xi32>
      %slice3A_819 = vector.extract_strided_slice %get3A_121 {offsets = [15], sizes = [1], strides = [1]} : vector<16xi32> to vector<1xi32>
      %squeeze3A_820 = vector.extract %slice3A_819[0] : i32 from vector<1xi32>
      %shift_right_logical3A_821 = arith.constant 7 : i32
      %shift_right_logical3A_822 = arith.shrui %squeeze3A_818, %shift_right_logical3A_821 : i32
      %mul3A_823 = arith.constant 128 : i32
      %mul3A_824 = arith.muli %shift_right_logical3A_822, %mul3A_823 : i32
      %multiple_of3A_825 = tpu.assume_multiple %mul3A_824, 128 : i32
      %shift_right_logical3A_826 = arith.constant 7 : i32
      %shift_right_logical3A_827 = arith.shrui %squeeze3A_820, %shift_right_logical3A_826 : i32
      %mul3A_828 = arith.constant 128 : i32
      %mul3A_829 = arith.muli %shift_right_logical3A_827, %mul3A_828 : i32
      %multiple_of3A_830 = tpu.assume_multiple %mul3A_829, 128 : i32
      %dma_start3A_831 = arith.constant 224 : i32
      %dma_start3A_832 = arith.constant 0 : i32
      %dma_start3A_833 = tpu.memref_slice %arg12[%dma_start3A_831, %dma_start3A_832] : memref<256x128xf32, #tpu.memory_space<vmem>> -> memref<32x128xf32, #tpu.memory_space<vmem>>
      %dma_start3A_834 = arith.constant 0 : i32
      %dma_start3A_835 = tpu.memref_slice %arg4[%dma_start3A_834, %multiple_of3A_825] : memref<32x1000000xf32, #tpu.memory_space<hbm>> -> memref<32x128xf32, #tpu.memory_space<hbm>>
      tpu.enqueue_indirect_dma source(%dma_start3A_835 : memref<32x128xf32, #tpu.memory_space<hbm>>) target(%dma_start3A_833 : memref<32x128xf32, #tpu.memory_space<vmem>>) offsets(%arg11 : memref<32xi32, #tpu.memory_space<vmem>>) semaphore(%arg19 : memref<!tpu.dma_semaphore, #tpu.memory_space<semaphore_mem>>)
      %dma_start3A_836 = arith.constant 224 : i32
      %dma_start3A_837 = arith.constant 0 : i32
      %dma_start3A_838 = tpu.memref_slice %arg13[%dma_start3A_836, %dma_start3A_837] : memref<256x128xf32, #tpu.memory_space<vmem>> -> memref<32x128xf32, #tpu.memory_space<vmem>>
      %dma_start3A_839 = arith.constant 0 : i32
      %dma_start3A_840 = tpu.memref_slice %arg5[%dma_start3A_839, %multiple_of3A_830] : memref<32x1000000xf32, #tpu.memory_space<hbm>> -> memref<32x128xf32, #tpu.memory_space<hbm>>
      tpu.enqueue_indirect_dma source(%dma_start3A_840 : memref<32x128xf32, #tpu.memory_space<hbm>>) target(%dma_start3A_838 : memref<32x128xf32, #tpu.memory_space<vmem>>) offsets(%arg11 : memref<32xi32, #tpu.memory_space<vmem>>) semaphore(%arg19 : memref<!tpu.dma_semaphore, #tpu.memory_space<semaphore_mem>>)
      %dma_wait3A_841 = arith.constant 0 : i32
      %dma_wait3A_842 = arith.constant 0 : i32
      %dma_wait3A_843 = tpu.memref_slice %arg12[%dma_wait3A_841, %dma_wait3A_842] : memref<256x128xf32, #tpu.memory_space<vmem>> -> memref<32x128xf32, #tpu.memory_space<vmem>>
      %dma_wait3A_844 = arith.constant 0 : i32
      %dma_wait3A_845 = tpu.memref_slice %arg4[%dma_wait3A_844, %multiple_of3A_485] : memref<32x1000000xf32, #tpu.memory_space<hbm>> -> memref<32x128xf32, #tpu.memory_space<hbm>>
      tpu.wait_indirect_dma semaphore(%arg18 : memref<!tpu.dma_semaphore, #tpu.memory_space<semaphore_mem>>) src(%dma_wait3A_845 : memref<32x128xf32, #tpu.memory_space<hbm>>) dst(%dma_wait3A_843 : memref<32x128xf32, #tpu.memory_space<vmem>>)
      %dma_wait3A_846 = arith.constant 0 : i32
      %dma_wait3A_847 = arith.constant 0 : i32
      %dma_wait3A_848 = tpu.memref_slice %arg13[%dma_wait3A_846, %dma_wait3A_847] : memref<256x128xf32, #tpu.memory_space<vmem>> -> memref<32x128xf32, #tpu.memory_space<vmem>>
      %dma_wait3A_849 = arith.constant 0 : i32
      %dma_wait3A_850 = tpu.memref_slice %arg5[%dma_wait3A_849, %multiple_of3A_490] : memref<32x1000000xf32, #tpu.memory_space<hbm>> -> memref<32x128xf32, #tpu.memory_space<hbm>>
      tpu.wait_indirect_dma semaphore(%arg18 : memref<!tpu.dma_semaphore, #tpu.memory_space<semaphore_mem>>) src(%dma_wait3A_850 : memref<32x128xf32, #tpu.memory_space<hbm>>) dst(%dma_wait3A_848 : memref<32x128xf32, #tpu.memory_space<vmem>>)
      %dma_wait3A_851 = arith.constant 32 : i32
      %dma_wait3A_852 = arith.constant 0 : i32
      %dma_wait3A_853 = tpu.memref_slice %arg12[%dma_wait3A_851, %dma_wait3A_852] : memref<256x128xf32, #tpu.memory_space<vmem>> -> memref<32x128xf32, #tpu.memory_space<vmem>>
      %dma_wait3A_854 = arith.constant 0 : i32
      %dma_wait3A_855 = tpu.memref_slice %arg4[%dma_wait3A_854, %multiple_of3A_509] : memref<32x1000000xf32, #tpu.memory_space<hbm>> -> memref<32x128xf32, #tpu.memory_space<hbm>>
      tpu.wait_indirect_dma semaphore(%arg18 : memref<!tpu.dma_semaphore, #tpu.memory_space<semaphore_mem>>) src(%dma_wait3A_855 : memref<32x128xf32, #tpu.memory_space<hbm>>) dst(%dma_wait3A_853 : memref<32x128xf32, #tpu.memory_space<vmem>>)
      %dma_wait3A_856 = arith.constant 32 : i32
      %dma_wait3A_857 = arith.constant 0 : i32
      %dma_wait3A_858 = tpu.memref_slice %arg13[%dma_wait3A_856, %dma_wait3A_857] : memref<256x128xf32, #tpu.memory_space<vmem>> -> memref<32x128xf32, #tpu.memory_space<vmem>>
      %dma_wait3A_859 = arith.constant 0 : i32
      %dma_wait3A_860 = tpu.memref_slice %arg5[%dma_wait3A_859, %multiple_of3A_514] : memref<32x1000000xf32, #tpu.memory_space<hbm>> -> memref<32x128xf32, #tpu.memory_space<hbm>>
      tpu.wait_indirect_dma semaphore(%arg18 : memref<!tpu.dma_semaphore, #tpu.memory_space<semaphore_mem>>) src(%dma_wait3A_860 : memref<32x128xf32, #tpu.memory_space<hbm>>) dst(%dma_wait3A_858 : memref<32x128xf32, #tpu.memory_space<vmem>>)
      %dma_wait3A_861 = arith.constant 64 : i32
      %dma_wait3A_862 = arith.constant 0 : i32
      %dma_wait3A_863 = tpu.memref_slice %arg12[%dma_wait3A_861, %dma_wait3A_862] : memref<256x128xf32, #tpu.memory_space<vmem>> -> memref<32x128xf32, #tpu.memory_space<vmem>>
      %dma_wait3A_864 = arith.constant 0 : i32
      %dma_wait3A_865 = tpu.memref_slice %arg4[%dma_wait3A_864, %multiple_of3A_533] : memref<32x1000000xf32, #tpu.memory_space<hbm>> -> memref<32x128xf32, #tpu.memory_space<hbm>>
      tpu.wait_indirect_dma semaphore(%arg18 : memref<!tpu.dma_semaphore, #tpu.memory_space<semaphore_mem>>) src(%dma_wait3A_865 : memref<32x128xf32, #tpu.memory_space<hbm>>) dst(%dma_wait3A_863 : memref<32x128xf32, #tpu.memory_space<vmem>>)
      %dma_wait3A_866 = arith.constant 64 : i32
      %dma_wait3A_867 = arith.constant 0 : i32
      %dma_wait3A_868 = tpu.memref_slice %arg13[%dma_wait3A_866, %dma_wait3A_867] : memref<256x128xf32, #tpu.memory_space<vmem>> -> memref<32x128xf32, #tpu.memory_space<vmem>>
      %dma_wait3A_869 = arith.constant 0 : i32
      %dma_wait3A_870 = tpu.memref_slice %arg5[%dma_wait3A_869, %multiple_of3A_538] : memref<32x1000000xf32, #tpu.memory_space<hbm>> -> memref<32x128xf32, #tpu.memory_space<hbm>>
      tpu.wait_indirect_dma semaphore(%arg18 : memref<!tpu.dma_semaphore, #tpu.memory_space<semaphore_mem>>) src(%dma_wait3A_870 : memref<32x128xf32, #tpu.memory_space<hbm>>) dst(%dma_wait3A_868 : memref<32x128xf32, #tpu.memory_space<vmem>>)
      %dma_wait3A_871 = arith.constant 96 : i32
      %dma_wait3A_872 = arith.constant 0 : i32
      %dma_wait3A_873 = tpu.memref_slice %arg12[%dma_wait3A_871, %dma_wait3A_872] : memref<256x128xf32, #tpu.memory_space<vmem>> -> memref<32x128xf32, #tpu.memory_space<vmem>>
      %dma_wait3A_874 = arith.constant 0 : i32
      %dma_wait3A_875 = tpu.memref_slice %arg4[%dma_wait3A_874, %multiple_of3A_557] : memref<32x1000000xf32, #tpu.memory_space<hbm>> -> memref<32x128xf32, #tpu.memory_space<hbm>>
      tpu.wait_indirect_dma semaphore(%arg18 : memref<!tpu.dma_semaphore, #tpu.memory_space<semaphore_mem>>) src(%dma_wait3A_875 : memref<32x128xf32, #tpu.memory_space<hbm>>) dst(%dma_wait3A_873 : memref<32x128xf32, #tpu.memory_space<vmem>>)
      %dma_wait3A_876 = arith.constant 96 : i32
      %dma_wait3A_877 = arith.constant 0 : i32
      %dma_wait3A_878 = tpu.memref_slice %arg13[%dma_wait3A_876, %dma_wait3A_877] : memref<256x128xf32, #tpu.memory_space<vmem>> -> memref<32x128xf32, #tpu.memory_space<vmem>>
      %dma_wait3A_879 = arith.constant 0 : i32
      %dma_wait3A_880 = tpu.memref_slice %arg5[%dma_wait3A_879, %multiple_of3A_562] : memref<32x1000000xf32, #tpu.memory_space<hbm>> -> memref<32x128xf32, #tpu.memory_space<hbm>>
      tpu.wait_indirect_dma semaphore(%arg18 : memref<!tpu.dma_semaphore, #tpu.memory_space<semaphore_mem>>) src(%dma_wait3A_880 : memref<32x128xf32, #tpu.memory_space<hbm>>) dst(%dma_wait3A_878 : memref<32x128xf32, #tpu.memory_space<vmem>>)
      %slice3A_881 = vector.extract_strided_slice %get3A_119 {offsets = [8], sizes = [1], strides = [1]} : vector<16xi32> to vector<1xi32>
      %squeeze3A_882 = vector.extract %slice3A_881[0] : i32 from vector<1xi32>
      %and3A_883 = arith.constant 127 : i32
      %and3A_884 = arith.andi %squeeze3A_882, %and3A_883 : i32
      %broadcast_in_dim3A_885 = vector.broadcast %and3A_884 : i32 to vector<16xi32>
      %slice3A_886 = vector.extract_strided_slice %get3A_121 {offsets = [8], sizes = [1], strides = [1]} : vector<16xi32> to vector<1xi32>
      %squeeze3A_887 = vector.extract %slice3A_886[0] : i32 from vector<1xi32>
      %and3A_888 = arith.constant 127 : i32
      %and3A_889 = arith.andi %squeeze3A_887, %and3A_888 : i32
      %broadcast_in_dim3A_890 = vector.broadcast %and3A_889 : i32 to vector<16xi32>
      %add3A_891 = arith.constant 0 : i32
      %add3A_892 = vector.broadcast %add3A_891 : i32 to vector<16xi32>
      %add3A_893 = arith.addi %iota3A, %add3A_892 : vector<16xi32>
      %gather3A_894 = tpu.vector_load_idx %arg12[%add3A_893, %broadcast_in_dim3A_885] : memref<256x128xf32, #tpu.memory_space<vmem>>[vector<16xi32>, vector<16xi32>], vector<16xf32>,
      %add3A_895 = arith.constant 16 : i32
      %add3A_896 = vector.broadcast %add3A_895 : i32 to vector<16xi32>
      %add3A_897 = arith.addi %iota3A, %add3A_896 : vector<16xi32>
      %gather3A_898 = tpu.vector_load_idx %arg12[%add3A_897, %broadcast_in_dim3A_885] : memref<256x128xf32, #tpu.memory_space<vmem>>[vector<16xi32>, vector<16xi32>], vector<16xf32>,
      %add3A_899 = arith.constant 0 : i32
      %add3A_900 = vector.broadcast %add3A_899 : i32 to vector<16xi32>
      %add3A_901 = arith.addi %iota3A, %add3A_900 : vector<16xi32>
      %gather3A_902 = tpu.vector_load_idx %arg13[%add3A_901, %broadcast_in_dim3A_890] : memref<256x128xf32, #tpu.memory_space<vmem>>[vector<16xi32>, vector<16xi32>], vector<16xf32>,
      %add3A_903 = arith.constant 16 : i32
      %add3A_904 = vector.broadcast %add3A_903 : i32 to vector<16xi32>
      %add3A_905 = arith.addi %iota3A, %add3A_904 : vector<16xi32>
      %gather3A_906 = tpu.vector_load_idx %arg13[%add3A_905, %broadcast_in_dim3A_890] : memref<256x128xf32, #tpu.memory_space<vmem>>[vector<16xi32>, vector<16xi32>], vector<16xf32>,
      %mul3A_907 = arith.mulf %gather3A_894, %gather3A_902 : vector<16xf32>
      %mul3A_908 = arith.mulf %mul3A_907, %get3A_11 : vector<16xf32>
      %mul3A_909 = arith.mulf %gather3A_898, %gather3A_906 : vector<16xf32>
      %mul3A_910 = arith.mulf %mul3A_909, %get3A_13 : vector<16xf32>
      %add3A_911 = arith.addf %mul3A_908, %mul3A_910 : vector<16xf32>
      %swap3A_912 = arith.constant 128 : index
      %swap3A_913 = tpu.vector_load %arg16[%swap3A_912] {strides = array<i32>} : memref<256xf32, #tpu.memory_space<vmem>>, vector<16xf32>,
      tpu.vector_store %arg16[%swap3A_912], %add3A_911 {strides = array<i32>} : memref<256xf32, #tpu.memory_space<vmem>>, vector<16xf32>,
      %slice3A_914 = vector.extract_strided_slice %get3A_119 {offsets = [9], sizes = [1], strides = [1]} : vector<16xi32> to vector<1xi32>
      %squeeze3A_915 = vector.extract %slice3A_914[0] : i32 from vector<1xi32>
      %and3A_916 = arith.constant 127 : i32
      %and3A_917 = arith.andi %squeeze3A_915, %and3A_916 : i32
      %broadcast_in_dim3A_918 = vector.broadcast %and3A_917 : i32 to vector<16xi32>
      %slice3A_919 = vector.extract_strided_slice %get3A_121 {offsets = [9], sizes = [1], strides = [1]} : vector<16xi32> to vector<1xi32>
      %squeeze3A_920 = vector.extract %slice3A_919[0] : i32 from vector<1xi32>
      %and3A_921 = arith.constant 127 : i32
      %and3A_922 = arith.andi %squeeze3A_920, %and3A_921 : i32
      %broadcast_in_dim3A_923 = vector.broadcast %and3A_922 : i32 to vector<16xi32>
      %add3A_924 = arith.constant 32 : i32
      %add3A_925 = vector.broadcast %add3A_924 : i32 to vector<16xi32>
      %add3A_926 = arith.addi %iota3A, %add3A_925 : vector<16xi32>
      %gather3A_927 = tpu.vector_load_idx %arg12[%add3A_926, %broadcast_in_dim3A_918] : memref<256x128xf32, #tpu.memory_space<vmem>>[vector<16xi32>, vector<16xi32>], vector<16xf32>,
      %add3A_928 = arith.constant 48 : i32
      %add3A_929 = vector.broadcast %add3A_928 : i32 to vector<16xi32>
      %add3A_930 = arith.addi %iota3A, %add3A_929 : vector<16xi32>
      %gather3A_931 = tpu.vector_load_idx %arg12[%add3A_930, %broadcast_in_dim3A_918] : memref<256x128xf32, #tpu.memory_space<vmem>>[vector<16xi32>, vector<16xi32>], vector<16xf32>,
      %add3A_932 = arith.constant 32 : i32
      %add3A_933 = vector.broadcast %add3A_932 : i32 to vector<16xi32>
      %add3A_934 = arith.addi %iota3A, %add3A_933 : vector<16xi32>
      %gather3A_935 = tpu.vector_load_idx %arg13[%add3A_934, %broadcast_in_dim3A_923] : memref<256x128xf32, #tpu.memory_space<vmem>>[vector<16xi32>, vector<16xi32>], vector<16xf32>,
      %add3A_936 = arith.constant 48 : i32
      %add3A_937 = vector.broadcast %add3A_936 : i32 to vector<16xi32>
      %add3A_938 = arith.addi %iota3A, %add3A_937 : vector<16xi32>
      %gather3A_939 = tpu.vector_load_idx %arg13[%add3A_938, %broadcast_in_dim3A_923] : memref<256x128xf32, #tpu.memory_space<vmem>>[vector<16xi32>, vector<16xi32>], vector<16xf32>,
      %mul3A_940 = arith.mulf %gather3A_927, %gather3A_935 : vector<16xf32>
      %mul3A_941 = arith.mulf %mul3A_940, %get3A_11 : vector<16xf32>
      %mul3A_942 = arith.mulf %gather3A_931, %gather3A_939 : vector<16xf32>
      %mul3A_943 = arith.mulf %mul3A_942, %get3A_13 : vector<16xf32>
      %add3A_944 = arith.addf %mul3A_941, %mul3A_943 : vector<16xf32>
      %swap3A_945 = arith.constant 144 : index
      %swap3A_946 = tpu.vector_load %arg16[%swap3A_945] {strides = array<i32>} : memref<256xf32, #tpu.memory_space<vmem>>, vector<16xf32>,
      tpu.vector_store %arg16[%swap3A_945], %add3A_944 {strides = array<i32>} : memref<256xf32, #tpu.memory_space<vmem>>, vector<16xf32>,
      %slice3A_947 = vector.extract_strided_slice %get3A_119 {offsets = [10], sizes = [1], strides = [1]} : vector<16xi32> to vector<1xi32>
      %squeeze3A_948 = vector.extract %slice3A_947[0] : i32 from vector<1xi32>
      %and3A_949 = arith.constant 127 : i32
      %and3A_950 = arith.andi %squeeze3A_948, %and3A_949 : i32
      %broadcast_in_dim3A_951 = vector.broadcast %and3A_950 : i32 to vector<16xi32>
      %slice3A_952 = vector.extract_strided_slice %get3A_121 {offsets = [10], sizes = [1], strides = [1]} : vector<16xi32> to vector<1xi32>
      %squeeze3A_953 = vector.extract %slice3A_952[0] : i32 from vector<1xi32>
      %and3A_954 = arith.constant 127 : i32
      %and3A_955 = arith.andi %squeeze3A_953, %and3A_954 : i32
      %broadcast_in_dim3A_956 = vector.broadcast %and3A_955 : i32 to vector<16xi32>
      %add3A_957 = arith.constant 64 : i32
      %add3A_958 = vector.broadcast %add3A_957 : i32 to vector<16xi32>
      %add3A_959 = arith.addi %iota3A, %add3A_958 : vector<16xi32>
      %gather3A_960 = tpu.vector_load_idx %arg12[%add3A_959, %broadcast_in_dim3A_951] : memref<256x128xf32, #tpu.memory_space<vmem>>[vector<16xi32>, vector<16xi32>], vector<16xf32>,
      %add3A_961 = arith.constant 80 : i32
      %add3A_962 = vector.broadcast %add3A_961 : i32 to vector<16xi32>
      %add3A_963 = arith.addi %iota3A, %add3A_962 : vector<16xi32>
      %gather3A_964 = tpu.vector_load_idx %arg12[%add3A_963, %broadcast_in_dim3A_951] : memref<256x128xf32, #tpu.memory_space<vmem>>[vector<16xi32>, vector<16xi32>], vector<16xf32>,
      %add3A_965 = arith.constant 64 : i32
      %add3A_966 = vector.broadcast %add3A_965 : i32 to vector<16xi32>
      %add3A_967 = arith.addi %iota3A, %add3A_966 : vector<16xi32>
      %gather3A_968 = tpu.vector_load_idx %arg13[%add3A_967, %broadcast_in_dim3A_956] : memref<256x128xf32, #tpu.memory_space<vmem>>[vector<16xi32>, vector<16xi32>], vector<16xf32>,
      %add3A_969 = arith.constant 80 : i32
      %add3A_970 = vector.broadcast %add3A_969 : i32 to vector<16xi32>
      %add3A_971 = arith.addi %iota3A, %add3A_970 : vector<16xi32>
      %gather3A_972 = tpu.vector_load_idx %arg13[%add3A_971, %broadcast_in_dim3A_956] : memref<256x128xf32, #tpu.memory_space<vmem>>[vector<16xi32>, vector<16xi32>], vector<16xf32>,
      %mul3A_973 = arith.mulf %gather3A_960, %gather3A_968 : vector<16xf32>
      %mul3A_974 = arith.mulf %mul3A_973, %get3A_11 : vector<16xf32>
      %mul3A_975 = arith.mulf %gather3A_964, %gather3A_972 : vector<16xf32>
      %mul3A_976 = arith.mulf %mul3A_975, %get3A_13 : vector<16xf32>
      %add3A_977 = arith.addf %mul3A_974, %mul3A_976 : vector<16xf32>
      %swap3A_978 = arith.constant 160 : index
      %swap3A_979 = tpu.vector_load %arg16[%swap3A_978] {strides = array<i32>} : memref<256xf32, #tpu.memory_space<vmem>>, vector<16xf32>,
      tpu.vector_store %arg16[%swap3A_978], %add3A_977 {strides = array<i32>} : memref<256xf32, #tpu.memory_space<vmem>>, vector<16xf32>,
      %slice3A_980 = vector.extract_strided_slice %get3A_119 {offsets = [11], sizes = [1], strides = [1]} : vector<16xi32> to vector<1xi32>
      %squeeze3A_981 = vector.extract %slice3A_980[0] : i32 from vector<1xi32>
      %and3A_982 = arith.constant 127 : i32
      %and3A_983 = arith.andi %squeeze3A_981, %and3A_982 : i32
      %broadcast_in_dim3A_984 = vector.broadcast %and3A_983 : i32 to vector<16xi32>
      %slice3A_985 = vector.extract_strided_slice %get3A_121 {offsets = [11], sizes = [1], strides = [1]} : vector<16xi32> to vector<1xi32>
      %squeeze3A_986 = vector.extract %slice3A_985[0] : i32 from vector<1xi32>
      %and3A_987 = arith.constant 127 : i32
      %and3A_988 = arith.andi %squeeze3A_986, %and3A_987 : i32
      %broadcast_in_dim3A_989 = vector.broadcast %and3A_988 : i32 to vector<16xi32>
      %add3A_990 = arith.constant 96 : i32
      %add3A_991 = vector.broadcast %add3A_990 : i32 to vector<16xi32>
      %add3A_992 = arith.addi %iota3A, %add3A_991 : vector<16xi32>
      %gather3A_993 = tpu.vector_load_idx %arg12[%add3A_992, %broadcast_in_dim3A_984] : memref<256x128xf32, #tpu.memory_space<vmem>>[vector<16xi32>, vector<16xi32>], vector<16xf32>,
      %add3A_994 = arith.constant 112 : i32
      %add3A_995 = vector.broadcast %add3A_994 : i32 to vector<16xi32>
      %add3A_996 = arith.addi %iota3A, %add3A_995 : vector<16xi32>
      %gather3A_997 = tpu.vector_load_idx %arg12[%add3A_996, %broadcast_in_dim3A_984] : memref<256x128xf32, #tpu.memory_space<vmem>>[vector<16xi32>, vector<16xi32>], vector<16xf32>,
      %add3A_998 = arith.constant 96 : i32
      %add3A_999 = vector.broadcast %add3A_998 : i32 to vector<16xi32>
      %add3A_1000 = arith.addi %iota3A, %add3A_999 : vector<16xi32>
      %gather3A_1001 = tpu.vector_load_idx %arg13[%add3A_1000, %broadcast_in_dim3A_989] : memref<256x128xf32, #tpu.memory_space<vmem>>[vector<16xi32>, vector<16xi32>], vector<16xf32>,
      %add3A_1002 = arith.constant 112 : i32
      %add3A_1003 = vector.broadcast %add3A_1002 : i32 to vector<16xi32>
      %add3A_1004 = arith.addi %iota3A, %add3A_1003 : vector<16xi32>
      %gather3A_1005 = tpu.vector_load_idx %arg13[%add3A_1004, %broadcast_in_dim3A_989] : memref<256x128xf32, #tpu.memory_space<vmem>>[vector<16xi32>, vector<16xi32>], vector<16xf32>,
      %mul3A_1006 = arith.mulf %gather3A_993, %gather3A_1001 : vector<16xf32>
      %mul3A_1007 = arith.mulf %mul3A_1006, %get3A_11 : vector<16xf32>
      %mul3A_1008 = arith.mulf %gather3A_997, %gather3A_1005 : vector<16xf32>
      %mul3A_1009 = arith.mulf %mul3A_1008, %get3A_13 : vector<16xf32>
      %add3A_1010 = arith.addf %mul3A_1007, %mul3A_1009 : vector<16xf32>
      %swap3A_1011 = arith.constant 176 : index
      %swap3A_1012 = tpu.vector_load %arg16[%swap3A_1011] {strides = array<i32>} : memref<256xf32, #tpu.memory_space<vmem>>, vector<16xf32>,
      tpu.vector_store %arg16[%swap3A_1011], %add3A_1010 {strides = array<i32>} : memref<256xf32, #tpu.memory_space<vmem>>, vector<16xf32>,
      %dma_wait3A_1013 = arith.constant 128 : i32
      %dma_wait3A_1014 = arith.constant 0 : i32
      %dma_wait3A_1015 = tpu.memref_slice %arg12[%dma_wait3A_1013, %dma_wait3A_1014] : memref<256x128xf32, #tpu.memory_space<vmem>> -> memref<32x128xf32, #tpu.memory_space<vmem>>
      %dma_wait3A_1016 = arith.constant 0 : i32
      %dma_wait3A_1017 = tpu.memref_slice %arg4[%dma_wait3A_1016, %multiple_of3A_753] : memref<32x1000000xf32, #tpu.memory_space<hbm>> -> memref<32x128xf32, #tpu.memory_space<hbm>>
      tpu.wait_indirect_dma semaphore(%arg19 : memref<!tpu.dma_semaphore, #tpu.memory_space<semaphore_mem>>) src(%dma_wait3A_1017 : memref<32x128xf32, #tpu.memory_space<hbm>>) dst(%dma_wait3A_1015 : memref<32x128xf32, #tpu.memory_space<vmem>>)
      %dma_wait3A_1018 = arith.constant 128 : i32
      %dma_wait3A_1019 = arith.constant 0 : i32
      %dma_wait3A_1020 = tpu.memref_slice %arg13[%dma_wait3A_1018, %dma_wait3A_1019] : memref<256x128xf32, #tpu.memory_space<vmem>> -> memref<32x128xf32, #tpu.memory_space<vmem>>
      %dma_wait3A_1021 = arith.constant 0 : i32
      %dma_wait3A_1022 = tpu.memref_slice %arg5[%dma_wait3A_1021, %multiple_of3A_758] : memref<32x1000000xf32, #tpu.memory_space<hbm>> -> memref<32x128xf32, #tpu.memory_space<hbm>>
      tpu.wait_indirect_dma semaphore(%arg19 : memref<!tpu.dma_semaphore, #tpu.memory_space<semaphore_mem>>) src(%dma_wait3A_1022 : memref<32x128xf32, #tpu.memory_space<hbm>>) dst(%dma_wait3A_1020 : memref<32x128xf32, #tpu.memory_space<vmem>>)
      %dma_wait3A_1023 = arith.constant 160 : i32
      %dma_wait3A_1024 = arith.constant 0 : i32
      %dma_wait3A_1025 = tpu.memref_slice %arg12[%dma_wait3A_1023, %dma_wait3A_1024] : memref<256x128xf32, #tpu.memory_space<vmem>> -> memref<32x128xf32, #tpu.memory_space<vmem>>
      %dma_wait3A_1026 = arith.constant 0 : i32
      %dma_wait3A_1027 = tpu.memref_slice %arg4[%dma_wait3A_1026, %multiple_of3A_777] : memref<32x1000000xf32, #tpu.memory_space<hbm>> -> memref<32x128xf32, #tpu.memory_space<hbm>>
      tpu.wait_indirect_dma semaphore(%arg19 : memref<!tpu.dma_semaphore, #tpu.memory_space<semaphore_mem>>) src(%dma_wait3A_1027 : memref<32x128xf32, #tpu.memory_space<hbm>>) dst(%dma_wait3A_1025 : memref<32x128xf32, #tpu.memory_space<vmem>>)
      %dma_wait3A_1028 = arith.constant 160 : i32
      %dma_wait3A_1029 = arith.constant 0 : i32
      %dma_wait3A_1030 = tpu.memref_slice %arg13[%dma_wait3A_1028, %dma_wait3A_1029] : memref<256x128xf32, #tpu.memory_space<vmem>> -> memref<32x128xf32, #tpu.memory_space<vmem>>
      %dma_wait3A_1031 = arith.constant 0 : i32
      %dma_wait3A_1032 = tpu.memref_slice %arg5[%dma_wait3A_1031, %multiple_of3A_782] : memref<32x1000000xf32, #tpu.memory_space<hbm>> -> memref<32x128xf32, #tpu.memory_space<hbm>>
      tpu.wait_indirect_dma semaphore(%arg19 : memref<!tpu.dma_semaphore, #tpu.memory_space<semaphore_mem>>) src(%dma_wait3A_1032 : memref<32x128xf32, #tpu.memory_space<hbm>>) dst(%dma_wait3A_1030 : memref<32x128xf32, #tpu.memory_space<vmem>>)
      %dma_wait3A_1033 = arith.constant 192 : i32
      %dma_wait3A_1034 = arith.constant 0 : i32
      %dma_wait3A_1035 = tpu.memref_slice %arg12[%dma_wait3A_1033, %dma_wait3A_1034] : memref<256x128xf32, #tpu.memory_space<vmem>> -> memref<32x128xf32, #tpu.memory_space<vmem>>
      %dma_wait3A_1036 = arith.constant 0 : i32
      %dma_wait3A_1037 = tpu.memref_slice %arg4[%dma_wait3A_1036, %multiple_of3A_801] : memref<32x1000000xf32, #tpu.memory_space<hbm>> -> memref<32x128xf32, #tpu.memory_space<hbm>>
      tpu.wait_indirect_dma semaphore(%arg19 : memref<!tpu.dma_semaphore, #tpu.memory_space<semaphore_mem>>) src(%dma_wait3A_1037 : memref<32x128xf32, #tpu.memory_space<hbm>>) dst(%dma_wait3A_1035 : memref<32x128xf32, #tpu.memory_space<vmem>>)
      %dma_wait3A_1038 = arith.constant 192 : i32
      %dma_wait3A_1039 = arith.constant 0 : i32
      %dma_wait3A_1040 = tpu.memref_slice %arg13[%dma_wait3A_1038, %dma_wait3A_1039] : memref<256x128xf32, #tpu.memory_space<vmem>> -> memref<32x128xf32, #tpu.memory_space<vmem>>
      %dma_wait3A_1041 = arith.constant 0 : i32
      %dma_wait3A_1042 = tpu.memref_slice %arg5[%dma_wait3A_1041, %multiple_of3A_806] : memref<32x1000000xf32, #tpu.memory_space<hbm>> -> memref<32x128xf32, #tpu.memory_space<hbm>>
      tpu.wait_indirect_dma semaphore(%arg19 : memref<!tpu.dma_semaphore, #tpu.memory_space<semaphore_mem>>) src(%dma_wait3A_1042 : memref<32x128xf32, #tpu.memory_space<hbm>>) dst(%dma_wait3A_1040 : memref<32x128xf32, #tpu.memory_space<vmem>>)
      %dma_wait3A_1043 = arith.constant 224 : i32
      %dma_wait3A_1044 = arith.constant 0 : i32
      %dma_wait3A_1045 = tpu.memref_slice %arg12[%dma_wait3A_1043, %dma_wait3A_1044] : memref<256x128xf32, #tpu.memory_space<vmem>> -> memref<32x128xf32, #tpu.memory_space<vmem>>
      %dma_wait3A_1046 = arith.constant 0 : i32
      %dma_wait3A_1047 = tpu.memref_slice %arg4[%dma_wait3A_1046, %multiple_of3A_825] : memref<32x1000000xf32, #tpu.memory_space<hbm>> -> memref<32x128xf32, #tpu.memory_space<hbm>>
      tpu.wait_indirect_dma semaphore(%arg19 : memref<!tpu.dma_semaphore, #tpu.memory_space<semaphore_mem>>) src(%dma_wait3A_1047 : memref<32x128xf32, #tpu.memory_space<hbm>>) dst(%dma_wait3A_1045 : memref<32x128xf32, #tpu.memory_space<vmem>>)
      %dma_wait3A_1048 = arith.constant 224 : i32
      %dma_wait3A_1049 = arith.constant 0 : i32
      %dma_wait3A_1050 = tpu.memref_slice %arg13[%dma_wait3A_1048, %dma_wait3A_1049] : memref<256x128xf32, #tpu.memory_space<vmem>> -> memref<32x128xf32, #tpu.memory_space<vmem>>
      %dma_wait3A_1051 = arith.constant 0 : i32
      %dma_wait3A_1052 = tpu.memref_slice %arg5[%dma_wait3A_1051, %multiple_of3A_830] : memref<32x1000000xf32, #tpu.memory_space<hbm>> -> memref<32x128xf32, #tpu.memory_space<hbm>>
      tpu.wait_indirect_dma semaphore(%arg19 : memref<!tpu.dma_semaphore, #tpu.memory_space<semaphore_mem>>) src(%dma_wait3A_1052 : memref<32x128xf32, #tpu.memory_space<hbm>>) dst(%dma_wait3A_1050 : memref<32x128xf32, #tpu.memory_space<vmem>>)
      %slice3A_1053 = vector.extract_strided_slice %get3A_119 {offsets = [12], sizes = [1], strides = [1]} : vector<16xi32> to vector<1xi32>
      %squeeze3A_1054 = vector.extract %slice3A_1053[0] : i32 from vector<1xi32>
      %and3A_1055 = arith.constant 127 : i32
      %and3A_1056 = arith.andi %squeeze3A_1054, %and3A_1055 : i32
      %broadcast_in_dim3A_1057 = vector.broadcast %and3A_1056 : i32 to vector<16xi32>
      %slice3A_1058 = vector.extract_strided_slice %get3A_121 {offsets = [12], sizes = [1], strides = [1]} : vector<16xi32> to vector<1xi32>
      %squeeze3A_1059 = vector.extract %slice3A_1058[0] : i32 from vector<1xi32>
      %and3A_1060 = arith.constant 127 : i32
      %and3A_1061 = arith.andi %squeeze3A_1059, %and3A_1060 : i32
      %broadcast_in_dim3A_1062 = vector.broadcast %and3A_1061 : i32 to vector<16xi32>
      %add3A_1063 = arith.constant 128 : i32
      %add3A_1064 = vector.broadcast %add3A_1063 : i32 to vector<16xi32>
      %add3A_1065 = arith.addi %iota3A, %add3A_1064 : vector<16xi32>
      %gather3A_1066 = tpu.vector_load_idx %arg12[%add3A_1065, %broadcast_in_dim3A_1057] : memref<256x128xf32, #tpu.memory_space<vmem>>[vector<16xi32>, vector<16xi32>], vector<16xf32>,
      %add3A_1067 = arith.constant 144 : i32
      %add3A_1068 = vector.broadcast %add3A_1067 : i32 to vector<16xi32>
      %add3A_1069 = arith.addi %iota3A, %add3A_1068 : vector<16xi32>
      %gather3A_1070 = tpu.vector_load_idx %arg12[%add3A_1069, %broadcast_in_dim3A_1057] : memref<256x128xf32, #tpu.memory_space<vmem>>[vector<16xi32>, vector<16xi32>], vector<16xf32>,
      %add3A_1071 = arith.constant 128 : i32
      %add3A_1072 = vector.broadcast %add3A_1071 : i32 to vector<16xi32>
      %add3A_1073 = arith.addi %iota3A, %add3A_1072 : vector<16xi32>
      %gather3A_1074 = tpu.vector_load_idx %arg13[%add3A_1073, %broadcast_in_dim3A_1062] : memref<256x128xf32, #tpu.memory_space<vmem>>[vector<16xi32>, vector<16xi32>], vector<16xf32>,
      %add3A_1075 = arith.constant 144 : i32
      %add3A_1076 = vector.broadcast %add3A_1075 : i32 to vector<16xi32>
      %add3A_1077 = arith.addi %iota3A, %add3A_1076 : vector<16xi32>
      %gather3A_1078 = tpu.vector_load_idx %arg13[%add3A_1077, %broadcast_in_dim3A_1062] : memref<256x128xf32, #tpu.memory_space<vmem>>[vector<16xi32>, vector<16xi32>], vector<16xf32>,
      %mul3A_1079 = arith.mulf %gather3A_1066, %gather3A_1074 : vector<16xf32>
      %mul3A_1080 = arith.mulf %mul3A_1079, %get3A_11 : vector<16xf32>
      %mul3A_1081 = arith.mulf %gather3A_1070, %gather3A_1078 : vector<16xf32>
      %mul3A_1082 = arith.mulf %mul3A_1081, %get3A_13 : vector<16xf32>
      %add3A_1083 = arith.addf %mul3A_1080, %mul3A_1082 : vector<16xf32>
      %swap3A_1084 = arith.constant 192 : index
      %swap3A_1085 = tpu.vector_load %arg16[%swap3A_1084] {strides = array<i32>} : memref<256xf32, #tpu.memory_space<vmem>>, vector<16xf32>,
      tpu.vector_store %arg16[%swap3A_1084], %add3A_1083 {strides = array<i32>} : memref<256xf32, #tpu.memory_space<vmem>>, vector<16xf32>,
      %slice3A_1086 = vector.extract_strided_slice %get3A_119 {offsets = [13], sizes = [1], strides = [1]} : vector<16xi32> to vector<1xi32>
      %squeeze3A_1087 = vector.extract %slice3A_1086[0] : i32 from vector<1xi32>
      %and3A_1088 = arith.constant 127 : i32
      %and3A_1089 = arith.andi %squeeze3A_1087, %and3A_1088 : i32
      %broadcast_in_dim3A_1090 = vector.broadcast %and3A_1089 : i32 to vector<16xi32>
      %slice3A_1091 = vector.extract_strided_slice %get3A_121 {offsets = [13], sizes = [1], strides = [1]} : vector<16xi32> to vector<1xi32>
      %squeeze3A_1092 = vector.extract %slice3A_1091[0] : i32 from vector<1xi32>
      %and3A_1093 = arith.constant 127 : i32
      %and3A_1094 = arith.andi %squeeze3A_1092, %and3A_1093 : i32
      %broadcast_in_dim3A_1095 = vector.broadcast %and3A_1094 : i32 to vector<16xi32>
      %add3A_1096 = arith.constant 160 : i32
      %add3A_1097 = vector.broadcast %add3A_1096 : i32 to vector<16xi32>
      %add3A_1098 = arith.addi %iota3A, %add3A_1097 : vector<16xi32>
      %gather3A_1099 = tpu.vector_load_idx %arg12[%add3A_1098, %broadcast_in_dim3A_1090] : memref<256x128xf32, #tpu.memory_space<vmem>>[vector<16xi32>, vector<16xi32>], vector<16xf32>,
      %add3A_1100 = arith.constant 176 : i32
      %add3A_1101 = vector.broadcast %add3A_1100 : i32 to vector<16xi32>
      %add3A_1102 = arith.addi %iota3A, %add3A_1101 : vector<16xi32>
      %gather3A_1103 = tpu.vector_load_idx %arg12[%add3A_1102, %broadcast_in_dim3A_1090] : memref<256x128xf32, #tpu.memory_space<vmem>>[vector<16xi32>, vector<16xi32>], vector<16xf32>,
      %add3A_1104 = arith.constant 160 : i32
      %add3A_1105 = vector.broadcast %add3A_1104 : i32 to vector<16xi32>
      %add3A_1106 = arith.addi %iota3A, %add3A_1105 : vector<16xi32>
      %gather3A_1107 = tpu.vector_load_idx %arg13[%add3A_1106, %broadcast_in_dim3A_1095] : memref<256x128xf32, #tpu.memory_space<vmem>>[vector<16xi32>, vector<16xi32>], vector<16xf32>,
      %add3A_1108 = arith.constant 176 : i32
      %add3A_1109 = vector.broadcast %add3A_1108 : i32 to vector<16xi32>
      %add3A_1110 = arith.addi %iota3A, %add3A_1109 : vector<16xi32>
      %gather3A_1111 = tpu.vector_load_idx %arg13[%add3A_1110, %broadcast_in_dim3A_1095] : memref<256x128xf32, #tpu.memory_space<vmem>>[vector<16xi32>, vector<16xi32>], vector<16xf32>,
      %mul3A_1112 = arith.mulf %gather3A_1099, %gather3A_1107 : vector<16xf32>
      %mul3A_1113 = arith.mulf %mul3A_1112, %get3A_11 : vector<16xf32>
      %mul3A_1114 = arith.mulf %gather3A_1103, %gather3A_1111 : vector<16xf32>
      %mul3A_1115 = arith.mulf %mul3A_1114, %get3A_13 : vector<16xf32>
      %add3A_1116 = arith.addf %mul3A_1113, %mul3A_1115 : vector<16xf32>
      %swap3A_1117 = arith.constant 208 : index
      %swap3A_1118 = tpu.vector_load %arg16[%swap3A_1117] {strides = array<i32>} : memref<256xf32, #tpu.memory_space<vmem>>, vector<16xf32>,
      tpu.vector_store %arg16[%swap3A_1117], %add3A_1116 {strides = array<i32>} : memref<256xf32, #tpu.memory_space<vmem>>, vector<16xf32>,
      %slice3A_1119 = vector.extract_strided_slice %get3A_119 {offsets = [14], sizes = [1], strides = [1]} : vector<16xi32> to vector<1xi32>
      %squeeze3A_1120 = vector.extract %slice3A_1119[0] : i32 from vector<1xi32>
      %and3A_1121 = arith.constant 127 : i32
      %and3A_1122 = arith.andi %squeeze3A_1120, %and3A_1121 : i32
      %broadcast_in_dim3A_1123 = vector.broadcast %and3A_1122 : i32 to vector<16xi32>
      %slice3A_1124 = vector.extract_strided_slice %get3A_121 {offsets = [14], sizes = [1], strides = [1]} : vector<16xi32> to vector<1xi32>
      %squeeze3A_1125 = vector.extract %slice3A_1124[0] : i32 from vector<1xi32>
      %and3A_1126 = arith.constant 127 : i32
      %and3A_1127 = arith.andi %squeeze3A_1125, %and3A_1126 : i32
      %broadcast_in_dim3A_1128 = vector.broadcast %and3A_1127 : i32 to vector<16xi32>
      %add3A_1129 = arith.constant 192 : i32
      %add3A_1130 = vector.broadcast %add3A_1129 : i32 to vector<16xi32>
      %add3A_1131 = arith.addi %iota3A, %add3A_1130 : vector<16xi32>
      %gather3A_1132 = tpu.vector_load_idx %arg12[%add3A_1131, %broadcast_in_dim3A_1123] : memref<256x128xf32, #tpu.memory_space<vmem>>[vector<16xi32>, vector<16xi32>], vector<16xf32>,
      %add3A_1133 = arith.constant 208 : i32
      %add3A_1134 = vector.broadcast %add3A_1133 : i32 to vector<16xi32>
      %add3A_1135 = arith.addi %iota3A, %add3A_1134 : vector<16xi32>
      %gather3A_1136 = tpu.vector_load_idx %arg12[%add3A_1135, %broadcast_in_dim3A_1123] : memref<256x128xf32, #tpu.memory_space<vmem>>[vector<16xi32>, vector<16xi32>], vector<16xf32>,
      %add3A_1137 = arith.constant 192 : i32
      %add3A_1138 = vector.broadcast %add3A_1137 : i32 to vector<16xi32>
      %add3A_1139 = arith.addi %iota3A, %add3A_1138 : vector<16xi32>
      %gather3A_1140 = tpu.vector_load_idx %arg13[%add3A_1139, %broadcast_in_dim3A_1128] : memref<256x128xf32, #tpu.memory_space<vmem>>[vector<16xi32>, vector<16xi32>], vector<16xf32>,
      %add3A_1141 = arith.constant 208 : i32
      %add3A_1142 = vector.broadcast %add3A_1141 : i32 to vector<16xi32>
      %add3A_1143 = arith.addi %iota3A, %add3A_1142 : vector<16xi32>
      %gather3A_1144 = tpu.vector_load_idx %arg13[%add3A_1143, %broadcast_in_dim3A_1128] : memref<256x128xf32, #tpu.memory_space<vmem>>[vector<16xi32>, vector<16xi32>], vector<16xf32>,
      %mul3A_1145 = arith.mulf %gather3A_1132, %gather3A_1140 : vector<16xf32>
      %mul3A_1146 = arith.mulf %mul3A_1145, %get3A_11 : vector<16xf32>
      %mul3A_1147 = arith.mulf %gather3A_1136, %gather3A_1144 : vector<16xf32>
      %mul3A_1148 = arith.mulf %mul3A_1147, %get3A_13 : vector<16xf32>
      %add3A_1149 = arith.addf %mul3A_1146, %mul3A_1148 : vector<16xf32>
      %swap3A_1150 = arith.constant 224 : index
      %swap3A_1151 = tpu.vector_load %arg16[%swap3A_1150] {strides = array<i32>} : memref<256xf32, #tpu.memory_space<vmem>>, vector<16xf32>,
      tpu.vector_store %arg16[%swap3A_1150], %add3A_1149 {strides = array<i32>} : memref<256xf32, #tpu.memory_space<vmem>>, vector<16xf32>,
      %slice3A_1152 = vector.extract_strided_slice %get3A_119 {offsets = [15], sizes = [1], strides = [1]} : vector<16xi32> to vector<1xi32>
      %squeeze3A_1153 = vector.extract %slice3A_1152[0] : i32 from vector<1xi32>
      %and3A_1154 = arith.constant 127 : i32
      %and3A_1155 = arith.andi %squeeze3A_1153, %and3A_1154 : i32
      %broadcast_in_dim3A_1156 = vector.broadcast %and3A_1155 : i32 to vector<16xi32>
      %slice3A_1157 = vector.extract_strided_slice %get3A_121 {offsets = [15], sizes = [1], strides = [1]} : vector<16xi32> to vector<1xi32>
      %squeeze3A_1158 = vector.extract %slice3A_1157[0] : i32 from vector<1xi32>
      %and3A_1159 = arith.constant 127 : i32
      %and3A_1160 = arith.andi %squeeze3A_1158, %and3A_1159 : i32
      %broadcast_in_dim3A_1161 = vector.broadcast %and3A_1160 : i32 to vector<16xi32>
      %add3A_1162 = arith.constant 224 : i32
      %add3A_1163 = vector.broadcast %add3A_1162 : i32 to vector<16xi32>
      %add3A_1164 = arith.addi %iota3A, %add3A_1163 : vector<16xi32>
      %gather3A_1165 = tpu.vector_load_idx %arg12[%add3A_1164, %broadcast_in_dim3A_1156] : memref<256x128xf32, #tpu.memory_space<vmem>>[vector<16xi32>, vector<16xi32>], vector<16xf32>,
      %add3A_1166 = arith.constant 240 : i32
      %add3A_1167 = vector.broadcast %add3A_1166 : i32 to vector<16xi32>
      %add3A_1168 = arith.addi %iota3A, %add3A_1167 : vector<16xi32>
      %gather3A_1169 = tpu.vector_load_idx %arg12[%add3A_1168, %broadcast_in_dim3A_1156] : memref<256x128xf32, #tpu.memory_space<vmem>>[vector<16xi32>, vector<16xi32>], vector<16xf32>,
      %add3A_1170 = arith.constant 224 : i32
      %add3A_1171 = vector.broadcast %add3A_1170 : i32 to vector<16xi32>
      %add3A_1172 = arith.addi %iota3A, %add3A_1171 : vector<16xi32>
      %gather3A_1173 = tpu.vector_load_idx %arg13[%add3A_1172, %broadcast_in_dim3A_1161] : memref<256x128xf32, #tpu.memory_space<vmem>>[vector<16xi32>, vector<16xi32>], vector<16xf32>,
      %add3A_1174 = arith.constant 240 : i32
      %add3A_1175 = vector.broadcast %add3A_1174 : i32 to vector<16xi32>
      %add3A_1176 = arith.addi %iota3A, %add3A_1175 : vector<16xi32>
      %gather3A_1177 = tpu.vector_load_idx %arg13[%add3A_1176, %broadcast_in_dim3A_1161] : memref<256x128xf32, #tpu.memory_space<vmem>>[vector<16xi32>, vector<16xi32>], vector<16xf32>,
      %mul3A_1178 = arith.mulf %gather3A_1165, %gather3A_1173 : vector<16xf32>
      %mul3A_1179 = arith.mulf %mul3A_1178, %get3A_11 : vector<16xf32>
      %mul3A_1180 = arith.mulf %gather3A_1169, %gather3A_1177 : vector<16xf32>
      %mul3A_1181 = arith.mulf %mul3A_1180, %get3A_13 : vector<16xf32>
      %add3A_1182 = arith.addf %mul3A_1179, %mul3A_1181 : vector<16xf32>
      %swap3A_1183 = arith.constant 240 : index
      %swap3A_1184 = tpu.vector_load %arg16[%swap3A_1183] {strides = array<i32>} : memref<256xf32, #tpu.memory_space<vmem>>, vector<16xf32>,
      tpu.vector_store %arg16[%swap3A_1183], %add3A_1182 {strides = array<i32>} : memref<256xf32, #tpu.memory_space<vmem>>, vector<16xf32>,
      %gather3A_1185 = tpu.vector_load_idx %arg16[%add3A_19] : memref<256xf32, #tpu.memory_space<vmem>>[vector<16xi32>], vector<16xf32>,
      %add3A_1186 = arith.addf %get3A_9, %gather3A_1185 : vector<16xf32>
      %gather3A_1187 = tpu.vector_load_idx %arg16[%add3A_25] : memref<256xf32, #tpu.memory_space<vmem>>[vector<16xi32>], vector<16xf32>,
      %add3A_1188 = arith.addf %add3A_1186, %gather3A_1187 : vector<16xf32>
      %gather3A_1189 = tpu.vector_load_idx %arg16[%add3A_31] : memref<256xf32, #tpu.memory_space<vmem>>[vector<16xi32>], vector<16xf32>,
      %add3A_1190 = arith.addf %add3A_1188, %gather3A_1189 : vector<16xf32>
      %gather3A_1191 = tpu.vector_load_idx %arg16[%add3A_37] : memref<256xf32, #tpu.memory_space<vmem>>[vector<16xi32>], vector<16xf32>,
      %add3A_1192 = arith.addf %add3A_1190, %gather3A_1191 : vector<16xf32>
      %gather3A_1193 = tpu.vector_load_idx %arg16[%add3A_43] : memref<256xf32, #tpu.memory_space<vmem>>[vector<16xi32>], vector<16xf32>,
      %add3A_1194 = arith.addf %add3A_1192, %gather3A_1193 : vector<16xf32>
      %gather3A_1195 = tpu.vector_load_idx %arg16[%add3A_49] : memref<256xf32, #tpu.memory_space<vmem>>[vector<16xi32>], vector<16xf32>,
      %add3A_1196 = arith.addf %add3A_1194, %gather3A_1195 : vector<16xf32>
      %gather3A_1197 = tpu.vector_load_idx %arg16[%add3A_55] : memref<256xf32, #tpu.memory_space<vmem>>[vector<16xi32>], vector<16xf32>,
      %add3A_1198 = arith.addf %add3A_1196, %gather3A_1197 : vector<16xf32>
      %gather3A_1199 = tpu.vector_load_idx %arg16[%add3A_61] : memref<256xf32, #tpu.memory_space<vmem>>[vector<16xi32>], vector<16xf32>,
      %add3A_1200 = arith.addf %add3A_1198, %gather3A_1199 : vector<16xf32>
      %gather3A_1201 = tpu.vector_load_idx %arg16[%add3A_67] : memref<256xf32, #tpu.memory_space<vmem>>[vector<16xi32>], vector<16xf32>,
      %add3A_1202 = arith.addf %add3A_1200, %gather3A_1201 : vector<16xf32>
      %gather3A_1203 = tpu.vector_load_idx %arg16[%add3A_73] : memref<256xf32, #tpu.memory_space<vmem>>[vector<16xi32>], vector<16xf32>,
      %add3A_1204 = arith.addf %add3A_1202, %gather3A_1203 : vector<16xf32>
      %gather3A_1205 = tpu.vector_load_idx %arg16[%add3A_79] : memref<256xf32, #tpu.memory_space<vmem>>[vector<16xi32>], vector<16xf32>,
      %add3A_1206 = arith.addf %add3A_1204, %gather3A_1205 : vector<16xf32>
      %gather3A_1207 = tpu.vector_load_idx %arg16[%add3A_85] : memref<256xf32, #tpu.memory_space<vmem>>[vector<16xi32>], vector<16xf32>,
      %add3A_1208 = arith.addf %add3A_1206, %gather3A_1207 : vector<16xf32>
      %gather3A_1209 = tpu.vector_load_idx %arg16[%add3A_91] : memref<256xf32, #tpu.memory_space<vmem>>[vector<16xi32>], vector<16xf32>,
      %add3A_1210 = arith.addf %add3A_1208, %gather3A_1209 : vector<16xf32>
      %gather3A_1211 = tpu.vector_load_idx %arg16[%add3A_97] : memref<256xf32, #tpu.memory_space<vmem>>[vector<16xi32>], vector<16xf32>,
      %add3A_1212 = arith.addf %add3A_1210, %gather3A_1211 : vector<16xf32>
      %gather3A_1213 = tpu.vector_load_idx %arg16[%add3A_103] : memref<256xf32, #tpu.memory_space<vmem>>[vector<16xi32>], vector<16xf32>,
      %add3A_1214 = arith.addf %add3A_1212, %gather3A_1213 : vector<16xf32>
      %gather3A_1215 = tpu.vector_load_idx %arg16[%add3A_109] : memref<256xf32, #tpu.memory_space<vmem>>[vector<16xi32>], vector<16xf32>,
      %add3A_1216 = arith.addf %add3A_1214, %gather3A_1215 : vector<16xf32>
      %neg3A = arith.constant 0.000000e+00 : f32
      %neg3A_1217 = vector.broadcast %neg3A : f32 to vector<16xf32>
      %neg3A_1218 = arith.subf %neg3A_1217, %add3A_1216 : vector<16xf32>
      %exp3A = math.exp %neg3A_1218 : vector<16xf32>
      %add3A_1219 = arith.constant 1.000000e+00 : f32
      %add3A_1220 = vector.broadcast %add3A_1219 : f32 to vector<16xf32>
      %add3A_1221 = arith.addf %add3A_1220, %exp3A : vector<16xf32>
      %div3A = arith.constant 1.000000e+00 : f32
      %div3A_1222 = vector.broadcast %div3A : f32 to vector<16xf32>
      %div3A_1223 = arith.divf %div3A_1222, %add3A_1221 : vector<16xf32>
      %swap3A_1224 = arith.index_cast %mul3A_117 : i32 to index
      %swap3A_1225 = tpu.vector_load %arg17[%swap3A_1224] {strides = array<i32>} : memref<512xf32, #tpu.memory_space<vmem>>, vector<16xf32>,
      tpu.vector_store %arg17[%swap3A_1224], %div3A_1223 {strides = array<i32>} : memref<512xf32, #tpu.memory_space<vmem>>, vector<16xf32>,
    }
    %scan3A_114 = arith.constant 32 : i32
    "tpu.region"() ({
      %run_scoped3A = tpu.sem_alloc : memref<!tpu.dma_semaphore, #tpu.memory_space<semaphore_mem>>
      %dma_start3A = tpu.memref_slice %arg8[%mul3A_2] : memref<16384xf32, #tpu.memory_space<hbm>> -> memref<512xf32, #tpu.memory_space<hbm>>
      %dma_start3A_115 = tpu.memref_slice %arg8[%mul3A_2] : memref<16384xf32, #tpu.memory_space<hbm>> -> memref<512xf32, #tpu.memory_space<hbm>>
      tpu.enqueue_dma source(%arg17 : memref<512xf32, #tpu.memory_space<vmem>>) target(%dma_start3A_115 : memref<512xf32, #tpu.memory_space<hbm>>) target_semaphore(%run_scoped3A : memref<!tpu.dma_semaphore, #tpu.memory_space<semaphore_mem>>)
      %dma_wait3A = tpu.memref_slice %arg8[%mul3A_2] : memref<16384xf32, #tpu.memory_space<hbm>> -> memref<512xf32, #tpu.memory_space<hbm>>
      %dma_wait3A_116 = tpu.memref_slice %arg8[%mul3A_2] : memref<16384xf32, #tpu.memory_space<hbm>> -> memref<512xf32, #tpu.memory_space<hbm>>
      tpu.wait_dma2 semaphore(%run_scoped3A : memref<!tpu.dma_semaphore, #tpu.memory_space<semaphore_mem>>) src(%arg17 : memref<512xf32, #tpu.memory_space<vmem>>) dst(%dma_wait3A_116 : memref<512xf32, #tpu.memory_space<hbm>>)
      tpu.yield
    }) : () -> ()
    return
  }
}

</mosaic_0001>

<sc_bundles>
// kernel: kernel.3.cloned.1.call-start
scs
__scs_entry_jumppad:
0x0: {  	(pc) =	sbr.rel $0x88, $3  }
0x1: {  	(tag) =	ssettag $0x0;
	lr =	simm.s32 $0x1  }
0x2: {  	[smem:$0x3F9B] =	sst lr;
	_ =	strace $0xD0000000  }
0x3: {  	_ = 	snop  }
0x4: {  	_ = 	snop  }
0x5: {  	_ = 	snop  }
0x6: {  	_ = 	snop  }
0x7: {  	_ = 	snop  }
__scs_overlays_trampoline_lowered:
0x8: {  	[smem:$0x3FAA] =	sst s0  }
0x9: {  	[smem:$0x3FAB] =	sst s1  }
0xa: {  	[smem:$0x3FAC] =	sst s2  }
0xb: {  	[smem:$0x3FAD] =	sst s3  }
0xc: {  	[smem:$0x3FAE] =	sst s4  }
0xd: {  	[smem:$0x3FAF] =	sst s5  }
0xe: {  	[smem:$0x3FB0] =	sst s6  }
0xf: {  	[smem:$0x3FB1] =	sst s7  }
0x10: {  	[smem:$0x3FB2] =	sst s8  }
0x11: {  	[smem:$0x3FB3] =	sst s9;
	s0 =	simm.s32 @!p0 $0x0  }
0x12: {  	s1 =	sld [smem:$0x3F99];
	s0 =	simm.s32 @p0 $0x1  }
0x13: {  	[smem:$0x3FB4] =	sst s0;
	s0 =	simm.s32 @!p1 $0x0  }
0x14: {  	s2 =	sld [smem:$0x3F98];
	s0 =	simm.s32 @p1 $0x1  }
0x15: {  	[smem:$0x3FB5] =	sst s0;
	s0 =	simm.s32 @!p2 $0x0  }
0x16: {  	s3 =	sld [smem:$0x3FDB];
	s0 =	simm.s32 @p2 $0x1  }
0x17: {  	s4 =	simm.s32 $0x1BF5;
	[smem:$0x3FB7] =	sst s0  }
0x18: {  	s0 =	sld [smem:$0x3F9A];
	_ =	swait.ge [sflag:s4], $0x0  }
0x19: {  	s7 =	sld [smem:$0x3F9B]  }
0x1a: {  	s8 =	sadd.s32 $0xFFFFE003, lr  }
0x1b: {  	s9 =	sadd.s32 $0xFFFFFEF7, lr;
	s5 =	simm.s32 $0xFFFFFFFF;
	p2 =	slt.u32 s8, $0xFFFFF086  }
0x1c: {  	p1 =	slt.u32 s9, $0xF7A;
	s5 =	simm.s32 @!p2 $0x0  }
0x1d: {  	s5 =	simm.s32 @p1 $0x1;
	p0 =	seq.s32 s7, s2  }
0x1e: {  	s7 =	smul.u32 @!p0 $0xF7A, s2;
	p2 =	seq.s32 @!p0 s5, $0x0  }
0x1f: {  	s9 =	smul.u32 $0xF7A, s1;
	s8 =	simm.s32 @!p0 $0x1BF5;
	p2 =	por !p2, p0  }
0x20: {  	[sflag:s8] =	ssyncset.s32 @!p0 $0xFFFFF086;
	s6 =	sadd.s32 @!p0 s3, s7;
	s7 =	simm.s32 @!p0 $0x108  }
0x21: {  	s3 =	sadd.s32 s3, s9;
	s6 =	sadd.s32 @!p0 $0x88, s6;
	s7 =	simm.s32 @p2 $0x1082  }
0x22: {  	[simem:s7], [sflag:s8] =	dma.local @!p0 [hbm:s6], $0xF7A  }
0x23: {  	s9 =	sor.u32 $0xD0000000, s2;
	s6 =	simm.s32 $0x108;
	_ =	swait.ge @!p0 [sflag:s8], $0x0  }
0x24: {  	s3 =	sadd.s32 $0x88, s3;
	s6 =	simm.s32 @!p1 $0x1082;
	[sflag:s4] =	ssyncset.s32 $0xFFFFF086  }
0x25: {  	[simem:s6], [sflag:s4] =	dma.local [hbm:s3], $0xF7A  }
0x26: {  	[smem:$0x3F9B] =	sst s1;
	(tag) =	ssettag s2;
	_ =	strace s9  }
0x27: {  	s1 =	sld [smem:$0x3FAB]  }
0x28: {  	s2 =	sld [smem:$0x3FAC]  }
0x29: {  	s4 =	sld [smem:$0x3FAE]  }
0x2a: {  	p0 =	seq.s32 s5, $0x0;
	s5 =	sld [smem:$0x3FAF]  }
0x2b: {  	s6 =	sld [smem:$0x3FB0]  }
0x2c: {  	s7 =	sld [smem:$0x3FB1]  }
0x2d: {  	s3 =	simm.s32 $0x108;
	s8 =	sld [smem:$0x3FB2]  }
0x2e: {  	s3 =	simm.s32 @!p0 $0x1082;
	s9 =	sld [smem:$0x3FB3]  }
0x2f: {  	lr =	sadd.s32 s0, s3;
	s0 =	sld [smem:$0x3FAA]  }
0x30: {  	s3 =	sld [smem:$0x3FAD]  }
0x31: {  	[smem:$0x3FB6] =	sst s10  }
0x32: {  	s10 =	sld [smem:$0x3FB4];
	_ =	sdelay $0x3  }
0x33: {  	p0 =	seq.s32 s10, $0x1;
	s10 =	sld [smem:$0x3FB6];
	_ =	sdelay $0x3  }
0x34: {  	[smem:$0x3FB6] =	sst s10  }
0x35: {  	s10 =	sld [smem:$0x3FB5];
	_ =	sdelay $0x3  }
0x36: {  	p1 =	seq.s32 s10, $0x1;
	s10 =	sld [smem:$0x3FB6];
	_ =	sdelay $0x3  }
0x37: {  	[smem:$0x3FB6] =	sst s10  }
0x38: {  	s10 =	sld [smem:$0x3FB7]  }
0x39: {  	_ = 	snop;
	(pc) =	sbr.ind lr, $3  }
0x3a: {  	_ = 	snop  }
0x3b: {  	_ = 	snop  }
0x3c: {  	p2 =	seq.s32 s10, $0x1;
	s10 =	sld [smem:$0x3FB6]  }
0x3d: {  	_ =	shalt  }
0x3e: {  	_ =	shalt  }
0x3f: {  	_ =	shalt  }
0x40: {  	_ =	shalt  }
0x41: {  	_ =	shalt  }
0x42: {  	_ =	shalt  }
0x43: {  	_ =	shalt  }
0x44: {  	_ =	shalt  }
0x45: {  	_ =	shalt  }
0x46: {  	_ =	shalt  }
0x47: {  	_ =	shalt  }
0x48: {  	_ =	shalt  }
0x49: {  	_ =	shalt  }
0x4a: {  	_ =	shalt  }
0x4b: {  	_ =	shalt  }
0x4c: {  	_ =	shalt  }
0x4d: {  	_ =	shalt  }
0x4e: {  	_ =	shalt  }
0x4f: {  	_ =	shalt  }
0x50: {  	_ =	shalt  }
0x51: {  	_ =	shalt  }
0x52: {  	_ =	shalt  }
0x53: {  	_ =	shalt  }
0x54: {  	_ =	shalt  }
0x55: {  	_ =	shalt  }
0x56: {  	_ =	shalt  }
0x57: {  	_ =	shalt  }
0x58: {  	_ =	shalt  }
0x59: {  	_ =	shalt  }
0x5a: {  	_ =	shalt  }
0x5b: {  	_ =	shalt  }
0x5c: {  	_ =	shalt  }
0x5d: {  	_ =	shalt  }
0x5e: {  	_ =	shalt  }
0x5f: {  	_ =	shalt  }
0x60: {  	_ =	shalt  }
0x61: {  	_ =	shalt  }
0x62: {  	_ =	shalt  }
0x63: {  	_ =	shalt  }
0x64: {  	_ =	shalt  }
0x65: {  	_ =	shalt  }
0x66: {  	_ =	shalt  }
0x67: {  	_ =	shalt  }
0x68: {  	_ =	shalt  }
0x69: {  	_ =	shalt  }
0x6a: {  	_ =	shalt  }
0x6b: {  	_ =	shalt  }
0x6c: {  	_ =	shalt  }
0x6d: {  	_ =	shalt  }
0x6e: {  	_ =	shalt  }
0x6f: {  	_ =	shalt  }
0x70: {  	_ =	shalt  }
0x71: {  	_ =	shalt  }
0x72: {  	_ =	shalt  }
0x73: {  	_ =	shalt  }
0x74: {  	_ =	shalt  }
0x75: {  	_ =	shalt  }
0x76: {  	_ =	shalt  }
0x77: {  	_ =	shalt  }
0x78: {  	_ =	shalt  }
0x79: {  	_ =	shalt  }
0x7a: {  	_ =	shalt  }
0x7b: {  	_ =	shalt  }
0x7c: {  	_ =	shalt  }
0x7d: {  	_ =	shalt  }
0x7e: {  	_ =	shalt  }
0x7f: {  	_ =	shalt  }
0x80: {  	_ =	shalt  }
0x81: {  	_ =	shalt  }
0x82: {  	_ =	shalt  }
0x83: {  	_ =	shalt  }
0x84: {  	_ =	shalt  }
0x85: {  	_ =	shalt  }
0x86: {  	_ =	shalt  }
0x87: {  	_ =	shalt  }
.Lfunc_end0:
.L_simem_size_0:
called_computation_lowered:
.L_overlay_start_0:
0x88: {  	s2 =	sld [smem:$0x3FD9]  }
0x89: {  	s3 =	sld [smem:$0x3FFE];
	_ =	sdelay $0x1  }
0x8a: {  	s1 =	srdreg.scid  }
0x8b: {  	s0 =	sand.u32 $0x1, s1  }
0x8c: {  	s17 =	sshll.u32 s0, $0xA;
	s2 =	sadd.s32 s3, s2  }
0x8d: {  	s2 =	sadd.s32 s2, s17  }
0x8e: {  	[smem:$0x3FC2] =	sst s2  }
0x8f: {  	_ = 	snop  }
0x90: {  	s2 =	sld [smem:$0x3FC9]  }
0x91: {  	s18 =	sld [smem:$0x3FC8]  }
0x92: {  	s4 =	sld [smem:$0x3FC7]  }
0x93: {  	s5 =	sld [smem:$0x3FC6]  }
0x94: {  	s6 =	sld [smem:$0x3FC5]  }
0x95: {  	s7 =	sld [smem:$0x3FD0];
	(tm) =	ssettm $0x1  }
0x96: {  	s8 =	sld [smem:$0x3FFB];
	_ =	sdelay $0x3  }
0x97: {  	_ =	strace s8  }
0x98: {  	s8 =	sld [smem:$0x3FFC];
	_ =	sdelay $0x3  }
0x99: {  	_ =	strace s8  }
0x9a: {  	s8 =	sld [smem:$0x3FFD];
	_ =	sdelay $0x3  }
0x9b: {  	_ =	strace s8  }
0x9c: {  	_ =	strace $0x8FFFFFFF  }
0x9d: {  	s19 =	sld [smem:$0x3FDB];
	_ =	sdelay $0x1  }
0x9e: {  	s9 =	simm.s32 $_scs_section_size  }
0x9f: {  	s10 =	simm.s32 $_size__tile_overlayer_lowered;
	s11 =	simm.s32 $_tile_overlayer_lowered  }
0xa0: {  	s22 =	simm.s32 $0x1BFF;
	s21 =	sshll.u32 s11, $0x1;
	s8 =	sadd.s32 s9, s19  }
0xa1: {  	s12 =	simm.s32 $0x0;
	s20 =	sshll.u32 s10, $0x1;
	s10 =	sadd.s32 s21, s8  }
0xa2: {  	[timem:s12], [sflag:s22] =	dma.local [hbm:s10], s20  }
0xa3: {  	_ =	swait.ge [sflag:s22], s20  }
0xa4: {  	s9 =	ssub.s32 $0x0, s20;
	[sflag:s22] =	ssyncset.done $0x0  }
0xa5: {  	[sflag:s22] =	ssyncadd.s32 s9;
	_ =	sdelay $0x1  }
0xa6: {  	s23 =	simm.s32 $0x1B8B  }
0xa7: {  	_ =	swait.ge [sflag:s23], $0x1  }
0xa8: {  	[sflag:s23] =	ssyncset.done $0x0  }
0xa9: {  	s25 =	simm.s32 $0x1B8E;
	s24 =	sld [smem:$0x3FFE];
	[sflag:s23] =	ssyncadd.s32 $0xFFFFFFFF  }
0xaa: {  	s26 =	simm.s32 $execute0_lowered;
	[smem:$0x3FD2] =	sst s25  }
0xab: {  	s10 =	sshll.u32 s26, $0x1;
	_ =	strace $0x80000046;
	[dreg:$0x1] =	wrdreg $0xFFFFFFFF  }
0xac: {  	s28 =	simm.s32 $_size_execute0_lowered;
	s8 =	sadd.s32 s8, s10;
	[dreg:$0x0] =	wrdreg $0x0  }
0xad: {  	s10 =	sshll.u32 s28, $0x1;
	[dreg:$0x2] =	wrdreg s8  }
0xae: {  	[dreg:$0x3] =	wrdreg s10  }
0xaf: {  	[dreg:$0x4] =	wrdreg $0xC0  }
0xb0: {  	_ =	task [dreg:s12], $0x5FFFF  }
0xb1: {  	[dreg:$0x1] =	wrdreg $0xFFFFFFFF  }
0xb2: {  	[dreg:$0x0] =	wrdreg $0x60  }
0xb3: {  	[dreg:$0x2] =	wrdreg s2  }
0xb4: {  	[dreg:$0x3] =	wrdreg s18  }
0xb5: {  	[dreg:$0x4] =	wrdreg s4  }
0xb6: {  	[dreg:$0x5] =	wrdreg s5  }
0xb7: {  	[dreg:$0x6] =	wrdreg s6  }
0xb8: {  	[dreg:$0x7] =	wrdreg s24  }
0xb9: {  	[dreg:$0x8] =	wrdreg s7  }
0xba: {  	[dreg:$0x9] =	wrdreg $0x9  }
0xbb: {  	_ =	task.clear_ibuf [dreg:s12], $0xAFFFF;
	_ =	strace $0x90000046  }
0xbc: {  	s29 =	simm.s32 $0x9;
	_ =	strace $0x80000048  }
0xbd: {  	_ =	swait.ge [sflag:s29], $0x1  }
0xbe: {  	[sflag:s29] =	ssyncadd.s32 $0xFFFFFFFF  }
0xbf: {  	_ =	strace $0x90000048  }
0xc0: {  	_ =	sfence  }
0xc1: {  	s30 =	sld [smem:$0x0];
	_ =	sdelay $0x2  }
0xc2: {  	s31 =	sshll.u32 s1, $0xD;
	s1 =	sshrl.u32 s1, $0x2  }
0xc3: {  	s3 =	sand.u32 $0x4000, s31;
	s1 =	sadd.s32 s1, s30  }
0xc4: {  	s0 =	sor.u32 s3, s0;
	s1 =	sshll.u32 s1, $0x11  }
0xc5: {  	s0 =	sor.u32 s1, s0  }
0xc6: {  	s0 =	sadd.s32 $0x8F2B, s0  }
0xc7: {  	[sflag:s0] =	ssyncadd.remote.s32 $0x1  }
0xc8: {  	_ =	sfence.sel $0xFFFF  }
0xc9: {  	[dreg:$0x0] =	wrdreg $0xFFFFFFFF;
	(pc) =	sbr.abs _section_cstart, $3  }
0xca: {  	[dreg:$0x1] =	wrdreg $0xFFFFFFFF  }
0xcb: {  	_ =	task.clear_ibuf [dreg:s12], $0x2FFFF;
	_ =	strace $0x9FFFFFFF  }
0xcc: {  	(tm) =	ssettm $0x7FFFFFFF  }
0xcd: {  	_ =	shalt  }
tec
execute0_lowered:
.L_overlay_start_1:
0x0: {  	(tag) =	ssettag $0x1  }
0x1: {  	s0 =	rddreg [dreg:$0x0]  }
0x2: {  	s3 =	rddreg [dreg:$0x1]  }
0x3: {  	s1 =	rddreg [dreg:$0x2]  }
0x4: {  	s2 =	rddreg [dreg:$0x3]  }
0x5: {  	s5 =	rddreg [dreg:$0x5];
	v0 =	vlaneseq.u32  }
0x6: {  	s6 =	rddreg [dreg:$0x6];
	v2 =	vimm.s32 $0x0;
	vm0 =	vmmov $0x1;
	v4 =	vimm.s32 $0x1  }
0x7: {  	s4 =	simm.s32 $0x0;
	s7 =	srdreg.scid;
	s10 =	stileid.u32;
	v5 =	vimm.s32 $0x2;
	v6 =	vimm.s32 $0x3;
	v7 =	vimm.s32 $0x4  }
0x8: {  	s15 =	simm.s32 $0x480;
	s11 =	simm.s32 $0x500;
	s16 =	simm.s32 $0x780;
	v8 =	vimm.s32 $0x5;
	v9 =	vimm.s32 $0x6;
	v10 =	vimm.s32 $0x7  }
0x9: {  	s17 =	simm.s32 $0x800;
	s18 =	simm.s32 $0x880;
	s19 =	simm.s32 $0x900;
	v11 =	vimm.s32 $0x8;
	v12 =	vimm.s32 $0x9;
	v13 =	vimm.s32 $0xA  }
0xa: {  	s21 =	simm.s32 $0x980;
	s22 =	simm.s32 $0xA00;
	s28 =	simm.s32 $0xD00;
	v15 =	vimm.s32 $0xB;
	v16 =	vimm.s32 $0xC;
	v17 =	vimm.s32 $0xD  }
0xb: {  	s29 =	simm.s32 $0xD80;
	s12 =	simm.s32 $0xE00;
	s30 =	simm.s32 $0xE80;
	v18 =	vimm.s32 $0xE;
	v19 =	vimm.s32 $0xF;
	v14 =	vmul.u32 $0x80, v0  }
0xc: {  	s31 =	simm.s32 $0xF00;
	s20 =	simm.s32 $0x8480;
	s14 =	simm.s32 $0x10580;
	v1 =	vor.u32 $0x10, v0;
	v3 =	vmul.u32 $0x8, v0;
	v32 =	vmul.u32 $0x10, v0  }
0xd: {  	[smem:$0x7FF] =	sst s4;
	s7 =	sand.u32 $0x1, s7;
	s10 =	sshll.u32 s10, $0x7;
	v20 =	vor.u32 $0x800, v14;
	v21 =	vor.u32 $0x1000, v14;
	v22 =	vor.u32 $0x1800, v14  }
0xe: {  	s5 =	sadd.s32 $0x400, s5;
	_ =	strace $0x80000047;
	s8 =	ssub.s32 $0x2, s7;
	v23 =	vor.u32 $0x2000, v14;
	v24 =	vor.u32 $0x2800, v14;
	v25 =	vor.u32 $0x3000, v14  }
0xf: {  	s7 =	sshll.u32 s7, $0x6;
	[dreg:$0x8] =	wrdreg s5;
	s5 =	simm.s32 $0x680;
	v26 =	vor.u32 $0x3800, v14;
	v27 =	vor.u32 $0x4000, v14;
	v28 =	vor.u32 $0x4800, v14  }
0x10: {  	s9 =	sshrl.u32 s8, $0x1;
	s7 =	sor.u32 s7, s10;
	v29 =	vor.u32 $0x5000, v14;
	s10 =	simm.s32 $0x1;
	v30 =	vor.u32 $0x5800, v14;
	v31 =	vor.u32 $0x6000, v14  }
0x11: {  	v33 =	vor.u32 $0x6800, v14;
	v34 =	vor.u32 $0x7000, v14;
	v35 =	vor.u32 $0x7800, v14;
	s23 =	ssub.s32 s8, s9;
	s0 =	sadd.s32 s0, s7;
	s24 =	sadd.s32 s3, s7  }
0x12: {  	v36 =	vor.u32 $0x1, v32;
	v37 =	vor.u32 $0x2, v32;
	v38 =	vor.u32 $0x3, v32;
	s25 =	sadd.s32 s6, s7;
	s7 =	simm.s32 $0x3;
	[dreg:$0x9] =	wrdreg s0  }
0x13: {  	v39 =	vor.u32 $0x4, v32;
	v40 =	vor.u32 $0x5, v32;
	v41 =	vor.u32 $0x6, v32;
	s3 =	simm.s32 $0x700;
	s8 =	simm.s32 $0x2;
	[dreg:$0xa] =	wrdreg s24  }
0x14: {  	v42 =	vor.u32 $0x7, v32;
	v43 =	vor.u32 $0x8, v32;
	v44 =	vor.u32 $0x9, v32;
	s9 =	simm.s32 $0x0;
	[dreg:$0xb] =	wrdreg s25;
	s26 =	smax.u32 s23, $0x1  }
0x15: {  	v45 =	vor.u32 $0xA, v32;
	v46 =	vor.u32 $0xB, v32;
	v47 =	vor.u32 $0xC, v32;
	s0 =	simm.s32 $0x600;
	s23 =	simm.s32 $0xA80;
	s24 =	simm.s32 $0xB00  }
0x16: {  	v48 =	vor.u32 $0xD, v32;
	v49 =	vor.u32 $0xE, v32;
	v50 =	vor.u32 $0xF, v32;
	s25 =	simm.s32 $0xC00;
	[dreg:$0xc] =	wrdreg s26;
	s26 =	simm.s32 $0xC80  }
.LBB2_1:
0x17: {  	[dreg:$0xd] =	wrdreg s9  }
0x18: {  	s6 =	rddreg [dreg:$0x9]  }
0x19: {  	[tilespmem:s4], [sflag:$0x3] =	stream.linear.gather [hbm4b:s6+s4], $0x200, $0x38;
	[tilespmem:$0x10880] =	vst v63  }
0x1a: {  	_ =	swait.ge [sflag:s7], $0x200  }
0x1b: {  	[sflag:s7] =	ssyncset.done $0x0  }
0x1c: {  	s13 =	simm.s32 $0x200;
	s9 =	rddreg [dreg:$0xa];
	[sflag:s7] =	ssyncadd.s32 $0xFFFFFE00  }
0x1d: {  	[tilespmem:s13], [sflag:$0x3] =	stream.linear.gather [hbm4b:s9+s4], $0x200, $0x38;
	[tilespmem:$0x10880] =	vst v63  }
0x1e: {  	_ =	swait.ge [sflag:s7], $0x200  }
0x1f: {  	[sflag:s7] =	ssyncset.done $0x0  }
0x20: {  	[sflag:s7] =	ssyncadd.s32 $0xFFFFFE00  }
0x21: {  	s13 =	simm.s32 $0x10480;
	s9 =	rddreg [dreg:$0x4]  }
0x22: {  	[tilespmem:s13], [sflag:$0x3] =	stream.linear.gather [hbm4b:s9+s4], $0x80, $0x38;
	[tilespmem:$0x10880] =	vst v63  }
0x23: {  	_ =	swait.ge [sflag:s7], $0x80  }
0x24: {  	[sflag:s7] =	ssyncset.done $0x0  }
0x25: {  	s13 =	simm.s32 $0x10500;
	s9 =	rddreg [dreg:$0x8];
	[sflag:s7] =	ssyncadd.s32 $0xFFFFFF80  }
0x26: {  	[tilespmem:s13], [sflag:$0x3] =	stream.linear.gather [hbm4b:s9+s4], $0x80, $0x38;
	[tilespmem:$0x10880] =	vst v63  }
0x27: {  	_ =	swait.ge [sflag:s7], $0x80  }
0x28: {  	[sflag:s7] =	ssyncset.done $0x0  }
0x29: {  	[sflag:s7] =	ssyncadd.s32 $0xFFFFFF80  }
0x2a: {  	v51 =	vld [tilespmem:$0x10500]  }
0x2b: {  	[tilespmem:$0x400] =	vst v0;
	v52 =	vld [tilespmem:$0x10480]  }
0x2c: {  	s13 =	simm.s32 $0x0;
	[tilespmem:$0x410] =	vst v1;
	v53 =	vld [tilespmem:$0x10490]  }
.LBB2_2:
0x2d: {  	s9 =	sshra.s32 s13, $0x2  }
0x2e: {  	v55 =	vld [tilespmem:s9+$0x0];
	_ =	sdelay $0x4  }
0x2f: {  	(v2sf) =	vpush v55, $0x0;
	_ =	sdelay $0x1  }
0x30: {  	v54 =	vld [tilespmem:$0x400];
	_ =	sdelay $0x4  }
0x31: {  	v56 =	vshrl.u32 v54, $0x3  }
0x32: {  	v56 =	vmul.u32 $0xF428, v56  }
0x33: {  	v54 =	vand.u32 $0x7, v54  }
0x34: {  	v56 =	vor.u32 v54, v56  }
0x35: {  	v54 =	vperm.xlane v56, v2;
	_ =	sdelay $0x1  }
0x36: {  	v61 =	vperm.xlane v56, v4;
	v57 =	vadd.s32 v3, v54;
	_ =	sdelay $0x1  }
0x37: {  	v59 =	vperm.xlane v56, v5;
	v58 =	vadd.s32 v3, v61;
	s6 =	spop (v2sf)  }
0x38: {  	s7 =	sand.u32 $0xFFFFF80, s6  }
0x39: {  	v60 =	vperm.xlane v56, v6;
	v59 =	vadd.s32 v3, v59;
	s7 =	sadd.s32 s1, s7  }
0x3a: {  	v54 =	vld [tilespmem:s9+$0x200];
	[tilespmem:s15], [sflag:$0x1] =	stream.indirect_vreg.gather [hbm4b:s7+s4], $0x80, v57, vm0, $0xb8  }
0x3b: {  	v57 =	vadd.s32 v3, v60;
	v60 =	vperm.xlane v56, v7  }
0x3c: {  	[tilespmem:s11], [sflag:$0x1] =	stream.indirect_vreg.gather [hbm4b:s7+s4], $0x80, v58, vm0, $0xb8;
	[tilespmem:$0x10880] =	vst v63  }
0x3d: {  	v58 =	vadd.s32 v3, v60;
	v60 =	vperm.xlane v56, v8;
	s11 =	simm.s32 $0x580  }
0x3e: {  	[tilespmem:s11], [sflag:$0x1] =	stream.indirect_vreg.gather [hbm4b:s7+s4], $0x80, v59, vm0, $0xb8;
	[tilespmem:$0x10880] =	vst v63  }
0x3f: {  	v59 =	vadd.s32 v3, v60;
	v60 =	vperm.xlane v56, v9  }
0x40: {  	[tilespmem:s0], [sflag:$0x1] =	stream.indirect_vreg.gather [hbm4b:s7+s4], $0x80, v57, vm0, $0xb8;
	[tilespmem:$0x10880] =	vst v63  }
0x41: {  	v57 =	vadd.s32 v3, v60;
	v60 =	vperm.xlane v56, v10  }
0x42: {  	[tilespmem:s5], [sflag:$0x1] =	stream.indirect_vreg.gather [hbm4b:s7+s4], $0x80, v58, vm0, $0xb8;
	[tilespmem:$0x10880] =	vst v63  }
0x43: {  	v58 =	vadd.s32 v3, v60;
	v60 =	vperm.xlane v56, v11  }
0x44: {  	[tilespmem:s3], [sflag:$0x1] =	stream.indirect_vreg.gather [hbm4b:s7+s4], $0x80, v59, vm0, $0xb8;
	[tilespmem:$0x10880] =	vst v63  }
0x45: {  	v59 =	vadd.s32 v3, v60;
	v60 =	vperm.xlane v56, v12  }
0x46: {  	[tilespmem:s16], [sflag:$0x1] =	stream.indirect_vreg.gather [hbm4b:s7+s4], $0x80, v57, vm0, $0xb8;
	[tilespmem:$0x10880] =	vst v63  }
0x47: {  	v57 =	vadd.s32 v3, v60;
	v60 =	vperm.xlane v56, v13  }
0x48: {  	[tilespmem:s17], [sflag:$0x1] =	stream.indirect_vreg.gather [hbm4b:s7+s4], $0x80, v58, vm0, $0xb8;
	[tilespmem:$0x10880] =	vst v63  }
0x49: {  	v58 =	vadd.s32 v3, v60;
	v60 =	vperm.xlane v56, v15  }
0x4a: {  	[tilespmem:s18], [sflag:$0x1] =	stream.indirect_vreg.gather [hbm4b:s7+s4], $0x80, v59, vm0, $0xb8;
	[tilespmem:$0x10880] =	vst v63  }
0x4b: {  	v59 =	vadd.s32 v3, v60;
	v60 =	vperm.xlane v56, v16  }
0x4c: {  	[tilespmem:s19], [sflag:$0x1] =	stream.indirect_vreg.gather [hbm4b:s7+s4], $0x80, v57, vm0, $0xb8;
	[tilespmem:$0x10880] =	vst v63  }
0x4d: {  	v57 =	vadd.s32 v3, v60;
	v60 =	vperm.xlane v56, v17  }
0x4e: {  	[tilespmem:s21], [sflag:$0x1] =	stream.indirect_vreg.gather [hbm4b:s7+s4], $0x80, v58, vm0, $0xb8;
	[tilespmem:$0x10880] =	vst v63  }
0x4f: {  	v58 =	vadd.s32 v3, v60;
	v60 =	vperm.xlane v56, v18  }
0x50: {  	[tilespmem:s22], [sflag:$0x1] =	stream.indirect_vreg.gather [hbm4b:s7+s4], $0x80, v59, vm0, $0xb8;
	[tilespmem:$0x10880] =	vst v63  }
0x51: {  	v56 =	vperm.xlane v56, v19;
	v62 =	vadd.s32 v3, v60  }
0x52: {  	[tilespmem:s23], [sflag:$0x1] =	stream.indirect_vreg.gather [hbm4b:s7+s4], $0x80, v57, vm0, $0xb8;
	[tilespmem:$0x10880] =	vst v63  }
0x53: {  	v56 =	vadd.s32 v3, v56  }
0x54: {  	[tilespmem:s24], [sflag:$0x1] =	stream.indirect_vreg.gather [hbm4b:s7+s4], $0x80, v58, vm0, $0xb8;
	[tilespmem:$0x10880] =	vst v63  }
0x55: {  	s21 =	simm.s32 $0xB80  }
0x56: {  	[tilespmem:s21], [sflag:$0x1] =	stream.indirect_vreg.gather [hbm4b:s7+s4], $0x80, v62, vm0, $0xb8;
	[tilespmem:$0x10880] =	vst v63  }
0x57: {  	_ = 	snop  }
0x58: {  	[tilespmem:s25], [sflag:$0x1] =	stream.indirect_vreg.gather [hbm4b:s7+s4], $0x80, v56, vm0, $0xb8;
	[tilespmem:$0x10880] =	vst v63  }
0x59: {  	v56 =	vld [tilespmem:$0x410];
	_ =	sdelay $0x4  }
0x5a: {  	v63 =	vshrl.u32 v56, $0x3  }
0x5b: {  	v57 =	vmul.u32 $0xF428, v63  }
0x5c: {  	v56 =	vand.u32 $0x7, v56  }
0x5d: {  	v56 =	vor.u32 v56, v57  }
0x5e: {  	v57 =	vperm.xlane v56, v2;
	_ =	sdelay $0x1  }
0x5f: {  	v60 =	vperm.xlane v56, v4;
	v57 =	vadd.s32 v3, v57;
	_ =	sdelay $0x1  }
0x60: {  	v61 =	vperm.xlane v56, v5;
	v58 =	vadd.s32 v3, v60;
	_ =	sdelay $0x1  }
0x61: {  	v59 =	vadd.s32 v3, v61;
	v60 =	vperm.xlane v56, v6  }
0x62: {  	[tilespmem:s26], [sflag:$0x1] =	stream.indirect_vreg.gather [hbm4b:s7+s4], $0x80, v57, vm0, $0xb8;
	[tilespmem:$0x10880] =	vst v63  }
0x63: {  	v57 =	vadd.s32 v3, v60;
	v60 =	vperm.xlane v56, v7  }
0x64: {  	[tilespmem:s28], [sflag:$0x1] =	stream.indirect_vreg.gather [hbm4b:s7+s4], $0x80, v58, vm0, $0xb8;
	[tilespmem:$0x10880] =	vst v63  }
0x65: {  	v58 =	vadd.s32 v3, v60;
	v60 =	vperm.xlane v56, v8  }
0x66: {  	[tilespmem:s29], [sflag:$0x1] =	stream.indirect_vreg.gather [hbm4b:s7+s4], $0x80, v59, vm0, $0xb8;
	[tilespmem:$0x10880] =	vst v63  }
0x67: {  	v59 =	vadd.s32 v3, v60;
	v60 =	vperm.xlane v56, v9  }
0x68: {  	[tilespmem:s12], [sflag:$0x1] =	stream.indirect_vreg.gather [hbm4b:s7+s4], $0x80, v57, vm0, $0xb8;
	[tilespmem:$0x10880] =	vst v63  }
0x69: {  	v57 =	vadd.s32 v3, v60;
	v60 =	vperm.xlane v56, v10  }
0x6a: {  	[tilespmem:s30], [sflag:$0x1] =	stream.indirect_vreg.gather [hbm4b:s7+s4], $0x80, v58, vm0, $0xb8;
	[tilespmem:$0x10880] =	vst v63  }
0x6b: {  	v58 =	vadd.s32 v3, v60;
	v60 =	vperm.xlane v56, v11  }
0x6c: {  	[tilespmem:s31], [sflag:$0x1] =	stream.indirect_vreg.gather [hbm4b:s7+s4], $0x80, v59, vm0, $0xb8;
	[tilespmem:$0x10880] =	vst v63  }
0x6d: {  	s22 =	simm.s32 $0xF80;
	v59 =	vadd.s32 v3, v60;
	v60 =	vperm.xlane v56, v12  }
0x6e: {  	[tilespmem:s22], [sflag:$0x1] =	stream.indirect_vreg.gather [hbm4b:s7+s4], $0x80, v57, vm0, $0xb8;
	[tilespmem:$0x10880] =	vst v63  }
0x6f: {  	s23 =	simm.s32 $0x1000;
	v57 =	vadd.s32 v3, v60;
	v60 =	vperm.xlane v56, v13  }
0x70: {  	[tilespmem:s23], [sflag:$0x1] =	stream.indirect_vreg.gather [hbm4b:s7+s4], $0x80, v58, vm0, $0xb8;
	[tilespmem:$0x10880] =	vst v63  }
0x71: {  	s24 =	simm.s32 $0x1080;
	v58 =	vadd.s32 v3, v60;
	v60 =	vperm.xlane v56, v15  }
0x72: {  	[tilespmem:s24], [sflag:$0x1] =	stream.indirect_vreg.gather [hbm4b:s7+s4], $0x80, v59, vm0, $0xb8;
	[tilespmem:$0x10880] =	vst v63  }
0x73: {  	s25 =	simm.s32 $0x1100;
	v59 =	vadd.s32 v3, v60;
	v60 =	vperm.xlane v56, v16  }
0x74: {  	[tilespmem:s25], [sflag:$0x1] =	stream.indirect_vreg.gather [hbm4b:s7+s4], $0x80, v57, vm0, $0xb8;
	[tilespmem:$0x10880] =	vst v63  }
0x75: {  	s26 =	simm.s32 $0x1180;
	v57 =	vadd.s32 v3, v60;
	v60 =	vperm.xlane v56, v17  }
0x76: {  	[tilespmem:s26], [sflag:$0x1] =	stream.indirect_vreg.gather [hbm4b:s7+s4], $0x80, v58, vm0, $0xb8;
	[tilespmem:$0x10880] =	vst v63  }
0x77: {  	s3 =	simm.s32 $0x1200;
	v58 =	vadd.s32 v3, v60;
	v60 =	vperm.xlane v56, v18  }
0x78: {  	[tilespmem:s3], [sflag:$0x1] =	stream.indirect_vreg.gather [hbm4b:s7+s4], $0x80, v59, vm0, $0xb8;
	[tilespmem:$0x10880] =	vst v63  }
0x79: {  	s5 =	simm.s32 $0x1280;
	v56 =	vperm.xlane v56, v19;
	v62 =	vadd.s32 v3, v60  }
0x7a: {  	[tilespmem:s5], [sflag:$0x1] =	stream.indirect_vreg.gather [hbm4b:s7+s4], $0x80, v57, vm0, $0xb8;
	[tilespmem:$0x10880] =	vst v63  }
0x7b: {  	[dreg:$0xe] =	wrdreg s9;
	s9 =	simm.s32 $0x1300;
	v56 =	vadd.s32 v3, v56  }
0x7c: {  	[tilespmem:s9], [sflag:$0x1] =	stream.indirect_vreg.gather [hbm4b:s7+s4], $0x80, v58, vm0, $0xb8;
	[tilespmem:$0x10880] =	vst v63  }
0x7d: {  	s11 =	simm.s32 $0x1380  }
0x7e: {  	[tilespmem:s11], [sflag:$0x1] =	stream.indirect_vreg.gather [hbm4b:s7+s4], $0x80, v62, vm0, $0xb8;
	[tilespmem:$0x10880] =	vst v63  }
0x7f: {  	(v2sf) =	vpush v54, $0x0;
	s12 =	simm.s32 $0x1400  }
0x80: {  	[tilespmem:s12], [sflag:$0x1] =	stream.indirect_vreg.gather [hbm4b:s7+s4], $0x80, v56, vm0, $0xb8;
	[tilespmem:$0x10880] =	vst v63  }
0x81: {  	v56 =	vld [tilespmem:$0x400];
	_ =	sdelay $0x4  }
0x82: {  	v63 =	vshrl.u32 v56, $0x3  }
0x83: {  	v57 =	vmul.u32 $0xF428, v63  }
0x84: {  	v56 =	vand.u32 $0x7, v56  }
0x85: {  	v56 =	vor.u32 v56, v57  }
0x86: {  	v57 =	vperm.xlane v56, v2;
	_ =	sdelay $0x1  }
0x87: {  	v60 =	vperm.xlane v56, v4;
	v57 =	vadd.s32 v3, v57;
	_ =	sdelay $0x1  }
0x88: {  	s11 =	spop (v2sf);
	v61 =	vperm.xlane v56, v5;
	v58 =	vadd.s32 v3, v60  }
0x89: {  	s16 =	sand.u32 $0xFFFFF80, s11  }
0x8a: {  	s7 =	sadd.s32 s2, s16;
	v59 =	vadd.s32 v3, v61;
	v60 =	vperm.xlane v56, v6  }
0x8b: {  	[tilespmem:s20], [sflag:$0x1] =	stream.indirect_vreg.gather [hbm4b:s7+s4], $0x80, v57, vm0, $0xb8;
	[tilespmem:$0x10880] =	vst v63  }
0x8c: {  	s17 =	simm.s32 $0x8500;
	v57 =	vadd.s32 v3, v60;
	v60 =	vperm.xlane v56, v7  }
0x8d: {  	[tilespmem:s17], [sflag:$0x1] =	stream.indirect_vreg.gather [hbm4b:s7+s4], $0x80, v58, vm0, $0xb8;
	[tilespmem:$0x10880] =	vst v63  }
0x8e: {  	s18 =	simm.s32 $0x8580;
	v58 =	vadd.s32 v3, v60;
	v60 =	vperm.xlane v56, v8  }
0x8f: {  	[tilespmem:s18], [sflag:$0x1] =	stream.indirect_vreg.gather [hbm4b:s7+s4], $0x80, v59, vm0, $0xb8;
	[tilespmem:$0x10880] =	vst v63  }
0x90: {  	s19 =	simm.s32 $0x8600;
	v59 =	vadd.s32 v3, v60;
	v60 =	vperm.xlane v56, v9  }
0x91: {  	[tilespmem:s19], [sflag:$0x1] =	stream.indirect_vreg.gather [hbm4b:s7+s4], $0x80, v57, vm0, $0xb8;
	[tilespmem:$0x10880] =	vst v63  }
0x92: {  	s21 =	simm.s32 $0x8680;
	v57 =	vadd.s32 v3, v60;
	v60 =	vperm.xlane v56, v10  }
0x93: {  	[tilespmem:s21], [sflag:$0x1] =	stream.indirect_vreg.gather [hbm4b:s7+s4], $0x80, v58, vm0, $0xb8;
	[tilespmem:$0x10880] =	vst v63  }
0x94: {  	s22 =	simm.s32 $0x8700;
	v58 =	vadd.s32 v3, v60;
	v60 =	vperm.xlane v56, v11  }
0x95: {  	[tilespmem:s22], [sflag:$0x1] =	stream.indirect_vreg.gather [hbm4b:s7+s4], $0x80, v59, vm0, $0xb8;
	[tilespmem:$0x10880] =	vst v63  }
0x96: {  	s23 =	simm.s32 $0x8780;
	v59 =	vadd.s32 v3, v60;
	v60 =	vperm.xlane v56, v12  }
0x97: {  	[tilespmem:s23], [sflag:$0x1] =	stream.indirect_vreg.gather [hbm4b:s7+s4], $0x80, v57, vm0, $0xb8;
	[tilespmem:$0x10880] =	vst v63  }
0x98: {  	s24 =	simm.s32 $0x8800;
	v57 =	vadd.s32 v3, v60;
	v60 =	vperm.xlane v56, v13  }
0x99: {  	[tilespmem:s24], [sflag:$0x1] =	stream.indirect_vreg.gather [hbm4b:s7+s4], $0x80, v58, vm0, $0xb8;
	[tilespmem:$0x10880] =	vst v63  }
0x9a: {  	s25 =	simm.s32 $0x8880;
	v58 =	vadd.s32 v3, v60;
	v60 =	vperm.xlane v56, v15  }
0x9b: {  	[tilespmem:s25], [sflag:$0x1] =	stream.indirect_vreg.gather [hbm4b:s7+s4], $0x80, v59, vm0, $0xb8;
	[tilespmem:$0x10880] =	vst v63  }
0x9c: {  	s26 =	simm.s32 $0x8900;
	v59 =	vadd.s32 v3, v60;
	v60 =	vperm.xlane v56, v16  }
0x9d: {  	[tilespmem:s26], [sflag:$0x1] =	stream.indirect_vreg.gather [hbm4b:s7+s4], $0x80, v57, vm0, $0xb8;
	[tilespmem:$0x10880] =	vst v63  }
0x9e: {  	s3 =	simm.s32 $0x8980;
	v57 =	vadd.s32 v3, v60;
	v60 =	vperm.xlane v56, v17  }
0x9f: {  	[tilespmem:s3], [sflag:$0x1] =	stream.indirect_vreg.gather [hbm4b:s7+s4], $0x80, v58, vm0, $0xb8;
	[tilespmem:$0x10880] =	vst v63  }
0xa0: {  	s5 =	simm.s32 $0x8A00;
	v58 =	vadd.s32 v3, v60;
	v60 =	vperm.xlane v56, v18  }
0xa1: {  	[tilespmem:s5], [sflag:$0x1] =	stream.indirect_vreg.gather [hbm4b:s7+s4], $0x80, v59, vm0, $0xb8;
	[tilespmem:$0x10880] =	vst v63  }
0xa2: {  	s9 =	simm.s32 $0x8A80;
	v56 =	vperm.xlane v56, v19;
	v62 =	vadd.s32 v3, v60  }
0xa3: {  	[tilespmem:s9], [sflag:$0x1] =	stream.indirect_vreg.gather [hbm4b:s7+s4], $0x80, v57, vm0, $0xb8;
	[tilespmem:$0x10880] =	vst v63  }
0xa4: {  	s12 =	simm.s32 $0x8B00;
	v56 =	vadd.s32 v3, v56  }
0xa5: {  	[tilespmem:s12], [sflag:$0x1] =	stream.indirect_vreg.gather [hbm4b:s7+s4], $0x80, v58, vm0, $0xb8;
	[tilespmem:$0x10880] =	vst v63  }
0xa6: {  	s16 =	simm.s32 $0x8B80  }
0xa7: {  	[tilespmem:s16], [sflag:$0x1] =	stream.indirect_vreg.gather [hbm4b:s7+s4], $0x80, v62, vm0, $0xb8;
	[tilespmem:$0x10880] =	vst v63  }
0xa8: {  	s17 =	simm.s32 $0x8C00  }
0xa9: {  	[tilespmem:s17], [sflag:$0x1] =	stream.indirect_vreg.gather [hbm4b:s7+s4], $0x80, v56, vm0, $0xb8;
	[tilespmem:$0x10880] =	vst v63  }
0xaa: {  	v56 =	vld [tilespmem:$0x410];
	_ =	sdelay $0x4  }
0xab: {  	v63 =	vshrl.u32 v56, $0x3  }
0xac: {  	v57 =	vmul.u32 $0xF428, v63  }
0xad: {  	v56 =	vand.u32 $0x7, v56  }
0xae: {  	v56 =	vor.u32 v56, v57  }
0xaf: {  	v57 =	vperm.xlane v56, v2;
	_ =	sdelay $0x1  }
0xb0: {  	v60 =	vperm.xlane v56, v4;
	v57 =	vadd.s32 v3, v57;
	_ =	sdelay $0x1  }
0xb1: {  	v61 =	vperm.xlane v56, v5;
	v58 =	vadd.s32 v3, v60;
	_ =	sdelay $0x1  }
0xb2: {  	s18 =	simm.s32 $0x8C80;
	v59 =	vadd.s32 v3, v61;
	v60 =	vperm.xlane v56, v6  }
0xb3: {  	[tilespmem:s18], [sflag:$0x1] =	stream.indirect_vreg.gather [hbm4b:s7+s4], $0x80, v57, vm0, $0xb8;
	[tilespmem:$0x10880] =	vst v63  }
0xb4: {  	s19 =	simm.s32 $0x8D00;
	v57 =	vadd.s32 v3, v60;
	v60 =	vperm.xlane v56, v7  }
0xb5: {  	[tilespmem:s19], [sflag:$0x1] =	stream.indirect_vreg.gather [hbm4b:s7+s4], $0x80, v58, vm0, $0xb8;
	[tilespmem:$0x10880] =	vst v63  }
0xb6: {  	s21 =	simm.s32 $0x8D80;
	v58 =	vadd.s32 v3, v60;
	v60 =	vperm.xlane v56, v8  }
0xb7: {  	[tilespmem:s21], [sflag:$0x1] =	stream.indirect_vreg.gather [hbm4b:s7+s4], $0x80, v59, vm0, $0xb8;
	[tilespmem:$0x10880] =	vst v63  }
0xb8: {  	s22 =	simm.s32 $0x8E00;
	v59 =	vadd.s32 v3, v60;
	v60 =	vperm.xlane v56, v9  }
0xb9: {  	[tilespmem:s22], [sflag:$0x1] =	stream.indirect_vreg.gather [hbm4b:s7+s4], $0x80, v57, vm0, $0xb8;
	[tilespmem:$0x10880] =	vst v63  }
0xba: {  	s23 =	simm.s32 $0x8E80;
	v57 =	vadd.s32 v3, v60;
	v60 =	vperm.xlane v56, v10  }
0xbb: {  	[tilespmem:s23], [sflag:$0x1] =	stream.indirect_vreg.gather [hbm4b:s7+s4], $0x80, v58, vm0, $0xb8;
	[tilespmem:$0x10880] =	vst v63  }
0xbc: {  	s24 =	simm.s32 $0x8F00;
	v58 =	vadd.s32 v3, v60;
	v60 =	vperm.xlane v56, v11  }
0xbd: {  	[tilespmem:s24], [sflag:$0x1] =	stream.indirect_vreg.gather [hbm4b:s7+s4], $0x80, v59, vm0, $0xb8;
	[tilespmem:$0x10880] =	vst v63  }
0xbe: {  	s25 =	simm.s32 $0x8F80;
	v59 =	vadd.s32 v3, v60;
	v60 =	vperm.xlane v56, v12  }
0xbf: {  	[tilespmem:s25], [sflag:$0x1] =	stream.indirect_vreg.gather [hbm4b:s7+s4], $0x80, v57, vm0, $0xb8;
	[tilespmem:$0x10880] =	vst v63  }
0xc0: {  	s26 =	simm.s32 $0x9000;
	v57 =	vadd.s32 v3, v60;
	v60 =	vperm.xlane v56, v13  }
0xc1: {  	[tilespmem:s26], [sflag:$0x1] =	stream.indirect_vreg.gather [hbm4b:s7+s4], $0x80, v58, vm0, $0xb8;
	[tilespmem:$0x10880] =	vst v63  }
0xc2: {  	s3 =	simm.s32 $0x9080;
	v58 =	vadd.s32 v3, v60;
	v60 =	vperm.xlane v56, v15  }
0xc3: {  	[tilespmem:s3], [sflag:$0x1] =	stream.indirect_vreg.gather [hbm4b:s7+s4], $0x80, v59, vm0, $0xb8;
	[tilespmem:$0x10880] =	vst v63  }
0xc4: {  	s5 =	simm.s32 $0x9100;
	v59 =	vadd.s32 v3, v60;
	v60 =	vperm.xlane v56, v16  }
0xc5: {  	[tilespmem:s5], [sflag:$0x1] =	stream.indirect_vreg.gather [hbm4b:s7+s4], $0x80, v57, vm0, $0xb8;
	[tilespmem:$0x10880] =	vst v63  }
0xc6: {  	s9 =	simm.s32 $0x9180;
	v57 =	vadd.s32 v3, v60;
	v60 =	vperm.xlane v56, v17  }
0xc7: {  	[tilespmem:s9], [sflag:$0x1] =	stream.indirect_vreg.gather [hbm4b:s7+s4], $0x80, v58, vm0, $0xb8;
	[tilespmem:$0x10880] =	vst v63  }
0xc8: {  	s12 =	simm.s32 $0x9200;
	v58 =	vadd.s32 v3, v60;
	v60 =	vperm.xlane v56, v18  }
0xc9: {  	[tilespmem:s12], [sflag:$0x1] =	stream.indirect_vreg.gather [hbm4b:s7+s4], $0x80, v59, vm0, $0xb8;
	[tilespmem:$0x10880] =	vst v63  }
0xca: {  	s16 =	simm.s32 $0x9280;
	v56 =	vperm.xlane v56, v19;
	v62 =	vadd.s32 v3, v60  }
0xcb: {  	[tilespmem:s16], [sflag:$0x1] =	stream.indirect_vreg.gather [hbm4b:s7+s4], $0x80, v57, vm0, $0xb8;
	[tilespmem:$0x10880] =	vst v63  }
0xcc: {  	s17 =	simm.s32 $0x9300;
	v56 =	vadd.s32 v3, v56  }
0xcd: {  	[tilespmem:s17], [sflag:$0x1] =	stream.indirect_vreg.gather [hbm4b:s7+s4], $0x80, v58, vm0, $0xb8;
	[tilespmem:$0x10880] =	vst v63  }
0xce: {  	s18 =	simm.s32 $0x9380  }
0xcf: {  	[tilespmem:s18], [sflag:$0x1] =	stream.indirect_vreg.gather [hbm4b:s7+s4], $0x80, v62, vm0, $0xb8;
	[tilespmem:$0x10880] =	vst v63  }
0xd0: {  	(v2sf) =	vpush v55, $0x1;
	s19 =	simm.s32 $0x9400  }
0xd1: {  	[tilespmem:s19], [sflag:$0x1] =	stream.indirect_vreg.gather [hbm4b:s7+s4], $0x80, v56, vm0, $0xb8;
	[tilespmem:$0x10880] =	vst v63  }
0xd2: {  	v56 =	vld [tilespmem:$0x400];
	_ =	sdelay $0x4  }
0xd3: {  	v63 =	vshrl.u32 v56, $0x3  }
0xd4: {  	v57 =	vmul.u32 $0xF428, v63  }
0xd5: {  	v56 =	vand.u32 $0x7, v56  }
0xd6: {  	v56 =	vor.u32 v56, v57  }
0xd7: {  	v57 =	vperm.xlane v56, v2;
	_ =	sdelay $0x1  }
0xd8: {  	v60 =	vperm.xlane v56, v4;
	v57 =	vadd.s32 v3, v57;
	_ =	sdelay $0x1  }
0xd9: {  	s17 =	spop (v2sf);
	v61 =	vperm.xlane v56, v5;
	v58 =	vadd.s32 v3, v60  }
0xda: {  	s21 =	sand.u32 $0xFFFFF80, s17  }
0xdb: {  	s22 =	simm.s32 $0x1480;
	s7 =	sadd.s32 s1, s21;
	v59 =	vadd.s32 v3, v61;
	v60 =	vperm.xlane v56, v6  }
0xdc: {  	[tilespmem:s22], [sflag:$0x1] =	stream.indirect_vreg.gather [hbm4b:s7+s4], $0x80, v57, vm0, $0xb8;
	[tilespmem:$0x10880] =	vst v63  }
0xdd: {  	s23 =	simm.s32 $0x1500;
	v57 =	vadd.s32 v3, v60;
	v60 =	vperm.xlane v56, v7  }
0xde: {  	[tilespmem:s23], [sflag:$0x1] =	stream.indirect_vreg.gather [hbm4b:s7+s4], $0x80, v58, vm0, $0xb8;
	[tilespmem:$0x10880] =	vst v63  }
0xdf: {  	s24 =	simm.s32 $0x1580;
	v58 =	vadd.s32 v3, v60;
	v60 =	vperm.xlane v56, v8  }
0xe0: {  	[tilespmem:s24], [sflag:$0x1] =	stream.indirect_vreg.gather [hbm4b:s7+s4], $0x80, v59, vm0, $0xb8;
	[tilespmem:$0x10880] =	vst v63  }
0xe1: {  	s25 =	simm.s32 $0x1600;
	v59 =	vadd.s32 v3, v60;
	v60 =	vperm.xlane v56, v9  }
0xe2: {  	[tilespmem:s25], [sflag:$0x1] =	stream.indirect_vreg.gather [hbm4b:s7+s4], $0x80, v57, vm0, $0xb8;
	[tilespmem:$0x10880] =	vst v63  }
0xe3: {  	s26 =	simm.s32 $0x1680;
	v57 =	vadd.s32 v3, v60;
	v60 =	vperm.xlane v56, v10  }
0xe4: {  	[tilespmem:s26], [sflag:$0x1] =	stream.indirect_vreg.gather [hbm4b:s7+s4], $0x80, v58, vm0, $0xb8;
	[tilespmem:$0x10880] =	vst v63  }
0xe5: {  	s3 =	simm.s32 $0x1700;
	v58 =	vadd.s32 v3, v60;
	v60 =	vperm.xlane v56, v11  }
0xe6: {  	[tilespmem:s3], [sflag:$0x1] =	stream.indirect_vreg.gather [hbm4b:s7+s4], $0x80, v59, vm0, $0xb8;
	[tilespmem:$0x10880] =	vst v63  }
0xe7: {  	s5 =	simm.s32 $0x1780;
	v59 =	vadd.s32 v3, v60;
	v60 =	vperm.xlane v56, v12  }
0xe8: {  	[tilespmem:s5], [sflag:$0x1] =	stream.indirect_vreg.gather [hbm4b:s7+s4], $0x80, v57, vm0, $0xb8;
	[tilespmem:$0x10880] =	vst v63  }
0xe9: {  	s9 =	simm.s32 $0x1800;
	v57 =	vadd.s32 v3, v60;
	v60 =	vperm.xlane v56, v13  }
0xea: {  	[tilespmem:s9], [sflag:$0x1] =	stream.indirect_vreg.gather [hbm4b:s7+s4], $0x80, v58, vm0, $0xb8;
	[tilespmem:$0x10880] =	vst v63  }
0xeb: {  	s12 =	simm.s32 $0x1880;
	v58 =	vadd.s32 v3, v60;
	v60 =	vperm.xlane v56, v15  }
0xec: {  	[tilespmem:s12], [sflag:$0x1] =	stream.indirect_vreg.gather [hbm4b:s7+s4], $0x80, v59, vm0, $0xb8;
	[tilespmem:$0x10880] =	vst v63  }
0xed: {  	s16 =	simm.s32 $0x1900;
	v59 =	vadd.s32 v3, v60;
	v60 =	vperm.xlane v56, v16  }
0xee: {  	[tilespmem:s16], [sflag:$0x1] =	stream.indirect_vreg.gather [hbm4b:s7+s4], $0x80, v57, vm0, $0xb8;
	[tilespmem:$0x10880] =	vst v63  }
0xef: {  	s18 =	simm.s32 $0x1980;
	v57 =	vadd.s32 v3, v60;
	v60 =	vperm.xlane v56, v17  }
0xf0: {  	[tilespmem:s18], [sflag:$0x1] =	stream.indirect_vreg.gather [hbm4b:s7+s4], $0x80, v58, vm0, $0xb8;
	[tilespmem:$0x10880] =	vst v63  }
0xf1: {  	s19 =	simm.s32 $0x1A00;
	v58 =	vadd.s32 v3, v60;
	v60 =	vperm.xlane v56, v18  }
0xf2: {  	[tilespmem:s19], [sflag:$0x1] =	stream.indirect_vreg.gather [hbm4b:s7+s4], $0x80, v59, vm0, $0xb8;
	[tilespmem:$0x10880] =	vst v63  }
0xf3: {  	s21 =	simm.s32 $0x1A80;
	v56 =	vperm.xlane v56, v19;
	v62 =	vadd.s32 v3, v60  }
0xf4: {  	[tilespmem:s21], [sflag:$0x1] =	stream.indirect_vreg.gather [hbm4b:s7+s4], $0x80, v57, vm0, $0xb8;
	[tilespmem:$0x10880] =	vst v63  }
0xf5: {  	s22 =	simm.s32 $0x1B00;
	v56 =	vadd.s32 v3, v56  }
0xf6: {  	[tilespmem:s22], [sflag:$0x1] =	stream.indirect_vreg.gather [hbm4b:s7+s4], $0x80, v58, vm0, $0xb8;
	[tilespmem:$0x10880] =	vst v63  }
0xf7: {  	s23 =	simm.s32 $0x1B80  }
0xf8: {  	[tilespmem:s23], [sflag:$0x1] =	stream.indirect_vreg.gather [hbm4b:s7+s4], $0x80, v62, vm0, $0xb8;
	[tilespmem:$0x10880] =	vst v63  }
0xf9: {  	s24 =	simm.s32 $0x1C00  }
0xfa: {  	[tilespmem:s24], [sflag:$0x1] =	stream.indirect_vreg.gather [hbm4b:s7+s4], $0x80, v56, vm0, $0xb8;
	[tilespmem:$0x10880] =	vst v63  }
0xfb: {  	v56 =	vld [tilespmem:$0x410];
	_ =	sdelay $0x4  }
0xfc: {  	v63 =	vshrl.u32 v56, $0x3  }
0xfd: {  	v57 =	vmul.u32 $0xF428, v63  }
0xfe: {  	v56 =	vand.u32 $0x7, v56  }
0xff: {  	v56 =	vor.u32 v56, v57  }
0x100: {  	v57 =	vperm.xlane v56, v2;
	_ =	sdelay $0x1  }
0x101: {  	v60 =	vperm.xlane v56, v4;
	v57 =	vadd.s32 v3, v57;
	_ =	sdelay $0x1  }
0x102: {  	v61 =	vperm.xlane v56, v5;
	v58 =	vadd.s32 v3, v60;
	_ =	sdelay $0x1  }
0x103: {  	s25 =	simm.s32 $0x1C80;
	v59 =	vadd.s32 v3, v61;
	v60 =	vperm.xlane v56, v6  }
0x104: {  	[tilespmem:s25], [sflag:$0x1] =	stream.indirect_vreg.gather [hbm4b:s7+s4], $0x80, v57, vm0, $0xb8;
	[tilespmem:$0x10880] =	vst v63  }
0x105: {  	s26 =	simm.s32 $0x1D00;
	v57 =	vadd.s32 v3, v60;
	v60 =	vperm.xlane v56, v7  }
0x106: {  	[tilespmem:s26], [sflag:$0x1] =	stream.indirect_vreg.gather [hbm4b:s7+s4], $0x80, v58, vm0, $0xb8;
	[tilespmem:$0x10880] =	vst v63  }
0x107: {  	s3 =	simm.s32 $0x1D80;
	v58 =	vadd.s32 v3, v60;
	v60 =	vperm.xlane v56, v8  }
0x108: {  	[tilespmem:s3], [sflag:$0x1] =	stream.indirect_vreg.gather [hbm4b:s7+s4], $0x80, v59, vm0, $0xb8;
	[tilespmem:$0x10880] =	vst v63  }
0x109: {  	s5 =	simm.s32 $0x1E00;
	v59 =	vadd.s32 v3, v60;
	v60 =	vperm.xlane v56, v9  }
0x10a: {  	[tilespmem:s5], [sflag:$0x1] =	stream.indirect_vreg.gather [hbm4b:s7+s4], $0x80, v57, vm0, $0xb8;
	[tilespmem:$0x10880] =	vst v63  }
0x10b: {  	s9 =	simm.s32 $0x1E80;
	v57 =	vadd.s32 v3, v60;
	v60 =	vperm.xlane v56, v10  }
0x10c: {  	[tilespmem:s9], [sflag:$0x1] =	stream.indirect_vreg.gather [hbm4b:s7+s4], $0x80, v58, vm0, $0xb8;
	[tilespmem:$0x10880] =	vst v63  }
0x10d: {  	s12 =	simm.s32 $0x1F00;
	v58 =	vadd.s32 v3, v60;
	v60 =	vperm.xlane v56, v11  }
0x10e: {  	[tilespmem:s12], [sflag:$0x1] =	stream.indirect_vreg.gather [hbm4b:s7+s4], $0x80, v59, vm0, $0xb8;
	[tilespmem:$0x10880] =	vst v63  }
0x10f: {  	s16 =	simm.s32 $0x1F80;
	v59 =	vadd.s32 v3, v60;
	v60 =	vperm.xlane v56, v12  }
0x110: {  	[tilespmem:s16], [sflag:$0x1] =	stream.indirect_vreg.gather [hbm4b:s7+s4], $0x80, v57, vm0, $0xb8;
	[tilespmem:$0x10880] =	vst v63  }
0x111: {  	s18 =	simm.s32 $0x2000;
	v57 =	vadd.s32 v3, v60;
	v60 =	vperm.xlane v56, v13  }
0x112: {  	[tilespmem:s18], [sflag:$0x1] =	stream.indirect_vreg.gather [hbm4b:s7+s4], $0x80, v58, vm0, $0xb8;
	[tilespmem:$0x10880] =	vst v63  }
0x113: {  	s19 =	simm.s32 $0x2080;
	v58 =	vadd.s32 v3, v60;
	v60 =	vperm.xlane v56, v15  }
0x114: {  	[tilespmem:s19], [sflag:$0x1] =	stream.indirect_vreg.gather [hbm4b:s7+s4], $0x80, v59, vm0, $0xb8;
	[tilespmem:$0x10880] =	vst v63  }
0x115: {  	s21 =	simm.s32 $0x2100;
	v59 =	vadd.s32 v3, v60;
	v60 =	vperm.xlane v56, v16  }
0x116: {  	[tilespmem:s21], [sflag:$0x1] =	stream.indirect_vreg.gather [hbm4b:s7+s4], $0x80, v57, vm0, $0xb8;
	[tilespmem:$0x10880] =	vst v63  }
0x117: {  	s22 =	simm.s32 $0x2180;
	v57 =	vadd.s32 v3, v60;
	v60 =	vperm.xlane v56, v17  }
0x118: {  	[tilespmem:s22], [sflag:$0x1] =	stream.indirect_vreg.gather [hbm4b:s7+s4], $0x80, v58, vm0, $0xb8;
	[tilespmem:$0x10880] =	vst v63  }
0x119: {  	s23 =	simm.s32 $0x2200;
	v58 =	vadd.s32 v3, v60;
	v60 =	vperm.xlane v56, v18  }
0x11a: {  	[tilespmem:s23], [sflag:$0x1] =	stream.indirect_vreg.gather [hbm4b:s7+s4], $0x80, v59, vm0, $0xb8;
	[tilespmem:$0x10880] =	vst v63  }
0x11b: {  	s24 =	simm.s32 $0x2280;
	v56 =	vperm.xlane v56, v19;
	v62 =	vadd.s32 v3, v60  }
0x11c: {  	[tilespmem:s24], [sflag:$0x1] =	stream.indirect_vreg.gather [hbm4b:s7+s4], $0x80, v57, vm0, $0xb8;
	[tilespmem:$0x10880] =	vst v63  }
0x11d: {  	s25 =	simm.s32 $0x2300;
	v56 =	vadd.s32 v3, v56  }
0x11e: {  	[tilespmem:s25], [sflag:$0x1] =	stream.indirect_vreg.gather [hbm4b:s7+s4], $0x80, v58, vm0, $0xb8;
	[tilespmem:$0x10880] =	vst v63  }
0x11f: {  	s26 =	simm.s32 $0x2380  }
0x120: {  	[tilespmem:s26], [sflag:$0x1] =	stream.indirect_vreg.gather [hbm4b:s7+s4], $0x80, v62, vm0, $0xb8;
	[tilespmem:$0x10880] =	vst v63  }
0x121: {  	(v2sf) =	vpush v54, $0x1;
	s3 =	simm.s32 $0x2400  }
0x122: {  	[tilespmem:s3], [sflag:$0x1] =	stream.indirect_vreg.gather [hbm4b:s7+s4], $0x80, v56, vm0, $0xb8;
	[tilespmem:$0x10880] =	vst v63  }
0x123: {  	v56 =	vld [tilespmem:$0x400];
	_ =	sdelay $0x4  }
0x124: {  	v63 =	vshrl.u32 v56, $0x3  }
0x125: {  	v57 =	vmul.u32 $0xF428, v63  }
0x126: {  	v56 =	vand.u32 $0x7, v56  }
0x127: {  	v56 =	vor.u32 v56, v57  }
0x128: {  	v57 =	vperm.xlane v56, v2;
	_ =	sdelay $0x1  }
0x129: {  	v60 =	vperm.xlane v56, v4;
	v57 =	vadd.s32 v3, v57;
	_ =	sdelay $0x1  }
0x12a: {  	s18 =	spop (v2sf);
	v61 =	vperm.xlane v56, v5;
	v58 =	vadd.s32 v3, v60  }
0x12b: {  	s5 =	sand.u32 $0xFFFFF80, s18  }
0x12c: {  	s9 =	simm.s32 $0x9480;
	s7 =	sadd.s32 s2, s5;
	v59 =	vadd.s32 v3, v61;
	v60 =	vperm.xlane v56, v6  }
0x12d: {  	[tilespmem:s9], [sflag:$0x1] =	stream.indirect_vreg.gather [hbm4b:s7+s4], $0x80, v57, vm0, $0xb8;
	[tilespmem:$0x10880] =	vst v63  }
0x12e: {  	s12 =	simm.s32 $0x9500;
	v57 =	vadd.s32 v3, v60;
	v60 =	vperm.xlane v56, v7  }
0x12f: {  	[tilespmem:s12], [sflag:$0x1] =	stream.indirect_vreg.gather [hbm4b:s7+s4], $0x80, v58, vm0, $0xb8;
	[tilespmem:$0x10880] =	vst v63  }
0x130: {  	s16 =	simm.s32 $0x9580;
	v58 =	vadd.s32 v3, v60;
	v60 =	vperm.xlane v56, v8  }
0x131: {  	[tilespmem:s16], [sflag:$0x1] =	stream.indirect_vreg.gather [hbm4b:s7+s4], $0x80, v59, vm0, $0xb8;
	[tilespmem:$0x10880] =	vst v63  }
0x132: {  	s19 =	simm.s32 $0x9600;
	v59 =	vadd.s32 v3, v60;
	v60 =	vperm.xlane v56, v9  }
0x133: {  	[tilespmem:s19], [sflag:$0x1] =	stream.indirect_vreg.gather [hbm4b:s7+s4], $0x80, v57, vm0, $0xb8;
	[tilespmem:$0x10880] =	vst v63  }
0x134: {  	s21 =	simm.s32 $0x9680;
	v57 =	vadd.s32 v3, v60;
	v60 =	vperm.xlane v56, v10  }
0x135: {  	[tilespmem:s21], [sflag:$0x1] =	stream.indirect_vreg.gather [hbm4b:s7+s4], $0x80, v58, vm0, $0xb8;
	[tilespmem:$0x10880] =	vst v63  }
0x136: {  	s22 =	simm.s32 $0x9700;
	v58 =	vadd.s32 v3, v60;
	v60 =	vperm.xlane v56, v11  }
0x137: {  	[tilespmem:s22], [sflag:$0x1] =	stream.indirect_vreg.gather [hbm4b:s7+s4], $0x80, v59, vm0, $0xb8;
	[tilespmem:$0x10880] =	vst v63  }
0x138: {  	s23 =	simm.s32 $0x9780;
	v59 =	vadd.s32 v3, v60;
	v60 =	vperm.xlane v56, v12  }
0x139: {  	[tilespmem:s23], [sflag:$0x1] =	stream.indirect_vreg.gather [hbm4b:s7+s4], $0x80, v57, vm0, $0xb8;
	[tilespmem:$0x10880] =	vst v63  }
0x13a: {  	s24 =	simm.s32 $0x9800;
	v57 =	vadd.s32 v3, v60;
	v60 =	vperm.xlane v56, v13  }
0x13b: {  	[tilespmem:s24], [sflag:$0x1] =	stream.indirect_vreg.gather [hbm4b:s7+s4], $0x80, v58, vm0, $0xb8;
	[tilespmem:$0x10880] =	vst v63  }
0x13c: {  	s25 =	simm.s32 $0x9880;
	v58 =	vadd.s32 v3, v60;
	v60 =	vperm.xlane v56, v15  }
0x13d: {  	[tilespmem:s25], [sflag:$0x1] =	stream.indirect_vreg.gather [hbm4b:s7+s4], $0x80, v59, vm0, $0xb8;
	[tilespmem:$0x10880] =	vst v63  }
0x13e: {  	s26 =	simm.s32 $0x9900;
	v59 =	vadd.s32 v3, v60;
	v60 =	vperm.xlane v56, v16  }
0x13f: {  	[tilespmem:s26], [sflag:$0x1] =	stream.indirect_vreg.gather [hbm4b:s7+s4], $0x80, v57, vm0, $0xb8;
	[tilespmem:$0x10880] =	vst v63  }
0x140: {  	s3 =	simm.s32 $0x9980;
	v57 =	vadd.s32 v3, v60;
	v60 =	vperm.xlane v56, v17  }
0x141: {  	[tilespmem:s3], [sflag:$0x1] =	stream.indirect_vreg.gather [hbm4b:s7+s4], $0x80, v58, vm0, $0xb8;
	[tilespmem:$0x10880] =	vst v63  }
0x142: {  	s5 =	simm.s32 $0x9A00;
	v58 =	vadd.s32 v3, v60;
	v60 =	vperm.xlane v56, v18  }
0x143: {  	[tilespmem:s5], [sflag:$0x1] =	stream.indirect_vreg.gather [hbm4b:s7+s4], $0x80, v59, vm0, $0xb8;
	[tilespmem:$0x10880] =	vst v63  }
0x144: {  	s9 =	simm.s32 $0x9A80;
	v56 =	vperm.xlane v56, v19;
	v62 =	vadd.s32 v3, v60  }
0x145: {  	[tilespmem:s9], [sflag:$0x1] =	stream.indirect_vreg.gather [hbm4b:s7+s4], $0x80, v57, vm0, $0xb8;
	[tilespmem:$0x10880] =	vst v63  }
0x146: {  	s12 =	simm.s32 $0x9B00;
	v56 =	vadd.s32 v3, v56  }
0x147: {  	[tilespmem:s12], [sflag:$0x1] =	stream.indirect_vreg.gather [hbm4b:s7+s4], $0x80, v58, vm0, $0xb8;
	[tilespmem:$0x10880] =	vst v63  }
0x148: {  	s16 =	simm.s32 $0x9B80  }
0x149: {  	[tilespmem:s16], [sflag:$0x1] =	stream.indirect_vreg.gather [hbm4b:s7+s4], $0x80, v62, vm0, $0xb8;
	[tilespmem:$0x10880] =	vst v63  }
0x14a: {  	s19 =	simm.s32 $0x9C00  }
0x14b: {  	[tilespmem:s19], [sflag:$0x1] =	stream.indirect_vreg.gather [hbm4b:s7+s4], $0x80, v56, vm0, $0xb8;
	[tilespmem:$0x10880] =	vst v63  }
0x14c: {  	v56 =	vld [tilespmem:$0x410];
	_ =	sdelay $0x4  }
0x14d: {  	v63 =	vshrl.u32 v56, $0x3  }
0x14e: {  	v57 =	vmul.u32 $0xF428, v63  }
0x14f: {  	v56 =	vand.u32 $0x7, v56  }
0x150: {  	v56 =	vor.u32 v56, v57  }
0x151: {  	v57 =	vperm.xlane v56, v2;
	_ =	sdelay $0x1  }
0x152: {  	v60 =	vperm.xlane v56, v4;
	v57 =	vadd.s32 v3, v57;
	_ =	sdelay $0x1  }
0x153: {  	v61 =	vperm.xlane v56, v5;
	v58 =	vadd.s32 v3, v60;
	_ =	sdelay $0x1  }
0x154: {  	s21 =	simm.s32 $0x9C80;
	v59 =	vadd.s32 v3, v61;
	v60 =	vperm.xlane v56, v6  }
0x155: {  	[tilespmem:s21], [sflag:$0x1] =	stream.indirect_vreg.gather [hbm4b:s7+s4], $0x80, v57, vm0, $0xb8;
	[tilespmem:$0x10880] =	vst v63  }
0x156: {  	s22 =	simm.s32 $0x9D00;
	v57 =	vadd.s32 v3, v60;
	v60 =	vperm.xlane v56, v7  }
0x157: {  	[tilespmem:s22], [sflag:$0x1] =	stream.indirect_vreg.gather [hbm4b:s7+s4], $0x80, v58, vm0, $0xb8;
	[tilespmem:$0x10880] =	vst v63  }
0x158: {  	s23 =	simm.s32 $0x9D80;
	v58 =	vadd.s32 v3, v60;
	v60 =	vperm.xlane v56, v8  }
0x159: {  	[tilespmem:s23], [sflag:$0x1] =	stream.indirect_vreg.gather [hbm4b:s7+s4], $0x80, v59, vm0, $0xb8;
	[tilespmem:$0x10880] =	vst v63  }
0x15a: {  	s24 =	simm.s32 $0x9E00;
	v59 =	vadd.s32 v3, v60;
	v60 =	vperm.xlane v56, v9  }
0x15b: {  	[tilespmem:s24], [sflag:$0x1] =	stream.indirect_vreg.gather [hbm4b:s7+s4], $0x80, v57, vm0, $0xb8;
	[tilespmem:$0x10880] =	vst v63  }
0x15c: {  	s25 =	simm.s32 $0x9E80;
	v57 =	vadd.s32 v3, v60;
	v60 =	vperm.xlane v56, v10  }
0x15d: {  	[tilespmem:s25], [sflag:$0x1] =	stream.indirect_vreg.gather [hbm4b:s7+s4], $0x80, v58, vm0, $0xb8;
	[tilespmem:$0x10880] =	vst v63  }
0x15e: {  	s26 =	simm.s32 $0x9F00;
	v58 =	vadd.s32 v3, v60;
	v60 =	vperm.xlane v56, v11  }
0x15f: {  	[tilespmem:s26], [sflag:$0x1] =	stream.indirect_vreg.gather [hbm4b:s7+s4], $0x80, v59, vm0, $0xb8;
	[tilespmem:$0x10880] =	vst v63  }
0x160: {  	s3 =	simm.s32 $0x9F80;
	v59 =	vadd.s32 v3, v60;
	v60 =	vperm.xlane v56, v12  }
0x161: {  	[tilespmem:s3], [sflag:$0x1] =	stream.indirect_vreg.gather [hbm4b:s7+s4], $0x80, v57, vm0, $0xb8;
	[tilespmem:$0x10880] =	vst v63  }
0x162: {  	s5 =	simm.s32 $0xA000;
	v57 =	vadd.s32 v3, v60;
	v60 =	vperm.xlane v56, v13  }
0x163: {  	[tilespmem:s5], [sflag:$0x1] =	stream.indirect_vreg.gather [hbm4b:s7+s4], $0x80, v58, vm0, $0xb8;
	[tilespmem:$0x10880] =	vst v63  }
0x164: {  	s9 =	simm.s32 $0xA080;
	v58 =	vadd.s32 v3, v60;
	v60 =	vperm.xlane v56, v15  }
0x165: {  	[tilespmem:s9], [sflag:$0x1] =	stream.indirect_vreg.gather [hbm4b:s7+s4], $0x80, v59, vm0, $0xb8;
	[tilespmem:$0x10880] =	vst v63  }
0x166: {  	s12 =	simm.s32 $0xA100;
	v59 =	vadd.s32 v3, v60;
	v60 =	vperm.xlane v56, v16  }
0x167: {  	[tilespmem:s12], [sflag:$0x1] =	stream.indirect_vreg.gather [hbm4b:s7+s4], $0x80, v57, vm0, $0xb8;
	[tilespmem:$0x10880] =	vst v63  }
0x168: {  	s16 =	simm.s32 $0xA180;
	v57 =	vadd.s32 v3, v60;
	v60 =	vperm.xlane v56, v17  }
0x169: {  	[tilespmem:s16], [sflag:$0x1] =	stream.indirect_vreg.gather [hbm4b:s7+s4], $0x80, v58, vm0, $0xb8;
	[tilespmem:$0x10880] =	vst v63  }
0x16a: {  	s19 =	simm.s32 $0xA200;
	v58 =	vadd.s32 v3, v60;
	v60 =	vperm.xlane v56, v18  }
0x16b: {  	[tilespmem:s19], [sflag:$0x1] =	stream.indirect_vreg.gather [hbm4b:s7+s4], $0x80, v59, vm0, $0xb8;
	[tilespmem:$0x10880] =	vst v63  }
0x16c: {  	s21 =	simm.s32 $0xA280;
	v56 =	vperm.xlane v56, v19;
	v62 =	vadd.s32 v3, v60  }
0x16d: {  	[tilespmem:s21], [sflag:$0x1] =	stream.indirect_vreg.gather [hbm4b:s7+s4], $0x80, v57, vm0, $0xb8;
	[tilespmem:$0x10880] =	vst v63  }
0x16e: {  	s22 =	simm.s32 $0xA300;
	v56 =	vadd.s32 v3, v56  }
0x16f: {  	[tilespmem:s22], [sflag:$0x1] =	stream.indirect_vreg.gather [hbm4b:s7+s4], $0x80, v58, vm0, $0xb8;
	[tilespmem:$0x10880] =	vst v63  }
0x170: {  	s23 =	simm.s32 $0xA380  }
0x171: {  	[tilespmem:s23], [sflag:$0x1] =	stream.indirect_vreg.gather [hbm4b:s7+s4], $0x80, v62, vm0, $0xb8;
	[tilespmem:$0x10880] =	vst v63  }
0x172: {  	(v2sf) =	vpush v55, $0x2;
	s24 =	simm.s32 $0xA400  }
0x173: {  	[tilespmem:s24], [sflag:$0x1] =	stream.indirect_vreg.gather [hbm4b:s7+s4], $0x80, v56, vm0, $0xb8;
	[tilespmem:$0x10880] =	vst v63  }
0x174: {  	v56 =	vld [tilespmem:$0x400];
	_ =	sdelay $0x4  }
0x175: {  	v63 =	vshrl.u32 v56, $0x3  }
0x176: {  	v57 =	vmul.u32 $0xF428, v63  }
0x177: {  	v56 =	vand.u32 $0x7, v56  }
0x178: {  	v56 =	vor.u32 v56, v57  }
0x179: {  	v57 =	vperm.xlane v56, v2;
	_ =	sdelay $0x1  }
0x17a: {  	v60 =	vperm.xlane v56, v4;
	v57 =	vadd.s32 v3, v57;
	_ =	sdelay $0x1  }
0x17b: {  	s22 =	spop (v2sf);
	v61 =	vperm.xlane v56, v5;
	v58 =	vadd.s32 v3, v60  }
0x17c: {  	s25 =	sand.u32 $0xFFFFF80, s22  }
0x17d: {  	s26 =	simm.s32 $0x2480;
	s7 =	sadd.s32 s1, s25;
	v59 =	vadd.s32 v3, v61;
	v60 =	vperm.xlane v56, v6  }
0x17e: {  	[tilespmem:s26], [sflag:$0x1] =	stream.indirect_vreg.gather [hbm4b:s7+s4], $0x80, v57, vm0, $0xb8;
	[tilespmem:$0x10880] =	vst v63  }
0x17f: {  	s3 =	simm.s32 $0x2500;
	v57 =	vadd.s32 v3, v60;
	v60 =	vperm.xlane v56, v7  }
0x180: {  	[tilespmem:s3], [sflag:$0x1] =	stream.indirect_vreg.gather [hbm4b:s7+s4], $0x80, v58, vm0, $0xb8;
	[tilespmem:$0x10880] =	vst v63  }
0x181: {  	s5 =	simm.s32 $0x2580;
	v58 =	vadd.s32 v3, v60;
	v60 =	vperm.xlane v56, v8  }
0x182: {  	[tilespmem:s5], [sflag:$0x1] =	stream.indirect_vreg.gather [hbm4b:s7+s4], $0x80, v59, vm0, $0xb8;
	[tilespmem:$0x10880] =	vst v63  }
0x183: {  	s9 =	simm.s32 $0x2600;
	v59 =	vadd.s32 v3, v60;
	v60 =	vperm.xlane v56, v9  }
0x184: {  	[tilespmem:s9], [sflag:$0x1] =	stream.indirect_vreg.gather [hbm4b:s7+s4], $0x80, v57, vm0, $0xb8;
	[tilespmem:$0x10880] =	vst v63  }
0x185: {  	s12 =	simm.s32 $0x2680;
	v57 =	vadd.s32 v3, v60;
	v60 =	vperm.xlane v56, v10  }
0x186: {  	[tilespmem:s12], [sflag:$0x1] =	stream.indirect_vreg.gather [hbm4b:s7+s4], $0x80, v58, vm0, $0xb8;
	[tilespmem:$0x10880] =	vst v63  }
0x187: {  	s16 =	simm.s32 $0x2700;
	v58 =	vadd.s32 v3, v60;
	v60 =	vperm.xlane v56, v11  }
0x188: {  	[tilespmem:s16], [sflag:$0x1] =	stream.indirect_vreg.gather [hbm4b:s7+s4], $0x80, v59, vm0, $0xb8;
	[tilespmem:$0x10880] =	vst v63  }
0x189: {  	s19 =	simm.s32 $0x2780;
	v59 =	vadd.s32 v3, v60;
	v60 =	vperm.xlane v56, v12  }
0x18a: {  	[tilespmem:s19], [sflag:$0x1] =	stream.indirect_vreg.gather [hbm4b:s7+s4], $0x80, v57, vm0, $0xb8;
	[tilespmem:$0x10880] =	vst v63  }
0x18b: {  	s21 =	simm.s32 $0x2800;
	v57 =	vadd.s32 v3, v60;
	v60 =	vperm.xlane v56, v13  }
0x18c: {  	[tilespmem:s21], [sflag:$0x1] =	stream.indirect_vreg.gather [hbm4b:s7+s4], $0x80, v58, vm0, $0xb8;
	[tilespmem:$0x10880] =	vst v63  }
0x18d: {  	s23 =	simm.s32 $0x2880;
	v58 =	vadd.s32 v3, v60;
	v60 =	vperm.xlane v56, v15  }
0x18e: {  	[tilespmem:s23], [sflag:$0x1] =	stream.indirect_vreg.gather [hbm4b:s7+s4], $0x80, v59, vm0, $0xb8;
	[tilespmem:$0x10880] =	vst v63  }
0x18f: {  	s24 =	simm.s32 $0x2900;
	v59 =	vadd.s32 v3, v60;
	v60 =	vperm.xlane v56, v16  }
0x190: {  	[tilespmem:s24], [sflag:$0x1] =	stream.indirect_vreg.gather [hbm4b:s7+s4], $0x80, v57, vm0, $0xb8;
	[tilespmem:$0x10880] =	vst v63  }
0x191: {  	s25 =	simm.s32 $0x2980;
	v57 =	vadd.s32 v3, v60;
	v60 =	vperm.xlane v56, v17  }
0x192: {  	[tilespmem:s25], [sflag:$0x1] =	stream.indirect_vreg.gather [hbm4b:s7+s4], $0x80, v58, vm0, $0xb8;
	[tilespmem:$0x10880] =	vst v63  }
0x193: {  	s26 =	simm.s32 $0x2A00;
	v58 =	vadd.s32 v3, v60;
	v60 =	vperm.xlane v56, v18  }
0x194: {  	[tilespmem:s26], [sflag:$0x1] =	stream.indirect_vreg.gather [hbm4b:s7+s4], $0x80, v59, vm0, $0xb8;
	[tilespmem:$0x10880] =	vst v63  }
0x195: {  	s3 =	simm.s32 $0x2A80;
	v56 =	vperm.xlane v56, v19;
	v62 =	vadd.s32 v3, v60  }
0x196: {  	[tilespmem:s3], [sflag:$0x1] =	stream.indirect_vreg.gather [hbm4b:s7+s4], $0x80, v57, vm0, $0xb8;
	[tilespmem:$0x10880] =	vst v63  }
0x197: {  	s5 =	simm.s32 $0x2B00;
	v56 =	vadd.s32 v3, v56  }
0x198: {  	[tilespmem:s5], [sflag:$0x1] =	stream.indirect_vreg.gather [hbm4b:s7+s4], $0x80, v58, vm0, $0xb8;
	[tilespmem:$0x10880] =	vst v63  }
0x199: {  	s9 =	simm.s32 $0x2B80  }
0x19a: {  	[tilespmem:s9], [sflag:$0x1] =	stream.indirect_vreg.gather [hbm4b:s7+s4], $0x80, v62, vm0, $0xb8;
	[tilespmem:$0x10880] =	vst v63  }
0x19b: {  	s12 =	simm.s32 $0x2C00  }
0x19c: {  	[tilespmem:s12], [sflag:$0x1] =	stream.indirect_vreg.gather [hbm4b:s7+s4], $0x80, v56, vm0, $0xb8;
	[tilespmem:$0x10880] =	vst v63  }
0x19d: {  	v56 =	vld [tilespmem:$0x410];
	_ =	sdelay $0x4  }
0x19e: {  	v63 =	vshrl.u32 v56, $0x3  }
0x19f: {  	v57 =	vmul.u32 $0xF428, v63  }
0x1a0: {  	v56 =	vand.u32 $0x7, v56  }
0x1a1: {  	v56 =	vor.u32 v56, v57  }
0x1a2: {  	v57 =	vperm.xlane v56, v2;
	_ =	sdelay $0x1  }
0x1a3: {  	v60 =	vperm.xlane v56, v4;
	v57 =	vadd.s32 v3, v57;
	_ =	sdelay $0x1  }
0x1a4: {  	v61 =	vperm.xlane v56, v5;
	v58 =	vadd.s32 v3, v60;
	_ =	sdelay $0x1  }
0x1a5: {  	s16 =	simm.s32 $0x2C80;
	v59 =	vadd.s32 v3, v61;
	v60 =	vperm.xlane v56, v6  }
0x1a6: {  	[tilespmem:s16], [sflag:$0x1] =	stream.indirect_vreg.gather [hbm4b:s7+s4], $0x80, v57, vm0, $0xb8;
	[tilespmem:$0x10880] =	vst v63  }
0x1a7: {  	s19 =	simm.s32 $0x2D00;
	v57 =	vadd.s32 v3, v60;
	v60 =	vperm.xlane v56, v7  }
0x1a8: {  	[tilespmem:s19], [sflag:$0x1] =	stream.indirect_vreg.gather [hbm4b:s7+s4], $0x80, v58, vm0, $0xb8;
	[tilespmem:$0x10880] =	vst v63  }
0x1a9: {  	s21 =	simm.s32 $0x2D80;
	v58 =	vadd.s32 v3, v60;
	v60 =	vperm.xlane v56, v8  }
0x1aa: {  	[tilespmem:s21], [sflag:$0x1] =	stream.indirect_vreg.gather [hbm4b:s7+s4], $0x80, v59, vm0, $0xb8;
	[tilespmem:$0x10880] =	vst v63  }
0x1ab: {  	s23 =	simm.s32 $0x2E00;
	v59 =	vadd.s32 v3, v60;
	v60 =	vperm.xlane v56, v9  }
0x1ac: {  	[tilespmem:s23], [sflag:$0x1] =	stream.indirect_vreg.gather [hbm4b:s7+s4], $0x80, v57, vm0, $0xb8;
	[tilespmem:$0x10880] =	vst v63  }
0x1ad: {  	s24 =	simm.s32 $0x2E80;
	v57 =	vadd.s32 v3, v60;
	v60 =	vperm.xlane v56, v10  }
0x1ae: {  	[tilespmem:s24], [sflag:$0x1] =	stream.indirect_vreg.gather [hbm4b:s7+s4], $0x80, v58, vm0, $0xb8;
	[tilespmem:$0x10880] =	vst v63  }
0x1af: {  	s25 =	simm.s32 $0x2F00;
	v58 =	vadd.s32 v3, v60;
	v60 =	vperm.xlane v56, v11  }
0x1b0: {  	[tilespmem:s25], [sflag:$0x1] =	stream.indirect_vreg.gather [hbm4b:s7+s4], $0x80, v59, vm0, $0xb8;
	[tilespmem:$0x10880] =	vst v63  }
0x1b1: {  	s26 =	simm.s32 $0x2F80;
	v59 =	vadd.s32 v3, v60;
	v60 =	vperm.xlane v56, v12  }
0x1b2: {  	[tilespmem:s26], [sflag:$0x1] =	stream.indirect_vreg.gather [hbm4b:s7+s4], $0x80, v57, vm0, $0xb8;
	[tilespmem:$0x10880] =	vst v63  }
0x1b3: {  	s3 =	simm.s32 $0x3000;
	v57 =	vadd.s32 v3, v60;
	v60 =	vperm.xlane v56, v13  }
0x1b4: {  	[tilespmem:s3], [sflag:$0x1] =	stream.indirect_vreg.gather [hbm4b:s7+s4], $0x80, v58, vm0, $0xb8;
	[tilespmem:$0x10880] =	vst v63  }
0x1b5: {  	s5 =	simm.s32 $0x3080;
	v58 =	vadd.s32 v3, v60;
	v60 =	vperm.xlane v56, v15  }
0x1b6: {  	[tilespmem:s5], [sflag:$0x1] =	stream.indirect_vreg.gather [hbm4b:s7+s4], $0x80, v59, vm0, $0xb8;
	[tilespmem:$0x10880] =	vst v63  }
0x1b7: {  	s9 =	simm.s32 $0x3100;
	v59 =	vadd.s32 v3, v60;
	v60 =	vperm.xlane v56, v16  }
0x1b8: {  	[tilespmem:s9], [sflag:$0x1] =	stream.indirect_vreg.gather [hbm4b:s7+s4], $0x80, v57, vm0, $0xb8;
	[tilespmem:$0x10880] =	vst v63  }
0x1b9: {  	s12 =	simm.s32 $0x3180;
	v57 =	vadd.s32 v3, v60;
	v60 =	vperm.xlane v56, v17  }
0x1ba: {  	[tilespmem:s12], [sflag:$0x1] =	stream.indirect_vreg.gather [hbm4b:s7+s4], $0x80, v58, vm0, $0xb8;
	[tilespmem:$0x10880] =	vst v63  }
0x1bb: {  	s16 =	simm.s32 $0x3200;
	v58 =	vadd.s32 v3, v60;
	v60 =	vperm.xlane v56, v18  }
0x1bc: {  	[tilespmem:s16], [sflag:$0x1] =	stream.indirect_vreg.gather [hbm4b:s7+s4], $0x80, v59, vm0, $0xb8;
	[tilespmem:$0x10880] =	vst v63  }
0x1bd: {  	s19 =	simm.s32 $0x3280;
	v56 =	vperm.xlane v56, v19;
	v62 =	vadd.s32 v3, v60  }
0x1be: {  	[tilespmem:s19], [sflag:$0x1] =	stream.indirect_vreg.gather [hbm4b:s7+s4], $0x80, v57, vm0, $0xb8;
	[tilespmem:$0x10880] =	vst v63  }
0x1bf: {  	s21 =	simm.s32 $0x3300;
	v56 =	vadd.s32 v3, v56  }
0x1c0: {  	[tilespmem:s21], [sflag:$0x1] =	stream.indirect_vreg.gather [hbm4b:s7+s4], $0x80, v58, vm0, $0xb8;
	[tilespmem:$0x10880] =	vst v63  }
0x1c1: {  	s23 =	simm.s32 $0x3380  }
0x1c2: {  	[tilespmem:s23], [sflag:$0x1] =	stream.indirect_vreg.gather [hbm4b:s7+s4], $0x80, v62, vm0, $0xb8;
	[tilespmem:$0x10880] =	vst v63  }
0x1c3: {  	(v2sf) =	vpush v54, $0x2;
	s24 =	simm.s32 $0x3400  }
0x1c4: {  	[tilespmem:s24], [sflag:$0x1] =	stream.indirect_vreg.gather [hbm4b:s7+s4], $0x80, v56, vm0, $0xb8;
	[tilespmem:$0x10880] =	vst v63  }
0x1c5: {  	v56 =	vld [tilespmem:$0x400];
	_ =	sdelay $0x4  }
0x1c6: {  	v63 =	vshrl.u32 v56, $0x3  }
0x1c7: {  	v57 =	vmul.u32 $0xF428, v63  }
0x1c8: {  	v56 =	vand.u32 $0x7, v56  }
0x1c9: {  	v56 =	vor.u32 v56, v57  }
0x1ca: {  	v57 =	vperm.xlane v56, v2;
	_ =	sdelay $0x1  }
0x1cb: {  	v60 =	vperm.xlane v56, v4;
	v57 =	vadd.s32 v3, v57;
	_ =	sdelay $0x1  }
0x1cc: {  	s23 =	spop (v2sf);
	v61 =	vperm.xlane v56, v5;
	v58 =	vadd.s32 v3, v60  }
0x1cd: {  	s25 =	sand.u32 $0xFFFFF80, s23  }
0x1ce: {  	s26 =	simm.s32 $0xA480;
	s7 =	sadd.s32 s2, s25;
	v59 =	vadd.s32 v3, v61;
	v60 =	vperm.xlane v56, v6  }
0x1cf: {  	[tilespmem:s26], [sflag:$0x1] =	stream.indirect_vreg.gather [hbm4b:s7+s4], $0x80, v57, vm0, $0xb8;
	[tilespmem:$0x10880] =	vst v63  }
0x1d0: {  	s3 =	simm.s32 $0xA500;
	v57 =	vadd.s32 v3, v60;
	v60 =	vperm.xlane v56, v7  }
0x1d1: {  	[tilespmem:s3], [sflag:$0x1] =	stream.indirect_vreg.gather [hbm4b:s7+s4], $0x80, v58, vm0, $0xb8;
	[tilespmem:$0x10880] =	vst v63  }
0x1d2: {  	s5 =	simm.s32 $0xA580;
	v58 =	vadd.s32 v3, v60;
	v60 =	vperm.xlane v56, v8  }
0x1d3: {  	[tilespmem:s5], [sflag:$0x1] =	stream.indirect_vreg.gather [hbm4b:s7+s4], $0x80, v59, vm0, $0xb8;
	[tilespmem:$0x10880] =	vst v63  }
0x1d4: {  	s9 =	simm.s32 $0xA600;
	v59 =	vadd.s32 v3, v60;
	v60 =	vperm.xlane v56, v9  }
0x1d5: {  	[tilespmem:s9], [sflag:$0x1] =	stream.indirect_vreg.gather [hbm4b:s7+s4], $0x80, v57, vm0, $0xb8;
	[tilespmem:$0x10880] =	vst v63  }
0x1d6: {  	s12 =	simm.s32 $0xA680;
	v57 =	vadd.s32 v3, v60;
	v60 =	vperm.xlane v56, v10  }
0x1d7: {  	[tilespmem:s12], [sflag:$0x1] =	stream.indirect_vreg.gather [hbm4b:s7+s4], $0x80, v58, vm0, $0xb8;
	[tilespmem:$0x10880] =	vst v63  }
0x1d8: {  	s16 =	simm.s32 $0xA700;
	v58 =	vadd.s32 v3, v60;
	v60 =	vperm.xlane v56, v11  }
0x1d9: {  	[tilespmem:s16], [sflag:$0x1] =	stream.indirect_vreg.gather [hbm4b:s7+s4], $0x80, v59, vm0, $0xb8;
	[tilespmem:$0x10880] =	vst v63  }
0x1da: {  	s19 =	simm.s32 $0xA780;
	v59 =	vadd.s32 v3, v60;
	v60 =	vperm.xlane v56, v12  }
0x1db: {  	[tilespmem:s19], [sflag:$0x1] =	stream.indirect_vreg.gather [hbm4b:s7+s4], $0x80, v57, vm0, $0xb8;
	[tilespmem:$0x10880] =	vst v63  }
0x1dc: {  	s21 =	simm.s32 $0xA800;
	v57 =	vadd.s32 v3, v60;
	v60 =	vperm.xlane v56, v13  }
0x1dd: {  	[tilespmem:s21], [sflag:$0x1] =	stream.indirect_vreg.gather [hbm4b:s7+s4], $0x80, v58, vm0, $0xb8;
	[tilespmem:$0x10880] =	vst v63  }
0x1de: {  	s24 =	simm.s32 $0xA880;
	v58 =	vadd.s32 v3, v60;
	v60 =	vperm.xlane v56, v15  }
0x1df: {  	[tilespmem:s24], [sflag:$0x1] =	stream.indirect_vreg.gather [hbm4b:s7+s4], $0x80, v59, vm0, $0xb8;
	[tilespmem:$0x10880] =	vst v63  }
0x1e0: {  	s25 =	simm.s32 $0xA900;
	v59 =	vadd.s32 v3, v60;
	v60 =	vperm.xlane v56, v16  }
0x1e1: {  	[tilespmem:s25], [sflag:$0x1] =	stream.indirect_vreg.gather [hbm4b:s7+s4], $0x80, v57, vm0, $0xb8;
	[tilespmem:$0x10880] =	vst v63  }
0x1e2: {  	s26 =	simm.s32 $0xA980;
	v57 =	vadd.s32 v3, v60;
	v60 =	vperm.xlane v56, v17  }
0x1e3: {  	[tilespmem:s26], [sflag:$0x1] =	stream.indirect_vreg.gather [hbm4b:s7+s4], $0x80, v58, vm0, $0xb8;
	[tilespmem:$0x10880] =	vst v63  }
0x1e4: {  	s3 =	simm.s32 $0xAA00;
	v58 =	vadd.s32 v3, v60;
	v60 =	vperm.xlane v56, v18  }
0x1e5: {  	[tilespmem:s3], [sflag:$0x1] =	stream.indirect_vreg.gather [hbm4b:s7+s4], $0x80, v59, vm0, $0xb8;
	[tilespmem:$0x10880] =	vst v63  }
0x1e6: {  	s5 =	simm.s32 $0xAA80;
	v56 =	vperm.xlane v56, v19;
	v62 =	vadd.s32 v3, v60  }
0x1e7: {  	[tilespmem:s5], [sflag:$0x1] =	stream.indirect_vreg.gather [hbm4b:s7+s4], $0x80, v57, vm0, $0xb8;
	[tilespmem:$0x10880] =	vst v63  }
0x1e8: {  	s9 =	simm.s32 $0xAB00;
	v56 =	vadd.s32 v3, v56  }
0x1e9: {  	[tilespmem:s9], [sflag:$0x1] =	stream.indirect_vreg.gather [hbm4b:s7+s4], $0x80, v58, vm0, $0xb8;
	[tilespmem:$0x10880] =	vst v63  }
0x1ea: {  	s12 =	simm.s32 $0xAB80  }
0x1eb: {  	[tilespmem:s12], [sflag:$0x1] =	stream.indirect_vreg.gather [hbm4b:s7+s4], $0x80, v62, vm0, $0xb8;
	[tilespmem:$0x10880] =	vst v63  }
0x1ec: {  	s16 =	simm.s32 $0xAC00  }
0x1ed: {  	[tilespmem:s16], [sflag:$0x1] =	stream.indirect_vreg.gather [hbm4b:s7+s4], $0x80, v56, vm0, $0xb8;
	[tilespmem:$0x10880] =	vst v63  }
0x1ee: {  	v56 =	vld [tilespmem:$0x410];
	_ =	sdelay $0x4  }
0x1ef: {  	v63 =	vshrl.u32 v56, $0x3  }
0x1f0: {  	v57 =	vmul.u32 $0xF428, v63  }
0x1f1: {  	v56 =	vand.u32 $0x7, v56  }
0x1f2: {  	v56 =	vor.u32 v56, v57  }
0x1f3: {  	v57 =	vperm.xlane v56, v2;
	_ =	sdelay $0x1  }
0x1f4: {  	v60 =	vperm.xlane v56, v4;
	v57 =	vadd.s32 v3, v57;
	_ =	sdelay $0x1  }
0x1f5: {  	v61 =	vperm.xlane v56, v5;
	v58 =	vadd.s32 v3, v60;
	_ =	sdelay $0x1  }
0x1f6: {  	s19 =	simm.s32 $0xAC80;
	v59 =	vadd.s32 v3, v61;
	v60 =	vperm.xlane v56, v6  }
0x1f7: {  	[tilespmem:s19], [sflag:$0x1] =	stream.indirect_vreg.gather [hbm4b:s7+s4], $0x80, v57, vm0, $0xb8;
	[tilespmem:$0x10880] =	vst v63  }
0x1f8: {  	s21 =	simm.s32 $0xAD00;
	v57 =	vadd.s32 v3, v60;
	v60 =	vperm.xlane v56, v7  }
0x1f9: {  	[tilespmem:s21], [sflag:$0x1] =	stream.indirect_vreg.gather [hbm4b:s7+s4], $0x80, v58, vm0, $0xb8;
	[tilespmem:$0x10880] =	vst v63  }
0x1fa: {  	s24 =	simm.s32 $0xAD80;
	v58 =	vadd.s32 v3, v60;
	v60 =	vperm.xlane v56, v8  }
0x1fb: {  	[tilespmem:s24], [sflag:$0x1] =	stream.indirect_vreg.gather [hbm4b:s7+s4], $0x80, v59, vm0, $0xb8;
	[tilespmem:$0x10880] =	vst v63  }
0x1fc: {  	s25 =	simm.s32 $0xAE00;
	v59 =	vadd.s32 v3, v60;
	v60 =	vperm.xlane v56, v9  }
0x1fd: {  	[tilespmem:s25], [sflag:$0x1] =	stream.indirect_vreg.gather [hbm4b:s7+s4], $0x80, v57, vm0, $0xb8;
	[tilespmem:$0x10880] =	vst v63  }
0x1fe: {  	s26 =	simm.s32 $0xAE80;
	v57 =	vadd.s32 v3, v60;
	v60 =	vperm.xlane v56, v10  }
0x1ff: {  	[tilespmem:s26], [sflag:$0x1] =	stream.indirect_vreg.gather [hbm4b:s7+s4], $0x80, v58, vm0, $0xb8;
	[tilespmem:$0x10880] =	vst v63  }
0x200: {  	s3 =	simm.s32 $0xAF00;
	v58 =	vadd.s32 v3, v60;
	v60 =	vperm.xlane v56, v11  }
0x201: {  	[tilespmem:s3], [sflag:$0x1] =	stream.indirect_vreg.gather [hbm4b:s7+s4], $0x80, v59, vm0, $0xb8;
	[tilespmem:$0x10880] =	vst v63  }
0x202: {  	s5 =	simm.s32 $0xAF80;
	v59 =	vadd.s32 v3, v60;
	v60 =	vperm.xlane v56, v12  }
0x203: {  	[tilespmem:s5], [sflag:$0x1] =	stream.indirect_vreg.gather [hbm4b:s7+s4], $0x80, v57, vm0, $0xb8;
	[tilespmem:$0x10880] =	vst v63  }
0x204: {  	s9 =	simm.s32 $0xB000;
	v57 =	vadd.s32 v3, v60;
	v60 =	vperm.xlane v56, v13  }
0x205: {  	[tilespmem:s9], [sflag:$0x1] =	stream.indirect_vreg.gather [hbm4b:s7+s4], $0x80, v58, vm0, $0xb8;
	[tilespmem:$0x10880] =	vst v63  }
0x206: {  	s12 =	simm.s32 $0xB080;
	v58 =	vadd.s32 v3, v60;
	v60 =	vperm.xlane v56, v15  }
0x207: {  	[tilespmem:s12], [sflag:$0x1] =	stream.indirect_vreg.gather [hbm4b:s7+s4], $0x80, v59, vm0, $0xb8;
	[tilespmem:$0x10880] =	vst v63  }
0x208: {  	s16 =	simm.s32 $0xB100;
	v59 =	vadd.s32 v3, v60;
	v60 =	vperm.xlane v56, v16  }
0x209: {  	[tilespmem:s16], [sflag:$0x1] =	stream.indirect_vreg.gather [hbm4b:s7+s4], $0x80, v57, vm0, $0xb8;
	[tilespmem:$0x10880] =	vst v63  }
0x20a: {  	s19 =	simm.s32 $0xB180;
	v57 =	vadd.s32 v3, v60;
	v60 =	vperm.xlane v56, v17  }
0x20b: {  	[tilespmem:s19], [sflag:$0x1] =	stream.indirect_vreg.gather [hbm4b:s7+s4], $0x80, v58, vm0, $0xb8;
	[tilespmem:$0x10880] =	vst v63  }
0x20c: {  	s21 =	simm.s32 $0xB200;
	v58 =	vadd.s32 v3, v60;
	v60 =	vperm.xlane v56, v18  }
0x20d: {  	[tilespmem:s21], [sflag:$0x1] =	stream.indirect_vreg.gather [hbm4b:s7+s4], $0x80, v59, vm0, $0xb8;
	[tilespmem:$0x10880] =	vst v63  }
0x20e: {  	s24 =	simm.s32 $0xB280;
	v56 =	vperm.xlane v56, v19;
	v62 =	vadd.s32 v3, v60  }
0x20f: {  	[tilespmem:s24], [sflag:$0x1] =	stream.indirect_vreg.gather [hbm4b:s7+s4], $0x80, v57, vm0, $0xb8;
	[tilespmem:$0x10880] =	vst v63  }
0x210: {  	s25 =	simm.s32 $0xB300;
	v56 =	vadd.s32 v3, v56  }
0x211: {  	[tilespmem:s25], [sflag:$0x1] =	stream.indirect_vreg.gather [hbm4b:s7+s4], $0x80, v58, vm0, $0xb8;
	[tilespmem:$0x10880] =	vst v63  }
0x212: {  	s26 =	simm.s32 $0xB380  }
0x213: {  	[tilespmem:s26], [sflag:$0x1] =	stream.indirect_vreg.gather [hbm4b:s7+s4], $0x80, v62, vm0, $0xb8;
	[tilespmem:$0x10880] =	vst v63  }
0x214: {  	(v2sf) =	vpush v55, $0x3;
	s3 =	simm.s32 $0xB400  }
0x215: {  	[tilespmem:s3], [sflag:$0x1] =	stream.indirect_vreg.gather [hbm4b:s7+s4], $0x80, v56, vm0, $0xb8;
	[tilespmem:$0x10880] =	vst v63  }
0x216: {  	v56 =	vld [tilespmem:$0x400];
	_ =	sdelay $0x4  }
0x217: {  	v63 =	vshrl.u32 v56, $0x3  }
0x218: {  	v57 =	vmul.u32 $0xF428, v63  }
0x219: {  	v56 =	vand.u32 $0x7, v56  }
0x21a: {  	v56 =	vor.u32 v56, v57  }
0x21b: {  	v57 =	vperm.xlane v56, v2;
	_ =	sdelay $0x1  }
0x21c: {  	v60 =	vperm.xlane v56, v4;
	v57 =	vadd.s32 v3, v57;
	_ =	sdelay $0x1  }
0x21d: {  	s26 =	spop (v2sf);
	v61 =	vperm.xlane v56, v5;
	v58 =	vadd.s32 v3, v60  }
0x21e: {  	s5 =	sand.u32 $0xFFFFF80, s26  }
0x21f: {  	s9 =	simm.s32 $0x3480;
	s7 =	sadd.s32 s1, s5;
	v59 =	vadd.s32 v3, v61;
	v60 =	vperm.xlane v56, v6  }
0x220: {  	[tilespmem:s9], [sflag:$0x1] =	stream.indirect_vreg.gather [hbm4b:s7+s4], $0x80, v57, vm0, $0xb8;
	[tilespmem:$0x10880] =	vst v63  }
0x221: {  	s12 =	simm.s32 $0x3500;
	v57 =	vadd.s32 v3, v60;
	v60 =	vperm.xlane v56, v7  }
0x222: {  	[tilespmem:s12], [sflag:$0x1] =	stream.indirect_vreg.gather [hbm4b:s7+s4], $0x80, v58, vm0, $0xb8;
	[tilespmem:$0x10880] =	vst v63  }
0x223: {  	s16 =	simm.s32 $0x3580;
	v58 =	vadd.s32 v3, v60;
	v60 =	vperm.xlane v56, v8  }
0x224: {  	[tilespmem:s16], [sflag:$0x1] =	stream.indirect_vreg.gather [hbm4b:s7+s4], $0x80, v59, vm0, $0xb8;
	[tilespmem:$0x10880] =	vst v63  }
0x225: {  	s19 =	simm.s32 $0x3600;
	v59 =	vadd.s32 v3, v60;
	v60 =	vperm.xlane v56, v9  }
0x226: {  	[tilespmem:s19], [sflag:$0x1] =	stream.indirect_vreg.gather [hbm4b:s7+s4], $0x80, v57, vm0, $0xb8;
	[tilespmem:$0x10880] =	vst v63  }
0x227: {  	s21 =	simm.s32 $0x3680;
	v57 =	vadd.s32 v3, v60;
	v60 =	vperm.xlane v56, v10  }
0x228: {  	[tilespmem:s21], [sflag:$0x1] =	stream.indirect_vreg.gather [hbm4b:s7+s4], $0x80, v58, vm0, $0xb8;
	[tilespmem:$0x10880] =	vst v63  }
0x229: {  	s24 =	simm.s32 $0x3700;
	v58 =	vadd.s32 v3, v60;
	v60 =	vperm.xlane v56, v11  }
0x22a: {  	[tilespmem:s24], [sflag:$0x1] =	stream.indirect_vreg.gather [hbm4b:s7+s4], $0x80, v59, vm0, $0xb8;
	[tilespmem:$0x10880] =	vst v63  }
0x22b: {  	s25 =	simm.s32 $0x3780;
	v59 =	vadd.s32 v3, v60;
	v60 =	vperm.xlane v56, v12  }
0x22c: {  	[tilespmem:s25], [sflag:$0x1] =	stream.indirect_vreg.gather [hbm4b:s7+s4], $0x80, v57, vm0, $0xb8;
	[tilespmem:$0x10880] =	vst v63  }
0x22d: {  	s3 =	simm.s32 $0x3800;
	v57 =	vadd.s32 v3, v60;
	v60 =	vperm.xlane v56, v13  }
0x22e: {  	[tilespmem:s3], [sflag:$0x1] =	stream.indirect_vreg.gather [hbm4b:s7+s4], $0x80, v58, vm0, $0xb8;
	[tilespmem:$0x10880] =	vst v63  }
0x22f: {  	s5 =	simm.s32 $0x3880;
	v58 =	vadd.s32 v3, v60;
	v60 =	vperm.xlane v56, v15  }
0x230: {  	[tilespmem:s5], [sflag:$0x1] =	stream.indirect_vreg.gather [hbm4b:s7+s4], $0x80, v59, vm0, $0xb8;
	[tilespmem:$0x10880] =	vst v63  }
0x231: {  	s9 =	simm.s32 $0x3900;
	v59 =	vadd.s32 v3, v60;
	v60 =	vperm.xlane v56, v16  }
0x232: {  	[tilespmem:s9], [sflag:$0x1] =	stream.indirect_vreg.gather [hbm4b:s7+s4], $0x80, v57, vm0, $0xb8;
	[tilespmem:$0x10880] =	vst v63  }
0x233: {  	s12 =	simm.s32 $0x3980;
	v57 =	vadd.s32 v3, v60;
	v60 =	vperm.xlane v56, v17  }
0x234: {  	[tilespmem:s12], [sflag:$0x1] =	stream.indirect_vreg.gather [hbm4b:s7+s4], $0x80, v58, vm0, $0xb8;
	[tilespmem:$0x10880] =	vst v63  }
0x235: {  	s16 =	simm.s32 $0x3A00;
	v58 =	vadd.s32 v3, v60;
	v60 =	vperm.xlane v56, v18  }
0x236: {  	[tilespmem:s16], [sflag:$0x1] =	stream.indirect_vreg.gather [hbm4b:s7+s4], $0x80, v59, vm0, $0xb8;
	[tilespmem:$0x10880] =	vst v63  }
0x237: {  	s19 =	simm.s32 $0x3A80;
	v56 =	vperm.xlane v56, v19;
	v62 =	vadd.s32 v3, v60  }
0x238: {  	[tilespmem:s19], [sflag:$0x1] =	stream.indirect_vreg.gather [hbm4b:s7+s4], $0x80, v57, vm0, $0xb8;
	[tilespmem:$0x10880] =	vst v63  }
0x239: {  	s21 =	simm.s32 $0x3B00;
	v56 =	vadd.s32 v3, v56  }
0x23a: {  	[tilespmem:s21], [sflag:$0x1] =	stream.indirect_vreg.gather [hbm4b:s7+s4], $0x80, v58, vm0, $0xb8;
	[tilespmem:$0x10880] =	vst v63  }
0x23b: {  	s24 =	simm.s32 $0x3B80  }
0x23c: {  	[tilespmem:s24], [sflag:$0x1] =	stream.indirect_vreg.gather [hbm4b:s7+s4], $0x80, v62, vm0, $0xb8;
	[tilespmem:$0x10880] =	vst v63  }
0x23d: {  	s25 =	simm.s32 $0x3C00  }
0x23e: {  	[tilespmem:s25], [sflag:$0x1] =	stream.indirect_vreg.gather [hbm4b:s7+s4], $0x80, v56, vm0, $0xb8;
	[tilespmem:$0x10880] =	vst v63  }
0x23f: {  	v56 =	vld [tilespmem:$0x410];
	_ =	sdelay $0x4  }
0x240: {  	v63 =	vshrl.u32 v56, $0x3  }
0x241: {  	v57 =	vmul.u32 $0xF428, v63  }
0x242: {  	v56 =	vand.u32 $0x7, v56  }
0x243: {  	v56 =	vor.u32 v56, v57  }
0x244: {  	v57 =	vperm.xlane v56, v2;
	_ =	sdelay $0x1  }
0x245: {  	v60 =	vperm.xlane v56, v4;
	v57 =	vadd.s32 v3, v57;
	_ =	sdelay $0x1  }
0x246: {  	v61 =	vperm.xlane v56, v5;
	v58 =	vadd.s32 v3, v60;
	_ =	sdelay $0x1  }
0x247: {  	s3 =	simm.s32 $0x3C80;
	v59 =	vadd.s32 v3, v61;
	v60 =	vperm.xlane v56, v6  }
0x248: {  	[tilespmem:s3], [sflag:$0x1] =	stream.indirect_vreg.gather [hbm4b:s7+s4], $0x80, v57, vm0, $0xb8;
	[tilespmem:$0x10880] =	vst v63  }
0x249: {  	s5 =	simm.s32 $0x3D00;
	v57 =	vadd.s32 v3, v60;
	v60 =	vperm.xlane v56, v7  }
0x24a: {  	[tilespmem:s5], [sflag:$0x1] =	stream.indirect_vreg.gather [hbm4b:s7+s4], $0x80, v58, vm0, $0xb8;
	[tilespmem:$0x10880] =	vst v63  }
0x24b: {  	s9 =	simm.s32 $0x3D80;
	v58 =	vadd.s32 v3, v60;
	v60 =	vperm.xlane v56, v8  }
0x24c: {  	[tilespmem:s9], [sflag:$0x1] =	stream.indirect_vreg.gather [hbm4b:s7+s4], $0x80, v59, vm0, $0xb8;
	[tilespmem:$0x10880] =	vst v63  }
0x24d: {  	s12 =	simm.s32 $0x3E00;
	v59 =	vadd.s32 v3, v60;
	v60 =	vperm.xlane v56, v9  }
0x24e: {  	[tilespmem:s12], [sflag:$0x1] =	stream.indirect_vreg.gather [hbm4b:s7+s4], $0x80, v57, vm0, $0xb8;
	[tilespmem:$0x10880] =	vst v63  }
0x24f: {  	s16 =	simm.s32 $0x3E80;
	v57 =	vadd.s32 v3, v60;
	v60 =	vperm.xlane v56, v10  }
0x250: {  	[tilespmem:s16], [sflag:$0x1] =	stream.indirect_vreg.gather [hbm4b:s7+s4], $0x80, v58, vm0, $0xb8;
	[tilespmem:$0x10880] =	vst v63  }
0x251: {  	s19 =	simm.s32 $0x3F00;
	v58 =	vadd.s32 v3, v60;
	v60 =	vperm.xlane v56, v11  }
0x252: {  	[tilespmem:s19], [sflag:$0x1] =	stream.indirect_vreg.gather [hbm4b:s7+s4], $0x80, v59, vm0, $0xb8;
	[tilespmem:$0x10880] =	vst v63  }
0x253: {  	s21 =	simm.s32 $0x3F80;
	v59 =	vadd.s32 v3, v60;
	v60 =	vperm.xlane v56, v12  }
0x254: {  	[tilespmem:s21], [sflag:$0x1] =	stream.indirect_vreg.gather [hbm4b:s7+s4], $0x80, v57, vm0, $0xb8;
	[tilespmem:$0x10880] =	vst v63  }
0x255: {  	s24 =	simm.s32 $0x4000;
	v57 =	vadd.s32 v3, v60;
	v60 =	vperm.xlane v56, v13  }
0x256: {  	[tilespmem:s24], [sflag:$0x1] =	stream.indirect_vreg.gather [hbm4b:s7+s4], $0x80, v58, vm0, $0xb8;
	[tilespmem:$0x10880] =	vst v63  }
0x257: {  	s25 =	simm.s32 $0x4080;
	v58 =	vadd.s32 v3, v60;
	v60 =	vperm.xlane v56, v15  }
0x258: {  	[tilespmem:s25], [sflag:$0x1] =	stream.indirect_vreg.gather [hbm4b:s7+s4], $0x80, v59, vm0, $0xb8;
	[tilespmem:$0x10880] =	vst v63  }
0x259: {  	s3 =	simm.s32 $0x4100;
	v59 =	vadd.s32 v3, v60;
	v60 =	vperm.xlane v56, v16  }
0x25a: {  	[tilespmem:s3], [sflag:$0x1] =	stream.indirect_vreg.gather [hbm4b:s7+s4], $0x80, v57, vm0, $0xb8;
	[tilespmem:$0x10880] =	vst v63  }
0x25b: {  	s5 =	simm.s32 $0x4180;
	v57 =	vadd.s32 v3, v60;
	v60 =	vperm.xlane v56, v17  }
0x25c: {  	[tilespmem:s5], [sflag:$0x1] =	stream.indirect_vreg.gather [hbm4b:s7+s4], $0x80, v58, vm0, $0xb8;
	[tilespmem:$0x10880] =	vst v63  }
0x25d: {  	s9 =	simm.s32 $0x4200;
	v58 =	vadd.s32 v3, v60;
	v60 =	vperm.xlane v56, v18  }
0x25e: {  	[tilespmem:s9], [sflag:$0x1] =	stream.indirect_vreg.gather [hbm4b:s7+s4], $0x80, v59, vm0, $0xb8;
	[tilespmem:$0x10880] =	vst v63  }
0x25f: {  	s12 =	simm.s32 $0x4280;
	v56 =	vperm.xlane v56, v19;
	v62 =	vadd.s32 v3, v60  }
0x260: {  	[tilespmem:s12], [sflag:$0x1] =	stream.indirect_vreg.gather [hbm4b:s7+s4], $0x80, v57, vm0, $0xb8;
	[tilespmem:$0x10880] =	vst v63  }
0x261: {  	s16 =	simm.s32 $0x4300;
	v56 =	vadd.s32 v3, v56  }
0x262: {  	[tilespmem:s16], [sflag:$0x1] =	stream.indirect_vreg.gather [hbm4b:s7+s4], $0x80, v58, vm0, $0xb8;
	[tilespmem:$0x10880] =	vst v63  }
0x263: {  	s19 =	simm.s32 $0x4380  }
0x264: {  	[tilespmem:s19], [sflag:$0x1] =	stream.indirect_vreg.gather [hbm4b:s7+s4], $0x80, v62, vm0, $0xb8;
	[tilespmem:$0x10880] =	vst v63  }
0x265: {  	(v2sf) =	vpush v54, $0x3;
	s21 =	simm.s32 $0x4400  }
0x266: {  	[tilespmem:s21], [sflag:$0x1] =	stream.indirect_vreg.gather [hbm4b:s7+s4], $0x80, v56, vm0, $0xb8;
	[tilespmem:$0x10880] =	vst v63  }
0x267: {  	v56 =	vld [tilespmem:$0x400];
	_ =	sdelay $0x4  }
0x268: {  	v63 =	vshrl.u32 v56, $0x3  }
0x269: {  	v57 =	vmul.u32 $0xF428, v63  }
0x26a: {  	v56 =	vand.u32 $0x7, v56  }
0x26b: {  	v56 =	vor.u32 v56, v57  }
0x26c: {  	v57 =	vperm.xlane v56, v2;
	_ =	sdelay $0x1  }
0x26d: {  	v60 =	vperm.xlane v56, v4;
	v57 =	vadd.s32 v3, v57;
	_ =	sdelay $0x1  }
0x26e: {  	s28 =	spop (v2sf);
	v61 =	vperm.xlane v56, v5;
	v58 =	vadd.s32 v3, v60  }
0x26f: {  	s24 =	sand.u32 $0xFFFFF80, s28  }
0x270: {  	s25 =	simm.s32 $0xB480;
	s7 =	sadd.s32 s2, s24;
	v59 =	vadd.s32 v3, v61;
	v60 =	vperm.xlane v56, v6  }
0x271: {  	[tilespmem:s25], [sflag:$0x1] =	stream.indirect_vreg.gather [hbm4b:s7+s4], $0x80, v57, vm0, $0xb8;
	[tilespmem:$0x10880] =	vst v63  }
0x272: {  	s3 =	simm.s32 $0xB500;
	v57 =	vadd.s32 v3, v60;
	v60 =	vperm.xlane v56, v7  }
0x273: {  	[tilespmem:s3], [sflag:$0x1] =	stream.indirect_vreg.gather [hbm4b:s7+s4], $0x80, v58, vm0, $0xb8;
	[tilespmem:$0x10880] =	vst v63  }
0x274: {  	s5 =	simm.s32 $0xB580;
	v58 =	vadd.s32 v3, v60;
	v60 =	vperm.xlane v56, v8  }
0x275: {  	[tilespmem:s5], [sflag:$0x1] =	stream.indirect_vreg.gather [hbm4b:s7+s4], $0x80, v59, vm0, $0xb8;
	[tilespmem:$0x10880] =	vst v63  }
0x276: {  	s9 =	simm.s32 $0xB600;
	v59 =	vadd.s32 v3, v60;
	v60 =	vperm.xlane v56, v9  }
0x277: {  	[tilespmem:s9], [sflag:$0x1] =	stream.indirect_vreg.gather [hbm4b:s7+s4], $0x80, v57, vm0, $0xb8;
	[tilespmem:$0x10880] =	vst v63  }
0x278: {  	s12 =	simm.s32 $0xB680;
	v57 =	vadd.s32 v3, v60;
	v60 =	vperm.xlane v56, v10  }
0x279: {  	[tilespmem:s12], [sflag:$0x1] =	stream.indirect_vreg.gather [hbm4b:s7+s4], $0x80, v58, vm0, $0xb8;
	[tilespmem:$0x10880] =	vst v63  }
0x27a: {  	s16 =	simm.s32 $0xB700;
	v58 =	vadd.s32 v3, v60;
	v60 =	vperm.xlane v56, v11  }
0x27b: {  	[tilespmem:s16], [sflag:$0x1] =	stream.indirect_vreg.gather [hbm4b:s7+s4], $0x80, v59, vm0, $0xb8;
	[tilespmem:$0x10880] =	vst v63  }
0x27c: {  	s19 =	simm.s32 $0xB780;
	v59 =	vadd.s32 v3, v60;
	v60 =	vperm.xlane v56, v12  }
0x27d: {  	[tilespmem:s19], [sflag:$0x1] =	stream.indirect_vreg.gather [hbm4b:s7+s4], $0x80, v57, vm0, $0xb8;
	[tilespmem:$0x10880] =	vst v63  }
0x27e: {  	s21 =	simm.s32 $0xB800;
	v57 =	vadd.s32 v3, v60;
	v60 =	vperm.xlane v56, v13  }
0x27f: {  	[tilespmem:s21], [sflag:$0x1] =	stream.indirect_vreg.gather [hbm4b:s7+s4], $0x80, v58, vm0, $0xb8;
	[tilespmem:$0x10880] =	vst v63  }
0x280: {  	s24 =	simm.s32 $0xB880;
	v58 =	vadd.s32 v3, v60;
	v60 =	vperm.xlane v56, v15  }
0x281: {  	[tilespmem:s24], [sflag:$0x1] =	stream.indirect_vreg.gather [hbm4b:s7+s4], $0x80, v59, vm0, $0xb8;
	[tilespmem:$0x10880] =	vst v63  }
0x282: {  	s25 =	simm.s32 $0xB900;
	v59 =	vadd.s32 v3, v60;
	v60 =	vperm.xlane v56, v16  }
0x283: {  	[tilespmem:s25], [sflag:$0x1] =	stream.indirect_vreg.gather [hbm4b:s7+s4], $0x80, v57, vm0, $0xb8;
	[tilespmem:$0x10880] =	vst v63  }
0x284: {  	s3 =	simm.s32 $0xB980;
	v57 =	vadd.s32 v3, v60;
	v60 =	vperm.xlane v56, v17  }
0x285: {  	[tilespmem:s3], [sflag:$0x1] =	stream.indirect_vreg.gather [hbm4b:s7+s4], $0x80, v58, vm0, $0xb8;
	[tilespmem:$0x10880] =	vst v63  }
0x286: {  	s5 =	simm.s32 $0xBA00;
	v58 =	vadd.s32 v3, v60;
	v60 =	vperm.xlane v56, v18  }
0x287: {  	[tilespmem:s5], [sflag:$0x1] =	stream.indirect_vreg.gather [hbm4b:s7+s4], $0x80, v59, vm0, $0xb8;
	[tilespmem:$0x10880] =	vst v63  }
0x288: {  	s9 =	simm.s32 $0xBA80;
	v56 =	vperm.xlane v56, v19;
	v62 =	vadd.s32 v3, v60  }
0x289: {  	[tilespmem:s9], [sflag:$0x1] =	stream.indirect_vreg.gather [hbm4b:s7+s4], $0x80, v57, vm0, $0xb8;
	[tilespmem:$0x10880] =	vst v63  }
0x28a: {  	s12 =	simm.s32 $0xBB00;
	v56 =	vadd.s32 v3, v56  }
0x28b: {  	[tilespmem:s12], [sflag:$0x1] =	stream.indirect_vreg.gather [hbm4b:s7+s4], $0x80, v58, vm0, $0xb8;
	[tilespmem:$0x10880] =	vst v63  }
0x28c: {  	s16 =	simm.s32 $0xBB80  }
0x28d: {  	[tilespmem:s16], [sflag:$0x1] =	stream.indirect_vreg.gather [hbm4b:s7+s4], $0x80, v62, vm0, $0xb8;
	[tilespmem:$0x10880] =	vst v63  }
0x28e: {  	s19 =	simm.s32 $0xBC00  }
0x28f: {  	[tilespmem:s19], [sflag:$0x1] =	stream.indirect_vreg.gather [hbm4b:s7+s4], $0x80, v56, vm0, $0xb8;
	[tilespmem:$0x10880] =	vst v63  }
0x290: {  	v56 =	vld [tilespmem:$0x410];
	_ =	sdelay $0x4  }
0x291: {  	v63 =	vshrl.u32 v56, $0x3  }
0x292: {  	v57 =	vmul.u32 $0xF428, v63  }
0x293: {  	v56 =	vand.u32 $0x7, v56  }
0x294: {  	v56 =	vor.u32 v56, v57  }
0x295: {  	v57 =	vperm.xlane v56, v2;
	_ =	sdelay $0x1  }
0x296: {  	v60 =	vperm.xlane v56, v4;
	v57 =	vadd.s32 v3, v57;
	_ =	sdelay $0x1  }
0x297: {  	v61 =	vperm.xlane v56, v5;
	v58 =	vadd.s32 v3, v60;
	_ =	sdelay $0x1  }
0x298: {  	s21 =	simm.s32 $0xBC80;
	v59 =	vadd.s32 v3, v61;
	v60 =	vperm.xlane v56, v6  }
0x299: {  	[tilespmem:s21], [sflag:$0x1] =	stream.indirect_vreg.gather [hbm4b:s7+s4], $0x80, v57, vm0, $0xb8;
	[tilespmem:$0x10880] =	vst v63  }
0x29a: {  	s24 =	simm.s32 $0xBD00;
	v57 =	vadd.s32 v3, v60;
	v60 =	vperm.xlane v56, v7  }
0x29b: {  	[tilespmem:s24], [sflag:$0x1] =	stream.indirect_vreg.gather [hbm4b:s7+s4], $0x80, v58, vm0, $0xb8;
	[tilespmem:$0x10880] =	vst v63  }
0x29c: {  	s25 =	simm.s32 $0xBD80;
	v58 =	vadd.s32 v3, v60;
	v60 =	vperm.xlane v56, v8  }
0x29d: {  	[tilespmem:s25], [sflag:$0x1] =	stream.indirect_vreg.gather [hbm4b:s7+s4], $0x80, v59, vm0, $0xb8;
	[tilespmem:$0x10880] =	vst v63  }
0x29e: {  	s3 =	simm.s32 $0xBE00;
	v59 =	vadd.s32 v3, v60;
	v60 =	vperm.xlane v56, v9  }
0x29f: {  	[tilespmem:s3], [sflag:$0x1] =	stream.indirect_vreg.gather [hbm4b:s7+s4], $0x80, v57, vm0, $0xb8;
	[tilespmem:$0x10880] =	vst v63  }
0x2a0: {  	s5 =	simm.s32 $0xBE80;
	v57 =	vadd.s32 v3, v60;
	v60 =	vperm.xlane v56, v10  }
0x2a1: {  	[tilespmem:s5], [sflag:$0x1] =	stream.indirect_vreg.gather [hbm4b:s7+s4], $0x80, v58, vm0, $0xb8;
	[tilespmem:$0x10880] =	vst v63  }
0x2a2: {  	s9 =	simm.s32 $0xBF00;
	v58 =	vadd.s32 v3, v60;
	v60 =	vperm.xlane v56, v11  }
0x2a3: {  	[tilespmem:s9], [sflag:$0x1] =	stream.indirect_vreg.gather [hbm4b:s7+s4], $0x80, v59, vm0, $0xb8;
	[tilespmem:$0x10880] =	vst v63  }
0x2a4: {  	s12 =	simm.s32 $0xBF80;
	v59 =	vadd.s32 v3, v60;
	v60 =	vperm.xlane v56, v12  }
0x2a5: {  	[tilespmem:s12], [sflag:$0x1] =	stream.indirect_vreg.gather [hbm4b:s7+s4], $0x80, v57, vm0, $0xb8;
	[tilespmem:$0x10880] =	vst v63  }
0x2a6: {  	s16 =	simm.s32 $0xC000;
	v57 =	vadd.s32 v3, v60;
	v60 =	vperm.xlane v56, v13  }
0x2a7: {  	[tilespmem:s16], [sflag:$0x1] =	stream.indirect_vreg.gather [hbm4b:s7+s4], $0x80, v58, vm0, $0xb8;
	[tilespmem:$0x10880] =	vst v63  }
0x2a8: {  	s19 =	simm.s32 $0xC080;
	v58 =	vadd.s32 v3, v60;
	v60 =	vperm.xlane v56, v15  }
0x2a9: {  	[tilespmem:s19], [sflag:$0x1] =	stream.indirect_vreg.gather [hbm4b:s7+s4], $0x80, v59, vm0, $0xb8;
	[tilespmem:$0x10880] =	vst v63  }
0x2aa: {  	s21 =	simm.s32 $0xC100;
	v59 =	vadd.s32 v3, v60;
	v60 =	vperm.xlane v56, v16  }
0x2ab: {  	[tilespmem:s21], [sflag:$0x1] =	stream.indirect_vreg.gather [hbm4b:s7+s4], $0x80, v57, vm0, $0xb8;
	[tilespmem:$0x10880] =	vst v63  }
0x2ac: {  	s24 =	simm.s32 $0xC180;
	v57 =	vadd.s32 v3, v60;
	v60 =	vperm.xlane v56, v17  }
0x2ad: {  	[tilespmem:s24], [sflag:$0x1] =	stream.indirect_vreg.gather [hbm4b:s7+s4], $0x80, v58, vm0, $0xb8;
	[tilespmem:$0x10880] =	vst v63  }
0x2ae: {  	s25 =	simm.s32 $0xC200;
	v58 =	vadd.s32 v3, v60;
	v60 =	vperm.xlane v56, v18  }
0x2af: {  	[tilespmem:s25], [sflag:$0x1] =	stream.indirect_vreg.gather [hbm4b:s7+s4], $0x80, v59, vm0, $0xb8;
	[tilespmem:$0x10880] =	vst v63  }
0x2b0: {  	s3 =	simm.s32 $0xC280;
	v56 =	vperm.xlane v56, v19;
	v62 =	vadd.s32 v3, v60  }
0x2b1: {  	[tilespmem:s3], [sflag:$0x1] =	stream.indirect_vreg.gather [hbm4b:s7+s4], $0x80, v57, vm0, $0xb8;
	[tilespmem:$0x10880] =	vst v63  }
0x2b2: {  	s5 =	simm.s32 $0xC300;
	v56 =	vadd.s32 v3, v56  }
0x2b3: {  	[tilespmem:s5], [sflag:$0x1] =	stream.indirect_vreg.gather [hbm4b:s7+s4], $0x80, v58, vm0, $0xb8;
	[tilespmem:$0x10880] =	vst v63  }
0x2b4: {  	s9 =	simm.s32 $0xC380  }
0x2b5: {  	[tilespmem:s9], [sflag:$0x1] =	stream.indirect_vreg.gather [hbm4b:s7+s4], $0x80, v62, vm0, $0xb8;
	[tilespmem:$0x10880] =	vst v63  }
0x2b6: {  	(v2sf) =	vpush v55, $0x4;
	s12 =	simm.s32 $0xC400  }
0x2b7: {  	[tilespmem:s12], [sflag:$0x1] =	stream.indirect_vreg.gather [hbm4b:s7+s4], $0x80, v56, vm0, $0xb8;
	[tilespmem:$0x10880] =	vst v63  }
0x2b8: {  	v56 =	vld [tilespmem:$0x400];
	_ =	sdelay $0x4  }
0x2b9: {  	v63 =	vshrl.u32 v56, $0x3  }
0x2ba: {  	v57 =	vmul.u32 $0xF428, v63  }
0x2bb: {  	v56 =	vand.u32 $0x7, v56  }
0x2bc: {  	v56 =	vor.u32 v56, v57  }
0x2bd: {  	v57 =	vperm.xlane v56, v2;
	_ =	sdelay $0x1  }
0x2be: {  	v60 =	vperm.xlane v56, v4;
	v57 =	vadd.s32 v3, v57;
	_ =	sdelay $0x1  }
0x2bf: {  	s7 =	spop (v2sf);
	v61 =	vperm.xlane v56, v5;
	v58 =	vadd.s32 v3, v60  }
0x2c0: {  	s16 =	sand.u32 $0xFFFFF80, s7  }
0x2c1: {  	s19 =	simm.s32 $0x4480;
	s16 =	sadd.s32 s1, s16;
	v59 =	vadd.s32 v3, v61;
	v60 =	vperm.xlane v56, v6  }
0x2c2: {  	[tilespmem:s19], [sflag:$0x2] =	stream.indirect_vreg.gather [hbm4b:s16+s4], $0x80, v57, vm0, $0xb8;
	[tilespmem:$0x10880] =	vst v63  }
0x2c3: {  	s21 =	simm.s32 $0x4500;
	v57 =	vadd.s32 v3, v60;
	v60 =	vperm.xlane v56, v7  }
0x2c4: {  	[tilespmem:s21], [sflag:$0x2] =	stream.indirect_vreg.gather [hbm4b:s16+s4], $0x80, v58, vm0, $0xb8;
	[tilespmem:$0x10880] =	vst v63  }
0x2c5: {  	s24 =	simm.s32 $0x4580;
	v58 =	vadd.s32 v3, v60;
	v60 =	vperm.xlane v56, v8  }
0x2c6: {  	[tilespmem:s24], [sflag:$0x2] =	stream.indirect_vreg.gather [hbm4b:s16+s4], $0x80, v59, vm0, $0xb8;
	[tilespmem:$0x10880] =	vst v63  }
0x2c7: {  	s25 =	simm.s32 $0x4600;
	v59 =	vadd.s32 v3, v60;
	v60 =	vperm.xlane v56, v9  }
0x2c8: {  	[tilespmem:s25], [sflag:$0x2] =	stream.indirect_vreg.gather [hbm4b:s16+s4], $0x80, v57, vm0, $0xb8;
	[tilespmem:$0x10880] =	vst v63  }
0x2c9: {  	s0 =	simm.s32 $0x4680;
	v57 =	vadd.s32 v3, v60;
	v60 =	vperm.xlane v56, v10  }
0x2ca: {  	[tilespmem:s0], [sflag:$0x2] =	stream.indirect_vreg.gather [hbm4b:s16+s4], $0x80, v58, vm0, $0xb8;
	[tilespmem:$0x10880] =	vst v63  }
0x2cb: {  	s5 =	simm.s32 $0x4700;
	v58 =	vadd.s32 v3, v60;
	v60 =	vperm.xlane v56, v11  }
0x2cc: {  	[tilespmem:s5], [sflag:$0x2] =	stream.indirect_vreg.gather [hbm4b:s16+s4], $0x80, v59, vm0, $0xb8;
	[tilespmem:$0x10880] =	vst v63  }
0x2cd: {  	s9 =	simm.s32 $0x4780;
	v59 =	vadd.s32 v3, v60;
	v60 =	vperm.xlane v56, v12  }
0x2ce: {  	[tilespmem:s9], [sflag:$0x2] =	stream.indirect_vreg.gather [hbm4b:s16+s4], $0x80, v57, vm0, $0xb8;
	[tilespmem:$0x10880] =	vst v63  }
0x2cf: {  	s12 =	simm.s32 $0x4800;
	v57 =	vadd.s32 v3, v60;
	v60 =	vperm.xlane v56, v13  }
0x2d0: {  	[tilespmem:s12], [sflag:$0x2] =	stream.indirect_vreg.gather [hbm4b:s16+s4], $0x80, v58, vm0, $0xb8;
	[tilespmem:$0x10880] =	vst v63  }
0x2d1: {  	s19 =	simm.s32 $0x4880;
	v58 =	vadd.s32 v3, v60;
	v60 =	vperm.xlane v56, v15  }
0x2d2: {  	[tilespmem:s19], [sflag:$0x2] =	stream.indirect_vreg.gather [hbm4b:s16+s4], $0x80, v59, vm0, $0xb8;
	[tilespmem:$0x10880] =	vst v63  }
0x2d3: {  	s21 =	simm.s32 $0x4900;
	v59 =	vadd.s32 v3, v60;
	v60 =	vperm.xlane v56, v16  }
0x2d4: {  	[tilespmem:s21], [sflag:$0x2] =	stream.indirect_vreg.gather [hbm4b:s16+s4], $0x80, v57, vm0, $0xb8;
	[tilespmem:$0x10880] =	vst v63  }
0x2d5: {  	s24 =	simm.s32 $0x4980;
	v57 =	vadd.s32 v3, v60;
	v60 =	vperm.xlane v56, v17  }
0x2d6: {  	[tilespmem:s24], [sflag:$0x2] =	stream.indirect_vreg.gather [hbm4b:s16+s4], $0x80, v58, vm0, $0xb8;
	[tilespmem:$0x10880] =	vst v63  }
0x2d7: {  	s25 =	simm.s32 $0x4A00;
	v58 =	vadd.s32 v3, v60;
	v60 =	vperm.xlane v56, v18  }
0x2d8: {  	[tilespmem:s25], [sflag:$0x2] =	stream.indirect_vreg.gather [hbm4b:s16+s4], $0x80, v59, vm0, $0xb8;
	[tilespmem:$0x10880] =	vst v63  }
0x2d9: {  	s0 =	simm.s32 $0x4A80;
	v56 =	vperm.xlane v56, v19;
	v62 =	vadd.s32 v3, v60  }
0x2da: {  	[tilespmem:s0], [sflag:$0x2] =	stream.indirect_vreg.gather [hbm4b:s16+s4], $0x80, v57, vm0, $0xb8;
	[tilespmem:$0x10880] =	vst v63  }
0x2db: {  	s5 =	simm.s32 $0x4B00;
	v56 =	vadd.s32 v3, v56  }
0x2dc: {  	[tilespmem:s5], [sflag:$0x2] =	stream.indirect_vreg.gather [hbm4b:s16+s4], $0x80, v58, vm0, $0xb8;
	[tilespmem:$0x10880] =	vst v63  }
0x2dd: {  	s9 =	simm.s32 $0x4B80  }
0x2de: {  	[tilespmem:s9], [sflag:$0x2] =	stream.indirect_vreg.gather [hbm4b:s16+s4], $0x80, v62, vm0, $0xb8;
	[tilespmem:$0x10880] =	vst v63  }
0x2df: {  	s12 =	simm.s32 $0x4C00  }
0x2e0: {  	[tilespmem:s12], [sflag:$0x2] =	stream.indirect_vreg.gather [hbm4b:s16+s4], $0x80, v56, vm0, $0xb8;
	[tilespmem:$0x10880] =	vst v63  }
0x2e1: {  	v56 =	vld [tilespmem:$0x410];
	_ =	sdelay $0x4  }
0x2e2: {  	v63 =	vshrl.u32 v56, $0x3  }
0x2e3: {  	v57 =	vmul.u32 $0xF428, v63  }
0x2e4: {  	v56 =	vand.u32 $0x7, v56  }
0x2e5: {  	v56 =	vor.u32 v56, v57  }
0x2e6: {  	v57 =	vperm.xlane v56, v2;
	_ =	sdelay $0x1  }
0x2e7: {  	v60 =	vperm.xlane v56, v4;
	v57 =	vadd.s32 v3, v57;
	_ =	sdelay $0x1  }
0x2e8: {  	v61 =	vperm.xlane v56, v5;
	v58 =	vadd.s32 v3, v60;
	_ =	sdelay $0x1  }
0x2e9: {  	s19 =	simm.s32 $0x4C80;
	v59 =	vadd.s32 v3, v61;
	v60 =	vperm.xlane v56, v6  }
0x2ea: {  	(v2sf) =	vpush v54, $0x4;
	[tilespmem:s19], [sflag:$0x2] =	stream.indirect_vreg.gather [hbm4b:s16+s4], $0x80, v57, vm0, $0xb8;
	[tilespmem:$0x10880] =	vst v63  }
0x2eb: {  	s21 =	simm.s32 $0x4D00;
	v57 =	vadd.s32 v3, v60;
	v60 =	vperm.xlane v56, v7  }
0x2ec: {  	[tilespmem:s21], [sflag:$0x2] =	stream.indirect_vreg.gather [hbm4b:s16+s4], $0x80, v58, vm0, $0xb8;
	[tilespmem:$0x10880] =	vst v63  }
0x2ed: {  	s24 =	simm.s32 $0x4D80;
	v58 =	vadd.s32 v3, v60;
	v60 =	vperm.xlane v56, v8  }
0x2ee: {  	[tilespmem:s24], [sflag:$0x2] =	stream.indirect_vreg.gather [hbm4b:s16+s4], $0x80, v59, vm0, $0xb8;
	[tilespmem:$0x10880] =	vst v63  }
0x2ef: {  	s25 =	simm.s32 $0x4E00;
	v59 =	vadd.s32 v3, v60;
	v60 =	vperm.xlane v56, v9  }
0x2f0: {  	[tilespmem:s25], [sflag:$0x2] =	stream.indirect_vreg.gather [hbm4b:s16+s4], $0x80, v57, vm0, $0xb8;
	[tilespmem:$0x10880] =	vst v63  }
0x2f1: {  	s3 =	simm.s32 $0x4E80;
	v57 =	vadd.s32 v3, v60;
	v60 =	vperm.xlane v56, v10  }
0x2f2: {  	[tilespmem:s3], [sflag:$0x2] =	stream.indirect_vreg.gather [hbm4b:s16+s4], $0x80, v58, vm0, $0xb8;
	[tilespmem:$0x10880] =	vst v63  }
0x2f3: {  	s5 =	simm.s32 $0x4F00;
	v58 =	vadd.s32 v3, v60;
	v60 =	vperm.xlane v56, v11  }
0x2f4: {  	[tilespmem:s5], [sflag:$0x2] =	stream.indirect_vreg.gather [hbm4b:s16+s4], $0x80, v59, vm0, $0xb8;
	[tilespmem:$0x10880] =	vst v63  }
0x2f5: {  	s9 =	simm.s32 $0x4F80;
	v59 =	vadd.s32 v3, v60;
	v60 =	vperm.xlane v56, v12  }
0x2f6: {  	[tilespmem:s9], [sflag:$0x2] =	stream.indirect_vreg.gather [hbm4b:s16+s4], $0x80, v57, vm0, $0xb8;
	[tilespmem:$0x10880] =	vst v63  }
0x2f7: {  	s12 =	simm.s32 $0x5000;
	v57 =	vadd.s32 v3, v60;
	v60 =	vperm.xlane v56, v13  }
0x2f8: {  	[tilespmem:s12], [sflag:$0x2] =	stream.indirect_vreg.gather [hbm4b:s16+s4], $0x80, v58, vm0, $0xb8;
	[tilespmem:$0x10880] =	vst v63  }
0x2f9: {  	s19 =	simm.s32 $0x5080;
	s9 =	spop (v2sf);
	v58 =	vadd.s32 v3, v60;
	v60 =	vperm.xlane v56, v15  }
0x2fa: {  	[tilespmem:s19], [sflag:$0x2] =	stream.indirect_vreg.gather [hbm4b:s16+s4], $0x80, v59, vm0, $0xb8;
	[tilespmem:$0x10880] =	vst v63  }
0x2fb: {  	s21 =	simm.s32 $0x5100;
	v59 =	vadd.s32 v3, v60;
	v60 =	vperm.xlane v56, v16  }
0x2fc: {  	[tilespmem:s21], [sflag:$0x2] =	stream.indirect_vreg.gather [hbm4b:s16+s4], $0x80, v57, vm0, $0xb8;
	[tilespmem:$0x10880] =	vst v63  }
0x2fd: {  	s24 =	simm.s32 $0x5180;
	v57 =	vadd.s32 v3, v60;
	v60 =	vperm.xlane v56, v17  }
0x2fe: {  	[tilespmem:s24], [sflag:$0x2] =	stream.indirect_vreg.gather [hbm4b:s16+s4], $0x80, v58, vm0, $0xb8;
	[tilespmem:$0x10880] =	vst v63  }
0x2ff: {  	s25 =	simm.s32 $0x5200;
	v58 =	vadd.s32 v3, v60;
	v60 =	vperm.xlane v56, v18  }
0x300: {  	[tilespmem:s25], [sflag:$0x2] =	stream.indirect_vreg.gather [hbm4b:s16+s4], $0x80, v59, vm0, $0xb8;
	[tilespmem:$0x10880] =	vst v63  }
0x301: {  	s3 =	simm.s32 $0x5280;
	v56 =	vperm.xlane v56, v19;
	v62 =	vadd.s32 v3, v60  }
0x302: {  	[tilespmem:s3], [sflag:$0x2] =	stream.indirect_vreg.gather [hbm4b:s16+s4], $0x80, v57, vm0, $0xb8;
	[tilespmem:$0x10880] =	vst v63  }
0x303: {  	s5 =	simm.s32 $0x5300;
	v56 =	vadd.s32 v3, v56  }
0x304: {  	[tilespmem:s5], [sflag:$0x2] =	stream.indirect_vreg.gather [hbm4b:s16+s4], $0x80, v58, vm0, $0xb8;
	[tilespmem:$0x10880] =	vst v63  }
0x305: {  	s12 =	simm.s32 $0x5380  }
0x306: {  	[tilespmem:s12], [sflag:$0x2] =	stream.indirect_vreg.gather [hbm4b:s16+s4], $0x80, v62, vm0, $0xb8;
	[tilespmem:$0x10880] =	vst v63  }
0x307: {  	s19 =	simm.s32 $0x5400  }
0x308: {  	[tilespmem:s19], [sflag:$0x2] =	stream.indirect_vreg.gather [hbm4b:s16+s4], $0x80, v56, vm0, $0xb8;
	[tilespmem:$0x10880] =	vst v63  }
0x309: {  	v56 =	vld [tilespmem:$0x400];
	_ =	sdelay $0x4  }
0x30a: {  	v63 =	vshrl.u32 v56, $0x3  }
0x30b: {  	v57 =	vmul.u32 $0xF428, v63  }
0x30c: {  	v56 =	vand.u32 $0x7, v56  }
0x30d: {  	v56 =	vor.u32 v56, v57  }
0x30e: {  	v57 =	vperm.xlane v56, v2;
	_ =	sdelay $0x1  }
0x30f: {  	v60 =	vperm.xlane v56, v4;
	v57 =	vadd.s32 v3, v57;
	_ =	sdelay $0x1  }
0x310: {  	v61 =	vperm.xlane v56, v5;
	v58 =	vadd.s32 v3, v60  }
0x311: {  	s21 =	sand.u32 $0xFFFFF80, s9  }
0x312: {  	s24 =	simm.s32 $0xC480;
	s16 =	sadd.s32 s2, s21;
	v59 =	vadd.s32 v3, v61;
	v60 =	vperm.xlane v56, v6  }
0x313: {  	[tilespmem:s24], [sflag:$0x2] =	stream.indirect_vreg.gather [hbm4b:s16+s4], $0x80, v57, vm0, $0xb8;
	[tilespmem:$0x10880] =	vst v63  }
0x314: {  	s25 =	simm.s32 $0xC500;
	v57 =	vadd.s32 v3, v60;
	v60 =	vperm.xlane v56, v7  }
0x315: {  	[tilespmem:s25], [sflag:$0x2] =	stream.indirect_vreg.gather [hbm4b:s16+s4], $0x80, v58, vm0, $0xb8;
	[tilespmem:$0x10880] =	vst v63  }
0x316: {  	s0 =	simm.s32 $0xC580;
	v58 =	vadd.s32 v3, v60;
	v60 =	vperm.xlane v56, v8  }
0x317: {  	[tilespmem:s0], [sflag:$0x2] =	stream.indirect_vreg.gather [hbm4b:s16+s4], $0x80, v59, vm0, $0xb8;
	[tilespmem:$0x10880] =	vst v63  }
0x318: {  	s5 =	simm.s32 $0xC600;
	v59 =	vadd.s32 v3, v60;
	v60 =	vperm.xlane v56, v9  }
0x319: {  	[tilespmem:s5], [sflag:$0x2] =	stream.indirect_vreg.gather [hbm4b:s16+s4], $0x80, v57, vm0, $0xb8;
	[tilespmem:$0x10880] =	vst v63  }
0x31a: {  	s12 =	simm.s32 $0xC680;
	v57 =	vadd.s32 v3, v60;
	v60 =	vperm.xlane v56, v10  }
0x31b: {  	[tilespmem:s12], [sflag:$0x2] =	stream.indirect_vreg.gather [hbm4b:s16+s4], $0x80, v58, vm0, $0xb8;
	[tilespmem:$0x10880] =	vst v63  }
0x31c: {  	s19 =	simm.s32 $0xC700;
	v58 =	vadd.s32 v3, v60;
	v60 =	vperm.xlane v56, v11  }
0x31d: {  	[tilespmem:s19], [sflag:$0x2] =	stream.indirect_vreg.gather [hbm4b:s16+s4], $0x80, v59, vm0, $0xb8;
	[tilespmem:$0x10880] =	vst v63  }
0x31e: {  	s21 =	simm.s32 $0xC780;
	v59 =	vadd.s32 v3, v60;
	v60 =	vperm.xlane v56, v12  }
0x31f: {  	[tilespmem:s21], [sflag:$0x2] =	stream.indirect_vreg.gather [hbm4b:s16+s4], $0x80, v57, vm0, $0xb8;
	[tilespmem:$0x10880] =	vst v63  }
0x320: {  	s24 =	simm.s32 $0xC800;
	v57 =	vadd.s32 v3, v60;
	v60 =	vperm.xlane v56, v13  }
0x321: {  	[tilespmem:s24], [sflag:$0x2] =	stream.indirect_vreg.gather [hbm4b:s16+s4], $0x80, v58, vm0, $0xb8;
	[tilespmem:$0x10880] =	vst v63  }
0x322: {  	s25 =	simm.s32 $0xC880;
	v58 =	vadd.s32 v3, v60;
	v60 =	vperm.xlane v56, v15  }
0x323: {  	[tilespmem:s25], [sflag:$0x2] =	stream.indirect_vreg.gather [hbm4b:s16+s4], $0x80, v59, vm0, $0xb8;
	[tilespmem:$0x10880] =	vst v63  }
0x324: {  	s0 =	simm.s32 $0xC900;
	v59 =	vadd.s32 v3, v60;
	v60 =	vperm.xlane v56, v16  }
0x325: {  	[tilespmem:s0], [sflag:$0x2] =	stream.indirect_vreg.gather [hbm4b:s16+s4], $0x80, v57, vm0, $0xb8;
	[tilespmem:$0x10880] =	vst v63  }
0x326: {  	s5 =	simm.s32 $0xC980;
	v57 =	vadd.s32 v3, v60;
	v60 =	vperm.xlane v56, v17  }
0x327: {  	[tilespmem:s5], [sflag:$0x2] =	stream.indirect_vreg.gather [hbm4b:s16+s4], $0x80, v58, vm0, $0xb8;
	[tilespmem:$0x10880] =	vst v63  }
0x328: {  	s12 =	simm.s32 $0xCA00;
	v58 =	vadd.s32 v3, v60;
	v60 =	vperm.xlane v56, v18  }
0x329: {  	[tilespmem:s12], [sflag:$0x2] =	stream.indirect_vreg.gather [hbm4b:s16+s4], $0x80, v59, vm0, $0xb8;
	[tilespmem:$0x10880] =	vst v63  }
0x32a: {  	s19 =	simm.s32 $0xCA80;
	v56 =	vperm.xlane v56, v19;
	v62 =	vadd.s32 v3, v60  }
0x32b: {  	[tilespmem:s19], [sflag:$0x2] =	stream.indirect_vreg.gather [hbm4b:s16+s4], $0x80, v57, vm0, $0xb8;
	[tilespmem:$0x10880] =	vst v63  }
0x32c: {  	s21 =	simm.s32 $0xCB00;
	v56 =	vadd.s32 v3, v56  }
0x32d: {  	[tilespmem:s21], [sflag:$0x2] =	stream.indirect_vreg.gather [hbm4b:s16+s4], $0x80, v58, vm0, $0xb8;
	[tilespmem:$0x10880] =	vst v63  }
0x32e: {  	s24 =	simm.s32 $0xCB80  }
0x32f: {  	[tilespmem:s24], [sflag:$0x2] =	stream.indirect_vreg.gather [hbm4b:s16+s4], $0x80, v62, vm0, $0xb8;
	[tilespmem:$0x10880] =	vst v63  }
0x330: {  	s25 =	simm.s32 $0xCC00  }
0x331: {  	[tilespmem:s25], [sflag:$0x2] =	stream.indirect_vreg.gather [hbm4b:s16+s4], $0x80, v56, vm0, $0xb8;
	[tilespmem:$0x10880] =	vst v63  }
0x332: {  	v56 =	vld [tilespmem:$0x410];
	_ =	sdelay $0x4  }
0x333: {  	v63 =	vshrl.u32 v56, $0x3  }
0x334: {  	v57 =	vmul.u32 $0xF428, v63  }
0x335: {  	v56 =	vand.u32 $0x7, v56  }
0x336: {  	v56 =	vor.u32 v56, v57  }
0x337: {  	v57 =	vperm.xlane v56, v2;
	_ =	sdelay $0x1  }
0x338: {  	v60 =	vperm.xlane v56, v4;
	v57 =	vadd.s32 v3, v57;
	_ =	sdelay $0x1  }
0x339: {  	v61 =	vperm.xlane v56, v5;
	v58 =	vadd.s32 v3, v60;
	_ =	sdelay $0x1  }
0x33a: {  	s0 =	simm.s32 $0xCC80;
	v59 =	vadd.s32 v3, v61;
	v60 =	vperm.xlane v56, v6  }
0x33b: {  	[tilespmem:s0], [sflag:$0x2] =	stream.indirect_vreg.gather [hbm4b:s16+s4], $0x80, v57, vm0, $0xb8;
	[tilespmem:$0x10880] =	vst v63  }
0x33c: {  	s5 =	simm.s32 $0xCD00;
	v57 =	vadd.s32 v3, v60;
	v60 =	vperm.xlane v56, v7  }
0x33d: {  	[tilespmem:s5], [sflag:$0x2] =	stream.indirect_vreg.gather [hbm4b:s16+s4], $0x80, v58, vm0, $0xb8;
	[tilespmem:$0x10880] =	vst v63  }
0x33e: {  	s12 =	simm.s32 $0xCD80;
	v58 =	vadd.s32 v3, v60;
	v60 =	vperm.xlane v56, v8  }
0x33f: {  	[tilespmem:s12], [sflag:$0x2] =	stream.indirect_vreg.gather [hbm4b:s16+s4], $0x80, v59, vm0, $0xb8;
	[tilespmem:$0x10880] =	vst v63  }
0x340: {  	s19 =	simm.s32 $0xCE00;
	v59 =	vadd.s32 v3, v60;
	v60 =	vperm.xlane v56, v9  }
0x341: {  	[tilespmem:s19], [sflag:$0x2] =	stream.indirect_vreg.gather [hbm4b:s16+s4], $0x80, v57, vm0, $0xb8;
	[tilespmem:$0x10880] =	vst v63  }
0x342: {  	s21 =	simm.s32 $0xCE80;
	v57 =	vadd.s32 v3, v60;
	v60 =	vperm.xlane v56, v10  }
0x343: {  	[tilespmem:s21], [sflag:$0x2] =	stream.indirect_vreg.gather [hbm4b:s16+s4], $0x80, v58, vm0, $0xb8;
	[tilespmem:$0x10880] =	vst v63  }
0x344: {  	s24 =	simm.s32 $0xCF00;
	v58 =	vadd.s32 v3, v60;
	v60 =	vperm.xlane v56, v11  }
0x345: {  	[tilespmem:s24], [sflag:$0x2] =	stream.indirect_vreg.gather [hbm4b:s16+s4], $0x80, v59, vm0, $0xb8;
	[tilespmem:$0x10880] =	vst v63  }
0x346: {  	s25 =	simm.s32 $0xCF80;
	v59 =	vadd.s32 v3, v60;
	v60 =	vperm.xlane v56, v12  }
0x347: {  	[tilespmem:s25], [sflag:$0x2] =	stream.indirect_vreg.gather [hbm4b:s16+s4], $0x80, v57, vm0, $0xb8;
	[tilespmem:$0x10880] =	vst v63  }
0x348: {  	s0 =	simm.s32 $0xD000;
	v57 =	vadd.s32 v3, v60;
	v60 =	vperm.xlane v56, v13  }
0x349: {  	[tilespmem:s0], [sflag:$0x2] =	stream.indirect_vreg.gather [hbm4b:s16+s4], $0x80, v58, vm0, $0xb8;
	[tilespmem:$0x10880] =	vst v63  }
0x34a: {  	s5 =	simm.s32 $0xD080;
	v58 =	vadd.s32 v3, v60;
	v60 =	vperm.xlane v56, v15  }
0x34b: {  	[tilespmem:s5], [sflag:$0x2] =	stream.indirect_vreg.gather [hbm4b:s16+s4], $0x80, v59, vm0, $0xb8;
	[tilespmem:$0x10880] =	vst v63  }
0x34c: {  	s12 =	simm.s32 $0xD100;
	v59 =	vadd.s32 v3, v60;
	v60 =	vperm.xlane v56, v16  }
0x34d: {  	[tilespmem:s12], [sflag:$0x2] =	stream.indirect_vreg.gather [hbm4b:s16+s4], $0x80, v57, vm0, $0xb8;
	[tilespmem:$0x10880] =	vst v63  }
0x34e: {  	s19 =	simm.s32 $0xD180;
	v57 =	vadd.s32 v3, v60;
	v60 =	vperm.xlane v56, v17  }
0x34f: {  	[tilespmem:s19], [sflag:$0x2] =	stream.indirect_vreg.gather [hbm4b:s16+s4], $0x80, v58, vm0, $0xb8;
	[tilespmem:$0x10880] =	vst v63  }
0x350: {  	s21 =	simm.s32 $0xD200;
	v58 =	vadd.s32 v3, v60;
	v60 =	vperm.xlane v56, v18  }
0x351: {  	[tilespmem:s21], [sflag:$0x2] =	stream.indirect_vreg.gather [hbm4b:s16+s4], $0x80, v59, vm0, $0xb8;
	[tilespmem:$0x10880] =	vst v63  }
0x352: {  	s24 =	simm.s32 $0xD280;
	v56 =	vperm.xlane v56, v19;
	v62 =	vadd.s32 v3, v60  }
0x353: {  	[tilespmem:s24], [sflag:$0x2] =	stream.indirect_vreg.gather [hbm4b:s16+s4], $0x80, v57, vm0, $0xb8;
	[tilespmem:$0x10880] =	vst v63  }
0x354: {  	s25 =	simm.s32 $0xD300;
	v56 =	vadd.s32 v3, v56  }
0x355: {  	[tilespmem:s25], [sflag:$0x2] =	stream.indirect_vreg.gather [hbm4b:s16+s4], $0x80, v58, vm0, $0xb8;
	[tilespmem:$0x10880] =	vst v63  }
0x356: {  	s0 =	simm.s32 $0xD380  }
0x357: {  	[tilespmem:s0], [sflag:$0x2] =	stream.indirect_vreg.gather [hbm4b:s16+s4], $0x80, v62, vm0, $0xb8;
	[tilespmem:$0x10880] =	vst v63  }
0x358: {  	(v2sf) =	vpush v55, $0x5;
	s5 =	simm.s32 $0xD400  }
0x359: {  	[tilespmem:s5], [sflag:$0x2] =	stream.indirect_vreg.gather [hbm4b:s16+s4], $0x80, v56, vm0, $0xb8;
	[tilespmem:$0x10880] =	vst v63  }
0x35a: {  	v56 =	vld [tilespmem:$0x400];
	_ =	sdelay $0x4  }
0x35b: {  	v63 =	vshrl.u32 v56, $0x3  }
0x35c: {  	v57 =	vmul.u32 $0xF428, v63  }
0x35d: {  	v56 =	vand.u32 $0x7, v56  }
0x35e: {  	v56 =	vor.u32 v56, v57  }
0x35f: {  	v57 =	vperm.xlane v56, v2;
	_ =	sdelay $0x1  }
0x360: {  	v60 =	vperm.xlane v56, v4;
	v57 =	vadd.s32 v3, v57;
	_ =	sdelay $0x1  }
0x361: {  	s16 =	spop (v2sf);
	v61 =	vperm.xlane v56, v5;
	v58 =	vadd.s32 v3, v60  }
0x362: {  	s12 =	sand.u32 $0xFFFFF80, s16  }
0x363: {  	s21 =	simm.s32 $0x5480;
	s19 =	sadd.s32 s1, s12;
	v59 =	vadd.s32 v3, v61;
	v60 =	vperm.xlane v56, v6  }
0x364: {  	[tilespmem:s21], [sflag:$0x2] =	stream.indirect_vreg.gather [hbm4b:s19+s4], $0x80, v57, vm0, $0xb8;
	[tilespmem:$0x10880] =	vst v63  }
0x365: {  	s24 =	simm.s32 $0x5500;
	v57 =	vadd.s32 v3, v60;
	v60 =	vperm.xlane v56, v7  }
0x366: {  	[tilespmem:s24], [sflag:$0x2] =	stream.indirect_vreg.gather [hbm4b:s19+s4], $0x80, v58, vm0, $0xb8;
	[tilespmem:$0x10880] =	vst v63  }
0x367: {  	s25 =	simm.s32 $0x5580;
	v58 =	vadd.s32 v3, v60;
	v60 =	vperm.xlane v56, v8  }
0x368: {  	[tilespmem:s25], [sflag:$0x2] =	stream.indirect_vreg.gather [hbm4b:s19+s4], $0x80, v59, vm0, $0xb8;
	[tilespmem:$0x10880] =	vst v63  }
0x369: {  	s0 =	simm.s32 $0x5600;
	v59 =	vadd.s32 v3, v60;
	v60 =	vperm.xlane v56, v9  }
0x36a: {  	[tilespmem:s0], [sflag:$0x2] =	stream.indirect_vreg.gather [hbm4b:s19+s4], $0x80, v57, vm0, $0xb8;
	[tilespmem:$0x10880] =	vst v63  }
0x36b: {  	s5 =	simm.s32 $0x5680;
	v57 =	vadd.s32 v3, v60;
	v60 =	vperm.xlane v56, v10  }
0x36c: {  	[tilespmem:s5], [sflag:$0x2] =	stream.indirect_vreg.gather [hbm4b:s19+s4], $0x80, v58, vm0, $0xb8;
	[tilespmem:$0x10880] =	vst v63  }
0x36d: {  	s12 =	simm.s32 $0x5700;
	v58 =	vadd.s32 v3, v60;
	v60 =	vperm.xlane v56, v11  }
0x36e: {  	[tilespmem:s12], [sflag:$0x2] =	stream.indirect_vreg.gather [hbm4b:s19+s4], $0x80, v59, vm0, $0xb8;
	[tilespmem:$0x10880] =	vst v63  }
0x36f: {  	s21 =	simm.s32 $0x5780;
	v59 =	vadd.s32 v3, v60;
	v60 =	vperm.xlane v56, v12  }
0x370: {  	[tilespmem:s21], [sflag:$0x2] =	stream.indirect_vreg.gather [hbm4b:s19+s4], $0x80, v57, vm0, $0xb8;
	[tilespmem:$0x10880] =	vst v63  }
0x371: {  	s24 =	simm.s32 $0x5800;
	v57 =	vadd.s32 v3, v60;
	v60 =	vperm.xlane v56, v13  }
0x372: {  	[tilespmem:s24], [sflag:$0x2] =	stream.indirect_vreg.gather [hbm4b:s19+s4], $0x80, v58, vm0, $0xb8;
	[tilespmem:$0x10880] =	vst v63  }
0x373: {  	s25 =	simm.s32 $0x5880;
	v58 =	vadd.s32 v3, v60;
	v60 =	vperm.xlane v56, v15  }
0x374: {  	[tilespmem:s25], [sflag:$0x2] =	stream.indirect_vreg.gather [hbm4b:s19+s4], $0x80, v59, vm0, $0xb8;
	[tilespmem:$0x10880] =	vst v63  }
0x375: {  	s0 =	simm.s32 $0x5900;
	v59 =	vadd.s32 v3, v60;
	v60 =	vperm.xlane v56, v16  }
0x376: {  	[tilespmem:s0], [sflag:$0x2] =	stream.indirect_vreg.gather [hbm4b:s19+s4], $0x80, v57, vm0, $0xb8;
	[tilespmem:$0x10880] =	vst v63  }
0x377: {  	s5 =	simm.s32 $0x5980;
	v57 =	vadd.s32 v3, v60;
	v60 =	vperm.xlane v56, v17  }
0x378: {  	[tilespmem:s5], [sflag:$0x2] =	stream.indirect_vreg.gather [hbm4b:s19+s4], $0x80, v58, vm0, $0xb8;
	[tilespmem:$0x10880] =	vst v63  }
0x379: {  	s12 =	simm.s32 $0x5A00;
	v58 =	vadd.s32 v3, v60;
	v60 =	vperm.xlane v56, v18  }
0x37a: {  	[tilespmem:s12], [sflag:$0x2] =	stream.indirect_vreg.gather [hbm4b:s19+s4], $0x80, v59, vm0, $0xb8;
	[tilespmem:$0x10880] =	vst v63  }
0x37b: {  	s21 =	simm.s32 $0x5A80;
	v56 =	vperm.xlane v56, v19;
	v62 =	vadd.s32 v3, v60  }
0x37c: {  	[tilespmem:s21], [sflag:$0x2] =	stream.indirect_vreg.gather [hbm4b:s19+s4], $0x80, v57, vm0, $0xb8;
	[tilespmem:$0x10880] =	vst v63  }
0x37d: {  	s24 =	simm.s32 $0x5B00;
	v56 =	vadd.s32 v3, v56  }
0x37e: {  	[tilespmem:s24], [sflag:$0x2] =	stream.indirect_vreg.gather [hbm4b:s19+s4], $0x80, v58, vm0, $0xb8;
	[tilespmem:$0x10880] =	vst v63  }
0x37f: {  	s25 =	simm.s32 $0x5B80  }
0x380: {  	[tilespmem:s25], [sflag:$0x2] =	stream.indirect_vreg.gather [hbm4b:s19+s4], $0x80, v62, vm0, $0xb8;
	[tilespmem:$0x10880] =	vst v63  }
0x381: {  	s0 =	simm.s32 $0x5C00  }
0x382: {  	[tilespmem:s0], [sflag:$0x2] =	stream.indirect_vreg.gather [hbm4b:s19+s4], $0x80, v56, vm0, $0xb8;
	[tilespmem:$0x10880] =	vst v63  }
0x383: {  	v56 =	vld [tilespmem:$0x410];
	_ =	sdelay $0x4  }
0x384: {  	v63 =	vshrl.u32 v56, $0x3  }
0x385: {  	v57 =	vmul.u32 $0xF428, v63  }
0x386: {  	v56 =	vand.u32 $0x7, v56  }
0x387: {  	v56 =	vor.u32 v56, v57  }
0x388: {  	v57 =	vperm.xlane v56, v2;
	_ =	sdelay $0x1  }
0x389: {  	v60 =	vperm.xlane v56, v4;
	v57 =	vadd.s32 v3, v57;
	_ =	sdelay $0x1  }
0x38a: {  	v61 =	vperm.xlane v56, v5;
	v58 =	vadd.s32 v3, v60;
	_ =	sdelay $0x1  }
0x38b: {  	s5 =	simm.s32 $0x5C80;
	v59 =	vadd.s32 v3, v61;
	v60 =	vperm.xlane v56, v6  }
0x38c: {  	[tilespmem:s5], [sflag:$0x2] =	stream.indirect_vreg.gather [hbm4b:s19+s4], $0x80, v57, vm0, $0xb8;
	[tilespmem:$0x10880] =	vst v63  }
0x38d: {  	s12 =	simm.s32 $0x5D00;
	v57 =	vadd.s32 v3, v60;
	v60 =	vperm.xlane v56, v7  }
0x38e: {  	[tilespmem:s12], [sflag:$0x2] =	stream.indirect_vreg.gather [hbm4b:s19+s4], $0x80, v58, vm0, $0xb8;
	[tilespmem:$0x10880] =	vst v63  }
0x38f: {  	s21 =	simm.s32 $0x5D80;
	v58 =	vadd.s32 v3, v60;
	v60 =	vperm.xlane v56, v8  }
0x390: {  	[tilespmem:s21], [sflag:$0x2] =	stream.indirect_vreg.gather [hbm4b:s19+s4], $0x80, v59, vm0, $0xb8;
	[tilespmem:$0x10880] =	vst v63  }
0x391: {  	s24 =	simm.s32 $0x5E00;
	v59 =	vadd.s32 v3, v60;
	v60 =	vperm.xlane v56, v9  }
0x392: {  	[tilespmem:s24], [sflag:$0x2] =	stream.indirect_vreg.gather [hbm4b:s19+s4], $0x80, v57, vm0, $0xb8;
	[tilespmem:$0x10880] =	vst v63  }
0x393: {  	s25 =	simm.s32 $0x5E80;
	v57 =	vadd.s32 v3, v60;
	v60 =	vperm.xlane v56, v10  }
0x394: {  	[tilespmem:s25], [sflag:$0x2] =	stream.indirect_vreg.gather [hbm4b:s19+s4], $0x80, v58, vm0, $0xb8;
	[tilespmem:$0x10880] =	vst v63  }
0x395: {  	s0 =	simm.s32 $0x5F00;
	v58 =	vadd.s32 v3, v60;
	v60 =	vperm.xlane v56, v11  }
0x396: {  	[tilespmem:s0], [sflag:$0x2] =	stream.indirect_vreg.gather [hbm4b:s19+s4], $0x80, v59, vm0, $0xb8;
	[tilespmem:$0x10880] =	vst v63  }
0x397: {  	s5 =	simm.s32 $0x5F80;
	v59 =	vadd.s32 v3, v60;
	v60 =	vperm.xlane v56, v12  }
0x398: {  	[tilespmem:s5], [sflag:$0x2] =	stream.indirect_vreg.gather [hbm4b:s19+s4], $0x80, v57, vm0, $0xb8;
	[tilespmem:$0x10880] =	vst v63  }
0x399: {  	s12 =	simm.s32 $0x6000;
	v57 =	vadd.s32 v3, v60;
	v60 =	vperm.xlane v56, v13  }
0x39a: {  	[tilespmem:s12], [sflag:$0x2] =	stream.indirect_vreg.gather [hbm4b:s19+s4], $0x80, v58, vm0, $0xb8;
	[tilespmem:$0x10880] =	vst v63  }
0x39b: {  	s21 =	simm.s32 $0x6080;
	v58 =	vadd.s32 v3, v60;
	v60 =	vperm.xlane v56, v15  }
0x39c: {  	[tilespmem:s21], [sflag:$0x2] =	stream.indirect_vreg.gather [hbm4b:s19+s4], $0x80, v59, vm0, $0xb8;
	[tilespmem:$0x10880] =	vst v63  }
0x39d: {  	s24 =	simm.s32 $0x6100;
	v59 =	vadd.s32 v3, v60;
	v60 =	vperm.xlane v56, v16  }
0x39e: {  	[tilespmem:s24], [sflag:$0x2] =	stream.indirect_vreg.gather [hbm4b:s19+s4], $0x80, v57, vm0, $0xb8;
	[tilespmem:$0x10880] =	vst v63  }
0x39f: {  	s25 =	simm.s32 $0x6180;
	v57 =	vadd.s32 v3, v60;
	v60 =	vperm.xlane v56, v17  }
0x3a0: {  	[tilespmem:s25], [sflag:$0x2] =	stream.indirect_vreg.gather [hbm4b:s19+s4], $0x80, v58, vm0, $0xb8;
	[tilespmem:$0x10880] =	vst v63  }
0x3a1: {  	s0 =	simm.s32 $0x6200;
	v58 =	vadd.s32 v3, v60;
	v60 =	vperm.xlane v56, v18  }
0x3a2: {  	[tilespmem:s0], [sflag:$0x2] =	stream.indirect_vreg.gather [hbm4b:s19+s4], $0x80, v59, vm0, $0xb8;
	[tilespmem:$0x10880] =	vst v63  }
0x3a3: {  	s5 =	simm.s32 $0x6280;
	v56 =	vperm.xlane v56, v19;
	v62 =	vadd.s32 v3, v60  }
0x3a4: {  	[tilespmem:s5], [sflag:$0x2] =	stream.indirect_vreg.gather [hbm4b:s19+s4], $0x80, v57, vm0, $0xb8;
	[tilespmem:$0x10880] =	vst v63  }
0x3a5: {  	s12 =	simm.s32 $0x6300;
	v56 =	vadd.s32 v3, v56  }
0x3a6: {  	[tilespmem:s12], [sflag:$0x2] =	stream.indirect_vreg.gather [hbm4b:s19+s4], $0x80, v58, vm0, $0xb8;
	[tilespmem:$0x10880] =	vst v63  }
0x3a7: {  	s21 =	simm.s32 $0x6380  }
0x3a8: {  	[tilespmem:s21], [sflag:$0x2] =	stream.indirect_vreg.gather [hbm4b:s19+s4], $0x80, v62, vm0, $0xb8;
	[tilespmem:$0x10880] =	vst v63  }
0x3a9: {  	(v2sf) =	vpush v54, $0x5;
	s24 =	simm.s32 $0x6400  }
0x3aa: {  	[tilespmem:s24], [sflag:$0x2] =	stream.indirect_vreg.gather [hbm4b:s19+s4], $0x80, v56, vm0, $0xb8;
	[tilespmem:$0x10880] =	vst v63  }
0x3ab: {  	v56 =	vld [tilespmem:$0x400];
	_ =	sdelay $0x4  }
0x3ac: {  	v63 =	vshrl.u32 v56, $0x3  }
0x3ad: {  	v57 =	vmul.u32 $0xF428, v63  }
0x3ae: {  	v56 =	vand.u32 $0x7, v56  }
0x3af: {  	v56 =	vor.u32 v56, v57  }
0x3b0: {  	v57 =	vperm.xlane v56, v2;
	_ =	sdelay $0x1  }
0x3b1: {  	v60 =	vperm.xlane v56, v4;
	v57 =	vadd.s32 v3, v57;
	_ =	sdelay $0x1  }
0x3b2: {  	s19 =	spop (v2sf);
	v61 =	vperm.xlane v56, v5;
	v58 =	vadd.s32 v3, v60  }
0x3b3: {  	s25 =	sand.u32 $0xFFFFF80, s19  }
0x3b4: {  	s0 =	simm.s32 $0xD480;
	s21 =	sadd.s32 s2, s25;
	v59 =	vadd.s32 v3, v61;
	v60 =	vperm.xlane v56, v6  }
0x3b5: {  	[tilespmem:s0], [sflag:$0x2] =	stream.indirect_vreg.gather [hbm4b:s21+s4], $0x80, v57, vm0, $0xb8;
	[tilespmem:$0x10880] =	vst v63  }
0x3b6: {  	s5 =	simm.s32 $0xD500;
	v57 =	vadd.s32 v3, v60;
	v60 =	vperm.xlane v56, v7  }
0x3b7: {  	[tilespmem:s5], [sflag:$0x2] =	stream.indirect_vreg.gather [hbm4b:s21+s4], $0x80, v58, vm0, $0xb8;
	[tilespmem:$0x10880] =	vst v63  }
0x3b8: {  	s12 =	simm.s32 $0xD580;
	v58 =	vadd.s32 v3, v60;
	v60 =	vperm.xlane v56, v8  }
0x3b9: {  	[tilespmem:s12], [sflag:$0x2] =	stream.indirect_vreg.gather [hbm4b:s21+s4], $0x80, v59, vm0, $0xb8;
	[tilespmem:$0x10880] =	vst v63  }
0x3ba: {  	s24 =	simm.s32 $0xD600;
	v59 =	vadd.s32 v3, v60;
	v60 =	vperm.xlane v56, v9  }
0x3bb: {  	[tilespmem:s24], [sflag:$0x2] =	stream.indirect_vreg.gather [hbm4b:s21+s4], $0x80, v57, vm0, $0xb8;
	[tilespmem:$0x10880] =	vst v63  }
0x3bc: {  	s25 =	simm.s32 $0xD680;
	v57 =	vadd.s32 v3, v60;
	v60 =	vperm.xlane v56, v10  }
0x3bd: {  	[tilespmem:s25], [sflag:$0x2] =	stream.indirect_vreg.gather [hbm4b:s21+s4], $0x80, v58, vm0, $0xb8;
	[tilespmem:$0x10880] =	vst v63  }
0x3be: {  	s0 =	simm.s32 $0xD700;
	v58 =	vadd.s32 v3, v60;
	v60 =	vperm.xlane v56, v11  }
0x3bf: {  	[tilespmem:s0], [sflag:$0x2] =	stream.indirect_vreg.gather [hbm4b:s21+s4], $0x80, v59, vm0, $0xb8;
	[tilespmem:$0x10880] =	vst v63  }
0x3c0: {  	s5 =	simm.s32 $0xD780;
	v59 =	vadd.s32 v3, v60;
	v60 =	vperm.xlane v56, v12  }
0x3c1: {  	[tilespmem:s5], [sflag:$0x2] =	stream.indirect_vreg.gather [hbm4b:s21+s4], $0x80, v57, vm0, $0xb8;
	[tilespmem:$0x10880] =	vst v63  }
0x3c2: {  	s12 =	simm.s32 $0xD800;
	v57 =	vadd.s32 v3, v60;
	v60 =	vperm.xlane v56, v13  }
0x3c3: {  	[tilespmem:s12], [sflag:$0x2] =	stream.indirect_vreg.gather [hbm4b:s21+s4], $0x80, v58, vm0, $0xb8;
	[tilespmem:$0x10880] =	vst v63  }
0x3c4: {  	s24 =	simm.s32 $0xD880;
	v58 =	vadd.s32 v3, v60;
	v60 =	vperm.xlane v56, v15  }
0x3c5: {  	[tilespmem:s24], [sflag:$0x2] =	stream.indirect_vreg.gather [hbm4b:s21+s4], $0x80, v59, vm0, $0xb8;
	[tilespmem:$0x10880] =	vst v63  }
0x3c6: {  	s25 =	simm.s32 $0xD900;
	v59 =	vadd.s32 v3, v60;
	v60 =	vperm.xlane v56, v16  }
0x3c7: {  	[tilespmem:s25], [sflag:$0x2] =	stream.indirect_vreg.gather [hbm4b:s21+s4], $0x80, v57, vm0, $0xb8;
	[tilespmem:$0x10880] =	vst v63  }
0x3c8: {  	s0 =	simm.s32 $0xD980;
	v57 =	vadd.s32 v3, v60;
	v60 =	vperm.xlane v56, v17  }
0x3c9: {  	[tilespmem:s0], [sflag:$0x2] =	stream.indirect_vreg.gather [hbm4b:s21+s4], $0x80, v58, vm0, $0xb8;
	[tilespmem:$0x10880] =	vst v63  }
0x3ca: {  	s5 =	simm.s32 $0xDA00;
	v58 =	vadd.s32 v3, v60;
	v60 =	vperm.xlane v56, v18  }
0x3cb: {  	[tilespmem:s5], [sflag:$0x2] =	stream.indirect_vreg.gather [hbm4b:s21+s4], $0x80, v59, vm0, $0xb8;
	[tilespmem:$0x10880] =	vst v63  }
0x3cc: {  	s12 =	simm.s32 $0xDA80;
	v56 =	vperm.xlane v56, v19;
	v62 =	vadd.s32 v3, v60  }
0x3cd: {  	[tilespmem:s12], [sflag:$0x2] =	stream.indirect_vreg.gather [hbm4b:s21+s4], $0x80, v57, vm0, $0xb8;
	[tilespmem:$0x10880] =	vst v63  }
0x3ce: {  	s24 =	simm.s32 $0xDB00;
	v56 =	vadd.s32 v3, v56  }
0x3cf: {  	[tilespmem:s24], [sflag:$0x2] =	stream.indirect_vreg.gather [hbm4b:s21+s4], $0x80, v58, vm0, $0xb8;
	[tilespmem:$0x10880] =	vst v63  }
0x3d0: {  	s25 =	simm.s32 $0xDB80  }
0x3d1: {  	[tilespmem:s25], [sflag:$0x2] =	stream.indirect_vreg.gather [hbm4b:s21+s4], $0x80, v62, vm0, $0xb8;
	[tilespmem:$0x10880] =	vst v63  }
0x3d2: {  	s0 =	simm.s32 $0xDC00  }
0x3d3: {  	[tilespmem:s0], [sflag:$0x2] =	stream.indirect_vreg.gather [hbm4b:s21+s4], $0x80, v56, vm0, $0xb8;
	[tilespmem:$0x10880] =	vst v63  }
0x3d4: {  	v56 =	vld [tilespmem:$0x410];
	_ =	sdelay $0x4  }
0x3d5: {  	v63 =	vshrl.u32 v56, $0x3  }
0x3d6: {  	v57 =	vmul.u32 $0xF428, v63  }
0x3d7: {  	v56 =	vand.u32 $0x7, v56  }
0x3d8: {  	v56 =	vor.u32 v56, v57  }
0x3d9: {  	v57 =	vperm.xlane v56, v2;
	_ =	sdelay $0x1  }
0x3da: {  	v60 =	vperm.xlane v56, v4;
	v57 =	vadd.s32 v3, v57;
	_ =	sdelay $0x1  }
0x3db: {  	v61 =	vperm.xlane v56, v5;
	v58 =	vadd.s32 v3, v60;
	_ =	sdelay $0x1  }
0x3dc: {  	s5 =	simm.s32 $0xDC80;
	v59 =	vadd.s32 v3, v61;
	v60 =	vperm.xlane v56, v6  }
0x3dd: {  	[tilespmem:s5], [sflag:$0x2] =	stream.indirect_vreg.gather [hbm4b:s21+s4], $0x80, v57, vm0, $0xb8;
	[tilespmem:$0x10880] =	vst v63  }
0x3de: {  	s12 =	simm.s32 $0xDD00;
	v57 =	vadd.s32 v3, v60;
	v60 =	vperm.xlane v56, v7  }
0x3df: {  	[tilespmem:s12], [sflag:$0x2] =	stream.indirect_vreg.gather [hbm4b:s21+s4], $0x80, v58, vm0, $0xb8;
	[tilespmem:$0x10880] =	vst v63  }
0x3e0: {  	s24 =	simm.s32 $0xDD80;
	v58 =	vadd.s32 v3, v60;
	v60 =	vperm.xlane v56, v8  }
0x3e1: {  	[tilespmem:s24], [sflag:$0x2] =	stream.indirect_vreg.gather [hbm4b:s21+s4], $0x80, v59, vm0, $0xb8;
	[tilespmem:$0x10880] =	vst v63  }
0x3e2: {  	s25 =	simm.s32 $0xDE00;
	v59 =	vadd.s32 v3, v60;
	v60 =	vperm.xlane v56, v9  }
0x3e3: {  	[tilespmem:s25], [sflag:$0x2] =	stream.indirect_vreg.gather [hbm4b:s21+s4], $0x80, v57, vm0, $0xb8;
	[tilespmem:$0x10880] =	vst v63  }
0x3e4: {  	s0 =	simm.s32 $0xDE80;
	v57 =	vadd.s32 v3, v60;
	v60 =	vperm.xlane v56, v10  }
0x3e5: {  	[tilespmem:s0], [sflag:$0x2] =	stream.indirect_vreg.gather [hbm4b:s21+s4], $0x80, v58, vm0, $0xb8;
	[tilespmem:$0x10880] =	vst v63  }
0x3e6: {  	s5 =	simm.s32 $0xDF00;
	v58 =	vadd.s32 v3, v60;
	v60 =	vperm.xlane v56, v11  }
0x3e7: {  	[tilespmem:s5], [sflag:$0x2] =	stream.indirect_vreg.gather [hbm4b:s21+s4], $0x80, v59, vm0, $0xb8;
	[tilespmem:$0x10880] =	vst v63  }
0x3e8: {  	s12 =	simm.s32 $0xDF80;
	v59 =	vadd.s32 v3, v60;
	v60 =	vperm.xlane v56, v12  }
0x3e9: {  	[tilespmem:s12], [sflag:$0x2] =	stream.indirect_vreg.gather [hbm4b:s21+s4], $0x80, v57, vm0, $0xb8;
	[tilespmem:$0x10880] =	vst v63  }
0x3ea: {  	s24 =	simm.s32 $0xE000;
	v57 =	vadd.s32 v3, v60;
	v60 =	vperm.xlane v56, v13  }
0x3eb: {  	[tilespmem:s24], [sflag:$0x2] =	stream.indirect_vreg.gather [hbm4b:s21+s4], $0x80, v58, vm0, $0xb8;
	[tilespmem:$0x10880] =	vst v63  }
0x3ec: {  	s25 =	simm.s32 $0xE080;
	v58 =	vadd.s32 v3, v60;
	v60 =	vperm.xlane v56, v15  }
0x3ed: {  	[tilespmem:s25], [sflag:$0x2] =	stream.indirect_vreg.gather [hbm4b:s21+s4], $0x80, v59, vm0, $0xb8;
	[tilespmem:$0x10880] =	vst v63  }
0x3ee: {  	s0 =	simm.s32 $0xE100;
	v59 =	vadd.s32 v3, v60;
	v60 =	vperm.xlane v56, v16  }
0x3ef: {  	[tilespmem:s0], [sflag:$0x2] =	stream.indirect_vreg.gather [hbm4b:s21+s4], $0x80, v57, vm0, $0xb8;
	[tilespmem:$0x10880] =	vst v63  }
0x3f0: {  	s5 =	simm.s32 $0xE180;
	v57 =	vadd.s32 v3, v60;
	v60 =	vperm.xlane v56, v17  }
0x3f1: {  	[tilespmem:s5], [sflag:$0x2] =	stream.indirect_vreg.gather [hbm4b:s21+s4], $0x80, v58, vm0, $0xb8;
	[tilespmem:$0x10880] =	vst v63  }
0x3f2: {  	s12 =	simm.s32 $0xE200;
	v58 =	vadd.s32 v3, v60;
	v60 =	vperm.xlane v56, v18  }
0x3f3: {  	[tilespmem:s12], [sflag:$0x2] =	stream.indirect_vreg.gather [hbm4b:s21+s4], $0x80, v59, vm0, $0xb8;
	[tilespmem:$0x10880] =	vst v63  }
0x3f4: {  	s24 =	simm.s32 $0xE280;
	v56 =	vperm.xlane v56, v19;
	v62 =	vadd.s32 v3, v60  }
0x3f5: {  	[tilespmem:s24], [sflag:$0x2] =	stream.indirect_vreg.gather [hbm4b:s21+s4], $0x80, v57, vm0, $0xb8;
	[tilespmem:$0x10880] =	vst v63  }
0x3f6: {  	s25 =	simm.s32 $0xE300;
	v56 =	vadd.s32 v3, v56  }
0x3f7: {  	[tilespmem:s25], [sflag:$0x2] =	stream.indirect_vreg.gather [hbm4b:s21+s4], $0x80, v58, vm0, $0xb8;
	[tilespmem:$0x10880] =	vst v63  }
0x3f8: {  	s0 =	simm.s32 $0xE380  }
0x3f9: {  	[tilespmem:s0], [sflag:$0x2] =	stream.indirect_vreg.gather [hbm4b:s21+s4], $0x80, v62, vm0, $0xb8;
	[tilespmem:$0x10880] =	vst v63  }
0x3fa: {  	(v2sf) =	vpush v55, $0x6;
	s5 =	simm.s32 $0xE400  }
0x3fb: {  	[tilespmem:s5], [sflag:$0x2] =	stream.indirect_vreg.gather [hbm4b:s21+s4], $0x80, v56, vm0, $0xb8;
	[tilespmem:$0x10880] =	vst v63  }
0x3fc: {  	v56 =	vld [tilespmem:$0x400];
	_ =	sdelay $0x4  }
0x3fd: {  	v63 =	vshrl.u32 v56, $0x3  }
0x3fe: {  	v57 =	vmul.u32 $0xF428, v63  }
0x3ff: {  	v56 =	vand.u32 $0x7, v56  }
0x400: {  	v56 =	vor.u32 v56, v57  }
0x401: {  	v57 =	vperm.xlane v56, v2;
	_ =	sdelay $0x1  }
0x402: {  	v60 =	vperm.xlane v56, v4;
	v57 =	vadd.s32 v3, v57;
	_ =	sdelay $0x1  }
0x403: {  	s21 =	spop (v2sf);
	v61 =	vperm.xlane v56, v5;
	v58 =	vadd.s32 v3, v60  }
0x404: {  	s12 =	sand.u32 $0xFFFFF80, s21  }
0x405: {  	s25 =	simm.s32 $0x6480;
	s24 =	sadd.s32 s1, s12;
	v59 =	vadd.s32 v3, v61;
	v60 =	vperm.xlane v56, v6  }
0x406: {  	[tilespmem:s25], [sflag:$0x2] =	stream.indirect_vreg.gather [hbm4b:s24+s4], $0x80, v57, vm0, $0xb8;
	[tilespmem:$0x10880] =	vst v63  }
0x407: {  	s0 =	simm.s32 $0x6500;
	v57 =	vadd.s32 v3, v60;
	v60 =	vperm.xlane v56, v7  }
0x408: {  	[tilespmem:s0], [sflag:$0x2] =	stream.indirect_vreg.gather [hbm4b:s24+s4], $0x80, v58, vm0, $0xb8;
	[tilespmem:$0x10880] =	vst v63  }
0x409: {  	s12 =	simm.s32 $0x6580;
	v58 =	vadd.s32 v3, v60;
	v60 =	vperm.xlane v56, v8  }
0x40a: {  	[tilespmem:s12], [sflag:$0x2] =	stream.indirect_vreg.gather [hbm4b:s24+s4], $0x80, v59, vm0, $0xb8;
	[tilespmem:$0x10880] =	vst v63  }
0x40b: {  	s25 =	simm.s32 $0x6600;
	v59 =	vadd.s32 v3, v60;
	v60 =	vperm.xlane v56, v9  }
0x40c: {  	[tilespmem:s25], [sflag:$0x2] =	stream.indirect_vreg.gather [hbm4b:s24+s4], $0x80, v57, vm0, $0xb8;
	[tilespmem:$0x10880] =	vst v63  }
0x40d: {  	s0 =	simm.s32 $0x6680;
	v57 =	vadd.s32 v3, v60;
	v60 =	vperm.xlane v56, v10  }
0x40e: {  	[tilespmem:s0], [sflag:$0x2] =	stream.indirect_vreg.gather [hbm4b:s24+s4], $0x80, v58, vm0, $0xb8;
	[tilespmem:$0x10880] =	vst v63  }
0x40f: {  	s12 =	simm.s32 $0x6700;
	v58 =	vadd.s32 v3, v60;
	v60 =	vperm.xlane v56, v11  }
0x410: {  	[tilespmem:s12], [sflag:$0x2] =	stream.indirect_vreg.gather [hbm4b:s24+s4], $0x80, v59, vm0, $0xb8;
	[tilespmem:$0x10880] =	vst v63  }
0x411: {  	s25 =	simm.s32 $0x6780;
	v59 =	vadd.s32 v3, v60;
	v60 =	vperm.xlane v56, v12  }
0x412: {  	[tilespmem:s25], [sflag:$0x2] =	stream.indirect_vreg.gather [hbm4b:s24+s4], $0x80, v57, vm0, $0xb8;
	[tilespmem:$0x10880] =	vst v63  }
0x413: {  	s0 =	simm.s32 $0x6800;
	v57 =	vadd.s32 v3, v60;
	v60 =	vperm.xlane v56, v13  }
0x414: {  	[tilespmem:s0], [sflag:$0x2] =	stream.indirect_vreg.gather [hbm4b:s24+s4], $0x80, v58, vm0, $0xb8;
	[tilespmem:$0x10880] =	vst v63  }
0x415: {  	s12 =	simm.s32 $0x6880;
	v58 =	vadd.s32 v3, v60;
	v60 =	vperm.xlane v56, v15  }
0x416: {  	[tilespmem:s12], [sflag:$0x2] =	stream.indirect_vreg.gather [hbm4b:s24+s4], $0x80, v59, vm0, $0xb8;
	[tilespmem:$0x10880] =	vst v63  }
0x417: {  	s25 =	simm.s32 $0x6900;
	v59 =	vadd.s32 v3, v60;
	v60 =	vperm.xlane v56, v16  }
0x418: {  	[tilespmem:s25], [sflag:$0x2] =	stream.indirect_vreg.gather [hbm4b:s24+s4], $0x80, v57, vm0, $0xb8;
	[tilespmem:$0x10880] =	vst v63  }
0x419: {  	s0 =	simm.s32 $0x6980;
	v57 =	vadd.s32 v3, v60;
	v60 =	vperm.xlane v56, v17  }
0x41a: {  	[tilespmem:s0], [sflag:$0x2] =	stream.indirect_vreg.gather [hbm4b:s24+s4], $0x80, v58, vm0, $0xb8;
	[tilespmem:$0x10880] =	vst v63  }
0x41b: {  	s12 =	simm.s32 $0x6A00;
	v58 =	vadd.s32 v3, v60;
	v60 =	vperm.xlane v56, v18  }
0x41c: {  	[tilespmem:s12], [sflag:$0x2] =	stream.indirect_vreg.gather [hbm4b:s24+s4], $0x80, v59, vm0, $0xb8;
	[tilespmem:$0x10880] =	vst v63  }
0x41d: {  	s25 =	simm.s32 $0x6A80;
	v56 =	vperm.xlane v56, v19;
	v62 =	vadd.s32 v3, v60  }
0x41e: {  	[tilespmem:s25], [sflag:$0x2] =	stream.indirect_vreg.gather [hbm4b:s24+s4], $0x80, v57, vm0, $0xb8;
	[tilespmem:$0x10880] =	vst v63  }
0x41f: {  	s0 =	simm.s32 $0x6B00;
	v56 =	vadd.s32 v3, v56  }
0x420: {  	[tilespmem:s0], [sflag:$0x2] =	stream.indirect_vreg.gather [hbm4b:s24+s4], $0x80, v58, vm0, $0xb8;
	[tilespmem:$0x10880] =	vst v63  }
0x421: {  	s12 =	simm.s32 $0x6B80  }
0x422: {  	[tilespmem:s12], [sflag:$0x2] =	stream.indirect_vreg.gather [hbm4b:s24+s4], $0x80, v62, vm0, $0xb8;
	[tilespmem:$0x10880] =	vst v63  }
0x423: {  	s25 =	simm.s32 $0x6C00  }
0x424: {  	[tilespmem:s25], [sflag:$0x2] =	stream.indirect_vreg.gather [hbm4b:s24+s4], $0x80, v56, vm0, $0xb8;
	[tilespmem:$0x10880] =	vst v63  }
0x425: {  	v56 =	vld [tilespmem:$0x410];
	_ =	sdelay $0x4  }
0x426: {  	v63 =	vshrl.u32 v56, $0x3  }
0x427: {  	v57 =	vmul.u32 $0xF428, v63  }
0x428: {  	v56 =	vand.u32 $0x7, v56  }
0x429: {  	v56 =	vor.u32 v56, v57  }
0x42a: {  	v57 =	vperm.xlane v56, v2;
	_ =	sdelay $0x1  }
0x42b: {  	v60 =	vperm.xlane v56, v4;
	v57 =	vadd.s32 v3, v57;
	_ =	sdelay $0x1  }
0x42c: {  	v61 =	vperm.xlane v56, v5;
	v58 =	vadd.s32 v3, v60;
	_ =	sdelay $0x1  }
0x42d: {  	s0 =	simm.s32 $0x6C80;
	v59 =	vadd.s32 v3, v61;
	v60 =	vperm.xlane v56, v6  }
0x42e: {  	[tilespmem:s0], [sflag:$0x2] =	stream.indirect_vreg.gather [hbm4b:s24+s4], $0x80, v57, vm0, $0xb8;
	[tilespmem:$0x10880] =	vst v63  }
0x42f: {  	s12 =	simm.s32 $0x6D00;
	v57 =	vadd.s32 v3, v60;
	v60 =	vperm.xlane v56, v7  }
0x430: {  	[tilespmem:s12], [sflag:$0x2] =	stream.indirect_vreg.gather [hbm4b:s24+s4], $0x80, v58, vm0, $0xb8;
	[tilespmem:$0x10880] =	vst v63  }
0x431: {  	s25 =	simm.s32 $0x6D80;
	v58 =	vadd.s32 v3, v60;
	v60 =	vperm.xlane v56, v8  }
0x432: {  	[tilespmem:s25], [sflag:$0x2] =	stream.indirect_vreg.gather [hbm4b:s24+s4], $0x80, v59, vm0, $0xb8;
	[tilespmem:$0x10880] =	vst v63  }
0x433: {  	s0 =	simm.s32 $0x6E00;
	v59 =	vadd.s32 v3, v60;
	v60 =	vperm.xlane v56, v9  }
0x434: {  	[tilespmem:s0], [sflag:$0x2] =	stream.indirect_vreg.gather [hbm4b:s24+s4], $0x80, v57, vm0, $0xb8;
	[tilespmem:$0x10880] =	vst v63  }
0x435: {  	s12 =	simm.s32 $0x6E80;
	v57 =	vadd.s32 v3, v60;
	v60 =	vperm.xlane v56, v10  }
0x436: {  	[tilespmem:s12], [sflag:$0x2] =	stream.indirect_vreg.gather [hbm4b:s24+s4], $0x80, v58, vm0, $0xb8;
	[tilespmem:$0x10880] =	vst v63  }
0x437: {  	s25 =	simm.s32 $0x6F00;
	v58 =	vadd.s32 v3, v60;
	v60 =	vperm.xlane v56, v11  }
0x438: {  	[tilespmem:s25], [sflag:$0x2] =	stream.indirect_vreg.gather [hbm4b:s24+s4], $0x80, v59, vm0, $0xb8;
	[tilespmem:$0x10880] =	vst v63  }
0x439: {  	s0 =	simm.s32 $0x6F80;
	v59 =	vadd.s32 v3, v60;
	v60 =	vperm.xlane v56, v12  }
0x43a: {  	[tilespmem:s0], [sflag:$0x2] =	stream.indirect_vreg.gather [hbm4b:s24+s4], $0x80, v57, vm0, $0xb8;
	[tilespmem:$0x10880] =	vst v63  }
0x43b: {  	s12 =	simm.s32 $0x7000;
	v57 =	vadd.s32 v3, v60;
	v60 =	vperm.xlane v56, v13  }
0x43c: {  	[tilespmem:s12], [sflag:$0x2] =	stream.indirect_vreg.gather [hbm4b:s24+s4], $0x80, v58, vm0, $0xb8;
	[tilespmem:$0x10880] =	vst v63  }
0x43d: {  	s25 =	simm.s32 $0x7080;
	v58 =	vadd.s32 v3, v60;
	v60 =	vperm.xlane v56, v15  }
0x43e: {  	[tilespmem:s25], [sflag:$0x2] =	stream.indirect_vreg.gather [hbm4b:s24+s4], $0x80, v59, vm0, $0xb8;
	[tilespmem:$0x10880] =	vst v63  }
0x43f: {  	s0 =	simm.s32 $0x7100;
	v59 =	vadd.s32 v3, v60;
	v60 =	vperm.xlane v56, v16  }
0x440: {  	[tilespmem:s0], [sflag:$0x2] =	stream.indirect_vreg.gather [hbm4b:s24+s4], $0x80, v57, vm0, $0xb8;
	[tilespmem:$0x10880] =	vst v63  }
0x441: {  	s12 =	simm.s32 $0x7180;
	v57 =	vadd.s32 v3, v60;
	v60 =	vperm.xlane v56, v17  }
0x442: {  	[tilespmem:s12], [sflag:$0x2] =	stream.indirect_vreg.gather [hbm4b:s24+s4], $0x80, v58, vm0, $0xb8;
	[tilespmem:$0x10880] =	vst v63  }
0x443: {  	s25 =	simm.s32 $0x7200;
	v58 =	vadd.s32 v3, v60;
	v60 =	vperm.xlane v56, v18  }
0x444: {  	[tilespmem:s25], [sflag:$0x2] =	stream.indirect_vreg.gather [hbm4b:s24+s4], $0x80, v59, vm0, $0xb8;
	[tilespmem:$0x10880] =	vst v63  }
0x445: {  	s0 =	simm.s32 $0x7280;
	v56 =	vperm.xlane v56, v19;
	v62 =	vadd.s32 v3, v60  }
0x446: {  	[tilespmem:s0], [sflag:$0x2] =	stream.indirect_vreg.gather [hbm4b:s24+s4], $0x80, v57, vm0, $0xb8;
	[tilespmem:$0x10880] =	vst v63  }
0x447: {  	s12 =	simm.s32 $0x7300;
	v56 =	vadd.s32 v3, v56  }
0x448: {  	[tilespmem:s12], [sflag:$0x2] =	stream.indirect_vreg.gather [hbm4b:s24+s4], $0x80, v58, vm0, $0xb8;
	[tilespmem:$0x10880] =	vst v63  }
0x449: {  	s25 =	simm.s32 $0x7380  }
0x44a: {  	[tilespmem:s25], [sflag:$0x2] =	stream.indirect_vreg.gather [hbm4b:s24+s4], $0x80, v62, vm0, $0xb8;
	[tilespmem:$0x10880] =	vst v63  }
0x44b: {  	(v2sf) =	vpush v54, $0x6;
	s0 =	simm.s32 $0x7400  }
0x44c: {  	[tilespmem:s0], [sflag:$0x2] =	stream.indirect_vreg.gather [hbm4b:s24+s4], $0x80, v56, vm0, $0xb8;
	[tilespmem:$0x10880] =	vst v63  }
0x44d: {  	v56 =	vld [tilespmem:$0x400];
	_ =	sdelay $0x4  }
0x44e: {  	v63 =	vshrl.u32 v56, $0x3  }
0x44f: {  	v57 =	vmul.u32 $0xF428, v63  }
0x450: {  	v56 =	vand.u32 $0x7, v56  }
0x451: {  	v56 =	vor.u32 v56, v57  }
0x452: {  	v57 =	vperm.xlane v56, v2;
	_ =	sdelay $0x1  }
0x453: {  	v60 =	vperm.xlane v56, v4;
	v57 =	vadd.s32 v3, v57;
	_ =	sdelay $0x1  }
0x454: {  	s24 =	spop (v2sf);
	v61 =	vperm.xlane v56, v5;
	v58 =	vadd.s32 v3, v60  }
0x455: {  	s12 =	sand.u32 $0xFFFFF80, s24  }
0x456: {  	s0 =	simm.s32 $0xE480;
	s25 =	sadd.s32 s2, s12;
	v59 =	vadd.s32 v3, v61;
	v60 =	vperm.xlane v56, v6  }
0x457: {  	[tilespmem:s0], [sflag:$0x2] =	stream.indirect_vreg.gather [hbm4b:s25+s4], $0x80, v57, vm0, $0xb8;
	[tilespmem:$0x10880] =	vst v63  }
0x458: {  	v57 =	vadd.s32 v3, v60;
	v60 =	vperm.xlane v56, v7;
	s0 =	simm.s32 $0xE500  }
0x459: {  	[tilespmem:s0], [sflag:$0x2] =	stream.indirect_vreg.gather [hbm4b:s25+s4], $0x80, v58, vm0, $0xb8;
	[tilespmem:$0x10880] =	vst v63  }
0x45a: {  	v58 =	vadd.s32 v3, v60;
	v60 =	vperm.xlane v56, v8;
	s0 =	simm.s32 $0xE580  }
0x45b: {  	[tilespmem:s0], [sflag:$0x2] =	stream.indirect_vreg.gather [hbm4b:s25+s4], $0x80, v59, vm0, $0xb8;
	[tilespmem:$0x10880] =	vst v63  }
0x45c: {  	v59 =	vadd.s32 v3, v60;
	v60 =	vperm.xlane v56, v9;
	s0 =	simm.s32 $0xE600  }
0x45d: {  	[tilespmem:s0], [sflag:$0x2] =	stream.indirect_vreg.gather [hbm4b:s25+s4], $0x80, v57, vm0, $0xb8;
	[tilespmem:$0x10880] =	vst v63  }
0x45e: {  	v57 =	vadd.s32 v3, v60;
	v60 =	vperm.xlane v56, v10;
	s0 =	simm.s32 $0xE680  }
0x45f: {  	[tilespmem:s0], [sflag:$0x2] =	stream.indirect_vreg.gather [hbm4b:s25+s4], $0x80, v58, vm0, $0xb8;
	[tilespmem:$0x10880] =	vst v63  }
0x460: {  	v58 =	vadd.s32 v3, v60;
	v60 =	vperm.xlane v56, v11;
	s0 =	simm.s32 $0xE700  }
0x461: {  	[tilespmem:s0], [sflag:$0x2] =	stream.indirect_vreg.gather [hbm4b:s25+s4], $0x80, v59, vm0, $0xb8;
	[tilespmem:$0x10880] =	vst v63  }
0x462: {  	v59 =	vadd.s32 v3, v60;
	v60 =	vperm.xlane v56, v12;
	s0 =	simm.s32 $0xE780  }
0x463: {  	[tilespmem:s0], [sflag:$0x2] =	stream.indirect_vreg.gather [hbm4b:s25+s4], $0x80, v57, vm0, $0xb8;
	[tilespmem:$0x10880] =	vst v63  }
0x464: {  	v57 =	vadd.s32 v3, v60;
	v60 =	vperm.xlane v56, v13;
	s0 =	simm.s32 $0xE800  }
0x465: {  	[tilespmem:s0], [sflag:$0x2] =	stream.indirect_vreg.gather [hbm4b:s25+s4], $0x80, v58, vm0, $0xb8;
	[tilespmem:$0x10880] =	vst v63  }
0x466: {  	v58 =	vadd.s32 v3, v60;
	v60 =	vperm.xlane v56, v15;
	s0 =	simm.s32 $0xE880  }
0x467: {  	[tilespmem:s0], [sflag:$0x2] =	stream.indirect_vreg.gather [hbm4b:s25+s4], $0x80, v59, vm0, $0xb8;
	[tilespmem:$0x10880] =	vst v63  }
0x468: {  	v59 =	vadd.s32 v3, v60;
	v60 =	vperm.xlane v56, v16;
	s0 =	simm.s32 $0xE900  }
0x469: {  	[tilespmem:s0], [sflag:$0x2] =	stream.indirect_vreg.gather [hbm4b:s25+s4], $0x80, v57, vm0, $0xb8;
	[tilespmem:$0x10880] =	vst v63  }
0x46a: {  	v57 =	vadd.s32 v3, v60;
	v60 =	vperm.xlane v56, v17;
	s0 =	simm.s32 $0xE980  }
0x46b: {  	[tilespmem:s0], [sflag:$0x2] =	stream.indirect_vreg.gather [hbm4b:s25+s4], $0x80, v58, vm0, $0xb8;
	[tilespmem:$0x10880] =	vst v63  }
0x46c: {  	v58 =	vadd.s32 v3, v60;
	v60 =	vperm.xlane v56, v18;
	s0 =	simm.s32 $0xEA00  }
0x46d: {  	[tilespmem:s0], [sflag:$0x2] =	stream.indirect_vreg.gather [hbm4b:s25+s4], $0x80, v59, vm0, $0xb8;
	[tilespmem:$0x10880] =	vst v63  }
0x46e: {  	v56 =	vperm.xlane v56, v19;
	v62 =	vadd.s32 v3, v60;
	s0 =	simm.s32 $0xEA80  }
0x46f: {  	[tilespmem:s0], [sflag:$0x2] =	stream.indirect_vreg.gather [hbm4b:s25+s4], $0x80, v57, vm0, $0xb8;
	[tilespmem:$0x10880] =	vst v63  }
0x470: {  	v56 =	vadd.s32 v3, v56;
	s0 =	simm.s32 $0xEB00  }
0x471: {  	[tilespmem:s0], [sflag:$0x2] =	stream.indirect_vreg.gather [hbm4b:s25+s4], $0x80, v58, vm0, $0xb8;
	[tilespmem:$0x10880] =	vst v63  }
0x472: {  	s0 =	simm.s32 $0xEB80  }
0x473: {  	[tilespmem:s0], [sflag:$0x2] =	stream.indirect_vreg.gather [hbm4b:s25+s4], $0x80, v62, vm0, $0xb8;
	[tilespmem:$0x10880] =	vst v63  }
0x474: {  	s0 =	simm.s32 $0xEC00  }
0x475: {  	[tilespmem:s0], [sflag:$0x2] =	stream.indirect_vreg.gather [hbm4b:s25+s4], $0x80, v56, vm0, $0xb8;
	[tilespmem:$0x10880] =	vst v63  }
0x476: {  	v56 =	vld [tilespmem:$0x410];
	_ =	sdelay $0x4  }
0x477: {  	v63 =	vshrl.u32 v56, $0x3  }
0x478: {  	v57 =	vmul.u32 $0xF428, v63  }
0x479: {  	v56 =	vand.u32 $0x7, v56  }
0x47a: {  	v56 =	vor.u32 v56, v57  }
0x47b: {  	v57 =	vperm.xlane v56, v2;
	_ =	sdelay $0x1  }
0x47c: {  	v60 =	vperm.xlane v56, v4;
	v57 =	vadd.s32 v3, v57;
	_ =	sdelay $0x1  }
0x47d: {  	v61 =	vperm.xlane v56, v5;
	v58 =	vadd.s32 v3, v60;
	_ =	sdelay $0x1  }
0x47e: {  	s0 =	simm.s32 $0xEC80;
	v59 =	vadd.s32 v3, v61;
	v60 =	vperm.xlane v56, v6  }
0x47f: {  	[tilespmem:s0], [sflag:$0x2] =	stream.indirect_vreg.gather [hbm4b:s25+s4], $0x80, v57, vm0, $0xb8;
	[tilespmem:$0x10880] =	vst v63  }
0x480: {  	v57 =	vadd.s32 v3, v60;
	v60 =	vperm.xlane v56, v7;
	s0 =	simm.s32 $0xED00  }
0x481: {  	[tilespmem:s0], [sflag:$0x2] =	stream.indirect_vreg.gather [hbm4b:s25+s4], $0x80, v58, vm0, $0xb8;
	[tilespmem:$0x10880] =	vst v63  }
0x482: {  	v58 =	vadd.s32 v3, v60;
	v60 =	vperm.xlane v56, v8;
	s0 =	simm.s32 $0xED80  }
0x483: {  	[tilespmem:s0], [sflag:$0x2] =	stream.indirect_vreg.gather [hbm4b:s25+s4], $0x80, v59, vm0, $0xb8;
	[tilespmem:$0x10880] =	vst v63  }
0x484: {  	v59 =	vadd.s32 v3, v60;
	v60 =	vperm.xlane v56, v9;
	s0 =	simm.s32 $0xEE00  }
0x485: {  	[tilespmem:s0], [sflag:$0x2] =	stream.indirect_vreg.gather [hbm4b:s25+s4], $0x80, v57, vm0, $0xb8;
	[tilespmem:$0x10880] =	vst v63  }
0x486: {  	v57 =	vadd.s32 v3, v60;
	v60 =	vperm.xlane v56, v10;
	s0 =	simm.s32 $0xEE80  }
0x487: {  	[tilespmem:s0], [sflag:$0x2] =	stream.indirect_vreg.gather [hbm4b:s25+s4], $0x80, v58, vm0, $0xb8;
	[tilespmem:$0x10880] =	vst v63  }
0x488: {  	v58 =	vadd.s32 v3, v60;
	v60 =	vperm.xlane v56, v11;
	s0 =	simm.s32 $0xEF00  }
0x489: {  	[tilespmem:s0], [sflag:$0x2] =	stream.indirect_vreg.gather [hbm4b:s25+s4], $0x80, v59, vm0, $0xb8;
	[tilespmem:$0x10880] =	vst v63  }
0x48a: {  	v59 =	vadd.s32 v3, v60;
	v60 =	vperm.xlane v56, v12;
	s0 =	simm.s32 $0xEF80  }
0x48b: {  	[tilespmem:s0], [sflag:$0x2] =	stream.indirect_vreg.gather [hbm4b:s25+s4], $0x80, v57, vm0, $0xb8;
	[tilespmem:$0x10880] =	vst v63  }
0x48c: {  	v57 =	vadd.s32 v3, v60;
	v60 =	vperm.xlane v56, v13;
	s0 =	simm.s32 $0xF000  }
0x48d: {  	[tilespmem:s0], [sflag:$0x2] =	stream.indirect_vreg.gather [hbm4b:s25+s4], $0x80, v58, vm0, $0xb8;
	[tilespmem:$0x10880] =	vst v63  }
0x48e: {  	v58 =	vadd.s32 v3, v60;
	v60 =	vperm.xlane v56, v15;
	s0 =	simm.s32 $0xF080  }
0x48f: {  	[tilespmem:s0], [sflag:$0x2] =	stream.indirect_vreg.gather [hbm4b:s25+s4], $0x80, v59, vm0, $0xb8;
	[tilespmem:$0x10880] =	vst v63  }
0x490: {  	v59 =	vadd.s32 v3, v60;
	v60 =	vperm.xlane v56, v16;
	s0 =	simm.s32 $0xF100  }
0x491: {  	[tilespmem:s0], [sflag:$0x2] =	stream.indirect_vreg.gather [hbm4b:s25+s4], $0x80, v57, vm0, $0xb8;
	[tilespmem:$0x10880] =	vst v63  }
0x492: {  	v57 =	vadd.s32 v3, v60;
	v60 =	vperm.xlane v56, v17;
	s0 =	simm.s32 $0xF180  }
0x493: {  	[tilespmem:s0], [sflag:$0x2] =	stream.indirect_vreg.gather [hbm4b:s25+s4], $0x80, v58, vm0, $0xb8;
	[tilespmem:$0x10880] =	vst v63  }
0x494: {  	v58 =	vadd.s32 v3, v60;
	v60 =	vperm.xlane v56, v18;
	s0 =	simm.s32 $0xF200  }
0x495: {  	[tilespmem:s0], [sflag:$0x2] =	stream.indirect_vreg.gather [hbm4b:s25+s4], $0x80, v59, vm0, $0xb8;
	[tilespmem:$0x10880] =	vst v63  }
0x496: {  	v56 =	vperm.xlane v56, v19;
	v62 =	vadd.s32 v3, v60;
	s0 =	simm.s32 $0xF280  }
0x497: {  	[tilespmem:s0], [sflag:$0x2] =	stream.indirect_vreg.gather [hbm4b:s25+s4], $0x80, v57, vm0, $0xb8;
	[tilespmem:$0x10880] =	vst v63  }
0x498: {  	v56 =	vadd.s32 v3, v56;
	s0 =	simm.s32 $0xF300  }
0x499: {  	[tilespmem:s0], [sflag:$0x2] =	stream.indirect_vreg.gather [hbm4b:s25+s4], $0x80, v58, vm0, $0xb8;
	[tilespmem:$0x10880] =	vst v63  }
0x49a: {  	s0 =	simm.s32 $0xF380  }
0x49b: {  	[tilespmem:s0], [sflag:$0x2] =	stream.indirect_vreg.gather [hbm4b:s25+s4], $0x80, v62, vm0, $0xb8;
	[tilespmem:$0x10880] =	vst v63  }
0x49c: {  	(v2sf) =	vpush v55, $0x7;
	s0 =	simm.s32 $0xF400  }
0x49d: {  	[tilespmem:s0], [sflag:$0x2] =	stream.indirect_vreg.gather [hbm4b:s25+s4], $0x80, v56, vm0, $0xb8;
	[tilespmem:$0x10880] =	vst v63  }
0x49e: {  	v56 =	vld [tilespmem:$0x400];
	_ =	sdelay $0x4  }
0x49f: {  	v63 =	vshrl.u32 v56, $0x3  }
0x4a0: {  	v57 =	vmul.u32 $0xF428, v63  }
0x4a1: {  	v56 =	vand.u32 $0x7, v56  }
0x4a2: {  	v56 =	vor.u32 v56, v57  }
0x4a3: {  	v57 =	vperm.xlane v56, v2;
	_ =	sdelay $0x1  }
0x4a4: {  	v60 =	vperm.xlane v56, v4;
	v57 =	vadd.s32 v3, v57;
	_ =	sdelay $0x1  }
0x4a5: {  	s25 =	spop (v2sf);
	v61 =	vperm.xlane v56, v5;
	v58 =	vadd.s32 v3, v60  }
0x4a6: {  	s29 =	sand.u32 $0xFFFFF80, s25  }
0x4a7: {  	s30 =	simm.s32 $0x7480;
	s29 =	sadd.s32 s1, s29;
	v59 =	vadd.s32 v3, v61;
	v60 =	vperm.xlane v56, v6  }
0x4a8: {  	[tilespmem:s30], [sflag:$0x2] =	stream.indirect_vreg.gather [hbm4b:s29+s4], $0x80, v57, vm0, $0xb8;
	[tilespmem:$0x10880] =	vst v63  }
0x4a9: {  	v57 =	vadd.s32 v3, v60;
	v60 =	vperm.xlane v56, v7;
	s30 =	simm.s32 $0x7500  }
0x4aa: {  	[tilespmem:s30], [sflag:$0x2] =	stream.indirect_vreg.gather [hbm4b:s29+s4], $0x80, v58, vm0, $0xb8;
	[tilespmem:$0x10880] =	vst v63  }
0x4ab: {  	v58 =	vadd.s32 v3, v60;
	v60 =	vperm.xlane v56, v8;
	s30 =	simm.s32 $0x7580  }
0x4ac: {  	[tilespmem:s30], [sflag:$0x2] =	stream.indirect_vreg.gather [hbm4b:s29+s4], $0x80, v59, vm0, $0xb8;
	[tilespmem:$0x10880] =	vst v63  }
0x4ad: {  	v59 =	vadd.s32 v3, v60;
	v60 =	vperm.xlane v56, v9;
	s30 =	simm.s32 $0x7600  }
0x4ae: {  	[tilespmem:s30], [sflag:$0x2] =	stream.indirect_vreg.gather [hbm4b:s29+s4], $0x80, v57, vm0, $0xb8;
	[tilespmem:$0x10880] =	vst v63  }
0x4af: {  	v57 =	vadd.s32 v3, v60;
	v60 =	vperm.xlane v56, v10;
	s30 =	simm.s32 $0x7680  }
0x4b0: {  	[tilespmem:s30], [sflag:$0x2] =	stream.indirect_vreg.gather [hbm4b:s29+s4], $0x80, v58, vm0, $0xb8;
	[tilespmem:$0x10880] =	vst v63  }
0x4b1: {  	v58 =	vadd.s32 v3, v60;
	v60 =	vperm.xlane v56, v11;
	s30 =	simm.s32 $0x7700  }
0x4b2: {  	[tilespmem:s30], [sflag:$0x2] =	stream.indirect_vreg.gather [hbm4b:s29+s4], $0x80, v59, vm0, $0xb8;
	[tilespmem:$0x10880] =	vst v63  }
0x4b3: {  	v59 =	vadd.s32 v3, v60;
	v60 =	vperm.xlane v56, v12;
	s30 =	simm.s32 $0x7780  }
0x4b4: {  	[tilespmem:s30], [sflag:$0x2] =	stream.indirect_vreg.gather [hbm4b:s29+s4], $0x80, v57, vm0, $0xb8;
	[tilespmem:$0x10880] =	vst v63  }
0x4b5: {  	v57 =	vadd.s32 v3, v60;
	v60 =	vperm.xlane v56, v13;
	s30 =	simm.s32 $0x7800  }
0x4b6: {  	[tilespmem:s30], [sflag:$0x2] =	stream.indirect_vreg.gather [hbm4b:s29+s4], $0x80, v58, vm0, $0xb8;
	[tilespmem:$0x10880] =	vst v63  }
0x4b7: {  	v58 =	vadd.s32 v3, v60;
	v60 =	vperm.xlane v56, v15;
	s30 =	simm.s32 $0x7880  }
0x4b8: {  	[tilespmem:s30], [sflag:$0x2] =	stream.indirect_vreg.gather [hbm4b:s29+s4], $0x80, v59, vm0, $0xb8;
	[tilespmem:$0x10880] =	vst v63  }
0x4b9: {  	v59 =	vadd.s32 v3, v60;
	v60 =	vperm.xlane v56, v16;
	s30 =	simm.s32 $0x7900  }
0x4ba: {  	[tilespmem:s30], [sflag:$0x2] =	stream.indirect_vreg.gather [hbm4b:s29+s4], $0x80, v57, vm0, $0xb8;
	[tilespmem:$0x10880] =	vst v63  }
0x4bb: {  	v57 =	vadd.s32 v3, v60;
	v60 =	vperm.xlane v56, v17;
	s30 =	simm.s32 $0x7980  }
0x4bc: {  	[tilespmem:s30], [sflag:$0x2] =	stream.indirect_vreg.gather [hbm4b:s29+s4], $0x80, v58, vm0, $0xb8;
	[tilespmem:$0x10880] =	vst v63  }
0x4bd: {  	v58 =	vadd.s32 v3, v60;
	v60 =	vperm.xlane v56, v18;
	s30 =	simm.s32 $0x7A00  }
0x4be: {  	[tilespmem:s30], [sflag:$0x2] =	stream.indirect_vreg.gather [hbm4b:s29+s4], $0x80, v59, vm0, $0xb8;
	[tilespmem:$0x10880] =	vst v63  }
0x4bf: {  	v56 =	vperm.xlane v56, v19;
	v62 =	vadd.s32 v3, v60;
	s30 =	simm.s32 $0x7A80  }
0x4c0: {  	[tilespmem:s30], [sflag:$0x2] =	stream.indirect_vreg.gather [hbm4b:s29+s4], $0x80, v57, vm0, $0xb8;
	[tilespmem:$0x10880] =	vst v63  }
0x4c1: {  	v56 =	vadd.s32 v3, v56;
	s30 =	simm.s32 $0x7B00  }
0x4c2: {  	[tilespmem:s30], [sflag:$0x2] =	stream.indirect_vreg.gather [hbm4b:s29+s4], $0x80, v58, vm0, $0xb8;
	[tilespmem:$0x10880] =	vst v63  }
0x4c3: {  	s30 =	simm.s32 $0x7B80  }
0x4c4: {  	[tilespmem:s30], [sflag:$0x2] =	stream.indirect_vreg.gather [hbm4b:s29+s4], $0x80, v62, vm0, $0xb8;
	[tilespmem:$0x10880] =	vst v63  }
0x4c5: {  	s30 =	simm.s32 $0x7C00  }
0x4c6: {  	[tilespmem:s30], [sflag:$0x2] =	stream.indirect_vreg.gather [hbm4b:s29+s4], $0x80, v56, vm0, $0xb8;
	[tilespmem:$0x10880] =	vst v63  }
0x4c7: {  	v56 =	vld [tilespmem:$0x410];
	_ =	sdelay $0x4  }
0x4c8: {  	v63 =	vshrl.u32 v56, $0x3  }
0x4c9: {  	v57 =	vmul.u32 $0xF428, v63  }
0x4ca: {  	v56 =	vand.u32 $0x7, v56  }
0x4cb: {  	v56 =	vor.u32 v56, v57  }
0x4cc: {  	v57 =	vperm.xlane v56, v2;
	_ =	sdelay $0x1  }
0x4cd: {  	v60 =	vperm.xlane v56, v4;
	v57 =	vadd.s32 v3, v57;
	_ =	sdelay $0x1  }
0x4ce: {  	v61 =	vperm.xlane v56, v5;
	v58 =	vadd.s32 v3, v60;
	_ =	sdelay $0x1  }
0x4cf: {  	s30 =	simm.s32 $0x7C80;
	v59 =	vadd.s32 v3, v61;
	v60 =	vperm.xlane v56, v6  }
0x4d0: {  	[tilespmem:s30], [sflag:$0x2] =	stream.indirect_vreg.gather [hbm4b:s29+s4], $0x80, v57, vm0, $0xb8;
	[tilespmem:$0x10880] =	vst v63  }
0x4d1: {  	v57 =	vadd.s32 v3, v60;
	v60 =	vperm.xlane v56, v7;
	s30 =	simm.s32 $0x7D00  }
0x4d2: {  	[tilespmem:s30], [sflag:$0x2] =	stream.indirect_vreg.gather [hbm4b:s29+s4], $0x80, v58, vm0, $0xb8;
	[tilespmem:$0x10880] =	vst v63  }
0x4d3: {  	v58 =	vadd.s32 v3, v60;
	v60 =	vperm.xlane v56, v8;
	s30 =	simm.s32 $0x7D80  }
0x4d4: {  	[tilespmem:s30], [sflag:$0x2] =	stream.indirect_vreg.gather [hbm4b:s29+s4], $0x80, v59, vm0, $0xb8;
	[tilespmem:$0x10880] =	vst v63  }
0x4d5: {  	v59 =	vadd.s32 v3, v60;
	v60 =	vperm.xlane v56, v9;
	s30 =	simm.s32 $0x7E00  }
0x4d6: {  	[tilespmem:s30], [sflag:$0x2] =	stream.indirect_vreg.gather [hbm4b:s29+s4], $0x80, v57, vm0, $0xb8;
	[tilespmem:$0x10880] =	vst v63  }
0x4d7: {  	v57 =	vadd.s32 v3, v60;
	v60 =	vperm.xlane v56, v10;
	s30 =	simm.s32 $0x7E80  }
0x4d8: {  	[tilespmem:s30], [sflag:$0x2] =	stream.indirect_vreg.gather [hbm4b:s29+s4], $0x80, v58, vm0, $0xb8;
	[tilespmem:$0x10880] =	vst v63  }
0x4d9: {  	v58 =	vadd.s32 v3, v60;
	v60 =	vperm.xlane v56, v11;
	s30 =	simm.s32 $0x7F00  }
0x4da: {  	[tilespmem:s30], [sflag:$0x2] =	stream.indirect_vreg.gather [hbm4b:s29+s4], $0x80, v59, vm0, $0xb8;
	[tilespmem:$0x10880] =	vst v63  }
0x4db: {  	v59 =	vadd.s32 v3, v60;
	v60 =	vperm.xlane v56, v12;
	s30 =	simm.s32 $0x7F80  }
0x4dc: {  	[tilespmem:s30], [sflag:$0x2] =	stream.indirect_vreg.gather [hbm4b:s29+s4], $0x80, v57, vm0, $0xb8;
	[tilespmem:$0x10880] =	vst v63  }
0x4dd: {  	v57 =	vadd.s32 v3, v60;
	v60 =	vperm.xlane v56, v13;
	s30 =	simm.s32 $0x8000  }
0x4de: {  	[tilespmem:s30], [sflag:$0x2] =	stream.indirect_vreg.gather [hbm4b:s29+s4], $0x80, v58, vm0, $0xb8;
	[tilespmem:$0x10880] =	vst v63  }
0x4df: {  	v58 =	vadd.s32 v3, v60;
	v60 =	vperm.xlane v56, v15;
	s30 =	simm.s32 $0x8080  }
0x4e0: {  	[tilespmem:s30], [sflag:$0x2] =	stream.indirect_vreg.gather [hbm4b:s29+s4], $0x80, v59, vm0, $0xb8;
	[tilespmem:$0x10880] =	vst v63  }
0x4e1: {  	v59 =	vadd.s32 v3, v60;
	v60 =	vperm.xlane v56, v16;
	s30 =	simm.s32 $0x8100  }
0x4e2: {  	[tilespmem:s30], [sflag:$0x2] =	stream.indirect_vreg.gather [hbm4b:s29+s4], $0x80, v57, vm0, $0xb8;
	[tilespmem:$0x10880] =	vst v63  }
0x4e3: {  	v57 =	vadd.s32 v3, v60;
	v60 =	vperm.xlane v56, v17;
	s30 =	simm.s32 $0x8180  }
0x4e4: {  	[tilespmem:s30], [sflag:$0x2] =	stream.indirect_vreg.gather [hbm4b:s29+s4], $0x80, v58, vm0, $0xb8;
	[tilespmem:$0x10880] =	vst v63  }
0x4e5: {  	v58 =	vadd.s32 v3, v60;
	v60 =	vperm.xlane v56, v18;
	s30 =	simm.s32 $0x8200  }
0x4e6: {  	[tilespmem:s30], [sflag:$0x2] =	stream.indirect_vreg.gather [hbm4b:s29+s4], $0x80, v59, vm0, $0xb8;
	[tilespmem:$0x10880] =	vst v63  }
0x4e7: {  	v56 =	vperm.xlane v56, v19;
	v62 =	vadd.s32 v3, v60;
	s30 =	simm.s32 $0x8280  }
0x4e8: {  	[tilespmem:s30], [sflag:$0x2] =	stream.indirect_vreg.gather [hbm4b:s29+s4], $0x80, v57, vm0, $0xb8;
	[tilespmem:$0x10880] =	vst v63  }
0x4e9: {  	v56 =	vadd.s32 v3, v56;
	s30 =	simm.s32 $0x8300  }
0x4ea: {  	[tilespmem:s30], [sflag:$0x2] =	stream.indirect_vreg.gather [hbm4b:s29+s4], $0x80, v58, vm0, $0xb8;
	[tilespmem:$0x10880] =	vst v63  }
0x4eb: {  	s30 =	simm.s32 $0x8380  }
0x4ec: {  	[tilespmem:s30], [sflag:$0x2] =	stream.indirect_vreg.gather [hbm4b:s29+s4], $0x80, v62, vm0, $0xb8;
	[tilespmem:$0x10880] =	vst v63  }
0x4ed: {  	(v2sf) =	vpush v54, $0x7;
	s30 =	simm.s32 $0x8400  }
0x4ee: {  	[tilespmem:s30], [sflag:$0x2] =	stream.indirect_vreg.gather [hbm4b:s29+s4], $0x80, v56, vm0, $0xb8;
	[tilespmem:$0x10880] =	vst v63  }
0x4ef: {  	v56 =	vld [tilespmem:$0x400];
	_ =	sdelay $0x4  }
0x4f0: {  	v63 =	vshrl.u32 v56, $0x3  }
0x4f1: {  	v57 =	vmul.u32 $0xF428, v63  }
0x4f2: {  	v56 =	vand.u32 $0x7, v56  }
0x4f3: {  	v56 =	vor.u32 v56, v57  }
0x4f4: {  	v57 =	vperm.xlane v56, v2;
	_ =	sdelay $0x1  }
0x4f5: {  	v60 =	vperm.xlane v56, v4;
	v57 =	vadd.s32 v3, v57;
	_ =	sdelay $0x1  }
0x4f6: {  	s29 =	spop (v2sf);
	v61 =	vperm.xlane v56, v5;
	v58 =	vadd.s32 v3, v60  }
0x4f7: {  	s30 =	sand.u32 $0xFFFFF80, s29  }
0x4f8: {  	s0 =	simm.s32 $0xF480;
	s30 =	sadd.s32 s2, s30;
	v59 =	vadd.s32 v3, v61;
	v60 =	vperm.xlane v56, v6  }
0x4f9: {  	[tilespmem:s0], [sflag:$0x2] =	stream.indirect_vreg.gather [hbm4b:s30+s4], $0x80, v57, vm0, $0xb8;
	[tilespmem:$0x10880] =	vst v63  }
0x4fa: {  	v57 =	vadd.s32 v3, v60;
	v60 =	vperm.xlane v56, v7;
	s0 =	simm.s32 $0xF500  }
0x4fb: {  	[tilespmem:s0], [sflag:$0x2] =	stream.indirect_vreg.gather [hbm4b:s30+s4], $0x80, v58, vm0, $0xb8;
	[tilespmem:$0x10880] =	vst v63  }
0x4fc: {  	v58 =	vadd.s32 v3, v60;
	v60 =	vperm.xlane v56, v8;
	s0 =	simm.s32 $0xF580  }
0x4fd: {  	[tilespmem:s0], [sflag:$0x2] =	stream.indirect_vreg.gather [hbm4b:s30+s4], $0x80, v59, vm0, $0xb8;
	[tilespmem:$0x10880] =	vst v63  }
0x4fe: {  	v59 =	vadd.s32 v3, v60;
	v60 =	vperm.xlane v56, v9;
	s0 =	simm.s32 $0xF600  }
0x4ff: {  	[tilespmem:s0], [sflag:$0x2] =	stream.indirect_vreg.gather [hbm4b:s30+s4], $0x80, v57, vm0, $0xb8;
	[tilespmem:$0x10880] =	vst v63  }
0x500: {  	v57 =	vadd.s32 v3, v60;
	v60 =	vperm.xlane v56, v10;
	s0 =	simm.s32 $0xF680  }
0x501: {  	[tilespmem:s0], [sflag:$0x2] =	stream.indirect_vreg.gather [hbm4b:s30+s4], $0x80, v58, vm0, $0xb8;
	[tilespmem:$0x10880] =	vst v63  }
0x502: {  	v58 =	vadd.s32 v3, v60;
	v60 =	vperm.xlane v56, v11;
	s0 =	simm.s32 $0xF700  }
0x503: {  	[tilespmem:s0], [sflag:$0x2] =	stream.indirect_vreg.gather [hbm4b:s30+s4], $0x80, v59, vm0, $0xb8;
	[tilespmem:$0x10880] =	vst v63  }
0x504: {  	v59 =	vadd.s32 v3, v60;
	v60 =	vperm.xlane v56, v12;
	s0 =	simm.s32 $0xF780  }
0x505: {  	[tilespmem:s0], [sflag:$0x2] =	stream.indirect_vreg.gather [hbm4b:s30+s4], $0x80, v57, vm0, $0xb8;
	[tilespmem:$0x10880] =	vst v63  }
0x506: {  	v57 =	vadd.s32 v3, v60;
	v60 =	vperm.xlane v56, v13;
	s0 =	simm.s32 $0xF800  }
0x507: {  	[tilespmem:s0], [sflag:$0x2] =	stream.indirect_vreg.gather [hbm4b:s30+s4], $0x80, v58, vm0, $0xb8;
	[tilespmem:$0x10880] =	vst v63  }
0x508: {  	v58 =	vadd.s32 v3, v60;
	v60 =	vperm.xlane v56, v15;
	s0 =	simm.s32 $0xF880  }
0x509: {  	[tilespmem:s0], [sflag:$0x2] =	stream.indirect_vreg.gather [hbm4b:s30+s4], $0x80, v59, vm0, $0xb8;
	[tilespmem:$0x10880] =	vst v63  }
0x50a: {  	v59 =	vadd.s32 v3, v60;
	v60 =	vperm.xlane v56, v16;
	s0 =	simm.s32 $0xF900  }
0x50b: {  	[tilespmem:s0], [sflag:$0x2] =	stream.indirect_vreg.gather [hbm4b:s30+s4], $0x80, v57, vm0, $0xb8;
	[tilespmem:$0x10880] =	vst v63  }
0x50c: {  	v57 =	vadd.s32 v3, v60;
	v60 =	vperm.xlane v56, v17;
	s0 =	simm.s32 $0xF980  }
0x50d: {  	[tilespmem:s0], [sflag:$0x2] =	stream.indirect_vreg.gather [hbm4b:s30+s4], $0x80, v58, vm0, $0xb8;
	[tilespmem:$0x10880] =	vst v63  }
0x50e: {  	v58 =	vadd.s32 v3, v60;
	v60 =	vperm.xlane v56, v18;
	s0 =	simm.s32 $0xFA00  }
0x50f: {  	[tilespmem:s0], [sflag:$0x2] =	stream.indirect_vreg.gather [hbm4b:s30+s4], $0x80, v59, vm0, $0xb8;
	[tilespmem:$0x10880] =	vst v63  }
0x510: {  	v56 =	vperm.xlane v56, v19;
	v62 =	vadd.s32 v3, v60;
	s0 =	simm.s32 $0xFA80  }
0x511: {  	[tilespmem:s0], [sflag:$0x2] =	stream.indirect_vreg.gather [hbm4b:s30+s4], $0x80, v57, vm0, $0xb8;
	[tilespmem:$0x10880] =	vst v63  }
0x512: {  	v56 =	vadd.s32 v3, v56;
	s0 =	simm.s32 $0xFB00  }
0x513: {  	[tilespmem:s0], [sflag:$0x2] =	stream.indirect_vreg.gather [hbm4b:s30+s4], $0x80, v58, vm0, $0xb8;
	[tilespmem:$0x10880] =	vst v63  }
0x514: {  	s0 =	simm.s32 $0xFB80  }
0x515: {  	[tilespmem:s0], [sflag:$0x2] =	stream.indirect_vreg.gather [hbm4b:s30+s4], $0x80, v62, vm0, $0xb8;
	[tilespmem:$0x10880] =	vst v63  }
0x516: {  	s0 =	simm.s32 $0xFC00  }
0x517: {  	[tilespmem:s0], [sflag:$0x2] =	stream.indirect_vreg.gather [hbm4b:s30+s4], $0x80, v56, vm0, $0xb8;
	[tilespmem:$0x10880] =	vst v63  }
0x518: {  	v56 =	vld [tilespmem:$0x410];
	_ =	sdelay $0x4  }
0x519: {  	v63 =	vshrl.u32 v56, $0x3  }
0x51a: {  	v57 =	vmul.u32 $0xF428, v63  }
0x51b: {  	v56 =	vand.u32 $0x7, v56  }
0x51c: {  	v56 =	vor.u32 v56, v57  }
0x51d: {  	v57 =	vperm.xlane v56, v2;
	_ =	sdelay $0x1  }
0x51e: {  	v60 =	vperm.xlane v56, v4;
	v57 =	vadd.s32 v3, v57;
	_ =	sdelay $0x1  }
0x51f: {  	v61 =	vperm.xlane v56, v5;
	v58 =	vadd.s32 v3, v60;
	_ =	sdelay $0x1  }
0x520: {  	s0 =	simm.s32 $0xFC80;
	v59 =	vadd.s32 v3, v61;
	v60 =	vperm.xlane v56, v6  }
0x521: {  	[tilespmem:s0], [sflag:$0x2] =	stream.indirect_vreg.gather [hbm4b:s30+s4], $0x80, v57, vm0, $0xb8;
	[tilespmem:$0x10880] =	vst v63  }
0x522: {  	v57 =	vadd.s32 v3, v60;
	v60 =	vperm.xlane v56, v7;
	s0 =	simm.s32 $0xFD00  }
0x523: {  	[tilespmem:s0], [sflag:$0x2] =	stream.indirect_vreg.gather [hbm4b:s30+s4], $0x80, v58, vm0, $0xb8;
	[tilespmem:$0x10880] =	vst v63  }
0x524: {  	v58 =	vadd.s32 v3, v60;
	v60 =	vperm.xlane v56, v8;
	s0 =	simm.s32 $0xFD80  }
0x525: {  	[tilespmem:s0], [sflag:$0x2] =	stream.indirect_vreg.gather [hbm4b:s30+s4], $0x80, v59, vm0, $0xb8;
	[tilespmem:$0x10880] =	vst v63  }
0x526: {  	v59 =	vadd.s32 v3, v60;
	v60 =	vperm.xlane v56, v9;
	s0 =	simm.s32 $0xFE00  }
0x527: {  	[tilespmem:s0], [sflag:$0x2] =	stream.indirect_vreg.gather [hbm4b:s30+s4], $0x80, v57, vm0, $0xb8;
	[tilespmem:$0x10880] =	vst v63  }
0x528: {  	v57 =	vadd.s32 v3, v60;
	v60 =	vperm.xlane v56, v10;
	s0 =	simm.s32 $0xFE80  }
0x529: {  	[tilespmem:s0], [sflag:$0x2] =	stream.indirect_vreg.gather [hbm4b:s30+s4], $0x80, v58, vm0, $0xb8;
	[tilespmem:$0x10880] =	vst v63  }
0x52a: {  	v58 =	vadd.s32 v3, v60;
	v60 =	vperm.xlane v56, v11;
	s0 =	simm.s32 $0xFF00  }
0x52b: {  	[tilespmem:s0], [sflag:$0x2] =	stream.indirect_vreg.gather [hbm4b:s30+s4], $0x80, v59, vm0, $0xb8;
	[tilespmem:$0x10880] =	vst v63  }
0x52c: {  	v59 =	vadd.s32 v3, v60;
	v60 =	vperm.xlane v56, v12;
	s0 =	simm.s32 $0xFF80  }
0x52d: {  	[tilespmem:s0], [sflag:$0x2] =	stream.indirect_vreg.gather [hbm4b:s30+s4], $0x80, v57, vm0, $0xb8;
	[tilespmem:$0x10880] =	vst v63  }
0x52e: {  	v57 =	vadd.s32 v3, v60;
	v60 =	vperm.xlane v56, v13;
	s0 =	simm.s32 $0x10000  }
0x52f: {  	[tilespmem:s0], [sflag:$0x2] =	stream.indirect_vreg.gather [hbm4b:s30+s4], $0x80, v58, vm0, $0xb8;
	[tilespmem:$0x10880] =	vst v63  }
0x530: {  	v58 =	vadd.s32 v3, v60;
	v60 =	vperm.xlane v56, v15;
	s0 =	simm.s32 $0x10080  }
0x531: {  	[tilespmem:s0], [sflag:$0x2] =	stream.indirect_vreg.gather [hbm4b:s30+s4], $0x80, v59, vm0, $0xb8;
	[tilespmem:$0x10880] =	vst v63  }
0x532: {  	v59 =	vadd.s32 v3, v60;
	v60 =	vperm.xlane v56, v16;
	s0 =	simm.s32 $0x10100  }
0x533: {  	[tilespmem:s0], [sflag:$0x2] =	stream.indirect_vreg.gather [hbm4b:s30+s4], $0x80, v57, vm0, $0xb8;
	[tilespmem:$0x10880] =	vst v63  }
0x534: {  	v57 =	vadd.s32 v3, v60;
	v60 =	vperm.xlane v56, v17;
	s0 =	simm.s32 $0x10180  }
0x535: {  	[tilespmem:s0], [sflag:$0x2] =	stream.indirect_vreg.gather [hbm4b:s30+s4], $0x80, v58, vm0, $0xb8;
	[tilespmem:$0x10880] =	vst v63  }
0x536: {  	v58 =	vadd.s32 v3, v60;
	v60 =	vperm.xlane v56, v18;
	s0 =	simm.s32 $0x10200  }
0x537: {  	[tilespmem:s0], [sflag:$0x2] =	stream.indirect_vreg.gather [hbm4b:s30+s4], $0x80, v59, vm0, $0xb8;
	[tilespmem:$0x10880] =	vst v63  }
0x538: {  	v56 =	vperm.xlane v56, v19;
	v62 =	vadd.s32 v3, v60;
	s0 =	simm.s32 $0x10280  }
0x539: {  	[tilespmem:s0], [sflag:$0x2] =	stream.indirect_vreg.gather [hbm4b:s30+s4], $0x80, v57, vm0, $0xb8;
	[tilespmem:$0x10880] =	vst v63  }
0x53a: {  	v56 =	vadd.s32 v3, v56;
	s0 =	simm.s32 $0x10300  }
0x53b: {  	[tilespmem:s0], [sflag:$0x2] =	stream.indirect_vreg.gather [hbm4b:s30+s4], $0x80, v58, vm0, $0xb8;
	[tilespmem:$0x10880] =	vst v63  }
0x53c: {  	s0 =	simm.s32 $0x10380  }
0x53d: {  	[tilespmem:s0], [sflag:$0x2] =	stream.indirect_vreg.gather [hbm4b:s30+s4], $0x80, v62, vm0, $0xb8;
	[tilespmem:$0x10880] =	vst v63  }
0x53e: {  	s0 =	simm.s32 $0x10400  }
0x53f: {  	[tilespmem:s0], [sflag:$0x2] =	stream.indirect_vreg.gather [hbm4b:s30+s4], $0x80, v56, vm0, $0xb8;
	[tilespmem:$0x10880] =	vst v63  }
0x540: {  	_ =	swait.ge [sflag:s10], $0x1000  }
0x541: {  	[sflag:s10] =	ssyncset.done $0x0  }
0x542: {  	[sflag:s10] =	ssyncadd.s32 $0xFFFFF000  }
0x543: {  	_ =	swait.ge [sflag:s10], $0x1000  }
0x544: {  	[sflag:s10] =	ssyncset.done $0x0  }
0x545: {  	[sflag:s10] =	ssyncadd.s32 $0xFFFFF000  }
0x546: {  	_ =	swait.ge [sflag:s10], $0x1000  }
0x547: {  	[sflag:s10] =	ssyncset.done $0x0  }
0x548: {  	[sflag:s10] =	ssyncadd.s32 $0xFFFFF000  }
0x549: {  	_ =	swait.ge [sflag:s10], $0x1000  }
0x54a: {  	[sflag:s10] =	ssyncset.done $0x0  }
0x54b: {  	[sflag:s10] =	ssyncadd.s32 $0xFFFFF000  }
0x54c: {  	_ =	swait.ge [sflag:s10], $0x1000  }
0x54d: {  	[sflag:s10] =	ssyncset.done $0x0  }
0x54e: {  	[sflag:s10] =	ssyncadd.s32 $0xFFFFF000  }
0x54f: {  	_ =	swait.ge [sflag:s10], $0x1000  }
0x550: {  	[sflag:s10] =	ssyncset.done $0x0  }
0x551: {  	[sflag:s10] =	ssyncadd.s32 $0xFFFFF000  }
0x552: {  	s6 =	sand.u32 $0x7F, s6;
	_ =	swait.ge [sflag:s10], $0x1000  }
0x553: {  	v63 =	vor.u32 s6, v14;
	[sflag:s10] =	ssyncset.done $0x0  }
0x554: {  	s11 =	sand.u32 $0x7F, s11;
	v60 =	vor.u32 s6, v20;
	[sflag:s10] =	ssyncadd.s32 $0xFFFFF000  }
0x555: {  	v61 =	vor.u32 s11, v14;
	_ =	swait.ge [sflag:s10], $0x1000  }
0x556: {  	v62 =	vor.u32 s11, v20;
	[sflag:s10] =	ssyncset.done $0x0  }
0x557: {  	[sflag:s10] =	ssyncadd.s32 $0xFFFFF000  }
0x558: {  	v56 =	vld.idx.msk [tilespmem:v63+s15+$0x0], $0xffff  }
0x559: {  	v57 =	vld.idx.msk [tilespmem:v60+s15+$0x0], $0xffff  }
0x55a: {  	v58 =	vld.idx.msk [tilespmem:v61+s20+$0x0], $0xffff  }
0x55b: {  	v59 =	vld.idx.msk [tilespmem:v62+s20+$0x0], $0xffff;
	_ =	sdelay $0x4  }
0x55c: {  	v56 =	vmul.f32 v58, v56;
	v57 =	vmul.f32 v59, v57  }
0x55d: {  	s17 =	sand.u32 $0x7F, s17  }
0x55e: {  	v58 =	vor.u32 s17, v21;
	v56 =	vmul.f32 v56, v52;
	v57 =	vmul.f32 v57, v53  }
0x55f: {  	s18 =	sand.u32 $0x7F, s18;
	v59 =	vor.u32 s17, v22  }
0x560: {  	v60 =	vor.u32 s18, v22;
	v56 =	vadd.f32 v57, v56  }
0x561: {  	v57 =	vor.u32 s18, v21  }
0x562: {  	[tilespmem:$0x10580] =	vst v56  }
0x563: {  	v56 =	vld.idx.msk [tilespmem:v58+s15+$0x0], $0xffff  }
0x564: {  	v63 =	vld.idx.msk [tilespmem:v59+s15+$0x0], $0xffff  }
0x565: {  	v61 =	vld.idx.msk [tilespmem:v60+s20+$0x0], $0xffff  }
0x566: {  	v57 =	vld.idx.msk [tilespmem:v57+s20+$0x0], $0xffff;
	_ =	sdelay $0x4  }
0x567: {  	v62 =	vmul.f32 v61, v63;
	v56 =	vmul.f32 v57, v56  }
0x568: {  	s22 =	sand.u32 $0x7F, s22  }
0x569: {  	v58 =	vor.u32 s22, v23;
	v57 =	vmul.f32 v62, v53;
	v56 =	vmul.f32 v56, v52  }
0x56a: {  	s0 =	sand.u32 $0x7F, s23;
	v59 =	vor.u32 s22, v24  }
0x56b: {  	v60 =	vor.u32 s0, v24;
	v56 =	vadd.f32 v57, v56  }
0x56c: {  	v57 =	vor.u32 s0, v23  }
0x56d: {  	[tilespmem:$0x10590] =	vst v56  }
0x56e: {  	v56 =	vld.idx.msk [tilespmem:v58+s15+$0x0], $0xffff  }
0x56f: {  	v63 =	vld.idx.msk [tilespmem:v59+s15+$0x0], $0xffff  }
0x570: {  	v61 =	vld.idx.msk [tilespmem:v60+s20+$0x0], $0xffff  }
0x571: {  	v57 =	vld.idx.msk [tilespmem:v57+s20+$0x0], $0xffff;
	_ =	sdelay $0x4  }
0x572: {  	v62 =	vmul.f32 v61, v63;
	v56 =	vmul.f32 v57, v56  }
0x573: {  	s11 =	sand.u32 $0x7F, s26  }
0x574: {  	v58 =	vor.u32 s11, v25;
	v57 =	vmul.f32 v62, v53;
	v56 =	vmul.f32 v56, v52  }
0x575: {  	s17 =	sand.u32 $0x7F, s28;
	v59 =	vor.u32 s11, v26  }
0x576: {  	(v2sf) =	vpush v55, $0x8;
	v60 =	vor.u32 s17, v26;
	v56 =	vadd.f32 v57, v56  }
0x577: {  	v57 =	vor.u32 s17, v25  }
0x578: {  	[tilespmem:$0x105A0] =	vst v56;
	v56 =	vld [tilespmem:$0x400]  }
0x579: {  	v58 =	vld.idx.msk [tilespmem:v58+s15+$0x0], $0xffff  }
0x57a: {  	v59 =	vld.idx.msk [tilespmem:v59+s15+$0x0], $0xffff  }
0x57b: {  	v60 =	vld.idx.msk [tilespmem:v60+s20+$0x0], $0xffff  }
0x57c: {  	v57 =	vld.idx.msk [tilespmem:v57+s20+$0x0], $0xffff  }
0x57d: {  	v61 =	vshrl.u32 v56, $0x3  }
0x57e: {  	v61 =	vmul.u32 $0xF428, v61  }
0x57f: {  	v56 =	vand.u32 $0x7, v56  }
0x580: {  	v63 =	vmul.f32 v60, v59;
	v56 =	vor.u32 v56, v61  }
0x581: {  	v57 =	vmul.f32 v57, v58;
	v60 =	vperm.xlane v56, v2  }
0x582: {  	v58 =	vmul.f32 v63, v53  }
0x583: {  	v57 =	vmul.f32 v57, v52;
	v59 =	vadd.s32 v3, v60;
	v60 =	vperm.xlane v56, v4;
	_ =	sdelay $0x1  }
0x584: {  	s6 =	spop (v2sf);
	v57 =	vadd.f32 v58, v57;
	v58 =	vadd.s32 v3, v60;
	v60 =	vperm.xlane v56, v5  }
0x585: {  	s18 =	sand.u32 $0xFFFFF80, s6  }
0x586: {  	s11 =	sadd.s32 s1, s18;
	[tilespmem:$0x105B0] =	vst v57;
	v57 =	vadd.s32 v3, v60;
	v60 =	vperm.xlane v56, v6  }
0x587: {  	[tilespmem:s15], [sflag:$0x1] =	stream.indirect_vreg.gather [hbm4b:s11+s4], $0x80, v59, vm0, $0xb8;
	[tilespmem:$0x10880] =	vst v63  }
0x588: {  	s22 =	simm.s32 $0x500;
	v59 =	vadd.s32 v3, v60;
	v60 =	vperm.xlane v56, v7  }
0x589: {  	[tilespmem:s22], [sflag:$0x1] =	stream.indirect_vreg.gather [hbm4b:s11+s4], $0x80, v58, vm0, $0xb8;
	[tilespmem:$0x10880] =	vst v63  }
0x58a: {  	s23 =	simm.s32 $0x580;
	v58 =	vadd.s32 v3, v60;
	v60 =	vperm.xlane v56, v8  }
0x58b: {  	[tilespmem:s23], [sflag:$0x1] =	stream.indirect_vreg.gather [hbm4b:s11+s4], $0x80, v57, vm0, $0xb8;
	[tilespmem:$0x10880] =	vst v63  }
0x58c: {  	s26 =	simm.s32 $0x600;
	v57 =	vadd.s32 v3, v60;
	v60 =	vperm.xlane v56, v9  }
0x58d: {  	[tilespmem:s26], [sflag:$0x1] =	stream.indirect_vreg.gather [hbm4b:s11+s4], $0x80, v59, vm0, $0xb8;
	[tilespmem:$0x10880] =	vst v63  }
0x58e: {  	s17 =	simm.s32 $0x680;
	v59 =	vadd.s32 v3, v60;
	v60 =	vperm.xlane v56, v10  }
0x58f: {  	[tilespmem:s17], [sflag:$0x1] =	stream.indirect_vreg.gather [hbm4b:s11+s4], $0x80, v58, vm0, $0xb8;
	[tilespmem:$0x10880] =	vst v63  }
0x590: {  	s18 =	simm.s32 $0x700;
	v58 =	vadd.s32 v3, v60;
	v60 =	vperm.xlane v56, v11  }
0x591: {  	[tilespmem:s18], [sflag:$0x1] =	stream.indirect_vreg.gather [hbm4b:s11+s4], $0x80, v57, vm0, $0xb8;
	[tilespmem:$0x10880] =	vst v63  }
0x592: {  	s22 =	simm.s32 $0x780;
	v57 =	vadd.s32 v3, v60;
	v60 =	vperm.xlane v56, v12  }
0x593: {  	[tilespmem:s22], [sflag:$0x1] =	stream.indirect_vreg.gather [hbm4b:s11+s4], $0x80, v59, vm0, $0xb8;
	[tilespmem:$0x10880] =	vst v63  }
0x594: {  	s23 =	simm.s32 $0x800;
	v59 =	vadd.s32 v3, v60;
	v60 =	vperm.xlane v56, v13  }
0x595: {  	[tilespmem:s23], [sflag:$0x1] =	stream.indirect_vreg.gather [hbm4b:s11+s4], $0x80, v58, vm0, $0xb8;
	[tilespmem:$0x10880] =	vst v63  }
0x596: {  	s26 =	simm.s32 $0x880;
	v58 =	vadd.s32 v3, v60;
	v60 =	vperm.xlane v56, v15  }
0x597: {  	[tilespmem:s26], [sflag:$0x1] =	stream.indirect_vreg.gather [hbm4b:s11+s4], $0x80, v57, vm0, $0xb8;
	[tilespmem:$0x10880] =	vst v63  }
0x598: {  	s17 =	simm.s32 $0x900;
	v57 =	vadd.s32 v3, v60;
	v60 =	vperm.xlane v56, v16  }
0x599: {  	[tilespmem:s17], [sflag:$0x1] =	stream.indirect_vreg.gather [hbm4b:s11+s4], $0x80, v59, vm0, $0xb8;
	[tilespmem:$0x10880] =	vst v63  }
0x59a: {  	s22 =	simm.s32 $0x980;
	v59 =	vadd.s32 v3, v60;
	v60 =	vperm.xlane v56, v17  }
0x59b: {  	[tilespmem:s22], [sflag:$0x1] =	stream.indirect_vreg.gather [hbm4b:s11+s4], $0x80, v58, vm0, $0xb8;
	[tilespmem:$0x10880] =	vst v63  }
0x59c: {  	s23 =	simm.s32 $0xA00;
	v58 =	vadd.s32 v3, v60;
	v60 =	vperm.xlane v56, v18  }
0x59d: {  	[tilespmem:s23], [sflag:$0x1] =	stream.indirect_vreg.gather [hbm4b:s11+s4], $0x80, v57, vm0, $0xb8;
	[tilespmem:$0x10880] =	vst v63  }
0x59e: {  	s26 =	simm.s32 $0xA80;
	v56 =	vperm.xlane v56, v19;
	v61 =	vadd.s32 v3, v60  }
0x59f: {  	[tilespmem:s26], [sflag:$0x1] =	stream.indirect_vreg.gather [hbm4b:s11+s4], $0x80, v59, vm0, $0xb8;
	[tilespmem:$0x10880] =	vst v63  }
0x5a0: {  	s5 =	simm.s32 $0xB00;
	v56 =	vadd.s32 v3, v56  }
0x5a1: {  	[tilespmem:s5], [sflag:$0x1] =	stream.indirect_vreg.gather [hbm4b:s11+s4], $0x80, v58, vm0, $0xb8;
	[tilespmem:$0x10880] =	vst v63  }
0x5a2: {  	s18 =	simm.s32 $0xB80  }
0x5a3: {  	[tilespmem:s18], [sflag:$0x1] =	stream.indirect_vreg.gather [hbm4b:s11+s4], $0x80, v61, vm0, $0xb8;
	[tilespmem:$0x10880] =	vst v63  }
0x5a4: {  	s3 =	simm.s32 $0xC00  }
0x5a5: {  	[tilespmem:s3], [sflag:$0x1] =	stream.indirect_vreg.gather [hbm4b:s11+s4], $0x80, v56, vm0, $0xb8;
	[tilespmem:$0x10880] =	vst v63  }
0x5a6: {  	v56 =	vld [tilespmem:$0x410];
	_ =	sdelay $0x4  }
0x5a7: {  	v62 =	vshrl.u32 v56, $0x3  }
0x5a8: {  	v57 =	vmul.u32 $0xF428, v62  }
0x5a9: {  	v56 =	vand.u32 $0x7, v56  }
0x5aa: {  	v56 =	vor.u32 v56, v57  }
0x5ab: {  	v57 =	vperm.xlane v56, v2;
	_ =	sdelay $0x1  }
0x5ac: {  	v63 =	vperm.xlane v56, v4;
	v57 =	vadd.s32 v3, v57;
	_ =	sdelay $0x1  }
0x5ad: {  	v60 =	vperm.xlane v56, v5;
	v58 =	vadd.s32 v3, v63;
	_ =	sdelay $0x1  }
0x5ae: {  	s18 =	simm.s32 $0xC80;
	v59 =	vadd.s32 v3, v60;
	v60 =	vperm.xlane v56, v6  }
0x5af: {  	[tilespmem:s18], [sflag:$0x1] =	stream.indirect_vreg.gather [hbm4b:s11+s4], $0x80, v57, vm0, $0xb8;
	[tilespmem:$0x10880] =	vst v63  }
0x5b0: {  	s22 =	simm.s32 $0xD00;
	v57 =	vadd.s32 v3, v60;
	v60 =	vperm.xlane v56, v7  }
0x5b1: {  	[tilespmem:s22], [sflag:$0x1] =	stream.indirect_vreg.gather [hbm4b:s11+s4], $0x80, v58, vm0, $0xb8;
	[tilespmem:$0x10880] =	vst v63  }
0x5b2: {  	s12 =	simm.s32 $0xD80;
	v58 =	vadd.s32 v3, v60;
	v60 =	vperm.xlane v56, v8  }
0x5b3: {  	[tilespmem:s12], [sflag:$0x1] =	stream.indirect_vreg.gather [hbm4b:s11+s4], $0x80, v59, vm0, $0xb8;
	[tilespmem:$0x10880] =	vst v63  }
0x5b4: {  	s12 =	simm.s32 $0xE00;
	v59 =	vadd.s32 v3, v60;
	v60 =	vperm.xlane v56, v9  }
0x5b5: {  	[tilespmem:s12], [sflag:$0x1] =	stream.indirect_vreg.gather [hbm4b:s11+s4], $0x80, v57, vm0, $0xb8;
	[tilespmem:$0x10880] =	vst v63  }
0x5b6: {  	s31 =	simm.s32 $0xE80;
	v57 =	vadd.s32 v3, v60;
	v60 =	vperm.xlane v56, v10  }
0x5b7: {  	[tilespmem:s31], [sflag:$0x1] =	stream.indirect_vreg.gather [hbm4b:s11+s4], $0x80, v58, vm0, $0xb8;
	[tilespmem:$0x10880] =	vst v63  }
0x5b8: {  	s31 =	simm.s32 $0xF00;
	v58 =	vadd.s32 v3, v60;
	v60 =	vperm.xlane v56, v11  }
0x5b9: {  	[tilespmem:s31], [sflag:$0x1] =	stream.indirect_vreg.gather [hbm4b:s11+s4], $0x80, v59, vm0, $0xb8;
	[tilespmem:$0x10880] =	vst v63  }
0x5ba: {  	s23 =	simm.s32 $0xF80;
	v59 =	vadd.s32 v3, v60;
	v60 =	vperm.xlane v56, v12  }
0x5bb: {  	[tilespmem:s23], [sflag:$0x1] =	stream.indirect_vreg.gather [hbm4b:s11+s4], $0x80, v57, vm0, $0xb8;
	[tilespmem:$0x10880] =	vst v63  }
0x5bc: {  	s26 =	simm.s32 $0x1000;
	v57 =	vadd.s32 v3, v60;
	v60 =	vperm.xlane v56, v13  }
0x5bd: {  	[tilespmem:s26], [sflag:$0x1] =	stream.indirect_vreg.gather [hbm4b:s11+s4], $0x80, v58, vm0, $0xb8;
	[tilespmem:$0x10880] =	vst v63  }
0x5be: {  	s3 =	simm.s32 $0x1080;
	v58 =	vadd.s32 v3, v60;
	v60 =	vperm.xlane v56, v15  }
0x5bf: {  	[tilespmem:s3], [sflag:$0x1] =	stream.indirect_vreg.gather [hbm4b:s11+s4], $0x80, v59, vm0, $0xb8;
	[tilespmem:$0x10880] =	vst v63  }
0x5c0: {  	s5 =	simm.s32 $0x1100;
	v59 =	vadd.s32 v3, v60;
	v60 =	vperm.xlane v56, v16  }
0x5c1: {  	[tilespmem:s5], [sflag:$0x1] =	stream.indirect_vreg.gather [hbm4b:s11+s4], $0x80, v57, vm0, $0xb8;
	[tilespmem:$0x10880] =	vst v63  }
0x5c2: {  	s17 =	simm.s32 $0x1180;
	v57 =	vadd.s32 v3, v60;
	v60 =	vperm.xlane v56, v17  }
0x5c3: {  	[tilespmem:s17], [sflag:$0x1] =	stream.indirect_vreg.gather [hbm4b:s11+s4], $0x80, v58, vm0, $0xb8;
	[tilespmem:$0x10880] =	vst v63  }
0x5c4: {  	s18 =	simm.s32 $0x1200;
	v58 =	vadd.s32 v3, v60;
	v60 =	vperm.xlane v56, v18  }
0x5c5: {  	[tilespmem:s18], [sflag:$0x1] =	stream.indirect_vreg.gather [hbm4b:s11+s4], $0x80, v59, vm0, $0xb8;
	[tilespmem:$0x10880] =	vst v63  }
0x5c6: {  	s22 =	simm.s32 $0x1280;
	v56 =	vperm.xlane v56, v19;
	v61 =	vadd.s32 v3, v60  }
0x5c7: {  	[tilespmem:s22], [sflag:$0x1] =	stream.indirect_vreg.gather [hbm4b:s11+s4], $0x80, v57, vm0, $0xb8;
	[tilespmem:$0x10880] =	vst v63  }
0x5c8: {  	s23 =	simm.s32 $0x1300;
	v56 =	vadd.s32 v3, v56  }
0x5c9: {  	[tilespmem:s23], [sflag:$0x1] =	stream.indirect_vreg.gather [hbm4b:s11+s4], $0x80, v58, vm0, $0xb8;
	[tilespmem:$0x10880] =	vst v63  }
0x5ca: {  	s26 =	simm.s32 $0x1380  }
0x5cb: {  	[tilespmem:s26], [sflag:$0x1] =	stream.indirect_vreg.gather [hbm4b:s11+s4], $0x80, v61, vm0, $0xb8;
	[tilespmem:$0x10880] =	vst v63  }
0x5cc: {  	(v2sf) =	vpush v54, $0x8;
	s3 =	simm.s32 $0x1400  }
0x5cd: {  	[tilespmem:s3], [sflag:$0x1] =	stream.indirect_vreg.gather [hbm4b:s11+s4], $0x80, v56, vm0, $0xb8;
	[tilespmem:$0x10880] =	vst v63  }
0x5ce: {  	v56 =	vld [tilespmem:$0x400];
	_ =	sdelay $0x4  }
0x5cf: {  	v62 =	vshrl.u32 v56, $0x3  }
0x5d0: {  	v57 =	vmul.u32 $0xF428, v62  }
0x5d1: {  	v56 =	vand.u32 $0x7, v56  }
0x5d2: {  	v56 =	vor.u32 v56, v57  }
0x5d3: {  	v57 =	vperm.xlane v56, v2;
	_ =	sdelay $0x1  }
0x5d4: {  	v63 =	vperm.xlane v56, v4;
	v57 =	vadd.s32 v3, v57;
	_ =	sdelay $0x1  }
0x5d5: {  	s11 =	spop (v2sf);
	v60 =	vperm.xlane v56, v5;
	v58 =	vadd.s32 v3, v63  }
0x5d6: {  	s5 =	sand.u32 $0xFFFFF80, s11  }
0x5d7: {  	s17 =	sadd.s32 s2, s5;
	v59 =	vadd.s32 v3, v60;
	v60 =	vperm.xlane v56, v6  }
0x5d8: {  	[tilespmem:s20], [sflag:$0x1] =	stream.indirect_vreg.gather [hbm4b:s17+s4], $0x80, v57, vm0, $0xb8;
	[tilespmem:$0x10880] =	vst v63  }
0x5d9: {  	s18 =	simm.s32 $0x8500;
	v57 =	vadd.s32 v3, v60;
	v60 =	vperm.xlane v56, v7  }
0x5da: {  	[tilespmem:s18], [sflag:$0x1] =	stream.indirect_vreg.gather [hbm4b:s17+s4], $0x80, v58, vm0, $0xb8;
	[tilespmem:$0x10880] =	vst v63  }
0x5db: {  	s22 =	simm.s32 $0x8580;
	v58 =	vadd.s32 v3, v60;
	v60 =	vperm.xlane v56, v8  }
0x5dc: {  	[tilespmem:s22], [sflag:$0x1] =	stream.indirect_vreg.gather [hbm4b:s17+s4], $0x80, v59, vm0, $0xb8;
	[tilespmem:$0x10880] =	vst v63  }
0x5dd: {  	s23 =	simm.s32 $0x8600;
	v59 =	vadd.s32 v3, v60;
	v60 =	vperm.xlane v56, v9  }
0x5de: {  	[tilespmem:s23], [sflag:$0x1] =	stream.indirect_vreg.gather [hbm4b:s17+s4], $0x80, v57, vm0, $0xb8;
	[tilespmem:$0x10880] =	vst v63  }
0x5df: {  	s26 =	simm.s32 $0x8680;
	v57 =	vadd.s32 v3, v60;
	v60 =	vperm.xlane v56, v10  }
0x5e0: {  	[tilespmem:s26], [sflag:$0x1] =	stream.indirect_vreg.gather [hbm4b:s17+s4], $0x80, v58, vm0, $0xb8;
	[tilespmem:$0x10880] =	vst v63  }
0x5e1: {  	s3 =	simm.s32 $0x8700;
	v58 =	vadd.s32 v3, v60;
	v60 =	vperm.xlane v56, v11  }
0x5e2: {  	[tilespmem:s3], [sflag:$0x1] =	stream.indirect_vreg.gather [hbm4b:s17+s4], $0x80, v59, vm0, $0xb8;
	[tilespmem:$0x10880] =	vst v63  }
0x5e3: {  	s5 =	simm.s32 $0x8780;
	v59 =	vadd.s32 v3, v60;
	v60 =	vperm.xlane v56, v12  }
0x5e4: {  	[tilespmem:s5], [sflag:$0x1] =	stream.indirect_vreg.gather [hbm4b:s17+s4], $0x80, v57, vm0, $0xb8;
	[tilespmem:$0x10880] =	vst v63  }
0x5e5: {  	s18 =	simm.s32 $0x8800;
	v57 =	vadd.s32 v3, v60;
	v60 =	vperm.xlane v56, v13  }
0x5e6: {  	[tilespmem:s18], [sflag:$0x1] =	stream.indirect_vreg.gather [hbm4b:s17+s4], $0x80, v58, vm0, $0xb8;
	[tilespmem:$0x10880] =	vst v63  }
0x5e7: {  	s22 =	simm.s32 $0x8880;
	v58 =	vadd.s32 v3, v60;
	v60 =	vperm.xlane v56, v15  }
0x5e8: {  	[tilespmem:s22], [sflag:$0x1] =	stream.indirect_vreg.gather [hbm4b:s17+s4], $0x80, v59, vm0, $0xb8;
	[tilespmem:$0x10880] =	vst v63  }
0x5e9: {  	s23 =	simm.s32 $0x8900;
	v59 =	vadd.s32 v3, v60;
	v60 =	vperm.xlane v56, v16  }
0x5ea: {  	[tilespmem:s23], [sflag:$0x1] =	stream.indirect_vreg.gather [hbm4b:s17+s4], $0x80, v57, vm0, $0xb8;
	[tilespmem:$0x10880] =	vst v63  }
0x5eb: {  	s26 =	simm.s32 $0x8980;
	v57 =	vadd.s32 v3, v60;
	v60 =	vperm.xlane v56, v17  }
0x5ec: {  	[tilespmem:s26], [sflag:$0x1] =	stream.indirect_vreg.gather [hbm4b:s17+s4], $0x80, v58, vm0, $0xb8;
	[tilespmem:$0x10880] =	vst v63  }
0x5ed: {  	s3 =	simm.s32 $0x8A00;
	v58 =	vadd.s32 v3, v60;
	v60 =	vperm.xlane v56, v18  }
0x5ee: {  	[tilespmem:s3], [sflag:$0x1] =	stream.indirect_vreg.gather [hbm4b:s17+s4], $0x80, v59, vm0, $0xb8;
	[tilespmem:$0x10880] =	vst v63  }
0x5ef: {  	s5 =	simm.s32 $0x8A80;
	v56 =	vperm.xlane v56, v19;
	v61 =	vadd.s32 v3, v60  }
0x5f0: {  	[tilespmem:s5], [sflag:$0x1] =	stream.indirect_vreg.gather [hbm4b:s17+s4], $0x80, v57, vm0, $0xb8;
	[tilespmem:$0x10880] =	vst v63  }
0x5f1: {  	s18 =	simm.s32 $0x8B00;
	v56 =	vadd.s32 v3, v56  }
0x5f2: {  	[tilespmem:s18], [sflag:$0x1] =	stream.indirect_vreg.gather [hbm4b:s17+s4], $0x80, v58, vm0, $0xb8;
	[tilespmem:$0x10880] =	vst v63  }
0x5f3: {  	s22 =	simm.s32 $0x8B80  }
0x5f4: {  	[tilespmem:s22], [sflag:$0x1] =	stream.indirect_vreg.gather [hbm4b:s17+s4], $0x80, v61, vm0, $0xb8;
	[tilespmem:$0x10880] =	vst v63  }
0x5f5: {  	s23 =	simm.s32 $0x8C00  }
0x5f6: {  	[tilespmem:s23], [sflag:$0x1] =	stream.indirect_vreg.gather [hbm4b:s17+s4], $0x80, v56, vm0, $0xb8;
	[tilespmem:$0x10880] =	vst v63  }
0x5f7: {  	v56 =	vld [tilespmem:$0x410];
	_ =	sdelay $0x4  }
0x5f8: {  	v62 =	vshrl.u32 v56, $0x3  }
0x5f9: {  	v57 =	vmul.u32 $0xF428, v62  }
0x5fa: {  	v56 =	vand.u32 $0x7, v56  }
0x5fb: {  	v56 =	vor.u32 v56, v57  }
0x5fc: {  	v57 =	vperm.xlane v56, v2;
	_ =	sdelay $0x1  }
0x5fd: {  	v63 =	vperm.xlane v56, v4;
	v57 =	vadd.s32 v3, v57;
	_ =	sdelay $0x1  }
0x5fe: {  	v60 =	vperm.xlane v56, v5;
	v58 =	vadd.s32 v3, v63;
	_ =	sdelay $0x1  }
0x5ff: {  	s26 =	simm.s32 $0x8C80;
	v59 =	vadd.s32 v3, v60;
	v60 =	vperm.xlane v56, v6  }
0x600: {  	[tilespmem:s26], [sflag:$0x1] =	stream.indirect_vreg.gather [hbm4b:s17+s4], $0x80, v57, vm0, $0xb8;
	[tilespmem:$0x10880] =	vst v63  }
0x601: {  	s3 =	simm.s32 $0x8D00;
	v57 =	vadd.s32 v3, v60;
	v60 =	vperm.xlane v56, v7  }
0x602: {  	[tilespmem:s3], [sflag:$0x1] =	stream.indirect_vreg.gather [hbm4b:s17+s4], $0x80, v58, vm0, $0xb8;
	[tilespmem:$0x10880] =	vst v63  }
0x603: {  	s5 =	simm.s32 $0x8D80;
	v58 =	vadd.s32 v3, v60;
	v60 =	vperm.xlane v56, v8  }
0x604: {  	[tilespmem:s5], [sflag:$0x1] =	stream.indirect_vreg.gather [hbm4b:s17+s4], $0x80, v59, vm0, $0xb8;
	[tilespmem:$0x10880] =	vst v63  }
0x605: {  	s18 =	simm.s32 $0x8E00;
	v59 =	vadd.s32 v3, v60;
	v60 =	vperm.xlane v56, v9  }
0x606: {  	[tilespmem:s18], [sflag:$0x1] =	stream.indirect_vreg.gather [hbm4b:s17+s4], $0x80, v57, vm0, $0xb8;
	[tilespmem:$0x10880] =	vst v63  }
0x607: {  	s22 =	simm.s32 $0x8E80;
	v57 =	vadd.s32 v3, v60;
	v60 =	vperm.xlane v56, v10  }
0x608: {  	[tilespmem:s22], [sflag:$0x1] =	stream.indirect_vreg.gather [hbm4b:s17+s4], $0x80, v58, vm0, $0xb8;
	[tilespmem:$0x10880] =	vst v63  }
0x609: {  	s23 =	simm.s32 $0x8F00;
	v58 =	vadd.s32 v3, v60;
	v60 =	vperm.xlane v56, v11  }
0x60a: {  	[tilespmem:s23], [sflag:$0x1] =	stream.indirect_vreg.gather [hbm4b:s17+s4], $0x80, v59, vm0, $0xb8;
	[tilespmem:$0x10880] =	vst v63  }
0x60b: {  	s26 =	simm.s32 $0x8F80;
	v59 =	vadd.s32 v3, v60;
	v60 =	vperm.xlane v56, v12  }
0x60c: {  	[tilespmem:s26], [sflag:$0x1] =	stream.indirect_vreg.gather [hbm4b:s17+s4], $0x80, v57, vm0, $0xb8;
	[tilespmem:$0x10880] =	vst v63  }
0x60d: {  	s3 =	simm.s32 $0x9000;
	v57 =	vadd.s32 v3, v60;
	v60 =	vperm.xlane v56, v13  }
0x60e: {  	[tilespmem:s3], [sflag:$0x1] =	stream.indirect_vreg.gather [hbm4b:s17+s4], $0x80, v58, vm0, $0xb8;
	[tilespmem:$0x10880] =	vst v63  }
0x60f: {  	s5 =	simm.s32 $0x9080;
	v58 =	vadd.s32 v3, v60;
	v60 =	vperm.xlane v56, v15  }
0x610: {  	[tilespmem:s5], [sflag:$0x1] =	stream.indirect_vreg.gather [hbm4b:s17+s4], $0x80, v59, vm0, $0xb8;
	[tilespmem:$0x10880] =	vst v63  }
0x611: {  	s18 =	simm.s32 $0x9100;
	v59 =	vadd.s32 v3, v60;
	v60 =	vperm.xlane v56, v16  }
0x612: {  	[tilespmem:s18], [sflag:$0x1] =	stream.indirect_vreg.gather [hbm4b:s17+s4], $0x80, v57, vm0, $0xb8;
	[tilespmem:$0x10880] =	vst v63  }
0x613: {  	s22 =	simm.s32 $0x9180;
	v57 =	vadd.s32 v3, v60;
	v60 =	vperm.xlane v56, v17  }
0x614: {  	[tilespmem:s22], [sflag:$0x1] =	stream.indirect_vreg.gather [hbm4b:s17+s4], $0x80, v58, vm0, $0xb8;
	[tilespmem:$0x10880] =	vst v63  }
0x615: {  	s23 =	simm.s32 $0x9200;
	v58 =	vadd.s32 v3, v60;
	v60 =	vperm.xlane v56, v18  }
0x616: {  	[tilespmem:s23], [sflag:$0x1] =	stream.indirect_vreg.gather [hbm4b:s17+s4], $0x80, v59, vm0, $0xb8;
	[tilespmem:$0x10880] =	vst v63  }
0x617: {  	s26 =	simm.s32 $0x9280;
	v56 =	vperm.xlane v56, v19;
	v61 =	vadd.s32 v3, v60  }
0x618: {  	[tilespmem:s26], [sflag:$0x1] =	stream.indirect_vreg.gather [hbm4b:s17+s4], $0x80, v57, vm0, $0xb8;
	[tilespmem:$0x10880] =	vst v63  }
0x619: {  	s3 =	simm.s32 $0x9300;
	v56 =	vadd.s32 v3, v56  }
0x61a: {  	[tilespmem:s3], [sflag:$0x1] =	stream.indirect_vreg.gather [hbm4b:s17+s4], $0x80, v58, vm0, $0xb8;
	[tilespmem:$0x10880] =	vst v63  }
0x61b: {  	s5 =	simm.s32 $0x9380  }
0x61c: {  	[tilespmem:s5], [sflag:$0x1] =	stream.indirect_vreg.gather [hbm4b:s17+s4], $0x80, v61, vm0, $0xb8;
	[tilespmem:$0x10880] =	vst v63  }
0x61d: {  	(v2sf) =	vpush v55, $0x9;
	s18 =	simm.s32 $0x9400  }
0x61e: {  	[tilespmem:s18], [sflag:$0x1] =	stream.indirect_vreg.gather [hbm4b:s17+s4], $0x80, v56, vm0, $0xb8;
	[tilespmem:$0x10880] =	vst v63  }
0x61f: {  	v56 =	vld [tilespmem:$0x400];
	_ =	sdelay $0x4  }
0x620: {  	v62 =	vshrl.u32 v56, $0x3  }
0x621: {  	v57 =	vmul.u32 $0xF428, v62  }
0x622: {  	v56 =	vand.u32 $0x7, v56  }
0x623: {  	v56 =	vor.u32 v56, v57  }
0x624: {  	v57 =	vperm.xlane v56, v2;
	_ =	sdelay $0x1  }
0x625: {  	v63 =	vperm.xlane v56, v4;
	v57 =	vadd.s32 v3, v57;
	_ =	sdelay $0x1  }
0x626: {  	s17 =	spop (v2sf);
	v60 =	vperm.xlane v56, v5;
	v58 =	vadd.s32 v3, v63  }
0x627: {  	s22 =	sand.u32 $0xFFFFF80, s17  }
0x628: {  	s23 =	simm.s32 $0x1480;
	s18 =	sadd.s32 s1, s22;
	v59 =	vadd.s32 v3, v60;
	v60 =	vperm.xlane v56, v6  }
0x629: {  	[tilespmem:s23], [sflag:$0x1] =	stream.indirect_vreg.gather [hbm4b:s18+s4], $0x80, v57, vm0, $0xb8;
	[tilespmem:$0x10880] =	vst v63  }
0x62a: {  	s26 =	simm.s32 $0x1500;
	v57 =	vadd.s32 v3, v60;
	v60 =	vperm.xlane v56, v7  }
0x62b: {  	[tilespmem:s26], [sflag:$0x1] =	stream.indirect_vreg.gather [hbm4b:s18+s4], $0x80, v58, vm0, $0xb8;
	[tilespmem:$0x10880] =	vst v63  }
0x62c: {  	s3 =	simm.s32 $0x1580;
	v58 =	vadd.s32 v3, v60;
	v60 =	vperm.xlane v56, v8  }
0x62d: {  	[tilespmem:s3], [sflag:$0x1] =	stream.indirect_vreg.gather [hbm4b:s18+s4], $0x80, v59, vm0, $0xb8;
	[tilespmem:$0x10880] =	vst v63  }
0x62e: {  	s5 =	simm.s32 $0x1600;
	v59 =	vadd.s32 v3, v60;
	v60 =	vperm.xlane v56, v9  }
0x62f: {  	[tilespmem:s5], [sflag:$0x1] =	stream.indirect_vreg.gather [hbm4b:s18+s4], $0x80, v57, vm0, $0xb8;
	[tilespmem:$0x10880] =	vst v63  }
0x630: {  	s22 =	simm.s32 $0x1680;
	v57 =	vadd.s32 v3, v60;
	v60 =	vperm.xlane v56, v10  }
0x631: {  	[tilespmem:s22], [sflag:$0x1] =	stream.indirect_vreg.gather [hbm4b:s18+s4], $0x80, v58, vm0, $0xb8;
	[tilespmem:$0x10880] =	vst v63  }
0x632: {  	s23 =	simm.s32 $0x1700;
	v58 =	vadd.s32 v3, v60;
	v60 =	vperm.xlane v56, v11  }
0x633: {  	[tilespmem:s23], [sflag:$0x1] =	stream.indirect_vreg.gather [hbm4b:s18+s4], $0x80, v59, vm0, $0xb8;
	[tilespmem:$0x10880] =	vst v63  }
0x634: {  	s26 =	simm.s32 $0x1780;
	v59 =	vadd.s32 v3, v60;
	v60 =	vperm.xlane v56, v12  }
0x635: {  	[tilespmem:s26], [sflag:$0x1] =	stream.indirect_vreg.gather [hbm4b:s18+s4], $0x80, v57, vm0, $0xb8;
	[tilespmem:$0x10880] =	vst v63  }
0x636: {  	s3 =	simm.s32 $0x1800;
	v57 =	vadd.s32 v3, v60;
	v60 =	vperm.xlane v56, v13  }
0x637: {  	[tilespmem:s3], [sflag:$0x1] =	stream.indirect_vreg.gather [hbm4b:s18+s4], $0x80, v58, vm0, $0xb8;
	[tilespmem:$0x10880] =	vst v63  }
0x638: {  	s5 =	simm.s32 $0x1880;
	v58 =	vadd.s32 v3, v60;
	v60 =	vperm.xlane v56, v15  }
0x639: {  	[tilespmem:s5], [sflag:$0x1] =	stream.indirect_vreg.gather [hbm4b:s18+s4], $0x80, v59, vm0, $0xb8;
	[tilespmem:$0x10880] =	vst v63  }
0x63a: {  	s22 =	simm.s32 $0x1900;
	v59 =	vadd.s32 v3, v60;
	v60 =	vperm.xlane v56, v16  }
0x63b: {  	[tilespmem:s22], [sflag:$0x1] =	stream.indirect_vreg.gather [hbm4b:s18+s4], $0x80, v57, vm0, $0xb8;
	[tilespmem:$0x10880] =	vst v63  }
0x63c: {  	s23 =	simm.s32 $0x1980;
	v57 =	vadd.s32 v3, v60;
	v60 =	vperm.xlane v56, v17  }
0x63d: {  	[tilespmem:s23], [sflag:$0x1] =	stream.indirect_vreg.gather [hbm4b:s18+s4], $0x80, v58, vm0, $0xb8;
	[tilespmem:$0x10880] =	vst v63  }
0x63e: {  	s26 =	simm.s32 $0x1A00;
	v58 =	vadd.s32 v3, v60;
	v60 =	vperm.xlane v56, v18  }
0x63f: {  	[tilespmem:s26], [sflag:$0x1] =	stream.indirect_vreg.gather [hbm4b:s18+s4], $0x80, v59, vm0, $0xb8;
	[tilespmem:$0x10880] =	vst v63  }
0x640: {  	s3 =	simm.s32 $0x1A80;
	v56 =	vperm.xlane v56, v19;
	v61 =	vadd.s32 v3, v60  }
0x641: {  	[tilespmem:s3], [sflag:$0x1] =	stream.indirect_vreg.gather [hbm4b:s18+s4], $0x80, v57, vm0, $0xb8;
	[tilespmem:$0x10880] =	vst v63  }
0x642: {  	s5 =	simm.s32 $0x1B00;
	v56 =	vadd.s32 v3, v56  }
0x643: {  	[tilespmem:s5], [sflag:$0x1] =	stream.indirect_vreg.gather [hbm4b:s18+s4], $0x80, v58, vm0, $0xb8;
	[tilespmem:$0x10880] =	vst v63  }
0x644: {  	s22 =	simm.s32 $0x1B80  }
0x645: {  	[tilespmem:s22], [sflag:$0x1] =	stream.indirect_vreg.gather [hbm4b:s18+s4], $0x80, v61, vm0, $0xb8;
	[tilespmem:$0x10880] =	vst v63  }
0x646: {  	s23 =	simm.s32 $0x1C00  }
0x647: {  	[tilespmem:s23], [sflag:$0x1] =	stream.indirect_vreg.gather [hbm4b:s18+s4], $0x80, v56, vm0, $0xb8;
	[tilespmem:$0x10880] =	vst v63  }
0x648: {  	v56 =	vld [tilespmem:$0x410];
	_ =	sdelay $0x4  }
0x649: {  	v62 =	vshrl.u32 v56, $0x3  }
0x64a: {  	v57 =	vmul.u32 $0xF428, v62  }
0x64b: {  	v56 =	vand.u32 $0x7, v56  }
0x64c: {  	v56 =	vor.u32 v56, v57  }
0x64d: {  	v57 =	vperm.xlane v56, v2;
	_ =	sdelay $0x1  }
0x64e: {  	v63 =	vperm.xlane v56, v4;
	v57 =	vadd.s32 v3, v57;
	_ =	sdelay $0x1  }
0x64f: {  	v60 =	vperm.xlane v56, v5;
	v58 =	vadd.s32 v3, v63;
	_ =	sdelay $0x1  }
0x650: {  	s26 =	simm.s32 $0x1C80;
	v59 =	vadd.s32 v3, v60;
	v60 =	vperm.xlane v56, v6  }
0x651: {  	[tilespmem:s26], [sflag:$0x1] =	stream.indirect_vreg.gather [hbm4b:s18+s4], $0x80, v57, vm0, $0xb8;
	[tilespmem:$0x10880] =	vst v63  }
0x652: {  	s3 =	simm.s32 $0x1D00;
	v57 =	vadd.s32 v3, v60;
	v60 =	vperm.xlane v56, v7  }
0x653: {  	[tilespmem:s3], [sflag:$0x1] =	stream.indirect_vreg.gather [hbm4b:s18+s4], $0x80, v58, vm0, $0xb8;
	[tilespmem:$0x10880] =	vst v63  }
0x654: {  	s5 =	simm.s32 $0x1D80;
	v58 =	vadd.s32 v3, v60;
	v60 =	vperm.xlane v56, v8  }
0x655: {  	[tilespmem:s5], [sflag:$0x1] =	stream.indirect_vreg.gather [hbm4b:s18+s4], $0x80, v59, vm0, $0xb8;
	[tilespmem:$0x10880] =	vst v63  }
0x656: {  	s22 =	simm.s32 $0x1E00;
	v59 =	vadd.s32 v3, v60;
	v60 =	vperm.xlane v56, v9  }
0x657: {  	[tilespmem:s22], [sflag:$0x1] =	stream.indirect_vreg.gather [hbm4b:s18+s4], $0x80, v57, vm0, $0xb8;
	[tilespmem:$0x10880] =	vst v63  }
0x658: {  	s23 =	simm.s32 $0x1E80;
	v57 =	vadd.s32 v3, v60;
	v60 =	vperm.xlane v56, v10  }
0x659: {  	[tilespmem:s23], [sflag:$0x1] =	stream.indirect_vreg.gather [hbm4b:s18+s4], $0x80, v58, vm0, $0xb8;
	[tilespmem:$0x10880] =	vst v63  }
0x65a: {  	s26 =	simm.s32 $0x1F00;
	v58 =	vadd.s32 v3, v60;
	v60 =	vperm.xlane v56, v11  }
0x65b: {  	[tilespmem:s26], [sflag:$0x1] =	stream.indirect_vreg.gather [hbm4b:s18+s4], $0x80, v59, vm0, $0xb8;
	[tilespmem:$0x10880] =	vst v63  }
0x65c: {  	s3 =	simm.s32 $0x1F80;
	v59 =	vadd.s32 v3, v60;
	v60 =	vperm.xlane v56, v12  }
0x65d: {  	[tilespmem:s3], [sflag:$0x1] =	stream.indirect_vreg.gather [hbm4b:s18+s4], $0x80, v57, vm0, $0xb8;
	[tilespmem:$0x10880] =	vst v63  }
0x65e: {  	s5 =	simm.s32 $0x2000;
	v57 =	vadd.s32 v3, v60;
	v60 =	vperm.xlane v56, v13  }
0x65f: {  	[tilespmem:s5], [sflag:$0x1] =	stream.indirect_vreg.gather [hbm4b:s18+s4], $0x80, v58, vm0, $0xb8;
	[tilespmem:$0x10880] =	vst v63  }
0x660: {  	s22 =	simm.s32 $0x2080;
	v58 =	vadd.s32 v3, v60;
	v60 =	vperm.xlane v56, v15  }
0x661: {  	[tilespmem:s22], [sflag:$0x1] =	stream.indirect_vreg.gather [hbm4b:s18+s4], $0x80, v59, vm0, $0xb8;
	[tilespmem:$0x10880] =	vst v63  }
0x662: {  	s23 =	simm.s32 $0x2100;
	v59 =	vadd.s32 v3, v60;
	v60 =	vperm.xlane v56, v16  }
0x663: {  	[tilespmem:s23], [sflag:$0x1] =	stream.indirect_vreg.gather [hbm4b:s18+s4], $0x80, v57, vm0, $0xb8;
	[tilespmem:$0x10880] =	vst v63  }
0x664: {  	s26 =	simm.s32 $0x2180;
	v57 =	vadd.s32 v3, v60;
	v60 =	vperm.xlane v56, v17  }
0x665: {  	[tilespmem:s26], [sflag:$0x1] =	stream.indirect_vreg.gather [hbm4b:s18+s4], $0x80, v58, vm0, $0xb8;
	[tilespmem:$0x10880] =	vst v63  }
0x666: {  	s3 =	simm.s32 $0x2200;
	v58 =	vadd.s32 v3, v60;
	v60 =	vperm.xlane v56, v18  }
0x667: {  	[tilespmem:s3], [sflag:$0x1] =	stream.indirect_vreg.gather [hbm4b:s18+s4], $0x80, v59, vm0, $0xb8;
	[tilespmem:$0x10880] =	vst v63  }
0x668: {  	s5 =	simm.s32 $0x2280;
	v56 =	vperm.xlane v56, v19;
	v61 =	vadd.s32 v3, v60  }
0x669: {  	[tilespmem:s5], [sflag:$0x1] =	stream.indirect_vreg.gather [hbm4b:s18+s4], $0x80, v57, vm0, $0xb8;
	[tilespmem:$0x10880] =	vst v63  }
0x66a: {  	s22 =	simm.s32 $0x2300;
	v56 =	vadd.s32 v3, v56  }
0x66b: {  	[tilespmem:s22], [sflag:$0x1] =	stream.indirect_vreg.gather [hbm4b:s18+s4], $0x80, v58, vm0, $0xb8;
	[tilespmem:$0x10880] =	vst v63  }
0x66c: {  	s23 =	simm.s32 $0x2380  }
0x66d: {  	[tilespmem:s23], [sflag:$0x1] =	stream.indirect_vreg.gather [hbm4b:s18+s4], $0x80, v61, vm0, $0xb8;
	[tilespmem:$0x10880] =	vst v63  }
0x66e: {  	(v2sf) =	vpush v54, $0x9;
	s26 =	simm.s32 $0x2400  }
0x66f: {  	[tilespmem:s26], [sflag:$0x1] =	stream.indirect_vreg.gather [hbm4b:s18+s4], $0x80, v56, vm0, $0xb8;
	[tilespmem:$0x10880] =	vst v63  }
0x670: {  	v56 =	vld [tilespmem:$0x400];
	_ =	sdelay $0x4  }
0x671: {  	v62 =	vshrl.u32 v56, $0x3  }
0x672: {  	v57 =	vmul.u32 $0xF428, v62  }
0x673: {  	v56 =	vand.u32 $0x7, v56  }
0x674: {  	v56 =	vor.u32 v56, v57  }
0x675: {  	v57 =	vperm.xlane v56, v2;
	_ =	sdelay $0x1  }
0x676: {  	v63 =	vperm.xlane v56, v4;
	v57 =	vadd.s32 v3, v57;
	_ =	sdelay $0x1  }
0x677: {  	s18 =	spop (v2sf);
	v60 =	vperm.xlane v56, v5;
	v58 =	vadd.s32 v3, v63  }
0x678: {  	s0 =	sand.u32 $0xFFFFF80, s18  }
0x679: {  	s3 =	simm.s32 $0x9480;
	s22 =	sadd.s32 s2, s0;
	v59 =	vadd.s32 v3, v60;
	v60 =	vperm.xlane v56, v6  }
0x67a: {  	[tilespmem:s3], [sflag:$0x1] =	stream.indirect_vreg.gather [hbm4b:s22+s4], $0x80, v57, vm0, $0xb8;
	[tilespmem:$0x10880] =	vst v63  }
0x67b: {  	s5 =	simm.s32 $0x9500;
	v57 =	vadd.s32 v3, v60;
	v60 =	vperm.xlane v56, v7  }
0x67c: {  	[tilespmem:s5], [sflag:$0x1] =	stream.indirect_vreg.gather [hbm4b:s22+s4], $0x80, v58, vm0, $0xb8;
	[tilespmem:$0x10880] =	vst v63  }
0x67d: {  	s23 =	simm.s32 $0x9580;
	v58 =	vadd.s32 v3, v60;
	v60 =	vperm.xlane v56, v8  }
0x67e: {  	[tilespmem:s23], [sflag:$0x1] =	stream.indirect_vreg.gather [hbm4b:s22+s4], $0x80, v59, vm0, $0xb8;
	[tilespmem:$0x10880] =	vst v63  }
0x67f: {  	s26 =	simm.s32 $0x9600;
	v59 =	vadd.s32 v3, v60;
	v60 =	vperm.xlane v56, v9  }
0x680: {  	[tilespmem:s26], [sflag:$0x1] =	stream.indirect_vreg.gather [hbm4b:s22+s4], $0x80, v57, vm0, $0xb8;
	[tilespmem:$0x10880] =	vst v63  }
0x681: {  	s3 =	simm.s32 $0x9680;
	v57 =	vadd.s32 v3, v60;
	v60 =	vperm.xlane v56, v10  }
0x682: {  	[tilespmem:s3], [sflag:$0x1] =	stream.indirect_vreg.gather [hbm4b:s22+s4], $0x80, v58, vm0, $0xb8;
	[tilespmem:$0x10880] =	vst v63  }
0x683: {  	s5 =	simm.s32 $0x9700;
	v58 =	vadd.s32 v3, v60;
	v60 =	vperm.xlane v56, v11  }
0x684: {  	[tilespmem:s5], [sflag:$0x1] =	stream.indirect_vreg.gather [hbm4b:s22+s4], $0x80, v59, vm0, $0xb8;
	[tilespmem:$0x10880] =	vst v63  }
0x685: {  	s23 =	simm.s32 $0x9780;
	v59 =	vadd.s32 v3, v60;
	v60 =	vperm.xlane v56, v12  }
0x686: {  	[tilespmem:s23], [sflag:$0x1] =	stream.indirect_vreg.gather [hbm4b:s22+s4], $0x80, v57, vm0, $0xb8;
	[tilespmem:$0x10880] =	vst v63  }
0x687: {  	s26 =	simm.s32 $0x9800;
	v57 =	vadd.s32 v3, v60;
	v60 =	vperm.xlane v56, v13  }
0x688: {  	[tilespmem:s26], [sflag:$0x1] =	stream.indirect_vreg.gather [hbm4b:s22+s4], $0x80, v58, vm0, $0xb8;
	[tilespmem:$0x10880] =	vst v63  }
0x689: {  	s3 =	simm.s32 $0x9880;
	v58 =	vadd.s32 v3, v60;
	v60 =	vperm.xlane v56, v15  }
0x68a: {  	[tilespmem:s3], [sflag:$0x1] =	stream.indirect_vreg.gather [hbm4b:s22+s4], $0x80, v59, vm0, $0xb8;
	[tilespmem:$0x10880] =	vst v63  }
0x68b: {  	s5 =	simm.s32 $0x9900;
	v59 =	vadd.s32 v3, v60;
	v60 =	vperm.xlane v56, v16  }
0x68c: {  	[tilespmem:s5], [sflag:$0x1] =	stream.indirect_vreg.gather [hbm4b:s22+s4], $0x80, v57, vm0, $0xb8;
	[tilespmem:$0x10880] =	vst v63  }
0x68d: {  	s23 =	simm.s32 $0x9980;
	v57 =	vadd.s32 v3, v60;
	v60 =	vperm.xlane v56, v17  }
0x68e: {  	[tilespmem:s23], [sflag:$0x1] =	stream.indirect_vreg.gather [hbm4b:s22+s4], $0x80, v58, vm0, $0xb8;
	[tilespmem:$0x10880] =	vst v63  }
0x68f: {  	s26 =	simm.s32 $0x9A00;
	v58 =	vadd.s32 v3, v60;
	v60 =	vperm.xlane v56, v18  }
0x690: {  	[tilespmem:s26], [sflag:$0x1] =	stream.indirect_vreg.gather [hbm4b:s22+s4], $0x80, v59, vm0, $0xb8;
	[tilespmem:$0x10880] =	vst v63  }
0x691: {  	s3 =	simm.s32 $0x9A80;
	v56 =	vperm.xlane v56, v19;
	v61 =	vadd.s32 v3, v60  }
0x692: {  	[tilespmem:s3], [sflag:$0x1] =	stream.indirect_vreg.gather [hbm4b:s22+s4], $0x80, v57, vm0, $0xb8;
	[tilespmem:$0x10880] =	vst v63  }
0x693: {  	s5 =	simm.s32 $0x9B00;
	v56 =	vadd.s32 v3, v56  }
0x694: {  	[tilespmem:s5], [sflag:$0x1] =	stream.indirect_vreg.gather [hbm4b:s22+s4], $0x80, v58, vm0, $0xb8;
	[tilespmem:$0x10880] =	vst v63  }
0x695: {  	s23 =	simm.s32 $0x9B80  }
0x696: {  	[tilespmem:s23], [sflag:$0x1] =	stream.indirect_vreg.gather [hbm4b:s22+s4], $0x80, v61, vm0, $0xb8;
	[tilespmem:$0x10880] =	vst v63  }
0x697: {  	s26 =	simm.s32 $0x9C00  }
0x698: {  	[tilespmem:s26], [sflag:$0x1] =	stream.indirect_vreg.gather [hbm4b:s22+s4], $0x80, v56, vm0, $0xb8;
	[tilespmem:$0x10880] =	vst v63  }
0x699: {  	v56 =	vld [tilespmem:$0x410];
	_ =	sdelay $0x4  }
0x69a: {  	v62 =	vshrl.u32 v56, $0x3  }
0x69b: {  	v57 =	vmul.u32 $0xF428, v62  }
0x69c: {  	v56 =	vand.u32 $0x7, v56  }
0x69d: {  	v56 =	vor.u32 v56, v57  }
0x69e: {  	v57 =	vperm.xlane v56, v2;
	_ =	sdelay $0x1  }
0x69f: {  	v63 =	vperm.xlane v56, v4;
	v57 =	vadd.s32 v3, v57;
	_ =	sdelay $0x1  }
0x6a0: {  	v60 =	vperm.xlane v56, v5;
	v58 =	vadd.s32 v3, v63;
	_ =	sdelay $0x1  }
0x6a1: {  	s3 =	simm.s32 $0x9C80;
	v59 =	vadd.s32 v3, v60;
	v60 =	vperm.xlane v56, v6  }
0x6a2: {  	[tilespmem:s3], [sflag:$0x1] =	stream.indirect_vreg.gather [hbm4b:s22+s4], $0x80, v57, vm0, $0xb8;
	[tilespmem:$0x10880] =	vst v63  }
0x6a3: {  	s5 =	simm.s32 $0x9D00;
	v57 =	vadd.s32 v3, v60;
	v60 =	vperm.xlane v56, v7  }
0x6a4: {  	[tilespmem:s5], [sflag:$0x1] =	stream.indirect_vreg.gather [hbm4b:s22+s4], $0x80, v58, vm0, $0xb8;
	[tilespmem:$0x10880] =	vst v63  }
0x6a5: {  	s23 =	simm.s32 $0x9D80;
	v58 =	vadd.s32 v3, v60;
	v60 =	vperm.xlane v56, v8  }
0x6a6: {  	[tilespmem:s23], [sflag:$0x1] =	stream.indirect_vreg.gather [hbm4b:s22+s4], $0x80, v59, vm0, $0xb8;
	[tilespmem:$0x10880] =	vst v63  }
0x6a7: {  	s26 =	simm.s32 $0x9E00;
	v59 =	vadd.s32 v3, v60;
	v60 =	vperm.xlane v56, v9  }
0x6a8: {  	[tilespmem:s26], [sflag:$0x1] =	stream.indirect_vreg.gather [hbm4b:s22+s4], $0x80, v57, vm0, $0xb8;
	[tilespmem:$0x10880] =	vst v63  }
0x6a9: {  	s3 =	simm.s32 $0x9E80;
	v57 =	vadd.s32 v3, v60;
	v60 =	vperm.xlane v56, v10  }
0x6aa: {  	[tilespmem:s3], [sflag:$0x1] =	stream.indirect_vreg.gather [hbm4b:s22+s4], $0x80, v58, vm0, $0xb8;
	[tilespmem:$0x10880] =	vst v63  }
0x6ab: {  	s5 =	simm.s32 $0x9F00;
	v58 =	vadd.s32 v3, v60;
	v60 =	vperm.xlane v56, v11  }
0x6ac: {  	[tilespmem:s5], [sflag:$0x1] =	stream.indirect_vreg.gather [hbm4b:s22+s4], $0x80, v59, vm0, $0xb8;
	[tilespmem:$0x10880] =	vst v63  }
0x6ad: {  	s23 =	simm.s32 $0x9F80;
	v59 =	vadd.s32 v3, v60;
	v60 =	vperm.xlane v56, v12  }
0x6ae: {  	[tilespmem:s23], [sflag:$0x1] =	stream.indirect_vreg.gather [hbm4b:s22+s4], $0x80, v57, vm0, $0xb8;
	[tilespmem:$0x10880] =	vst v63  }
0x6af: {  	s26 =	simm.s32 $0xA000;
	v57 =	vadd.s32 v3, v60;
	v60 =	vperm.xlane v56, v13  }
0x6b0: {  	[tilespmem:s26], [sflag:$0x1] =	stream.indirect_vreg.gather [hbm4b:s22+s4], $0x80, v58, vm0, $0xb8;
	[tilespmem:$0x10880] =	vst v63  }
0x6b1: {  	s3 =	simm.s32 $0xA080;
	v58 =	vadd.s32 v3, v60;
	v60 =	vperm.xlane v56, v15  }
0x6b2: {  	[tilespmem:s3], [sflag:$0x1] =	stream.indirect_vreg.gather [hbm4b:s22+s4], $0x80, v59, vm0, $0xb8;
	[tilespmem:$0x10880] =	vst v63  }
0x6b3: {  	s5 =	simm.s32 $0xA100;
	v59 =	vadd.s32 v3, v60;
	v60 =	vperm.xlane v56, v16  }
0x6b4: {  	[tilespmem:s5], [sflag:$0x1] =	stream.indirect_vreg.gather [hbm4b:s22+s4], $0x80, v57, vm0, $0xb8;
	[tilespmem:$0x10880] =	vst v63  }
0x6b5: {  	s23 =	simm.s32 $0xA180;
	v57 =	vadd.s32 v3, v60;
	v60 =	vperm.xlane v56, v17  }
0x6b6: {  	[tilespmem:s23], [sflag:$0x1] =	stream.indirect_vreg.gather [hbm4b:s22+s4], $0x80, v58, vm0, $0xb8;
	[tilespmem:$0x10880] =	vst v63  }
0x6b7: {  	s26 =	simm.s32 $0xA200;
	v58 =	vadd.s32 v3, v60;
	v60 =	vperm.xlane v56, v18  }
0x6b8: {  	[tilespmem:s26], [sflag:$0x1] =	stream.indirect_vreg.gather [hbm4b:s22+s4], $0x80, v59, vm0, $0xb8;
	[tilespmem:$0x10880] =	vst v63  }
0x6b9: {  	s3 =	simm.s32 $0xA280;
	v56 =	vperm.xlane v56, v19;
	v61 =	vadd.s32 v3, v60  }
0x6ba: {  	[tilespmem:s3], [sflag:$0x1] =	stream.indirect_vreg.gather [hbm4b:s22+s4], $0x80, v57, vm0, $0xb8;
	[tilespmem:$0x10880] =	vst v63  }
0x6bb: {  	s5 =	simm.s32 $0xA300;
	v56 =	vadd.s32 v3, v56  }
0x6bc: {  	[tilespmem:s5], [sflag:$0x1] =	stream.indirect_vreg.gather [hbm4b:s22+s4], $0x80, v58, vm0, $0xb8;
	[tilespmem:$0x10880] =	vst v63  }
0x6bd: {  	s23 =	simm.s32 $0xA380  }
0x6be: {  	[tilespmem:s23], [sflag:$0x1] =	stream.indirect_vreg.gather [hbm4b:s22+s4], $0x80, v61, vm0, $0xb8;
	[tilespmem:$0x10880] =	vst v63  }
0x6bf: {  	(v2sf) =	vpush v55, $0xA;
	s26 =	simm.s32 $0xA400  }
0x6c0: {  	[tilespmem:s26], [sflag:$0x1] =	stream.indirect_vreg.gather [hbm4b:s22+s4], $0x80, v56, vm0, $0xb8;
	[tilespmem:$0x10880] =	vst v63  }
0x6c1: {  	v56 =	vld [tilespmem:$0x400];
	_ =	sdelay $0x4  }
0x6c2: {  	v62 =	vshrl.u32 v56, $0x3  }
0x6c3: {  	v57 =	vmul.u32 $0xF428, v62  }
0x6c4: {  	v56 =	vand.u32 $0x7, v56  }
0x6c5: {  	v56 =	vor.u32 v56, v57  }
0x6c6: {  	v57 =	vperm.xlane v56, v2;
	_ =	sdelay $0x1  }
0x6c7: {  	v63 =	vperm.xlane v56, v4;
	v57 =	vadd.s32 v3, v57;
	_ =	sdelay $0x1  }
0x6c8: {  	s22 =	spop (v2sf);
	v60 =	vperm.xlane v56, v5;
	v58 =	vadd.s32 v3, v63  }
0x6c9: {  	s3 =	sand.u32 $0xFFFFF80, s22  }
0x6ca: {  	s5 =	simm.s32 $0x2480;
	s23 =	sadd.s32 s1, s3;
	v59 =	vadd.s32 v3, v60;
	v60 =	vperm.xlane v56, v6  }
0x6cb: {  	[tilespmem:s5], [sflag:$0x1] =	stream.indirect_vreg.gather [hbm4b:s23+s4], $0x80, v57, vm0, $0xb8;
	[tilespmem:$0x10880] =	vst v63  }
0x6cc: {  	s26 =	simm.s32 $0x2500;
	v57 =	vadd.s32 v3, v60;
	v60 =	vperm.xlane v56, v7  }
0x6cd: {  	[tilespmem:s26], [sflag:$0x1] =	stream.indirect_vreg.gather [hbm4b:s23+s4], $0x80, v58, vm0, $0xb8;
	[tilespmem:$0x10880] =	vst v63  }
0x6ce: {  	s3 =	simm.s32 $0x2580;
	v58 =	vadd.s32 v3, v60;
	v60 =	vperm.xlane v56, v8  }
0x6cf: {  	[tilespmem:s3], [sflag:$0x1] =	stream.indirect_vreg.gather [hbm4b:s23+s4], $0x80, v59, vm0, $0xb8;
	[tilespmem:$0x10880] =	vst v63  }
0x6d0: {  	s5 =	simm.s32 $0x2600;
	v59 =	vadd.s32 v3, v60;
	v60 =	vperm.xlane v56, v9  }
0x6d1: {  	[tilespmem:s5], [sflag:$0x1] =	stream.indirect_vreg.gather [hbm4b:s23+s4], $0x80, v57, vm0, $0xb8;
	[tilespmem:$0x10880] =	vst v63  }
0x6d2: {  	s26 =	simm.s32 $0x2680;
	v57 =	vadd.s32 v3, v60;
	v60 =	vperm.xlane v56, v10  }
0x6d3: {  	[tilespmem:s26], [sflag:$0x1] =	stream.indirect_vreg.gather [hbm4b:s23+s4], $0x80, v58, vm0, $0xb8;
	[tilespmem:$0x10880] =	vst v63  }
0x6d4: {  	s3 =	simm.s32 $0x2700;
	v58 =	vadd.s32 v3, v60;
	v60 =	vperm.xlane v56, v11  }
0x6d5: {  	[tilespmem:s3], [sflag:$0x1] =	stream.indirect_vreg.gather [hbm4b:s23+s4], $0x80, v59, vm0, $0xb8;
	[tilespmem:$0x10880] =	vst v63  }
0x6d6: {  	s5 =	simm.s32 $0x2780;
	v59 =	vadd.s32 v3, v60;
	v60 =	vperm.xlane v56, v12  }
0x6d7: {  	[tilespmem:s5], [sflag:$0x1] =	stream.indirect_vreg.gather [hbm4b:s23+s4], $0x80, v57, vm0, $0xb8;
	[tilespmem:$0x10880] =	vst v63  }
0x6d8: {  	s26 =	simm.s32 $0x2800;
	v57 =	vadd.s32 v3, v60;
	v60 =	vperm.xlane v56, v13  }
0x6d9: {  	[tilespmem:s26], [sflag:$0x1] =	stream.indirect_vreg.gather [hbm4b:s23+s4], $0x80, v58, vm0, $0xb8;
	[tilespmem:$0x10880] =	vst v63  }
0x6da: {  	s3 =	simm.s32 $0x2880;
	v58 =	vadd.s32 v3, v60;
	v60 =	vperm.xlane v56, v15  }
0x6db: {  	[tilespmem:s3], [sflag:$0x1] =	stream.indirect_vreg.gather [hbm4b:s23+s4], $0x80, v59, vm0, $0xb8;
	[tilespmem:$0x10880] =	vst v63  }
0x6dc: {  	s5 =	simm.s32 $0x2900;
	v59 =	vadd.s32 v3, v60;
	v60 =	vperm.xlane v56, v16  }
0x6dd: {  	[tilespmem:s5], [sflag:$0x1] =	stream.indirect_vreg.gather [hbm4b:s23+s4], $0x80, v57, vm0, $0xb8;
	[tilespmem:$0x10880] =	vst v63  }
0x6de: {  	s26 =	simm.s32 $0x2980;
	v57 =	vadd.s32 v3, v60;
	v60 =	vperm.xlane v56, v17  }
0x6df: {  	[tilespmem:s26], [sflag:$0x1] =	stream.indirect_vreg.gather [hbm4b:s23+s4], $0x80, v58, vm0, $0xb8;
	[tilespmem:$0x10880] =	vst v63  }
0x6e0: {  	s3 =	simm.s32 $0x2A00;
	v58 =	vadd.s32 v3, v60;
	v60 =	vperm.xlane v56, v18  }
0x6e1: {  	[tilespmem:s3], [sflag:$0x1] =	stream.indirect_vreg.gather [hbm4b:s23+s4], $0x80, v59, vm0, $0xb8;
	[tilespmem:$0x10880] =	vst v63  }
0x6e2: {  	s5 =	simm.s32 $0x2A80;
	v56 =	vperm.xlane v56, v19;
	v61 =	vadd.s32 v3, v60  }
0x6e3: {  	[tilespmem:s5], [sflag:$0x1] =	stream.indirect_vreg.gather [hbm4b:s23+s4], $0x80, v57, vm0, $0xb8;
	[tilespmem:$0x10880] =	vst v63  }
0x6e4: {  	s26 =	simm.s32 $0x2B00;
	v56 =	vadd.s32 v3, v56  }
0x6e5: {  	[tilespmem:s26], [sflag:$0x1] =	stream.indirect_vreg.gather [hbm4b:s23+s4], $0x80, v58, vm0, $0xb8;
	[tilespmem:$0x10880] =	vst v63  }
0x6e6: {  	s3 =	simm.s32 $0x2B80  }
0x6e7: {  	[tilespmem:s3], [sflag:$0x1] =	stream.indirect_vreg.gather [hbm4b:s23+s4], $0x80, v61, vm0, $0xb8;
	[tilespmem:$0x10880] =	vst v63  }
0x6e8: {  	s5 =	simm.s32 $0x2C00  }
0x6e9: {  	[tilespmem:s5], [sflag:$0x1] =	stream.indirect_vreg.gather [hbm4b:s23+s4], $0x80, v56, vm0, $0xb8;
	[tilespmem:$0x10880] =	vst v63  }
0x6ea: {  	v56 =	vld [tilespmem:$0x410];
	_ =	sdelay $0x4  }
0x6eb: {  	v62 =	vshrl.u32 v56, $0x3  }
0x6ec: {  	v57 =	vmul.u32 $0xF428, v62  }
0x6ed: {  	v56 =	vand.u32 $0x7, v56  }
0x6ee: {  	v56 =	vor.u32 v56, v57  }
0x6ef: {  	v57 =	vperm.xlane v56, v2;
	_ =	sdelay $0x1  }
0x6f0: {  	v63 =	vperm.xlane v56, v4;
	v57 =	vadd.s32 v3, v57;
	_ =	sdelay $0x1  }
0x6f1: {  	v60 =	vperm.xlane v56, v5;
	v58 =	vadd.s32 v3, v63;
	_ =	sdelay $0x1  }
0x6f2: {  	s26 =	simm.s32 $0x2C80;
	v59 =	vadd.s32 v3, v60;
	v60 =	vperm.xlane v56, v6  }
0x6f3: {  	[tilespmem:s26], [sflag:$0x1] =	stream.indirect_vreg.gather [hbm4b:s23+s4], $0x80, v57, vm0, $0xb8;
	[tilespmem:$0x10880] =	vst v63  }
0x6f4: {  	s3 =	simm.s32 $0x2D00;
	v57 =	vadd.s32 v3, v60;
	v60 =	vperm.xlane v56, v7  }
0x6f5: {  	[tilespmem:s3], [sflag:$0x1] =	stream.indirect_vreg.gather [hbm4b:s23+s4], $0x80, v58, vm0, $0xb8;
	[tilespmem:$0x10880] =	vst v63  }
0x6f6: {  	s5 =	simm.s32 $0x2D80;
	v58 =	vadd.s32 v3, v60;
	v60 =	vperm.xlane v56, v8  }
0x6f7: {  	[tilespmem:s5], [sflag:$0x1] =	stream.indirect_vreg.gather [hbm4b:s23+s4], $0x80, v59, vm0, $0xb8;
	[tilespmem:$0x10880] =	vst v63  }
0x6f8: {  	s26 =	simm.s32 $0x2E00;
	v59 =	vadd.s32 v3, v60;
	v60 =	vperm.xlane v56, v9  }
0x6f9: {  	[tilespmem:s26], [sflag:$0x1] =	stream.indirect_vreg.gather [hbm4b:s23+s4], $0x80, v57, vm0, $0xb8;
	[tilespmem:$0x10880] =	vst v63  }
0x6fa: {  	s3 =	simm.s32 $0x2E80;
	v57 =	vadd.s32 v3, v60;
	v60 =	vperm.xlane v56, v10  }
0x6fb: {  	[tilespmem:s3], [sflag:$0x1] =	stream.indirect_vreg.gather [hbm4b:s23+s4], $0x80, v58, vm0, $0xb8;
	[tilespmem:$0x10880] =	vst v63  }
0x6fc: {  	s5 =	simm.s32 $0x2F00;
	v58 =	vadd.s32 v3, v60;
	v60 =	vperm.xlane v56, v11  }
0x6fd: {  	[tilespmem:s5], [sflag:$0x1] =	stream.indirect_vreg.gather [hbm4b:s23+s4], $0x80, v59, vm0, $0xb8;
	[tilespmem:$0x10880] =	vst v63  }
0x6fe: {  	s26 =	simm.s32 $0x2F80;
	v59 =	vadd.s32 v3, v60;
	v60 =	vperm.xlane v56, v12  }
0x6ff: {  	[tilespmem:s26], [sflag:$0x1] =	stream.indirect_vreg.gather [hbm4b:s23+s4], $0x80, v57, vm0, $0xb8;
	[tilespmem:$0x10880] =	vst v63  }
0x700: {  	s3 =	simm.s32 $0x3000;
	v57 =	vadd.s32 v3, v60;
	v60 =	vperm.xlane v56, v13  }
0x701: {  	[tilespmem:s3], [sflag:$0x1] =	stream.indirect_vreg.gather [hbm4b:s23+s4], $0x80, v58, vm0, $0xb8;
	[tilespmem:$0x10880] =	vst v63  }
0x702: {  	s5 =	simm.s32 $0x3080;
	v58 =	vadd.s32 v3, v60;
	v60 =	vperm.xlane v56, v15  }
0x703: {  	[tilespmem:s5], [sflag:$0x1] =	stream.indirect_vreg.gather [hbm4b:s23+s4], $0x80, v59, vm0, $0xb8;
	[tilespmem:$0x10880] =	vst v63  }
0x704: {  	s26 =	simm.s32 $0x3100;
	v59 =	vadd.s32 v3, v60;
	v60 =	vperm.xlane v56, v16  }
0x705: {  	[tilespmem:s26], [sflag:$0x1] =	stream.indirect_vreg.gather [hbm4b:s23+s4], $0x80, v57, vm0, $0xb8;
	[tilespmem:$0x10880] =	vst v63  }
0x706: {  	s3 =	simm.s32 $0x3180;
	v57 =	vadd.s32 v3, v60;
	v60 =	vperm.xlane v56, v17  }
0x707: {  	[tilespmem:s3], [sflag:$0x1] =	stream.indirect_vreg.gather [hbm4b:s23+s4], $0x80, v58, vm0, $0xb8;
	[tilespmem:$0x10880] =	vst v63  }
0x708: {  	s5 =	simm.s32 $0x3200;
	v58 =	vadd.s32 v3, v60;
	v60 =	vperm.xlane v56, v18  }
0x709: {  	[tilespmem:s5], [sflag:$0x1] =	stream.indirect_vreg.gather [hbm4b:s23+s4], $0x80, v59, vm0, $0xb8;
	[tilespmem:$0x10880] =	vst v63  }
0x70a: {  	s26 =	simm.s32 $0x3280;
	v56 =	vperm.xlane v56, v19;
	v61 =	vadd.s32 v3, v60  }
0x70b: {  	[tilespmem:s26], [sflag:$0x1] =	stream.indirect_vreg.gather [hbm4b:s23+s4], $0x80, v57, vm0, $0xb8;
	[tilespmem:$0x10880] =	vst v63  }
0x70c: {  	s3 =	simm.s32 $0x3300;
	v56 =	vadd.s32 v3, v56  }
0x70d: {  	[tilespmem:s3], [sflag:$0x1] =	stream.indirect_vreg.gather [hbm4b:s23+s4], $0x80, v58, vm0, $0xb8;
	[tilespmem:$0x10880] =	vst v63  }
0x70e: {  	s5 =	simm.s32 $0x3380  }
0x70f: {  	[tilespmem:s5], [sflag:$0x1] =	stream.indirect_vreg.gather [hbm4b:s23+s4], $0x80, v61, vm0, $0xb8;
	[tilespmem:$0x10880] =	vst v63  }
0x710: {  	(v2sf) =	vpush v54, $0xA;
	s26 =	simm.s32 $0x3400  }
0x711: {  	[tilespmem:s26], [sflag:$0x1] =	stream.indirect_vreg.gather [hbm4b:s23+s4], $0x80, v56, vm0, $0xb8;
	[tilespmem:$0x10880] =	vst v63  }
0x712: {  	v56 =	vld [tilespmem:$0x400];
	_ =	sdelay $0x4  }
0x713: {  	v62 =	vshrl.u32 v56, $0x3  }
0x714: {  	v57 =	vmul.u32 $0xF428, v62  }
0x715: {  	v56 =	vand.u32 $0x7, v56  }
0x716: {  	v56 =	vor.u32 v56, v57  }
0x717: {  	v57 =	vperm.xlane v56, v2;
	_ =	sdelay $0x1  }
0x718: {  	v63 =	vperm.xlane v56, v4;
	v57 =	vadd.s32 v3, v57;
	_ =	sdelay $0x1  }
0x719: {  	s23 =	spop (v2sf);
	v60 =	vperm.xlane v56, v5;
	v58 =	vadd.s32 v3, v63  }
0x71a: {  	s0 =	sand.u32 $0xFFFFF80, s23  }
0x71b: {  	s3 =	simm.s32 $0xA480;
	s26 =	sadd.s32 s2, s0;
	v59 =	vadd.s32 v3, v60;
	v60 =	vperm.xlane v56, v6  }
0x71c: {  	[tilespmem:s3], [sflag:$0x1] =	stream.indirect_vreg.gather [hbm4b:s26+s4], $0x80, v57, vm0, $0xb8;
	[tilespmem:$0x10880] =	vst v63  }
0x71d: {  	s5 =	simm.s32 $0xA500;
	v57 =	vadd.s32 v3, v60;
	v60 =	vperm.xlane v56, v7  }
0x71e: {  	[tilespmem:s5], [sflag:$0x1] =	stream.indirect_vreg.gather [hbm4b:s26+s4], $0x80, v58, vm0, $0xb8;
	[tilespmem:$0x10880] =	vst v63  }
0x71f: {  	s3 =	simm.s32 $0xA580;
	v58 =	vadd.s32 v3, v60;
	v60 =	vperm.xlane v56, v8  }
0x720: {  	[tilespmem:s3], [sflag:$0x1] =	stream.indirect_vreg.gather [hbm4b:s26+s4], $0x80, v59, vm0, $0xb8;
	[tilespmem:$0x10880] =	vst v63  }
0x721: {  	s5 =	simm.s32 $0xA600;
	v59 =	vadd.s32 v3, v60;
	v60 =	vperm.xlane v56, v9  }
0x722: {  	[tilespmem:s5], [sflag:$0x1] =	stream.indirect_vreg.gather [hbm4b:s26+s4], $0x80, v57, vm0, $0xb8;
	[tilespmem:$0x10880] =	vst v63  }
0x723: {  	s3 =	simm.s32 $0xA680;
	v57 =	vadd.s32 v3, v60;
	v60 =	vperm.xlane v56, v10  }
0x724: {  	[tilespmem:s3], [sflag:$0x1] =	stream.indirect_vreg.gather [hbm4b:s26+s4], $0x80, v58, vm0, $0xb8;
	[tilespmem:$0x10880] =	vst v63  }
0x725: {  	s5 =	simm.s32 $0xA700;
	v58 =	vadd.s32 v3, v60;
	v60 =	vperm.xlane v56, v11  }
0x726: {  	[tilespmem:s5], [sflag:$0x1] =	stream.indirect_vreg.gather [hbm4b:s26+s4], $0x80, v59, vm0, $0xb8;
	[tilespmem:$0x10880] =	vst v63  }
0x727: {  	s3 =	simm.s32 $0xA780;
	v59 =	vadd.s32 v3, v60;
	v60 =	vperm.xlane v56, v12  }
0x728: {  	[tilespmem:s3], [sflag:$0x1] =	stream.indirect_vreg.gather [hbm4b:s26+s4], $0x80, v57, vm0, $0xb8;
	[tilespmem:$0x10880] =	vst v63  }
0x729: {  	s5 =	simm.s32 $0xA800;
	v57 =	vadd.s32 v3, v60;
	v60 =	vperm.xlane v56, v13  }
0x72a: {  	[tilespmem:s5], [sflag:$0x1] =	stream.indirect_vreg.gather [hbm4b:s26+s4], $0x80, v58, vm0, $0xb8;
	[tilespmem:$0x10880] =	vst v63  }
0x72b: {  	s3 =	simm.s32 $0xA880;
	v58 =	vadd.s32 v3, v60;
	v60 =	vperm.xlane v56, v15  }
0x72c: {  	[tilespmem:s3], [sflag:$0x1] =	stream.indirect_vreg.gather [hbm4b:s26+s4], $0x80, v59, vm0, $0xb8;
	[tilespmem:$0x10880] =	vst v63  }
0x72d: {  	s5 =	simm.s32 $0xA900;
	v59 =	vadd.s32 v3, v60;
	v60 =	vperm.xlane v56, v16  }
0x72e: {  	[tilespmem:s5], [sflag:$0x1] =	stream.indirect_vreg.gather [hbm4b:s26+s4], $0x80, v57, vm0, $0xb8;
	[tilespmem:$0x10880] =	vst v63  }
0x72f: {  	s3 =	simm.s32 $0xA980;
	v57 =	vadd.s32 v3, v60;
	v60 =	vperm.xlane v56, v17  }
0x730: {  	[tilespmem:s3], [sflag:$0x1] =	stream.indirect_vreg.gather [hbm4b:s26+s4], $0x80, v58, vm0, $0xb8;
	[tilespmem:$0x10880] =	vst v63  }
0x731: {  	s5 =	simm.s32 $0xAA00;
	v58 =	vadd.s32 v3, v60;
	v60 =	vperm.xlane v56, v18  }
0x732: {  	[tilespmem:s5], [sflag:$0x1] =	stream.indirect_vreg.gather [hbm4b:s26+s4], $0x80, v59, vm0, $0xb8;
	[tilespmem:$0x10880] =	vst v63  }
0x733: {  	v56 =	vperm.xlane v56, v19;
	s3 =	simm.s32 $0xAA80;
	v61 =	vadd.s32 v3, v60  }
0x734: {  	[tilespmem:s3], [sflag:$0x1] =	stream.indirect_vreg.gather [hbm4b:s26+s4], $0x80, v57, vm0, $0xb8;
	[tilespmem:$0x10880] =	vst v63  }
0x735: {  	v56 =	vadd.s32 v3, v56;
	s5 =	simm.s32 $0xAB00  }
0x736: {  	[tilespmem:s5], [sflag:$0x1] =	stream.indirect_vreg.gather [hbm4b:s26+s4], $0x80, v58, vm0, $0xb8;
	[tilespmem:$0x10880] =	vst v63  }
0x737: {  	s3 =	simm.s32 $0xAB80  }
0x738: {  	[tilespmem:s3], [sflag:$0x1] =	stream.indirect_vreg.gather [hbm4b:s26+s4], $0x80, v61, vm0, $0xb8;
	[tilespmem:$0x10880] =	vst v63  }
0x739: {  	s5 =	simm.s32 $0xAC00  }
0x73a: {  	[tilespmem:s5], [sflag:$0x1] =	stream.indirect_vreg.gather [hbm4b:s26+s4], $0x80, v56, vm0, $0xb8;
	[tilespmem:$0x10880] =	vst v63  }
0x73b: {  	v56 =	vld [tilespmem:$0x410];
	_ =	sdelay $0x4  }
0x73c: {  	v62 =	vshrl.u32 v56, $0x3  }
0x73d: {  	v57 =	vmul.u32 $0xF428, v62  }
0x73e: {  	v56 =	vand.u32 $0x7, v56  }
0x73f: {  	v56 =	vor.u32 v56, v57  }
0x740: {  	v57 =	vperm.xlane v56, v2;
	_ =	sdelay $0x1  }
0x741: {  	v63 =	vperm.xlane v56, v4;
	v57 =	vadd.s32 v3, v57;
	_ =	sdelay $0x1  }
0x742: {  	v60 =	vperm.xlane v56, v5;
	v58 =	vadd.s32 v3, v63;
	_ =	sdelay $0x1  }
0x743: {  	s3 =	simm.s32 $0xAC80;
	v59 =	vadd.s32 v3, v60;
	v60 =	vperm.xlane v56, v6  }
0x744: {  	[tilespmem:s3], [sflag:$0x1] =	stream.indirect_vreg.gather [hbm4b:s26+s4], $0x80, v57, vm0, $0xb8;
	[tilespmem:$0x10880] =	vst v63  }
0x745: {  	s5 =	simm.s32 $0xAD00;
	v57 =	vadd.s32 v3, v60;
	v60 =	vperm.xlane v56, v7  }
0x746: {  	[tilespmem:s5], [sflag:$0x1] =	stream.indirect_vreg.gather [hbm4b:s26+s4], $0x80, v58, vm0, $0xb8;
	[tilespmem:$0x10880] =	vst v63  }
0x747: {  	s3 =	simm.s32 $0xAD80;
	v58 =	vadd.s32 v3, v60;
	v60 =	vperm.xlane v56, v8  }
0x748: {  	[tilespmem:s3], [sflag:$0x1] =	stream.indirect_vreg.gather [hbm4b:s26+s4], $0x80, v59, vm0, $0xb8;
	[tilespmem:$0x10880] =	vst v63  }
0x749: {  	s5 =	simm.s32 $0xAE00;
	v59 =	vadd.s32 v3, v60;
	v60 =	vperm.xlane v56, v9  }
0x74a: {  	[tilespmem:s5], [sflag:$0x1] =	stream.indirect_vreg.gather [hbm4b:s26+s4], $0x80, v57, vm0, $0xb8;
	[tilespmem:$0x10880] =	vst v63  }
0x74b: {  	s3 =	simm.s32 $0xAE80;
	v57 =	vadd.s32 v3, v60;
	v60 =	vperm.xlane v56, v10  }
0x74c: {  	[tilespmem:s3], [sflag:$0x1] =	stream.indirect_vreg.gather [hbm4b:s26+s4], $0x80, v58, vm0, $0xb8;
	[tilespmem:$0x10880] =	vst v63  }
0x74d: {  	s5 =	simm.s32 $0xAF00;
	v58 =	vadd.s32 v3, v60;
	v60 =	vperm.xlane v56, v11  }
0x74e: {  	[tilespmem:s5], [sflag:$0x1] =	stream.indirect_vreg.gather [hbm4b:s26+s4], $0x80, v59, vm0, $0xb8;
	[tilespmem:$0x10880] =	vst v63  }
0x74f: {  	s3 =	simm.s32 $0xAF80;
	v59 =	vadd.s32 v3, v60;
	v60 =	vperm.xlane v56, v12  }
0x750: {  	[tilespmem:s3], [sflag:$0x1] =	stream.indirect_vreg.gather [hbm4b:s26+s4], $0x80, v57, vm0, $0xb8;
	[tilespmem:$0x10880] =	vst v63  }
0x751: {  	s5 =	simm.s32 $0xB000;
	v57 =	vadd.s32 v3, v60;
	v60 =	vperm.xlane v56, v13  }
0x752: {  	[tilespmem:s5], [sflag:$0x1] =	stream.indirect_vreg.gather [hbm4b:s26+s4], $0x80, v58, vm0, $0xb8;
	[tilespmem:$0x10880] =	vst v63  }
0x753: {  	s3 =	simm.s32 $0xB080;
	v58 =	vadd.s32 v3, v60;
	v60 =	vperm.xlane v56, v15  }
0x754: {  	[tilespmem:s3], [sflag:$0x1] =	stream.indirect_vreg.gather [hbm4b:s26+s4], $0x80, v59, vm0, $0xb8;
	[tilespmem:$0x10880] =	vst v63  }
0x755: {  	s5 =	simm.s32 $0xB100;
	v59 =	vadd.s32 v3, v60;
	v60 =	vperm.xlane v56, v16  }
0x756: {  	[tilespmem:s5], [sflag:$0x1] =	stream.indirect_vreg.gather [hbm4b:s26+s4], $0x80, v57, vm0, $0xb8;
	[tilespmem:$0x10880] =	vst v63  }
0x757: {  	s3 =	simm.s32 $0xB180;
	v57 =	vadd.s32 v3, v60;
	v60 =	vperm.xlane v56, v17  }
0x758: {  	[tilespmem:s3], [sflag:$0x1] =	stream.indirect_vreg.gather [hbm4b:s26+s4], $0x80, v58, vm0, $0xb8;
	[tilespmem:$0x10880] =	vst v63  }
0x759: {  	s5 =	simm.s32 $0xB200;
	v58 =	vadd.s32 v3, v60;
	v60 =	vperm.xlane v56, v18  }
0x75a: {  	[tilespmem:s5], [sflag:$0x1] =	stream.indirect_vreg.gather [hbm4b:s26+s4], $0x80, v59, vm0, $0xb8;
	[tilespmem:$0x10880] =	vst v63  }
0x75b: {  	v56 =	vperm.xlane v56, v19;
	s3 =	simm.s32 $0xB280;
	v61 =	vadd.s32 v3, v60  }
0x75c: {  	[tilespmem:s3], [sflag:$0x1] =	stream.indirect_vreg.gather [hbm4b:s26+s4], $0x80, v57, vm0, $0xb8;
	[tilespmem:$0x10880] =	vst v63  }
0x75d: {  	v56 =	vadd.s32 v3, v56;
	s5 =	simm.s32 $0xB300  }
0x75e: {  	[tilespmem:s5], [sflag:$0x1] =	stream.indirect_vreg.gather [hbm4b:s26+s4], $0x80, v58, vm0, $0xb8;
	[tilespmem:$0x10880] =	vst v63  }
0x75f: {  	s3 =	simm.s32 $0xB380  }
0x760: {  	[tilespmem:s3], [sflag:$0x1] =	stream.indirect_vreg.gather [hbm4b:s26+s4], $0x80, v61, vm0, $0xb8;
	[tilespmem:$0x10880] =	vst v63  }
0x761: {  	(v2sf) =	vpush v55, $0xB;
	s5 =	simm.s32 $0xB400  }
0x762: {  	[tilespmem:s5], [sflag:$0x1] =	stream.indirect_vreg.gather [hbm4b:s26+s4], $0x80, v56, vm0, $0xb8;
	[tilespmem:$0x10880] =	vst v63  }
0x763: {  	v56 =	vld [tilespmem:$0x400];
	_ =	sdelay $0x4  }
0x764: {  	v62 =	vshrl.u32 v56, $0x3  }
0x765: {  	v57 =	vmul.u32 $0xF428, v62  }
0x766: {  	v56 =	vand.u32 $0x7, v56  }
0x767: {  	v56 =	vor.u32 v56, v57  }
0x768: {  	v57 =	vperm.xlane v56, v2;
	_ =	sdelay $0x1  }
0x769: {  	v63 =	vperm.xlane v56, v4;
	v57 =	vadd.s32 v3, v57;
	_ =	sdelay $0x1  }
0x76a: {  	s26 =	spop (v2sf);
	v60 =	vperm.xlane v56, v5;
	v58 =	vadd.s32 v3, v63  }
0x76b: {  	s28 =	sand.u32 $0xFFFFF80, s26  }
0x76c: {  	s3 =	simm.s32 $0x3480;
	s28 =	sadd.s32 s1, s28;
	v59 =	vadd.s32 v3, v60;
	v60 =	vperm.xlane v56, v6  }
0x76d: {  	[tilespmem:s3], [sflag:$0x1] =	stream.indirect_vreg.gather [hbm4b:s28+s4], $0x80, v57, vm0, $0xb8;
	[tilespmem:$0x10880] =	vst v63  }
0x76e: {  	s5 =	simm.s32 $0x3500;
	v57 =	vadd.s32 v3, v60;
	v60 =	vperm.xlane v56, v7  }
0x76f: {  	[tilespmem:s5], [sflag:$0x1] =	stream.indirect_vreg.gather [hbm4b:s28+s4], $0x80, v58, vm0, $0xb8;
	[tilespmem:$0x10880] =	vst v63  }
0x770: {  	s3 =	simm.s32 $0x3580;
	v58 =	vadd.s32 v3, v60;
	v60 =	vperm.xlane v56, v8  }
0x771: {  	[tilespmem:s3], [sflag:$0x1] =	stream.indirect_vreg.gather [hbm4b:s28+s4], $0x80, v59, vm0, $0xb8;
	[tilespmem:$0x10880] =	vst v63  }
0x772: {  	s5 =	simm.s32 $0x3600;
	v59 =	vadd.s32 v3, v60;
	v60 =	vperm.xlane v56, v9  }
0x773: {  	[tilespmem:s5], [sflag:$0x1] =	stream.indirect_vreg.gather [hbm4b:s28+s4], $0x80, v57, vm0, $0xb8;
	[tilespmem:$0x10880] =	vst v63  }
0x774: {  	s3 =	simm.s32 $0x3680;
	v57 =	vadd.s32 v3, v60;
	v60 =	vperm.xlane v56, v10  }
0x775: {  	[tilespmem:s3], [sflag:$0x1] =	stream.indirect_vreg.gather [hbm4b:s28+s4], $0x80, v58, vm0, $0xb8;
	[tilespmem:$0x10880] =	vst v63  }
0x776: {  	s5 =	simm.s32 $0x3700;
	v58 =	vadd.s32 v3, v60;
	v60 =	vperm.xlane v56, v11  }
0x777: {  	[tilespmem:s5], [sflag:$0x1] =	stream.indirect_vreg.gather [hbm4b:s28+s4], $0x80, v59, vm0, $0xb8;
	[tilespmem:$0x10880] =	vst v63  }
0x778: {  	s3 =	simm.s32 $0x3780;
	v59 =	vadd.s32 v3, v60;
	v60 =	vperm.xlane v56, v12  }
0x779: {  	[tilespmem:s3], [sflag:$0x1] =	stream.indirect_vreg.gather [hbm4b:s28+s4], $0x80, v57, vm0, $0xb8;
	[tilespmem:$0x10880] =	vst v63  }
0x77a: {  	s5 =	simm.s32 $0x3800;
	v57 =	vadd.s32 v3, v60;
	v60 =	vperm.xlane v56, v13  }
0x77b: {  	[tilespmem:s5], [sflag:$0x1] =	stream.indirect_vreg.gather [hbm4b:s28+s4], $0x80, v58, vm0, $0xb8;
	[tilespmem:$0x10880] =	vst v63  }
0x77c: {  	s3 =	simm.s32 $0x3880;
	v58 =	vadd.s32 v3, v60;
	v60 =	vperm.xlane v56, v15  }
0x77d: {  	[tilespmem:s3], [sflag:$0x1] =	stream.indirect_vreg.gather [hbm4b:s28+s4], $0x80, v59, vm0, $0xb8;
	[tilespmem:$0x10880] =	vst v63  }
0x77e: {  	s5 =	simm.s32 $0x3900;
	v59 =	vadd.s32 v3, v60;
	v60 =	vperm.xlane v56, v16  }
0x77f: {  	[tilespmem:s5], [sflag:$0x1] =	stream.indirect_vreg.gather [hbm4b:s28+s4], $0x80, v57, vm0, $0xb8;
	[tilespmem:$0x10880] =	vst v63  }
0x780: {  	s3 =	simm.s32 $0x3980;
	v57 =	vadd.s32 v3, v60;
	v60 =	vperm.xlane v56, v17  }
0x781: {  	[tilespmem:s3], [sflag:$0x1] =	stream.indirect_vreg.gather [hbm4b:s28+s4], $0x80, v58, vm0, $0xb8;
	[tilespmem:$0x10880] =	vst v63  }
0x782: {  	s5 =	simm.s32 $0x3A00;
	v58 =	vadd.s32 v3, v60;
	v60 =	vperm.xlane v56, v18  }
0x783: {  	[tilespmem:s5], [sflag:$0x1] =	stream.indirect_vreg.gather [hbm4b:s28+s4], $0x80, v59, vm0, $0xb8;
	[tilespmem:$0x10880] =	vst v63  }
0x784: {  	v56 =	vperm.xlane v56, v19;
	s3 =	simm.s32 $0x3A80;
	v61 =	vadd.s32 v3, v60  }
0x785: {  	[tilespmem:s3], [sflag:$0x1] =	stream.indirect_vreg.gather [hbm4b:s28+s4], $0x80, v57, vm0, $0xb8;
	[tilespmem:$0x10880] =	vst v63  }
0x786: {  	v56 =	vadd.s32 v3, v56;
	s5 =	simm.s32 $0x3B00  }
0x787: {  	[tilespmem:s5], [sflag:$0x1] =	stream.indirect_vreg.gather [hbm4b:s28+s4], $0x80, v58, vm0, $0xb8;
	[tilespmem:$0x10880] =	vst v63  }
0x788: {  	s3 =	simm.s32 $0x3B80  }
0x789: {  	[tilespmem:s3], [sflag:$0x1] =	stream.indirect_vreg.gather [hbm4b:s28+s4], $0x80, v61, vm0, $0xb8;
	[tilespmem:$0x10880] =	vst v63  }
0x78a: {  	s5 =	simm.s32 $0x3C00  }
0x78b: {  	[tilespmem:s5], [sflag:$0x1] =	stream.indirect_vreg.gather [hbm4b:s28+s4], $0x80, v56, vm0, $0xb8;
	[tilespmem:$0x10880] =	vst v63  }
0x78c: {  	v56 =	vld [tilespmem:$0x410];
	_ =	sdelay $0x4  }
0x78d: {  	v62 =	vshrl.u32 v56, $0x3  }
0x78e: {  	v57 =	vmul.u32 $0xF428, v62  }
0x78f: {  	v56 =	vand.u32 $0x7, v56  }
0x790: {  	v56 =	vor.u32 v56, v57  }
0x791: {  	v57 =	vperm.xlane v56, v2;
	_ =	sdelay $0x1  }
0x792: {  	v63 =	vperm.xlane v56, v4;
	v57 =	vadd.s32 v3, v57;
	_ =	sdelay $0x1  }
0x793: {  	v60 =	vperm.xlane v56, v5;
	v58 =	vadd.s32 v3, v63;
	_ =	sdelay $0x1  }
0x794: {  	s3 =	simm.s32 $0x3C80;
	v59 =	vadd.s32 v3, v60;
	v60 =	vperm.xlane v56, v6  }
0x795: {  	[tilespmem:s3], [sflag:$0x1] =	stream.indirect_vreg.gather [hbm4b:s28+s4], $0x80, v57, vm0, $0xb8;
	[tilespmem:$0x10880] =	vst v63  }
0x796: {  	s5 =	simm.s32 $0x3D00;
	v57 =	vadd.s32 v3, v60;
	v60 =	vperm.xlane v56, v7  }
0x797: {  	[tilespmem:s5], [sflag:$0x1] =	stream.indirect_vreg.gather [hbm4b:s28+s4], $0x80, v58, vm0, $0xb8;
	[tilespmem:$0x10880] =	vst v63  }
0x798: {  	s3 =	simm.s32 $0x3D80;
	v58 =	vadd.s32 v3, v60;
	v60 =	vperm.xlane v56, v8  }
0x799: {  	[tilespmem:s3], [sflag:$0x1] =	stream.indirect_vreg.gather [hbm4b:s28+s4], $0x80, v59, vm0, $0xb8;
	[tilespmem:$0x10880] =	vst v63  }
0x79a: {  	s5 =	simm.s32 $0x3E00;
	v59 =	vadd.s32 v3, v60;
	v60 =	vperm.xlane v56, v9  }
0x79b: {  	[tilespmem:s5], [sflag:$0x1] =	stream.indirect_vreg.gather [hbm4b:s28+s4], $0x80, v57, vm0, $0xb8;
	[tilespmem:$0x10880] =	vst v63  }
0x79c: {  	s3 =	simm.s32 $0x3E80;
	v57 =	vadd.s32 v3, v60;
	v60 =	vperm.xlane v56, v10  }
0x79d: {  	[tilespmem:s3], [sflag:$0x1] =	stream.indirect_vreg.gather [hbm4b:s28+s4], $0x80, v58, vm0, $0xb8;
	[tilespmem:$0x10880] =	vst v63  }
0x79e: {  	s5 =	simm.s32 $0x3F00;
	v58 =	vadd.s32 v3, v60;
	v60 =	vperm.xlane v56, v11  }
0x79f: {  	[tilespmem:s5], [sflag:$0x1] =	stream.indirect_vreg.gather [hbm4b:s28+s4], $0x80, v59, vm0, $0xb8;
	[tilespmem:$0x10880] =	vst v63  }
0x7a0: {  	s3 =	simm.s32 $0x3F80;
	v59 =	vadd.s32 v3, v60;
	v60 =	vperm.xlane v56, v12  }
0x7a1: {  	[tilespmem:s3], [sflag:$0x1] =	stream.indirect_vreg.gather [hbm4b:s28+s4], $0x80, v57, vm0, $0xb8;
	[tilespmem:$0x10880] =	vst v63  }
0x7a2: {  	s5 =	simm.s32 $0x4000;
	v57 =	vadd.s32 v3, v60;
	v60 =	vperm.xlane v56, v13  }
0x7a3: {  	[tilespmem:s5], [sflag:$0x1] =	stream.indirect_vreg.gather [hbm4b:s28+s4], $0x80, v58, vm0, $0xb8;
	[tilespmem:$0x10880] =	vst v63  }
0x7a4: {  	s3 =	simm.s32 $0x4080;
	v58 =	vadd.s32 v3, v60;
	v60 =	vperm.xlane v56, v15  }
0x7a5: {  	[tilespmem:s3], [sflag:$0x1] =	stream.indirect_vreg.gather [hbm4b:s28+s4], $0x80, v59, vm0, $0xb8;
	[tilespmem:$0x10880] =	vst v63  }
0x7a6: {  	s5 =	simm.s32 $0x4100;
	v59 =	vadd.s32 v3, v60;
	v60 =	vperm.xlane v56, v16  }
0x7a7: {  	[tilespmem:s5], [sflag:$0x1] =	stream.indirect_vreg.gather [hbm4b:s28+s4], $0x80, v57, vm0, $0xb8;
	[tilespmem:$0x10880] =	vst v63  }
0x7a8: {  	s3 =	simm.s32 $0x4180;
	v57 =	vadd.s32 v3, v60;
	v60 =	vperm.xlane v56, v17  }
0x7a9: {  	[tilespmem:s3], [sflag:$0x1] =	stream.indirect_vreg.gather [hbm4b:s28+s4], $0x80, v58, vm0, $0xb8;
	[tilespmem:$0x10880] =	vst v63  }
0x7aa: {  	s5 =	simm.s32 $0x4200;
	v58 =	vadd.s32 v3, v60;
	v60 =	vperm.xlane v56, v18  }
0x7ab: {  	[tilespmem:s5], [sflag:$0x1] =	stream.indirect_vreg.gather [hbm4b:s28+s4], $0x80, v59, vm0, $0xb8;
	[tilespmem:$0x10880] =	vst v63  }
0x7ac: {  	v56 =	vperm.xlane v56, v19;
	s3 =	simm.s32 $0x4280;
	v61 =	vadd.s32 v3, v60  }
0x7ad: {  	[tilespmem:s3], [sflag:$0x1] =	stream.indirect_vreg.gather [hbm4b:s28+s4], $0x80, v57, vm0, $0xb8;
	[tilespmem:$0x10880] =	vst v63  }
0x7ae: {  	v56 =	vadd.s32 v3, v56;
	s5 =	simm.s32 $0x4300  }
0x7af: {  	[tilespmem:s5], [sflag:$0x1] =	stream.indirect_vreg.gather [hbm4b:s28+s4], $0x80, v58, vm0, $0xb8;
	[tilespmem:$0x10880] =	vst v63  }
0x7b0: {  	s3 =	simm.s32 $0x4380  }
0x7b1: {  	[tilespmem:s3], [sflag:$0x1] =	stream.indirect_vreg.gather [hbm4b:s28+s4], $0x80, v61, vm0, $0xb8;
	[tilespmem:$0x10880] =	vst v63  }
0x7b2: {  	(v2sf) =	vpush v54, $0xB;
	s5 =	simm.s32 $0x4400  }
0x7b3: {  	[tilespmem:s5], [sflag:$0x1] =	stream.indirect_vreg.gather [hbm4b:s28+s4], $0x80, v56, vm0, $0xb8;
	[tilespmem:$0x10880] =	vst v63  }
0x7b4: {  	v56 =	vld [tilespmem:$0x400];
	_ =	sdelay $0x4  }
0x7b5: {  	v62 =	vshrl.u32 v56, $0x3  }
0x7b6: {  	v57 =	vmul.u32 $0xF428, v62  }
0x7b7: {  	v56 =	vand.u32 $0x7, v56  }
0x7b8: {  	v56 =	vor.u32 v56, v57  }
0x7b9: {  	v57 =	vperm.xlane v56, v2;
	_ =	sdelay $0x1  }
0x7ba: {  	v63 =	vperm.xlane v56, v4;
	v57 =	vadd.s32 v3, v57;
	_ =	sdelay $0x1  }
0x7bb: {  	s28 =	spop (v2sf);
	v60 =	vperm.xlane v56, v5;
	v58 =	vadd.s32 v3, v63  }
0x7bc: {  	s30 =	sand.u32 $0xFFFFF80, s28  }
0x7bd: {  	s3 =	simm.s32 $0xB480;
	s30 =	sadd.s32 s2, s30;
	v59 =	vadd.s32 v3, v60;
	v60 =	vperm.xlane v56, v6  }
0x7be: {  	[tilespmem:s3], [sflag:$0x1] =	stream.indirect_vreg.gather [hbm4b:s30+s4], $0x80, v57, vm0, $0xb8;
	[tilespmem:$0x10880] =	vst v63  }
0x7bf: {  	s5 =	simm.s32 $0xB500;
	v57 =	vadd.s32 v3, v60;
	v60 =	vperm.xlane v56, v7  }
0x7c0: {  	[tilespmem:s5], [sflag:$0x1] =	stream.indirect_vreg.gather [hbm4b:s30+s4], $0x80, v58, vm0, $0xb8;
	[tilespmem:$0x10880] =	vst v63  }
0x7c1: {  	s3 =	simm.s32 $0xB580;
	v58 =	vadd.s32 v3, v60;
	v60 =	vperm.xlane v56, v8  }
0x7c2: {  	[tilespmem:s3], [sflag:$0x1] =	stream.indirect_vreg.gather [hbm4b:s30+s4], $0x80, v59, vm0, $0xb8;
	[tilespmem:$0x10880] =	vst v63  }
0x7c3: {  	s5 =	simm.s32 $0xB600;
	v59 =	vadd.s32 v3, v60;
	v60 =	vperm.xlane v56, v9  }
0x7c4: {  	[tilespmem:s5], [sflag:$0x1] =	stream.indirect_vreg.gather [hbm4b:s30+s4], $0x80, v57, vm0, $0xb8;
	[tilespmem:$0x10880] =	vst v63  }
0x7c5: {  	s3 =	simm.s32 $0xB680;
	v57 =	vadd.s32 v3, v60;
	v60 =	vperm.xlane v56, v10  }
0x7c6: {  	[tilespmem:s3], [sflag:$0x1] =	stream.indirect_vreg.gather [hbm4b:s30+s4], $0x80, v58, vm0, $0xb8;
	[tilespmem:$0x10880] =	vst v63  }
0x7c7: {  	s5 =	simm.s32 $0xB700;
	v58 =	vadd.s32 v3, v60;
	v60 =	vperm.xlane v56, v11  }
0x7c8: {  	[tilespmem:s5], [sflag:$0x1] =	stream.indirect_vreg.gather [hbm4b:s30+s4], $0x80, v59, vm0, $0xb8;
	[tilespmem:$0x10880] =	vst v63  }
0x7c9: {  	s3 =	simm.s32 $0xB780;
	v59 =	vadd.s32 v3, v60;
	v60 =	vperm.xlane v56, v12  }
0x7ca: {  	[tilespmem:s3], [sflag:$0x1] =	stream.indirect_vreg.gather [hbm4b:s30+s4], $0x80, v57, vm0, $0xb8;
	[tilespmem:$0x10880] =	vst v63  }
0x7cb: {  	s5 =	simm.s32 $0xB800;
	v57 =	vadd.s32 v3, v60;
	v60 =	vperm.xlane v56, v13  }
0x7cc: {  	[tilespmem:s5], [sflag:$0x1] =	stream.indirect_vreg.gather [hbm4b:s30+s4], $0x80, v58, vm0, $0xb8;
	[tilespmem:$0x10880] =	vst v63  }
0x7cd: {  	s3 =	simm.s32 $0xB880;
	v58 =	vadd.s32 v3, v60;
	v60 =	vperm.xlane v56, v15  }
0x7ce: {  	[tilespmem:s3], [sflag:$0x1] =	stream.indirect_vreg.gather [hbm4b:s30+s4], $0x80, v59, vm0, $0xb8;
	[tilespmem:$0x10880] =	vst v63  }
0x7cf: {  	s5 =	simm.s32 $0xB900;
	v59 =	vadd.s32 v3, v60;
	v60 =	vperm.xlane v56, v16  }
0x7d0: {  	[tilespmem:s5], [sflag:$0x1] =	stream.indirect_vreg.gather [hbm4b:s30+s4], $0x80, v57, vm0, $0xb8;
	[tilespmem:$0x10880] =	vst v63  }
0x7d1: {  	s3 =	simm.s32 $0xB980;
	v57 =	vadd.s32 v3, v60;
	v60 =	vperm.xlane v56, v17  }
0x7d2: {  	[tilespmem:s3], [sflag:$0x1] =	stream.indirect_vreg.gather [hbm4b:s30+s4], $0x80, v58, vm0, $0xb8;
	[tilespmem:$0x10880] =	vst v63  }
0x7d3: {  	s5 =	simm.s32 $0xBA00;
	v58 =	vadd.s32 v3, v60;
	v60 =	vperm.xlane v56, v18  }
0x7d4: {  	[tilespmem:s5], [sflag:$0x1] =	stream.indirect_vreg.gather [hbm4b:s30+s4], $0x80, v59, vm0, $0xb8;
	[tilespmem:$0x10880] =	vst v63  }
0x7d5: {  	v56 =	vperm.xlane v56, v19;
	s3 =	simm.s32 $0xBA80;
	v61 =	vadd.s32 v3, v60  }
0x7d6: {  	[tilespmem:s3], [sflag:$0x1] =	stream.indirect_vreg.gather [hbm4b:s30+s4], $0x80, v57, vm0, $0xb8;
	[tilespmem:$0x10880] =	vst v63  }
0x7d7: {  	v56 =	vadd.s32 v3, v56;
	s5 =	simm.s32 $0xBB00  }
0x7d8: {  	[tilespmem:s5], [sflag:$0x1] =	stream.indirect_vreg.gather [hbm4b:s30+s4], $0x80, v58, vm0, $0xb8;
	[tilespmem:$0x10880] =	vst v63  }
0x7d9: {  	s3 =	simm.s32 $0xBB80  }
0x7da: {  	[tilespmem:s3], [sflag:$0x1] =	stream.indirect_vreg.gather [hbm4b:s30+s4], $0x80, v61, vm0, $0xb8;
	[tilespmem:$0x10880] =	vst v63  }
0x7db: {  	s5 =	simm.s32 $0xBC00  }
0x7dc: {  	[tilespmem:s5], [sflag:$0x1] =	stream.indirect_vreg.gather [hbm4b:s30+s4], $0x80, v56, vm0, $0xb8;
	[tilespmem:$0x10880] =	vst v63  }
0x7dd: {  	v56 =	vld [tilespmem:$0x410];
	_ =	sdelay $0x4  }
0x7de: {  	v62 =	vshrl.u32 v56, $0x3  }
0x7df: {  	v57 =	vmul.u32 $0xF428, v62  }
0x7e0: {  	v56 =	vand.u32 $0x7, v56  }
0x7e1: {  	v56 =	vor.u32 v56, v57  }
0x7e2: {  	v57 =	vperm.xlane v56, v2;
	_ =	sdelay $0x1  }
0x7e3: {  	v63 =	vperm.xlane v56, v4;
	v57 =	vadd.s32 v3, v57;
	_ =	sdelay $0x1  }
0x7e4: {  	v60 =	vperm.xlane v56, v5;
	v58 =	vadd.s32 v3, v63;
	_ =	sdelay $0x1  }
0x7e5: {  	s3 =	simm.s32 $0xBC80;
	v59 =	vadd.s32 v3, v60;
	v60 =	vperm.xlane v56, v6  }
0x7e6: {  	[tilespmem:s3], [sflag:$0x1] =	stream.indirect_vreg.gather [hbm4b:s30+s4], $0x80, v57, vm0, $0xb8;
	[tilespmem:$0x10880] =	vst v63  }
0x7e7: {  	s5 =	simm.s32 $0xBD00;
	v57 =	vadd.s32 v3, v60;
	v60 =	vperm.xlane v56, v7  }
0x7e8: {  	[tilespmem:s5], [sflag:$0x1] =	stream.indirect_vreg.gather [hbm4b:s30+s4], $0x80, v58, vm0, $0xb8;
	[tilespmem:$0x10880] =	vst v63  }
0x7e9: {  	s3 =	simm.s32 $0xBD80;
	v58 =	vadd.s32 v3, v60;
	v60 =	vperm.xlane v56, v8  }
0x7ea: {  	[tilespmem:s3], [sflag:$0x1] =	stream.indirect_vreg.gather [hbm4b:s30+s4], $0x80, v59, vm0, $0xb8;
	[tilespmem:$0x10880] =	vst v63  }
0x7eb: {  	s5 =	simm.s32 $0xBE00;
	v59 =	vadd.s32 v3, v60;
	v60 =	vperm.xlane v56, v9  }
0x7ec: {  	[tilespmem:s5], [sflag:$0x1] =	stream.indirect_vreg.gather [hbm4b:s30+s4], $0x80, v57, vm0, $0xb8;
	[tilespmem:$0x10880] =	vst v63  }
0x7ed: {  	s3 =	simm.s32 $0xBE80;
	v57 =	vadd.s32 v3, v60;
	v60 =	vperm.xlane v56, v10  }
0x7ee: {  	[tilespmem:s3], [sflag:$0x1] =	stream.indirect_vreg.gather [hbm4b:s30+s4], $0x80, v58, vm0, $0xb8;
	[tilespmem:$0x10880] =	vst v63  }
0x7ef: {  	s5 =	simm.s32 $0xBF00;
	v58 =	vadd.s32 v3, v60;
	v60 =	vperm.xlane v56, v11  }
0x7f0: {  	[tilespmem:s5], [sflag:$0x1] =	stream.indirect_vreg.gather [hbm4b:s30+s4], $0x80, v59, vm0, $0xb8;
	[tilespmem:$0x10880] =	vst v63  }
0x7f1: {  	s3 =	simm.s32 $0xBF80;
	v59 =	vadd.s32 v3, v60;
	v60 =	vperm.xlane v56, v12  }
0x7f2: {  	[tilespmem:s3], [sflag:$0x1] =	stream.indirect_vreg.gather [hbm4b:s30+s4], $0x80, v57, vm0, $0xb8;
	[tilespmem:$0x10880] =	vst v63  }
0x7f3: {  	s5 =	simm.s32 $0xC000;
	v57 =	vadd.s32 v3, v60;
	v60 =	vperm.xlane v56, v13  }
0x7f4: {  	[tilespmem:s5], [sflag:$0x1] =	stream.indirect_vreg.gather [hbm4b:s30+s4], $0x80, v58, vm0, $0xb8;
	[tilespmem:$0x10880] =	vst v63  }
0x7f5: {  	s3 =	simm.s32 $0xC080;
	v58 =	vadd.s32 v3, v60;
	v60 =	vperm.xlane v56, v15  }
0x7f6: {  	[tilespmem:s3], [sflag:$0x1] =	stream.indirect_vreg.gather [hbm4b:s30+s4], $0x80, v59, vm0, $0xb8;
	[tilespmem:$0x10880] =	vst v63  }
0x7f7: {  	s5 =	simm.s32 $0xC100;
	v59 =	vadd.s32 v3, v60;
	v60 =	vperm.xlane v56, v16  }
0x7f8: {  	[tilespmem:s5], [sflag:$0x1] =	stream.indirect_vreg.gather [hbm4b:s30+s4], $0x80, v57, vm0, $0xb8;
	[tilespmem:$0x10880] =	vst v63  }
0x7f9: {  	s3 =	simm.s32 $0xC180;
	v57 =	vadd.s32 v3, v60;
	v60 =	vperm.xlane v56, v17  }
0x7fa: {  	[tilespmem:s3], [sflag:$0x1] =	stream.indirect_vreg.gather [hbm4b:s30+s4], $0x80, v58, vm0, $0xb8;
	[tilespmem:$0x10880] =	vst v63  }
0x7fb: {  	s5 =	simm.s32 $0xC200;
	v58 =	vadd.s32 v3, v60;
	v60 =	vperm.xlane v56, v18  }
0x7fc: {  	[tilespmem:s5], [sflag:$0x1] =	stream.indirect_vreg.gather [hbm4b:s30+s4], $0x80, v59, vm0, $0xb8;
	[tilespmem:$0x10880] =	vst v63  }
0x7fd: {  	v56 =	vperm.xlane v56, v19;
	s3 =	simm.s32 $0xC280;
	v61 =	vadd.s32 v3, v60  }
0x7fe: {  	[tilespmem:s3], [sflag:$0x1] =	stream.indirect_vreg.gather [hbm4b:s30+s4], $0x80, v57, vm0, $0xb8;
	[tilespmem:$0x10880] =	vst v63  }
0x7ff: {  	v56 =	vadd.s32 v3, v56;
	s5 =	simm.s32 $0xC300  }
0x800: {  	[tilespmem:s5], [sflag:$0x1] =	stream.indirect_vreg.gather [hbm4b:s30+s4], $0x80, v58, vm0, $0xb8;
	[tilespmem:$0x10880] =	vst v63  }
0x801: {  	s3 =	simm.s32 $0xC380  }
0x802: {  	[tilespmem:s3], [sflag:$0x1] =	stream.indirect_vreg.gather [hbm4b:s30+s4], $0x80, v61, vm0, $0xb8;
	[tilespmem:$0x10880] =	vst v63  }
0x803: {  	s5 =	simm.s32 $0xC400  }
0x804: {  	[tilespmem:s5], [sflag:$0x1] =	stream.indirect_vreg.gather [hbm4b:s30+s4], $0x80, v56, vm0, $0xb8;
	[tilespmem:$0x10880] =	vst v63  }
0x805: {  	_ =	swait.ge [sflag:s8], $0x1000  }
0x806: {  	[sflag:s8] =	ssyncset.done $0x0  }
0x807: {  	[sflag:s8] =	ssyncadd.s32 $0xFFFFF000  }
0x808: {  	_ =	swait.ge [sflag:s8], $0x1000  }
0x809: {  	[sflag:s8] =	ssyncset.done $0x0  }
0x80a: {  	[sflag:s8] =	ssyncadd.s32 $0xFFFFF000  }
0x80b: {  	_ =	swait.ge [sflag:s8], $0x1000  }
0x80c: {  	[sflag:s8] =	ssyncset.done $0x0  }
0x80d: {  	[sflag:s8] =	ssyncadd.s32 $0xFFFFF000  }
0x80e: {  	_ =	swait.ge [sflag:s8], $0x1000  }
0x80f: {  	[sflag:s8] =	ssyncset.done $0x0  }
0x810: {  	[sflag:s8] =	ssyncadd.s32 $0xFFFFF000  }
0x811: {  	_ =	swait.ge [sflag:s8], $0x1000  }
0x812: {  	[sflag:s8] =	ssyncset.done $0x0  }
0x813: {  	[sflag:s8] =	ssyncadd.s32 $0xFFFFF000  }
0x814: {  	_ =	swait.ge [sflag:s8], $0x1000  }
0x815: {  	[sflag:s8] =	ssyncset.done $0x0  }
0x816: {  	[sflag:s8] =	ssyncadd.s32 $0xFFFFF000  }
0x817: {  	s7 =	sand.u32 $0x7F, s7;
	_ =	swait.ge [sflag:s8], $0x1000  }
0x818: {  	v62 =	vor.u32 s7, v27;
	[sflag:s8] =	ssyncset.done $0x0  }
0x819: {  	s9 =	sand.u32 $0x7F, s9;
	v63 =	vor.u32 s7, v28;
	[sflag:s8] =	ssyncadd.s32 $0xFFFFF000  }
0x81a: {  	v60 =	vor.u32 s9, v27;
	_ =	swait.ge [sflag:s8], $0x1000  }
0x81b: {  	v61 =	vor.u32 s9, v28;
	[sflag:s8] =	ssyncset.done $0x0  }
0x81c: {  	[sflag:s8] =	ssyncadd.s32 $0xFFFFF000  }
0x81d: {  	v56 =	vld.idx.msk [tilespmem:v62+s15+$0x0], $0xffff  }
0x81e: {  	v57 =	vld.idx.msk [tilespmem:v63+s15+$0x0], $0xffff  }
0x81f: {  	v58 =	vld.idx.msk [tilespmem:v60+s20+$0x0], $0xffff  }
0x820: {  	v59 =	vld.idx.msk [tilespmem:v61+s20+$0x0], $0xffff;
	_ =	sdelay $0x4  }
0x821: {  	v56 =	vmul.f32 v58, v56;
	v57 =	vmul.f32 v59, v57  }
0x822: {  	s16 =	sand.u32 $0x7F, s16  }
0x823: {  	v58 =	vor.u32 s16, v29;
	v56 =	vmul.f32 v56, v52;
	v57 =	vmul.f32 v57, v53  }
0x824: {  	s19 =	sand.u32 $0x7F, s19;
	v59 =	vor.u32 s16, v30  }
0x825: {  	v60 =	vor.u32 s19, v30;
	v56 =	vadd.f32 v57, v56  }
0x826: {  	v57 =	vor.u32 s19, v29  }
0x827: {  	[tilespmem:$0x105C0] =	vst v56  }
0x828: {  	v56 =	vld.idx.msk [tilespmem:v58+s15+$0x0], $0xffff  }
0x829: {  	v62 =	vld.idx.msk [tilespmem:v59+s15+$0x0], $0xffff  }
0x82a: {  	v63 =	vld.idx.msk [tilespmem:v60+s20+$0x0], $0xffff  }
0x82b: {  	v57 =	vld.idx.msk [tilespmem:v57+s20+$0x0], $0xffff;
	_ =	sdelay $0x4  }
0x82c: {  	v60 =	vmul.f32 v63, v62;
	v56 =	vmul.f32 v57, v56  }
0x82d: {  	s21 =	sand.u32 $0x7F, s21  }
0x82e: {  	v58 =	vor.u32 s21, v31;
	v57 =	vmul.f32 v60, v53;
	v56 =	vmul.f32 v56, v52  }
0x82f: {  	s0 =	sand.u32 $0x7F, s24;
	v59 =	vor.u32 s21, v33  }
0x830: {  	v60 =	vor.u32 s0, v33;
	v56 =	vadd.f32 v57, v56  }
0x831: {  	v57 =	vor.u32 s0, v31  }
0x832: {  	[tilespmem:$0x105D0] =	vst v56  }
0x833: {  	v56 =	vld.idx.msk [tilespmem:v58+s15+$0x0], $0xffff  }
0x834: {  	v61 =	vld.idx.msk [tilespmem:v59+s15+$0x0], $0xffff  }
0x835: {  	v62 =	vld.idx.msk [tilespmem:v60+s20+$0x0], $0xffff  }
0x836: {  	v57 =	vld.idx.msk [tilespmem:v57+s20+$0x0], $0xffff;
	_ =	sdelay $0x4  }
0x837: {  	v63 =	vmul.f32 v62, v61;
	v56 =	vmul.f32 v57, v56  }
0x838: {  	s3 =	sand.u32 $0x7F, s25  }
0x839: {  	v58 =	vor.u32 s3, v34;
	v57 =	vmul.f32 v63, v53;
	v56 =	vmul.f32 v56, v52  }
0x83a: {  	s5 =	sand.u32 $0x7F, s29;
	v59 =	vor.u32 s3, v35  }
0x83b: {  	(v2sf) =	vpush v55, $0xC;
	v60 =	vor.u32 s5, v35;
	v56 =	vadd.f32 v57, v56  }
0x83c: {  	v57 =	vor.u32 s5, v34  }
0x83d: {  	[tilespmem:$0x105E0] =	vst v56;
	v56 =	vld [tilespmem:$0x400]  }
0x83e: {  	v58 =	vld.idx.msk [tilespmem:v58+s15+$0x0], $0xffff  }
0x83f: {  	v59 =	vld.idx.msk [tilespmem:v59+s15+$0x0], $0xffff  }
0x840: {  	v60 =	vld.idx.msk [tilespmem:v60+s20+$0x0], $0xffff  }
0x841: {  	v57 =	vld.idx.msk [tilespmem:v57+s20+$0x0], $0xffff  }
0x842: {  	v61 =	vshrl.u32 v56, $0x3  }
0x843: {  	v61 =	vmul.u32 $0xF428, v61  }
0x844: {  	v56 =	vand.u32 $0x7, v56  }
0x845: {  	v60 =	vmul.f32 v60, v59;
	v56 =	vor.u32 v56, v61  }
0x846: {  	v57 =	vmul.f32 v57, v58;
	v61 =	vperm.xlane v56, v2  }
0x847: {  	v58 =	vmul.f32 v60, v53  }
0x848: {  	v60 =	vperm.xlane v56, v4;
	v57 =	vmul.f32 v57, v52;
	v59 =	vadd.s32 v3, v61;
	_ =	sdelay $0x1  }
0x849: {  	s7 =	spop (v2sf);
	v57 =	vadd.f32 v58, v57;
	v58 =	vadd.s32 v3, v60;
	v60 =	vperm.xlane v56, v5  }
0x84a: {  	s16 =	sand.u32 $0xFFFFF80, s7  }
0x84b: {  	s19 =	simm.s32 $0x4480;
	s9 =	sadd.s32 s1, s16;
	[tilespmem:$0x105F0] =	vst v57;
	v57 =	vadd.s32 v3, v60;
	v60 =	vperm.xlane v56, v6  }
0x84c: {  	[tilespmem:s19], [sflag:$0x2] =	stream.indirect_vreg.gather [hbm4b:s9+s4], $0x80, v59, vm0, $0xb8;
	[tilespmem:$0x10880] =	vst v63  }
0x84d: {  	s21 =	simm.s32 $0x4500;
	v59 =	vadd.s32 v3, v60;
	v60 =	vperm.xlane v56, v7  }
0x84e: {  	[tilespmem:s21], [sflag:$0x2] =	stream.indirect_vreg.gather [hbm4b:s9+s4], $0x80, v58, vm0, $0xb8;
	[tilespmem:$0x10880] =	vst v63  }
0x84f: {  	s24 =	simm.s32 $0x4580;
	v58 =	vadd.s32 v3, v60;
	v60 =	vperm.xlane v56, v8  }
0x850: {  	[tilespmem:s24], [sflag:$0x2] =	stream.indirect_vreg.gather [hbm4b:s9+s4], $0x80, v57, vm0, $0xb8;
	[tilespmem:$0x10880] =	vst v63  }
0x851: {  	s25 =	simm.s32 $0x4600;
	v57 =	vadd.s32 v3, v60;
	v60 =	vperm.xlane v56, v9  }
0x852: {  	[tilespmem:s25], [sflag:$0x2] =	stream.indirect_vreg.gather [hbm4b:s9+s4], $0x80, v59, vm0, $0xb8;
	[tilespmem:$0x10880] =	vst v63  }
0x853: {  	s3 =	simm.s32 $0x4680;
	v59 =	vadd.s32 v3, v60;
	v60 =	vperm.xlane v56, v10  }
0x854: {  	[tilespmem:s3], [sflag:$0x2] =	stream.indirect_vreg.gather [hbm4b:s9+s4], $0x80, v58, vm0, $0xb8;
	[tilespmem:$0x10880] =	vst v63  }
0x855: {  	s5 =	simm.s32 $0x4700;
	v58 =	vadd.s32 v3, v60;
	v60 =	vperm.xlane v56, v11  }
0x856: {  	[tilespmem:s5], [sflag:$0x2] =	stream.indirect_vreg.gather [hbm4b:s9+s4], $0x80, v57, vm0, $0xb8;
	[tilespmem:$0x10880] =	vst v63  }
0x857: {  	s16 =	simm.s32 $0x4780;
	v57 =	vadd.s32 v3, v60;
	v60 =	vperm.xlane v56, v12  }
0x858: {  	[tilespmem:s16], [sflag:$0x2] =	stream.indirect_vreg.gather [hbm4b:s9+s4], $0x80, v59, vm0, $0xb8;
	[tilespmem:$0x10880] =	vst v63  }
0x859: {  	s19 =	simm.s32 $0x4800;
	v59 =	vadd.s32 v3, v60;
	v60 =	vperm.xlane v56, v13  }
0x85a: {  	[tilespmem:s19], [sflag:$0x2] =	stream.indirect_vreg.gather [hbm4b:s9+s4], $0x80, v58, vm0, $0xb8;
	[tilespmem:$0x10880] =	vst v63  }
0x85b: {  	s21 =	simm.s32 $0x4880;
	v58 =	vadd.s32 v3, v60;
	v60 =	vperm.xlane v56, v15  }
0x85c: {  	[tilespmem:s21], [sflag:$0x2] =	stream.indirect_vreg.gather [hbm4b:s9+s4], $0x80, v57, vm0, $0xb8;
	[tilespmem:$0x10880] =	vst v63  }
0x85d: {  	s24 =	simm.s32 $0x4900;
	v57 =	vadd.s32 v3, v60;
	v60 =	vperm.xlane v56, v16  }
0x85e: {  	[tilespmem:s24], [sflag:$0x2] =	stream.indirect_vreg.gather [hbm4b:s9+s4], $0x80, v59, vm0, $0xb8;
	[tilespmem:$0x10880] =	vst v63  }
0x85f: {  	s25 =	simm.s32 $0x4980;
	v59 =	vadd.s32 v3, v60;
	v60 =	vperm.xlane v56, v17  }
0x860: {  	[tilespmem:s25], [sflag:$0x2] =	stream.indirect_vreg.gather [hbm4b:s9+s4], $0x80, v58, vm0, $0xb8;
	[tilespmem:$0x10880] =	vst v63  }
0x861: {  	s3 =	simm.s32 $0x4A00;
	v58 =	vadd.s32 v3, v60;
	v60 =	vperm.xlane v56, v18  }
0x862: {  	[tilespmem:s3], [sflag:$0x2] =	stream.indirect_vreg.gather [hbm4b:s9+s4], $0x80, v57, vm0, $0xb8;
	[tilespmem:$0x10880] =	vst v63  }
0x863: {  	s5 =	simm.s32 $0x4A80;
	v56 =	vperm.xlane v56, v19;
	v62 =	vadd.s32 v3, v60  }
0x864: {  	[tilespmem:s5], [sflag:$0x2] =	stream.indirect_vreg.gather [hbm4b:s9+s4], $0x80, v59, vm0, $0xb8;
	[tilespmem:$0x10880] =	vst v63  }
0x865: {  	s16 =	simm.s32 $0x4B00;
	v56 =	vadd.s32 v3, v56  }
0x866: {  	[tilespmem:s16], [sflag:$0x2] =	stream.indirect_vreg.gather [hbm4b:s9+s4], $0x80, v58, vm0, $0xb8;
	[tilespmem:$0x10880] =	vst v63  }
0x867: {  	s19 =	simm.s32 $0x4B80  }
0x868: {  	[tilespmem:s19], [sflag:$0x2] =	stream.indirect_vreg.gather [hbm4b:s9+s4], $0x80, v62, vm0, $0xb8;
	[tilespmem:$0x10880] =	vst v63  }
0x869: {  	s21 =	simm.s32 $0x4C00  }
0x86a: {  	[tilespmem:s21], [sflag:$0x2] =	stream.indirect_vreg.gather [hbm4b:s9+s4], $0x80, v56, vm0, $0xb8;
	[tilespmem:$0x10880] =	vst v63  }
0x86b: {  	v56 =	vld [tilespmem:$0x410];
	_ =	sdelay $0x4  }
0x86c: {  	v63 =	vshrl.u32 v56, $0x3  }
0x86d: {  	v57 =	vmul.u32 $0xF428, v63  }
0x86e: {  	v56 =	vand.u32 $0x7, v56  }
0x86f: {  	v56 =	vor.u32 v56, v57  }
0x870: {  	v57 =	vperm.xlane v56, v2;
	_ =	sdelay $0x1  }
0x871: {  	v60 =	vperm.xlane v56, v4;
	v57 =	vadd.s32 v3, v57;
	_ =	sdelay $0x1  }
0x872: {  	v61 =	vperm.xlane v56, v5;
	v58 =	vadd.s32 v3, v60;
	_ =	sdelay $0x1  }
0x873: {  	s24 =	simm.s32 $0x4C80;
	v59 =	vadd.s32 v3, v61;
	v60 =	vperm.xlane v56, v6  }
0x874: {  	[tilespmem:s24], [sflag:$0x2] =	stream.indirect_vreg.gather [hbm4b:s9+s4], $0x80, v57, vm0, $0xb8;
	[tilespmem:$0x10880] =	vst v63  }
0x875: {  	s25 =	simm.s32 $0x4D00;
	v57 =	vadd.s32 v3, v60;
	v60 =	vperm.xlane v56, v7  }
0x876: {  	[tilespmem:s25], [sflag:$0x2] =	stream.indirect_vreg.gather [hbm4b:s9+s4], $0x80, v58, vm0, $0xb8;
	[tilespmem:$0x10880] =	vst v63  }
0x877: {  	s3 =	simm.s32 $0x4D80;
	v58 =	vadd.s32 v3, v60;
	v60 =	vperm.xlane v56, v8  }
0x878: {  	[tilespmem:s3], [sflag:$0x2] =	stream.indirect_vreg.gather [hbm4b:s9+s4], $0x80, v59, vm0, $0xb8;
	[tilespmem:$0x10880] =	vst v63  }
0x879: {  	s5 =	simm.s32 $0x4E00;
	v59 =	vadd.s32 v3, v60;
	v60 =	vperm.xlane v56, v9  }
0x87a: {  	[tilespmem:s5], [sflag:$0x2] =	stream.indirect_vreg.gather [hbm4b:s9+s4], $0x80, v57, vm0, $0xb8;
	[tilespmem:$0x10880] =	vst v63  }
0x87b: {  	s16 =	simm.s32 $0x4E80;
	v57 =	vadd.s32 v3, v60;
	v60 =	vperm.xlane v56, v10  }
0x87c: {  	[tilespmem:s16], [sflag:$0x2] =	stream.indirect_vreg.gather [hbm4b:s9+s4], $0x80, v58, vm0, $0xb8;
	[tilespmem:$0x10880] =	vst v63  }
0x87d: {  	s19 =	simm.s32 $0x4F00;
	v58 =	vadd.s32 v3, v60;
	v60 =	vperm.xlane v56, v11  }
0x87e: {  	[tilespmem:s19], [sflag:$0x2] =	stream.indirect_vreg.gather [hbm4b:s9+s4], $0x80, v59, vm0, $0xb8;
	[tilespmem:$0x10880] =	vst v63  }
0x87f: {  	s21 =	simm.s32 $0x4F80;
	v59 =	vadd.s32 v3, v60;
	v60 =	vperm.xlane v56, v12  }
0x880: {  	[tilespmem:s21], [sflag:$0x2] =	stream.indirect_vreg.gather [hbm4b:s9+s4], $0x80, v57, vm0, $0xb8;
	[tilespmem:$0x10880] =	vst v63  }
0x881: {  	s24 =	simm.s32 $0x5000;
	v57 =	vadd.s32 v3, v60;
	v60 =	vperm.xlane v56, v13  }
0x882: {  	[tilespmem:s24], [sflag:$0x2] =	stream.indirect_vreg.gather [hbm4b:s9+s4], $0x80, v58, vm0, $0xb8;
	[tilespmem:$0x10880] =	vst v63  }
0x883: {  	s25 =	simm.s32 $0x5080;
	v58 =	vadd.s32 v3, v60;
	v60 =	vperm.xlane v56, v15  }
0x884: {  	[tilespmem:s25], [sflag:$0x2] =	stream.indirect_vreg.gather [hbm4b:s9+s4], $0x80, v59, vm0, $0xb8;
	[tilespmem:$0x10880] =	vst v63  }
0x885: {  	s3 =	simm.s32 $0x5100;
	v59 =	vadd.s32 v3, v60;
	v60 =	vperm.xlane v56, v16  }
0x886: {  	[tilespmem:s3], [sflag:$0x2] =	stream.indirect_vreg.gather [hbm4b:s9+s4], $0x80, v57, vm0, $0xb8;
	[tilespmem:$0x10880] =	vst v63  }
0x887: {  	s5 =	simm.s32 $0x5180;
	v57 =	vadd.s32 v3, v60;
	v60 =	vperm.xlane v56, v17  }
0x888: {  	[tilespmem:s5], [sflag:$0x2] =	stream.indirect_vreg.gather [hbm4b:s9+s4], $0x80, v58, vm0, $0xb8;
	[tilespmem:$0x10880] =	vst v63  }
0x889: {  	s16 =	simm.s32 $0x5200;
	v58 =	vadd.s32 v3, v60;
	v60 =	vperm.xlane v56, v18  }
0x88a: {  	[tilespmem:s16], [sflag:$0x2] =	stream.indirect_vreg.gather [hbm4b:s9+s4], $0x80, v59, vm0, $0xb8;
	[tilespmem:$0x10880] =	vst v63  }
0x88b: {  	s19 =	simm.s32 $0x5280;
	v56 =	vperm.xlane v56, v19;
	v62 =	vadd.s32 v3, v60  }
0x88c: {  	[tilespmem:s19], [sflag:$0x2] =	stream.indirect_vreg.gather [hbm4b:s9+s4], $0x80, v57, vm0, $0xb8;
	[tilespmem:$0x10880] =	vst v63  }
0x88d: {  	s21 =	simm.s32 $0x5300;
	v56 =	vadd.s32 v3, v56  }
0x88e: {  	[tilespmem:s21], [sflag:$0x2] =	stream.indirect_vreg.gather [hbm4b:s9+s4], $0x80, v58, vm0, $0xb8;
	[tilespmem:$0x10880] =	vst v63  }
0x88f: {  	s24 =	simm.s32 $0x5380  }
0x890: {  	[tilespmem:s24], [sflag:$0x2] =	stream.indirect_vreg.gather [hbm4b:s9+s4], $0x80, v62, vm0, $0xb8;
	[tilespmem:$0x10880] =	vst v63  }
0x891: {  	(v2sf) =	vpush v54, $0xC;
	s25 =	simm.s32 $0x5400  }
0x892: {  	[tilespmem:s25], [sflag:$0x2] =	stream.indirect_vreg.gather [hbm4b:s9+s4], $0x80, v56, vm0, $0xb8;
	[tilespmem:$0x10880] =	vst v63  }
0x893: {  	v56 =	vld [tilespmem:$0x400];
	_ =	sdelay $0x4  }
0x894: {  	v63 =	vshrl.u32 v56, $0x3  }
0x895: {  	v57 =	vmul.u32 $0xF428, v63  }
0x896: {  	v56 =	vand.u32 $0x7, v56  }
0x897: {  	v56 =	vor.u32 v56, v57  }
0x898: {  	v57 =	vperm.xlane v56, v2;
	_ =	sdelay $0x1  }
0x899: {  	v60 =	vperm.xlane v56, v4;
	v57 =	vadd.s32 v3, v57;
	_ =	sdelay $0x1  }
0x89a: {  	s9 =	spop (v2sf);
	v61 =	vperm.xlane v56, v5;
	v58 =	vadd.s32 v3, v60  }
0x89b: {  	s3 =	sand.u32 $0xFFFFF80, s9  }
0x89c: {  	s5 =	simm.s32 $0xC480;
	s16 =	sadd.s32 s2, s3;
	v59 =	vadd.s32 v3, v61;
	v60 =	vperm.xlane v56, v6  }
0x89d: {  	[tilespmem:s5], [sflag:$0x2] =	stream.indirect_vreg.gather [hbm4b:s16+s4], $0x80, v57, vm0, $0xb8;
	[tilespmem:$0x10880] =	vst v63  }
0x89e: {  	s19 =	simm.s32 $0xC500;
	v57 =	vadd.s32 v3, v60;
	v60 =	vperm.xlane v56, v7  }
0x89f: {  	[tilespmem:s19], [sflag:$0x2] =	stream.indirect_vreg.gather [hbm4b:s16+s4], $0x80, v58, vm0, $0xb8;
	[tilespmem:$0x10880] =	vst v63  }
0x8a0: {  	s21 =	simm.s32 $0xC580;
	v58 =	vadd.s32 v3, v60;
	v60 =	vperm.xlane v56, v8  }
0x8a1: {  	[tilespmem:s21], [sflag:$0x2] =	stream.indirect_vreg.gather [hbm4b:s16+s4], $0x80, v59, vm0, $0xb8;
	[tilespmem:$0x10880] =	vst v63  }
0x8a2: {  	s24 =	simm.s32 $0xC600;
	v59 =	vadd.s32 v3, v60;
	v60 =	vperm.xlane v56, v9  }
0x8a3: {  	[tilespmem:s24], [sflag:$0x2] =	stream.indirect_vreg.gather [hbm4b:s16+s4], $0x80, v57, vm0, $0xb8;
	[tilespmem:$0x10880] =	vst v63  }
0x8a4: {  	s25 =	simm.s32 $0xC680;
	v57 =	vadd.s32 v3, v60;
	v60 =	vperm.xlane v56, v10  }
0x8a5: {  	[tilespmem:s25], [sflag:$0x2] =	stream.indirect_vreg.gather [hbm4b:s16+s4], $0x80, v58, vm0, $0xb8;
	[tilespmem:$0x10880] =	vst v63  }
0x8a6: {  	s3 =	simm.s32 $0xC700;
	v58 =	vadd.s32 v3, v60;
	v60 =	vperm.xlane v56, v11  }
0x8a7: {  	[tilespmem:s3], [sflag:$0x2] =	stream.indirect_vreg.gather [hbm4b:s16+s4], $0x80, v59, vm0, $0xb8;
	[tilespmem:$0x10880] =	vst v63  }
0x8a8: {  	s5 =	simm.s32 $0xC780;
	v59 =	vadd.s32 v3, v60;
	v60 =	vperm.xlane v56, v12  }
0x8a9: {  	[tilespmem:s5], [sflag:$0x2] =	stream.indirect_vreg.gather [hbm4b:s16+s4], $0x80, v57, vm0, $0xb8;
	[tilespmem:$0x10880] =	vst v63  }
0x8aa: {  	s19 =	simm.s32 $0xC800;
	v57 =	vadd.s32 v3, v60;
	v60 =	vperm.xlane v56, v13  }
0x8ab: {  	[tilespmem:s19], [sflag:$0x2] =	stream.indirect_vreg.gather [hbm4b:s16+s4], $0x80, v58, vm0, $0xb8;
	[tilespmem:$0x10880] =	vst v63  }
0x8ac: {  	s21 =	simm.s32 $0xC880;
	v58 =	vadd.s32 v3, v60;
	v60 =	vperm.xlane v56, v15  }
0x8ad: {  	[tilespmem:s21], [sflag:$0x2] =	stream.indirect_vreg.gather [hbm4b:s16+s4], $0x80, v59, vm0, $0xb8;
	[tilespmem:$0x10880] =	vst v63  }
0x8ae: {  	s24 =	simm.s32 $0xC900;
	v59 =	vadd.s32 v3, v60;
	v60 =	vperm.xlane v56, v16  }
0x8af: {  	[tilespmem:s24], [sflag:$0x2] =	stream.indirect_vreg.gather [hbm4b:s16+s4], $0x80, v57, vm0, $0xb8;
	[tilespmem:$0x10880] =	vst v63  }
0x8b0: {  	s25 =	simm.s32 $0xC980;
	v57 =	vadd.s32 v3, v60;
	v60 =	vperm.xlane v56, v17  }
0x8b1: {  	[tilespmem:s25], [sflag:$0x2] =	stream.indirect_vreg.gather [hbm4b:s16+s4], $0x80, v58, vm0, $0xb8;
	[tilespmem:$0x10880] =	vst v63  }
0x8b2: {  	s3 =	simm.s32 $0xCA00;
	v58 =	vadd.s32 v3, v60;
	v60 =	vperm.xlane v56, v18  }
0x8b3: {  	[tilespmem:s3], [sflag:$0x2] =	stream.indirect_vreg.gather [hbm4b:s16+s4], $0x80, v59, vm0, $0xb8;
	[tilespmem:$0x10880] =	vst v63  }
0x8b4: {  	s5 =	simm.s32 $0xCA80;
	v56 =	vperm.xlane v56, v19;
	v62 =	vadd.s32 v3, v60  }
0x8b5: {  	[tilespmem:s5], [sflag:$0x2] =	stream.indirect_vreg.gather [hbm4b:s16+s4], $0x80, v57, vm0, $0xb8;
	[tilespmem:$0x10880] =	vst v63  }
0x8b6: {  	s19 =	simm.s32 $0xCB00;
	v56 =	vadd.s32 v3, v56  }
0x8b7: {  	[tilespmem:s19], [sflag:$0x2] =	stream.indirect_vreg.gather [hbm4b:s16+s4], $0x80, v58, vm0, $0xb8;
	[tilespmem:$0x10880] =	vst v63  }
0x8b8: {  	s21 =	simm.s32 $0xCB80  }
0x8b9: {  	[tilespmem:s21], [sflag:$0x2] =	stream.indirect_vreg.gather [hbm4b:s16+s4], $0x80, v62, vm0, $0xb8;
	[tilespmem:$0x10880] =	vst v63  }
0x8ba: {  	s24 =	simm.s32 $0xCC00  }
0x8bb: {  	[tilespmem:s24], [sflag:$0x2] =	stream.indirect_vreg.gather [hbm4b:s16+s4], $0x80, v56, vm0, $0xb8;
	[tilespmem:$0x10880] =	vst v63  }
0x8bc: {  	v56 =	vld [tilespmem:$0x410];
	_ =	sdelay $0x4  }
0x8bd: {  	v63 =	vshrl.u32 v56, $0x3  }
0x8be: {  	v57 =	vmul.u32 $0xF428, v63  }
0x8bf: {  	v56 =	vand.u32 $0x7, v56  }
0x8c0: {  	v56 =	vor.u32 v56, v57  }
0x8c1: {  	v57 =	vperm.xlane v56, v2;
	_ =	sdelay $0x1  }
0x8c2: {  	v60 =	vperm.xlane v56, v4;
	v57 =	vadd.s32 v3, v57;
	_ =	sdelay $0x1  }
0x8c3: {  	v61 =	vperm.xlane v56, v5;
	v58 =	vadd.s32 v3, v60;
	_ =	sdelay $0x1  }
0x8c4: {  	s25 =	simm.s32 $0xCC80;
	v59 =	vadd.s32 v3, v61;
	v60 =	vperm.xlane v56, v6  }
0x8c5: {  	[tilespmem:s25], [sflag:$0x2] =	stream.indirect_vreg.gather [hbm4b:s16+s4], $0x80, v57, vm0, $0xb8;
	[tilespmem:$0x10880] =	vst v63  }
0x8c6: {  	s3 =	simm.s32 $0xCD00;
	v57 =	vadd.s32 v3, v60;
	v60 =	vperm.xlane v56, v7  }
0x8c7: {  	[tilespmem:s3], [sflag:$0x2] =	stream.indirect_vreg.gather [hbm4b:s16+s4], $0x80, v58, vm0, $0xb8;
	[tilespmem:$0x10880] =	vst v63  }
0x8c8: {  	s5 =	simm.s32 $0xCD80;
	v58 =	vadd.s32 v3, v60;
	v60 =	vperm.xlane v56, v8  }
0x8c9: {  	[tilespmem:s5], [sflag:$0x2] =	stream.indirect_vreg.gather [hbm4b:s16+s4], $0x80, v59, vm0, $0xb8;
	[tilespmem:$0x10880] =	vst v63  }
0x8ca: {  	s19 =	simm.s32 $0xCE00;
	v59 =	vadd.s32 v3, v60;
	v60 =	vperm.xlane v56, v9  }
0x8cb: {  	[tilespmem:s19], [sflag:$0x2] =	stream.indirect_vreg.gather [hbm4b:s16+s4], $0x80, v57, vm0, $0xb8;
	[tilespmem:$0x10880] =	vst v63  }
0x8cc: {  	s21 =	simm.s32 $0xCE80;
	v57 =	vadd.s32 v3, v60;
	v60 =	vperm.xlane v56, v10  }
0x8cd: {  	[tilespmem:s21], [sflag:$0x2] =	stream.indirect_vreg.gather [hbm4b:s16+s4], $0x80, v58, vm0, $0xb8;
	[tilespmem:$0x10880] =	vst v63  }
0x8ce: {  	s24 =	simm.s32 $0xCF00;
	v58 =	vadd.s32 v3, v60;
	v60 =	vperm.xlane v56, v11  }
0x8cf: {  	[tilespmem:s24], [sflag:$0x2] =	stream.indirect_vreg.gather [hbm4b:s16+s4], $0x80, v59, vm0, $0xb8;
	[tilespmem:$0x10880] =	vst v63  }
0x8d0: {  	s25 =	simm.s32 $0xCF80;
	v59 =	vadd.s32 v3, v60;
	v60 =	vperm.xlane v56, v12  }
0x8d1: {  	[tilespmem:s25], [sflag:$0x2] =	stream.indirect_vreg.gather [hbm4b:s16+s4], $0x80, v57, vm0, $0xb8;
	[tilespmem:$0x10880] =	vst v63  }
0x8d2: {  	s3 =	simm.s32 $0xD000;
	v57 =	vadd.s32 v3, v60;
	v60 =	vperm.xlane v56, v13  }
0x8d3: {  	[tilespmem:s3], [sflag:$0x2] =	stream.indirect_vreg.gather [hbm4b:s16+s4], $0x80, v58, vm0, $0xb8;
	[tilespmem:$0x10880] =	vst v63  }
0x8d4: {  	s5 =	simm.s32 $0xD080;
	v58 =	vadd.s32 v3, v60;
	v60 =	vperm.xlane v56, v15  }
0x8d5: {  	[tilespmem:s5], [sflag:$0x2] =	stream.indirect_vreg.gather [hbm4b:s16+s4], $0x80, v59, vm0, $0xb8;
	[tilespmem:$0x10880] =	vst v63  }
0x8d6: {  	s19 =	simm.s32 $0xD100;
	v59 =	vadd.s32 v3, v60;
	v60 =	vperm.xlane v56, v16  }
0x8d7: {  	[tilespmem:s19], [sflag:$0x2] =	stream.indirect_vreg.gather [hbm4b:s16+s4], $0x80, v57, vm0, $0xb8;
	[tilespmem:$0x10880] =	vst v63  }
0x8d8: {  	s21 =	simm.s32 $0xD180;
	v57 =	vadd.s32 v3, v60;
	v60 =	vperm.xlane v56, v17  }
0x8d9: {  	[tilespmem:s21], [sflag:$0x2] =	stream.indirect_vreg.gather [hbm4b:s16+s4], $0x80, v58, vm0, $0xb8;
	[tilespmem:$0x10880] =	vst v63  }
0x8da: {  	s24 =	simm.s32 $0xD200;
	v58 =	vadd.s32 v3, v60;
	v60 =	vperm.xlane v56, v18  }
0x8db: {  	[tilespmem:s24], [sflag:$0x2] =	stream.indirect_vreg.gather [hbm4b:s16+s4], $0x80, v59, vm0, $0xb8;
	[tilespmem:$0x10880] =	vst v63  }
0x8dc: {  	s25 =	simm.s32 $0xD280;
	v56 =	vperm.xlane v56, v19;
	v62 =	vadd.s32 v3, v60  }
0x8dd: {  	[tilespmem:s25], [sflag:$0x2] =	stream.indirect_vreg.gather [hbm4b:s16+s4], $0x80, v57, vm0, $0xb8;
	[tilespmem:$0x10880] =	vst v63  }
0x8de: {  	s3 =	simm.s32 $0xD300;
	v56 =	vadd.s32 v3, v56  }
0x8df: {  	[tilespmem:s3], [sflag:$0x2] =	stream.indirect_vreg.gather [hbm4b:s16+s4], $0x80, v58, vm0, $0xb8;
	[tilespmem:$0x10880] =	vst v63  }
0x8e0: {  	s5 =	simm.s32 $0xD380  }
0x8e1: {  	[tilespmem:s5], [sflag:$0x2] =	stream.indirect_vreg.gather [hbm4b:s16+s4], $0x80, v62, vm0, $0xb8;
	[tilespmem:$0x10880] =	vst v63  }
0x8e2: {  	(v2sf) =	vpush v55, $0xD;
	s19 =	simm.s32 $0xD400  }
0x8e3: {  	[tilespmem:s19], [sflag:$0x2] =	stream.indirect_vreg.gather [hbm4b:s16+s4], $0x80, v56, vm0, $0xb8;
	[tilespmem:$0x10880] =	vst v63  }
0x8e4: {  	v56 =	vld [tilespmem:$0x400];
	_ =	sdelay $0x4  }
0x8e5: {  	v63 =	vshrl.u32 v56, $0x3  }
0x8e6: {  	v57 =	vmul.u32 $0xF428, v63  }
0x8e7: {  	v56 =	vand.u32 $0x7, v56  }
0x8e8: {  	v56 =	vor.u32 v56, v57  }
0x8e9: {  	v57 =	vperm.xlane v56, v2;
	_ =	sdelay $0x1  }
0x8ea: {  	v60 =	vperm.xlane v56, v4;
	v57 =	vadd.s32 v3, v57;
	_ =	sdelay $0x1  }
0x8eb: {  	s16 =	spop (v2sf);
	v61 =	vperm.xlane v56, v5;
	v58 =	vadd.s32 v3, v60  }
0x8ec: {  	s21 =	sand.u32 $0xFFFFF80, s16  }
0x8ed: {  	s24 =	simm.s32 $0x5480;
	s19 =	sadd.s32 s1, s21;
	v59 =	vadd.s32 v3, v61;
	v60 =	vperm.xlane v56, v6  }
0x8ee: {  	[tilespmem:s24], [sflag:$0x2] =	stream.indirect_vreg.gather [hbm4b:s19+s4], $0x80, v57, vm0, $0xb8;
	[tilespmem:$0x10880] =	vst v63  }
0x8ef: {  	s25 =	simm.s32 $0x5500;
	v57 =	vadd.s32 v3, v60;
	v60 =	vperm.xlane v56, v7  }
0x8f0: {  	[tilespmem:s25], [sflag:$0x2] =	stream.indirect_vreg.gather [hbm4b:s19+s4], $0x80, v58, vm0, $0xb8;
	[tilespmem:$0x10880] =	vst v63  }
0x8f1: {  	s3 =	simm.s32 $0x5580;
	v58 =	vadd.s32 v3, v60;
	v60 =	vperm.xlane v56, v8  }
0x8f2: {  	[tilespmem:s3], [sflag:$0x2] =	stream.indirect_vreg.gather [hbm4b:s19+s4], $0x80, v59, vm0, $0xb8;
	[tilespmem:$0x10880] =	vst v63  }
0x8f3: {  	s5 =	simm.s32 $0x5600;
	v59 =	vadd.s32 v3, v60;
	v60 =	vperm.xlane v56, v9  }
0x8f4: {  	[tilespmem:s5], [sflag:$0x2] =	stream.indirect_vreg.gather [hbm4b:s19+s4], $0x80, v57, vm0, $0xb8;
	[tilespmem:$0x10880] =	vst v63  }
0x8f5: {  	s21 =	simm.s32 $0x5680;
	v57 =	vadd.s32 v3, v60;
	v60 =	vperm.xlane v56, v10  }
0x8f6: {  	[tilespmem:s21], [sflag:$0x2] =	stream.indirect_vreg.gather [hbm4b:s19+s4], $0x80, v58, vm0, $0xb8;
	[tilespmem:$0x10880] =	vst v63  }
0x8f7: {  	s24 =	simm.s32 $0x5700;
	v58 =	vadd.s32 v3, v60;
	v60 =	vperm.xlane v56, v11  }
0x8f8: {  	[tilespmem:s24], [sflag:$0x2] =	stream.indirect_vreg.gather [hbm4b:s19+s4], $0x80, v59, vm0, $0xb8;
	[tilespmem:$0x10880] =	vst v63  }
0x8f9: {  	s25 =	simm.s32 $0x5780;
	v59 =	vadd.s32 v3, v60;
	v60 =	vperm.xlane v56, v12  }
0x8fa: {  	[tilespmem:s25], [sflag:$0x2] =	stream.indirect_vreg.gather [hbm4b:s19+s4], $0x80, v57, vm0, $0xb8;
	[tilespmem:$0x10880] =	vst v63  }
0x8fb: {  	s3 =	simm.s32 $0x5800;
	v57 =	vadd.s32 v3, v60;
	v60 =	vperm.xlane v56, v13  }
0x8fc: {  	[tilespmem:s3], [sflag:$0x2] =	stream.indirect_vreg.gather [hbm4b:s19+s4], $0x80, v58, vm0, $0xb8;
	[tilespmem:$0x10880] =	vst v63  }
0x8fd: {  	s5 =	simm.s32 $0x5880;
	v58 =	vadd.s32 v3, v60;
	v60 =	vperm.xlane v56, v15  }
0x8fe: {  	[tilespmem:s5], [sflag:$0x2] =	stream.indirect_vreg.gather [hbm4b:s19+s4], $0x80, v59, vm0, $0xb8;
	[tilespmem:$0x10880] =	vst v63  }
0x8ff: {  	s21 =	simm.s32 $0x5900;
	v59 =	vadd.s32 v3, v60;
	v60 =	vperm.xlane v56, v16  }
0x900: {  	[tilespmem:s21], [sflag:$0x2] =	stream.indirect_vreg.gather [hbm4b:s19+s4], $0x80, v57, vm0, $0xb8;
	[tilespmem:$0x10880] =	vst v63  }
0x901: {  	s24 =	simm.s32 $0x5980;
	v57 =	vadd.s32 v3, v60;
	v60 =	vperm.xlane v56, v17  }
0x902: {  	[tilespmem:s24], [sflag:$0x2] =	stream.indirect_vreg.gather [hbm4b:s19+s4], $0x80, v58, vm0, $0xb8;
	[tilespmem:$0x10880] =	vst v63  }
0x903: {  	s25 =	simm.s32 $0x5A00;
	v58 =	vadd.s32 v3, v60;
	v60 =	vperm.xlane v56, v18  }
0x904: {  	[tilespmem:s25], [sflag:$0x2] =	stream.indirect_vreg.gather [hbm4b:s19+s4], $0x80, v59, vm0, $0xb8;
	[tilespmem:$0x10880] =	vst v63  }
0x905: {  	s3 =	simm.s32 $0x5A80;
	v56 =	vperm.xlane v56, v19;
	v62 =	vadd.s32 v3, v60  }
0x906: {  	[tilespmem:s3], [sflag:$0x2] =	stream.indirect_vreg.gather [hbm4b:s19+s4], $0x80, v57, vm0, $0xb8;
	[tilespmem:$0x10880] =	vst v63  }
0x907: {  	s5 =	simm.s32 $0x5B00;
	v56 =	vadd.s32 v3, v56  }
0x908: {  	[tilespmem:s5], [sflag:$0x2] =	stream.indirect_vreg.gather [hbm4b:s19+s4], $0x80, v58, vm0, $0xb8;
	[tilespmem:$0x10880] =	vst v63  }
0x909: {  	s21 =	simm.s32 $0x5B80  }
0x90a: {  	[tilespmem:s21], [sflag:$0x2] =	stream.indirect_vreg.gather [hbm4b:s19+s4], $0x80, v62, vm0, $0xb8;
	[tilespmem:$0x10880] =	vst v63  }
0x90b: {  	s24 =	simm.s32 $0x5C00  }
0x90c: {  	[tilespmem:s24], [sflag:$0x2] =	stream.indirect_vreg.gather [hbm4b:s19+s4], $0x80, v56, vm0, $0xb8;
	[tilespmem:$0x10880] =	vst v63  }
0x90d: {  	v56 =	vld [tilespmem:$0x410];
	_ =	sdelay $0x4  }
0x90e: {  	v63 =	vshrl.u32 v56, $0x3  }
0x90f: {  	v57 =	vmul.u32 $0xF428, v63  }
0x910: {  	v56 =	vand.u32 $0x7, v56  }
0x911: {  	v56 =	vor.u32 v56, v57  }
0x912: {  	v57 =	vperm.xlane v56, v2;
	_ =	sdelay $0x1  }
0x913: {  	v60 =	vperm.xlane v56, v4;
	v57 =	vadd.s32 v3, v57;
	_ =	sdelay $0x1  }
0x914: {  	v61 =	vperm.xlane v56, v5;
	v58 =	vadd.s32 v3, v60;
	_ =	sdelay $0x1  }
0x915: {  	s25 =	simm.s32 $0x5C80;
	v59 =	vadd.s32 v3, v61;
	v60 =	vperm.xlane v56, v6  }
0x916: {  	[tilespmem:s25], [sflag:$0x2] =	stream.indirect_vreg.gather [hbm4b:s19+s4], $0x80, v57, vm0, $0xb8;
	[tilespmem:$0x10880] =	vst v63  }
0x917: {  	s3 =	simm.s32 $0x5D00;
	v57 =	vadd.s32 v3, v60;
	v60 =	vperm.xlane v56, v7  }
0x918: {  	[tilespmem:s3], [sflag:$0x2] =	stream.indirect_vreg.gather [hbm4b:s19+s4], $0x80, v58, vm0, $0xb8;
	[tilespmem:$0x10880] =	vst v63  }
0x919: {  	s5 =	simm.s32 $0x5D80;
	v58 =	vadd.s32 v3, v60;
	v60 =	vperm.xlane v56, v8  }
0x91a: {  	[tilespmem:s5], [sflag:$0x2] =	stream.indirect_vreg.gather [hbm4b:s19+s4], $0x80, v59, vm0, $0xb8;
	[tilespmem:$0x10880] =	vst v63  }
0x91b: {  	s21 =	simm.s32 $0x5E00;
	v59 =	vadd.s32 v3, v60;
	v60 =	vperm.xlane v56, v9  }
0x91c: {  	[tilespmem:s21], [sflag:$0x2] =	stream.indirect_vreg.gather [hbm4b:s19+s4], $0x80, v57, vm0, $0xb8;
	[tilespmem:$0x10880] =	vst v63  }
0x91d: {  	s24 =	simm.s32 $0x5E80;
	v57 =	vadd.s32 v3, v60;
	v60 =	vperm.xlane v56, v10  }
0x91e: {  	[tilespmem:s24], [sflag:$0x2] =	stream.indirect_vreg.gather [hbm4b:s19+s4], $0x80, v58, vm0, $0xb8;
	[tilespmem:$0x10880] =	vst v63  }
0x91f: {  	s25 =	simm.s32 $0x5F00;
	v58 =	vadd.s32 v3, v60;
	v60 =	vperm.xlane v56, v11  }
0x920: {  	[tilespmem:s25], [sflag:$0x2] =	stream.indirect_vreg.gather [hbm4b:s19+s4], $0x80, v59, vm0, $0xb8;
	[tilespmem:$0x10880] =	vst v63  }
0x921: {  	s3 =	simm.s32 $0x5F80;
	v59 =	vadd.s32 v3, v60;
	v60 =	vperm.xlane v56, v12  }
0x922: {  	[tilespmem:s3], [sflag:$0x2] =	stream.indirect_vreg.gather [hbm4b:s19+s4], $0x80, v57, vm0, $0xb8;
	[tilespmem:$0x10880] =	vst v63  }
0x923: {  	s5 =	simm.s32 $0x6000;
	v57 =	vadd.s32 v3, v60;
	v60 =	vperm.xlane v56, v13  }
0x924: {  	[tilespmem:s5], [sflag:$0x2] =	stream.indirect_vreg.gather [hbm4b:s19+s4], $0x80, v58, vm0, $0xb8;
	[tilespmem:$0x10880] =	vst v63  }
0x925: {  	s21 =	simm.s32 $0x6080;
	v58 =	vadd.s32 v3, v60;
	v60 =	vperm.xlane v56, v15  }
0x926: {  	[tilespmem:s21], [sflag:$0x2] =	stream.indirect_vreg.gather [hbm4b:s19+s4], $0x80, v59, vm0, $0xb8;
	[tilespmem:$0x10880] =	vst v63  }
0x927: {  	s24 =	simm.s32 $0x6100;
	v59 =	vadd.s32 v3, v60;
	v60 =	vperm.xlane v56, v16  }
0x928: {  	[tilespmem:s24], [sflag:$0x2] =	stream.indirect_vreg.gather [hbm4b:s19+s4], $0x80, v57, vm0, $0xb8;
	[tilespmem:$0x10880] =	vst v63  }
0x929: {  	s25 =	simm.s32 $0x6180;
	v57 =	vadd.s32 v3, v60;
	v60 =	vperm.xlane v56, v17  }
0x92a: {  	[tilespmem:s25], [sflag:$0x2] =	stream.indirect_vreg.gather [hbm4b:s19+s4], $0x80, v58, vm0, $0xb8;
	[tilespmem:$0x10880] =	vst v63  }
0x92b: {  	s3 =	simm.s32 $0x6200;
	v58 =	vadd.s32 v3, v60;
	v60 =	vperm.xlane v56, v18  }
0x92c: {  	[tilespmem:s3], [sflag:$0x2] =	stream.indirect_vreg.gather [hbm4b:s19+s4], $0x80, v59, vm0, $0xb8;
	[tilespmem:$0x10880] =	vst v63  }
0x92d: {  	s5 =	simm.s32 $0x6280;
	v56 =	vperm.xlane v56, v19;
	v62 =	vadd.s32 v3, v60  }
0x92e: {  	[tilespmem:s5], [sflag:$0x2] =	stream.indirect_vreg.gather [hbm4b:s19+s4], $0x80, v57, vm0, $0xb8;
	[tilespmem:$0x10880] =	vst v63  }
0x92f: {  	s21 =	simm.s32 $0x6300;
	v56 =	vadd.s32 v3, v56  }
0x930: {  	[tilespmem:s21], [sflag:$0x2] =	stream.indirect_vreg.gather [hbm4b:s19+s4], $0x80, v58, vm0, $0xb8;
	[tilespmem:$0x10880] =	vst v63  }
0x931: {  	s24 =	simm.s32 $0x6380  }
0x932: {  	[tilespmem:s24], [sflag:$0x2] =	stream.indirect_vreg.gather [hbm4b:s19+s4], $0x80, v62, vm0, $0xb8;
	[tilespmem:$0x10880] =	vst v63  }
0x933: {  	(v2sf) =	vpush v54, $0xD;
	s25 =	simm.s32 $0x6400  }
0x934: {  	[tilespmem:s25], [sflag:$0x2] =	stream.indirect_vreg.gather [hbm4b:s19+s4], $0x80, v56, vm0, $0xb8;
	[tilespmem:$0x10880] =	vst v63  }
0x935: {  	v56 =	vld [tilespmem:$0x400];
	_ =	sdelay $0x4  }
0x936: {  	v63 =	vshrl.u32 v56, $0x3  }
0x937: {  	v57 =	vmul.u32 $0xF428, v63  }
0x938: {  	v56 =	vand.u32 $0x7, v56  }
0x939: {  	v56 =	vor.u32 v56, v57  }
0x93a: {  	v57 =	vperm.xlane v56, v2;
	_ =	sdelay $0x1  }
0x93b: {  	v60 =	vperm.xlane v56, v4;
	v57 =	vadd.s32 v3, v57;
	_ =	sdelay $0x1  }
0x93c: {  	s19 =	spop (v2sf);
	v61 =	vperm.xlane v56, v5;
	v58 =	vadd.s32 v3, v60  }
0x93d: {  	s0 =	sand.u32 $0xFFFFF80, s19  }
0x93e: {  	s3 =	simm.s32 $0xD480;
	s21 =	sadd.s32 s2, s0;
	v59 =	vadd.s32 v3, v61;
	v60 =	vperm.xlane v56, v6  }
0x93f: {  	[tilespmem:s3], [sflag:$0x2] =	stream.indirect_vreg.gather [hbm4b:s21+s4], $0x80, v57, vm0, $0xb8;
	[tilespmem:$0x10880] =	vst v63  }
0x940: {  	s5 =	simm.s32 $0xD500;
	v57 =	vadd.s32 v3, v60;
	v60 =	vperm.xlane v56, v7  }
0x941: {  	[tilespmem:s5], [sflag:$0x2] =	stream.indirect_vreg.gather [hbm4b:s21+s4], $0x80, v58, vm0, $0xb8;
	[tilespmem:$0x10880] =	vst v63  }
0x942: {  	s24 =	simm.s32 $0xD580;
	v58 =	vadd.s32 v3, v60;
	v60 =	vperm.xlane v56, v8  }
0x943: {  	[tilespmem:s24], [sflag:$0x2] =	stream.indirect_vreg.gather [hbm4b:s21+s4], $0x80, v59, vm0, $0xb8;
	[tilespmem:$0x10880] =	vst v63  }
0x944: {  	s25 =	simm.s32 $0xD600;
	v59 =	vadd.s32 v3, v60;
	v60 =	vperm.xlane v56, v9  }
0x945: {  	[tilespmem:s25], [sflag:$0x2] =	stream.indirect_vreg.gather [hbm4b:s21+s4], $0x80, v57, vm0, $0xb8;
	[tilespmem:$0x10880] =	vst v63  }
0x946: {  	s3 =	simm.s32 $0xD680;
	v57 =	vadd.s32 v3, v60;
	v60 =	vperm.xlane v56, v10  }
0x947: {  	[tilespmem:s3], [sflag:$0x2] =	stream.indirect_vreg.gather [hbm4b:s21+s4], $0x80, v58, vm0, $0xb8;
	[tilespmem:$0x10880] =	vst v63  }
0x948: {  	s5 =	simm.s32 $0xD700;
	v58 =	vadd.s32 v3, v60;
	v60 =	vperm.xlane v56, v11  }
0x949: {  	[tilespmem:s5], [sflag:$0x2] =	stream.indirect_vreg.gather [hbm4b:s21+s4], $0x80, v59, vm0, $0xb8;
	[tilespmem:$0x10880] =	vst v63  }
0x94a: {  	s24 =	simm.s32 $0xD780;
	v59 =	vadd.s32 v3, v60;
	v60 =	vperm.xlane v56, v12  }
0x94b: {  	[tilespmem:s24], [sflag:$0x2] =	stream.indirect_vreg.gather [hbm4b:s21+s4], $0x80, v57, vm0, $0xb8;
	[tilespmem:$0x10880] =	vst v63  }
0x94c: {  	s25 =	simm.s32 $0xD800;
	v57 =	vadd.s32 v3, v60;
	v60 =	vperm.xlane v56, v13  }
0x94d: {  	[tilespmem:s25], [sflag:$0x2] =	stream.indirect_vreg.gather [hbm4b:s21+s4], $0x80, v58, vm0, $0xb8;
	[tilespmem:$0x10880] =	vst v63  }
0x94e: {  	s3 =	simm.s32 $0xD880;
	v58 =	vadd.s32 v3, v60;
	v60 =	vperm.xlane v56, v15  }
0x94f: {  	[tilespmem:s3], [sflag:$0x2] =	stream.indirect_vreg.gather [hbm4b:s21+s4], $0x80, v59, vm0, $0xb8;
	[tilespmem:$0x10880] =	vst v63  }
0x950: {  	s5 =	simm.s32 $0xD900;
	v59 =	vadd.s32 v3, v60;
	v60 =	vperm.xlane v56, v16  }
0x951: {  	[tilespmem:s5], [sflag:$0x2] =	stream.indirect_vreg.gather [hbm4b:s21+s4], $0x80, v57, vm0, $0xb8;
	[tilespmem:$0x10880] =	vst v63  }
0x952: {  	s24 =	simm.s32 $0xD980;
	v57 =	vadd.s32 v3, v60;
	v60 =	vperm.xlane v56, v17  }
0x953: {  	[tilespmem:s24], [sflag:$0x2] =	stream.indirect_vreg.gather [hbm4b:s21+s4], $0x80, v58, vm0, $0xb8;
	[tilespmem:$0x10880] =	vst v63  }
0x954: {  	s25 =	simm.s32 $0xDA00;
	v58 =	vadd.s32 v3, v60;
	v60 =	vperm.xlane v56, v18  }
0x955: {  	[tilespmem:s25], [sflag:$0x2] =	stream.indirect_vreg.gather [hbm4b:s21+s4], $0x80, v59, vm0, $0xb8;
	[tilespmem:$0x10880] =	vst v63  }
0x956: {  	s3 =	simm.s32 $0xDA80;
	v56 =	vperm.xlane v56, v19;
	v62 =	vadd.s32 v3, v60  }
0x957: {  	[tilespmem:s3], [sflag:$0x2] =	stream.indirect_vreg.gather [hbm4b:s21+s4], $0x80, v57, vm0, $0xb8;
	[tilespmem:$0x10880] =	vst v63  }
0x958: {  	s5 =	simm.s32 $0xDB00;
	v56 =	vadd.s32 v3, v56  }
0x959: {  	[tilespmem:s5], [sflag:$0x2] =	stream.indirect_vreg.gather [hbm4b:s21+s4], $0x80, v58, vm0, $0xb8;
	[tilespmem:$0x10880] =	vst v63  }
0x95a: {  	s24 =	simm.s32 $0xDB80  }
0x95b: {  	[tilespmem:s24], [sflag:$0x2] =	stream.indirect_vreg.gather [hbm4b:s21+s4], $0x80, v62, vm0, $0xb8;
	[tilespmem:$0x10880] =	vst v63  }
0x95c: {  	s25 =	simm.s32 $0xDC00  }
0x95d: {  	[tilespmem:s25], [sflag:$0x2] =	stream.indirect_vreg.gather [hbm4b:s21+s4], $0x80, v56, vm0, $0xb8;
	[tilespmem:$0x10880] =	vst v63  }
0x95e: {  	v56 =	vld [tilespmem:$0x410];
	_ =	sdelay $0x4  }
0x95f: {  	v63 =	vshrl.u32 v56, $0x3  }
0x960: {  	v57 =	vmul.u32 $0xF428, v63  }
0x961: {  	v56 =	vand.u32 $0x7, v56  }
0x962: {  	v56 =	vor.u32 v56, v57  }
0x963: {  	v57 =	vperm.xlane v56, v2;
	_ =	sdelay $0x1  }
0x964: {  	v60 =	vperm.xlane v56, v4;
	v57 =	vadd.s32 v3, v57;
	_ =	sdelay $0x1  }
0x965: {  	v61 =	vperm.xlane v56, v5;
	v58 =	vadd.s32 v3, v60;
	_ =	sdelay $0x1  }
0x966: {  	s3 =	simm.s32 $0xDC80;
	v59 =	vadd.s32 v3, v61;
	v60 =	vperm.xlane v56, v6  }
0x967: {  	[tilespmem:s3], [sflag:$0x2] =	stream.indirect_vreg.gather [hbm4b:s21+s4], $0x80, v57, vm0, $0xb8;
	[tilespmem:$0x10880] =	vst v63  }
0x968: {  	s5 =	simm.s32 $0xDD00;
	v57 =	vadd.s32 v3, v60;
	v60 =	vperm.xlane v56, v7  }
0x969: {  	[tilespmem:s5], [sflag:$0x2] =	stream.indirect_vreg.gather [hbm4b:s21+s4], $0x80, v58, vm0, $0xb8;
	[tilespmem:$0x10880] =	vst v63  }
0x96a: {  	s24 =	simm.s32 $0xDD80;
	v58 =	vadd.s32 v3, v60;
	v60 =	vperm.xlane v56, v8  }
0x96b: {  	[tilespmem:s24], [sflag:$0x2] =	stream.indirect_vreg.gather [hbm4b:s21+s4], $0x80, v59, vm0, $0xb8;
	[tilespmem:$0x10880] =	vst v63  }
0x96c: {  	s25 =	simm.s32 $0xDE00;
	v59 =	vadd.s32 v3, v60;
	v60 =	vperm.xlane v56, v9  }
0x96d: {  	[tilespmem:s25], [sflag:$0x2] =	stream.indirect_vreg.gather [hbm4b:s21+s4], $0x80, v57, vm0, $0xb8;
	[tilespmem:$0x10880] =	vst v63  }
0x96e: {  	s3 =	simm.s32 $0xDE80;
	v57 =	vadd.s32 v3, v60;
	v60 =	vperm.xlane v56, v10  }
0x96f: {  	[tilespmem:s3], [sflag:$0x2] =	stream.indirect_vreg.gather [hbm4b:s21+s4], $0x80, v58, vm0, $0xb8;
	[tilespmem:$0x10880] =	vst v63  }
0x970: {  	s5 =	simm.s32 $0xDF00;
	v58 =	vadd.s32 v3, v60;
	v60 =	vperm.xlane v56, v11  }
0x971: {  	[tilespmem:s5], [sflag:$0x2] =	stream.indirect_vreg.gather [hbm4b:s21+s4], $0x80, v59, vm0, $0xb8;
	[tilespmem:$0x10880] =	vst v63  }
0x972: {  	s24 =	simm.s32 $0xDF80;
	v59 =	vadd.s32 v3, v60;
	v60 =	vperm.xlane v56, v12  }
0x973: {  	[tilespmem:s24], [sflag:$0x2] =	stream.indirect_vreg.gather [hbm4b:s21+s4], $0x80, v57, vm0, $0xb8;
	[tilespmem:$0x10880] =	vst v63  }
0x974: {  	s25 =	simm.s32 $0xE000;
	v57 =	vadd.s32 v3, v60;
	v60 =	vperm.xlane v56, v13  }
0x975: {  	[tilespmem:s25], [sflag:$0x2] =	stream.indirect_vreg.gather [hbm4b:s21+s4], $0x80, v58, vm0, $0xb8;
	[tilespmem:$0x10880] =	vst v63  }
0x976: {  	s3 =	simm.s32 $0xE080;
	v58 =	vadd.s32 v3, v60;
	v60 =	vperm.xlane v56, v15  }
0x977: {  	[tilespmem:s3], [sflag:$0x2] =	stream.indirect_vreg.gather [hbm4b:s21+s4], $0x80, v59, vm0, $0xb8;
	[tilespmem:$0x10880] =	vst v63  }
0x978: {  	s5 =	simm.s32 $0xE100;
	v59 =	vadd.s32 v3, v60;
	v60 =	vperm.xlane v56, v16  }
0x979: {  	[tilespmem:s5], [sflag:$0x2] =	stream.indirect_vreg.gather [hbm4b:s21+s4], $0x80, v57, vm0, $0xb8;
	[tilespmem:$0x10880] =	vst v63  }
0x97a: {  	s24 =	simm.s32 $0xE180;
	v57 =	vadd.s32 v3, v60;
	v60 =	vperm.xlane v56, v17  }
0x97b: {  	[tilespmem:s24], [sflag:$0x2] =	stream.indirect_vreg.gather [hbm4b:s21+s4], $0x80, v58, vm0, $0xb8;
	[tilespmem:$0x10880] =	vst v63  }
0x97c: {  	s25 =	simm.s32 $0xE200;
	v58 =	vadd.s32 v3, v60;
	v60 =	vperm.xlane v56, v18  }
0x97d: {  	[tilespmem:s25], [sflag:$0x2] =	stream.indirect_vreg.gather [hbm4b:s21+s4], $0x80, v59, vm0, $0xb8;
	[tilespmem:$0x10880] =	vst v63  }
0x97e: {  	s3 =	simm.s32 $0xE280;
	v56 =	vperm.xlane v56, v19;
	v62 =	vadd.s32 v3, v60  }
0x97f: {  	[tilespmem:s3], [sflag:$0x2] =	stream.indirect_vreg.gather [hbm4b:s21+s4], $0x80, v57, vm0, $0xb8;
	[tilespmem:$0x10880] =	vst v63  }
0x980: {  	s5 =	simm.s32 $0xE300;
	v56 =	vadd.s32 v3, v56  }
0x981: {  	[tilespmem:s5], [sflag:$0x2] =	stream.indirect_vreg.gather [hbm4b:s21+s4], $0x80, v58, vm0, $0xb8;
	[tilespmem:$0x10880] =	vst v63  }
0x982: {  	s24 =	simm.s32 $0xE380  }
0x983: {  	[tilespmem:s24], [sflag:$0x2] =	stream.indirect_vreg.gather [hbm4b:s21+s4], $0x80, v62, vm0, $0xb8;
	[tilespmem:$0x10880] =	vst v63  }
0x984: {  	(v2sf) =	vpush v55, $0xE;
	s25 =	simm.s32 $0xE400  }
0x985: {  	[tilespmem:s25], [sflag:$0x2] =	stream.indirect_vreg.gather [hbm4b:s21+s4], $0x80, v56, vm0, $0xb8;
	[tilespmem:$0x10880] =	vst v63  }
0x986: {  	v56 =	vld [tilespmem:$0x400];
	_ =	sdelay $0x4  }
0x987: {  	v63 =	vshrl.u32 v56, $0x3  }
0x988: {  	v57 =	vmul.u32 $0xF428, v63  }
0x989: {  	v56 =	vand.u32 $0x7, v56  }
0x98a: {  	v56 =	vor.u32 v56, v57  }
0x98b: {  	v57 =	vperm.xlane v56, v2;
	_ =	sdelay $0x1  }
0x98c: {  	v60 =	vperm.xlane v56, v4;
	v57 =	vadd.s32 v3, v57;
	_ =	sdelay $0x1  }
0x98d: {  	s21 =	spop (v2sf);
	v61 =	vperm.xlane v56, v5;
	v58 =	vadd.s32 v3, v60  }
0x98e: {  	s3 =	sand.u32 $0xFFFFF80, s21  }
0x98f: {  	s5 =	simm.s32 $0x6480;
	s24 =	sadd.s32 s1, s3;
	v59 =	vadd.s32 v3, v61;
	v60 =	vperm.xlane v56, v6  }
0x990: {  	[tilespmem:s5], [sflag:$0x2] =	stream.indirect_vreg.gather [hbm4b:s24+s4], $0x80, v57, vm0, $0xb8;
	[tilespmem:$0x10880] =	vst v63  }
0x991: {  	s25 =	simm.s32 $0x6500;
	v57 =	vadd.s32 v3, v60;
	v60 =	vperm.xlane v56, v7  }
0x992: {  	[tilespmem:s25], [sflag:$0x2] =	stream.indirect_vreg.gather [hbm4b:s24+s4], $0x80, v58, vm0, $0xb8;
	[tilespmem:$0x10880] =	vst v63  }
0x993: {  	s3 =	simm.s32 $0x6580;
	v58 =	vadd.s32 v3, v60;
	v60 =	vperm.xlane v56, v8  }
0x994: {  	[tilespmem:s3], [sflag:$0x2] =	stream.indirect_vreg.gather [hbm4b:s24+s4], $0x80, v59, vm0, $0xb8;
	[tilespmem:$0x10880] =	vst v63  }
0x995: {  	s5 =	simm.s32 $0x6600;
	v59 =	vadd.s32 v3, v60;
	v60 =	vperm.xlane v56, v9  }
0x996: {  	[tilespmem:s5], [sflag:$0x2] =	stream.indirect_vreg.gather [hbm4b:s24+s4], $0x80, v57, vm0, $0xb8;
	[tilespmem:$0x10880] =	vst v63  }
0x997: {  	s25 =	simm.s32 $0x6680;
	v57 =	vadd.s32 v3, v60;
	v60 =	vperm.xlane v56, v10  }
0x998: {  	[tilespmem:s25], [sflag:$0x2] =	stream.indirect_vreg.gather [hbm4b:s24+s4], $0x80, v58, vm0, $0xb8;
	[tilespmem:$0x10880] =	vst v63  }
0x999: {  	s3 =	simm.s32 $0x6700;
	v58 =	vadd.s32 v3, v60;
	v60 =	vperm.xlane v56, v11  }
0x99a: {  	[tilespmem:s3], [sflag:$0x2] =	stream.indirect_vreg.gather [hbm4b:s24+s4], $0x80, v59, vm0, $0xb8;
	[tilespmem:$0x10880] =	vst v63  }
0x99b: {  	s5 =	simm.s32 $0x6780;
	v59 =	vadd.s32 v3, v60;
	v60 =	vperm.xlane v56, v12  }
0x99c: {  	[tilespmem:s5], [sflag:$0x2] =	stream.indirect_vreg.gather [hbm4b:s24+s4], $0x80, v57, vm0, $0xb8;
	[tilespmem:$0x10880] =	vst v63  }
0x99d: {  	s25 =	simm.s32 $0x6800;
	v57 =	vadd.s32 v3, v60;
	v60 =	vperm.xlane v56, v13  }
0x99e: {  	[tilespmem:s25], [sflag:$0x2] =	stream.indirect_vreg.gather [hbm4b:s24+s4], $0x80, v58, vm0, $0xb8;
	[tilespmem:$0x10880] =	vst v63  }
0x99f: {  	s3 =	simm.s32 $0x6880;
	v58 =	vadd.s32 v3, v60;
	v60 =	vperm.xlane v56, v15  }
0x9a0: {  	[tilespmem:s3], [sflag:$0x2] =	stream.indirect_vreg.gather [hbm4b:s24+s4], $0x80, v59, vm0, $0xb8;
	[tilespmem:$0x10880] =	vst v63  }
0x9a1: {  	s5 =	simm.s32 $0x6900;
	v59 =	vadd.s32 v3, v60;
	v60 =	vperm.xlane v56, v16  }
0x9a2: {  	[tilespmem:s5], [sflag:$0x2] =	stream.indirect_vreg.gather [hbm4b:s24+s4], $0x80, v57, vm0, $0xb8;
	[tilespmem:$0x10880] =	vst v63  }
0x9a3: {  	s25 =	simm.s32 $0x6980;
	v57 =	vadd.s32 v3, v60;
	v60 =	vperm.xlane v56, v17  }
0x9a4: {  	[tilespmem:s25], [sflag:$0x2] =	stream.indirect_vreg.gather [hbm4b:s24+s4], $0x80, v58, vm0, $0xb8;
	[tilespmem:$0x10880] =	vst v63  }
0x9a5: {  	s3 =	simm.s32 $0x6A00;
	v58 =	vadd.s32 v3, v60;
	v60 =	vperm.xlane v56, v18  }
0x9a6: {  	[tilespmem:s3], [sflag:$0x2] =	stream.indirect_vreg.gather [hbm4b:s24+s4], $0x80, v59, vm0, $0xb8;
	[tilespmem:$0x10880] =	vst v63  }
0x9a7: {  	s5 =	simm.s32 $0x6A80;
	v56 =	vperm.xlane v56, v19;
	v62 =	vadd.s32 v3, v60  }
0x9a8: {  	[tilespmem:s5], [sflag:$0x2] =	stream.indirect_vreg.gather [hbm4b:s24+s4], $0x80, v57, vm0, $0xb8;
	[tilespmem:$0x10880] =	vst v63  }
0x9a9: {  	s25 =	simm.s32 $0x6B00;
	v56 =	vadd.s32 v3, v56  }
0x9aa: {  	[tilespmem:s25], [sflag:$0x2] =	stream.indirect_vreg.gather [hbm4b:s24+s4], $0x80, v58, vm0, $0xb8;
	[tilespmem:$0x10880] =	vst v63  }
0x9ab: {  	s3 =	simm.s32 $0x6B80  }
0x9ac: {  	[tilespmem:s3], [sflag:$0x2] =	stream.indirect_vreg.gather [hbm4b:s24+s4], $0x80, v62, vm0, $0xb8;
	[tilespmem:$0x10880] =	vst v63  }
0x9ad: {  	s5 =	simm.s32 $0x6C00  }
0x9ae: {  	[tilespmem:s5], [sflag:$0x2] =	stream.indirect_vreg.gather [hbm4b:s24+s4], $0x80, v56, vm0, $0xb8;
	[tilespmem:$0x10880] =	vst v63  }
0x9af: {  	v56 =	vld [tilespmem:$0x410];
	_ =	sdelay $0x4  }
0x9b0: {  	v63 =	vshrl.u32 v56, $0x3  }
0x9b1: {  	v57 =	vmul.u32 $0xF428, v63  }
0x9b2: {  	v56 =	vand.u32 $0x7, v56  }
0x9b3: {  	v56 =	vor.u32 v56, v57  }
0x9b4: {  	v57 =	vperm.xlane v56, v2;
	_ =	sdelay $0x1  }
0x9b5: {  	v60 =	vperm.xlane v56, v4;
	v57 =	vadd.s32 v3, v57;
	_ =	sdelay $0x1  }
0x9b6: {  	v61 =	vperm.xlane v56, v5;
	v58 =	vadd.s32 v3, v60;
	_ =	sdelay $0x1  }
0x9b7: {  	s25 =	simm.s32 $0x6C80;
	v59 =	vadd.s32 v3, v61;
	v60 =	vperm.xlane v56, v6  }
0x9b8: {  	[tilespmem:s25], [sflag:$0x2] =	stream.indirect_vreg.gather [hbm4b:s24+s4], $0x80, v57, vm0, $0xb8;
	[tilespmem:$0x10880] =	vst v63  }
0x9b9: {  	s3 =	simm.s32 $0x6D00;
	v57 =	vadd.s32 v3, v60;
	v60 =	vperm.xlane v56, v7  }
0x9ba: {  	[tilespmem:s3], [sflag:$0x2] =	stream.indirect_vreg.gather [hbm4b:s24+s4], $0x80, v58, vm0, $0xb8;
	[tilespmem:$0x10880] =	vst v63  }
0x9bb: {  	s5 =	simm.s32 $0x6D80;
	v58 =	vadd.s32 v3, v60;
	v60 =	vperm.xlane v56, v8  }
0x9bc: {  	[tilespmem:s5], [sflag:$0x2] =	stream.indirect_vreg.gather [hbm4b:s24+s4], $0x80, v59, vm0, $0xb8;
	[tilespmem:$0x10880] =	vst v63  }
0x9bd: {  	s25 =	simm.s32 $0x6E00;
	v59 =	vadd.s32 v3, v60;
	v60 =	vperm.xlane v56, v9  }
0x9be: {  	[tilespmem:s25], [sflag:$0x2] =	stream.indirect_vreg.gather [hbm4b:s24+s4], $0x80, v57, vm0, $0xb8;
	[tilespmem:$0x10880] =	vst v63  }
0x9bf: {  	s3 =	simm.s32 $0x6E80;
	v57 =	vadd.s32 v3, v60;
	v60 =	vperm.xlane v56, v10  }
0x9c0: {  	[tilespmem:s3], [sflag:$0x2] =	stream.indirect_vreg.gather [hbm4b:s24+s4], $0x80, v58, vm0, $0xb8;
	[tilespmem:$0x10880] =	vst v63  }
0x9c1: {  	s5 =	simm.s32 $0x6F00;
	v58 =	vadd.s32 v3, v60;
	v60 =	vperm.xlane v56, v11  }
0x9c2: {  	[tilespmem:s5], [sflag:$0x2] =	stream.indirect_vreg.gather [hbm4b:s24+s4], $0x80, v59, vm0, $0xb8;
	[tilespmem:$0x10880] =	vst v63  }
0x9c3: {  	s25 =	simm.s32 $0x6F80;
	v59 =	vadd.s32 v3, v60;
	v60 =	vperm.xlane v56, v12  }
0x9c4: {  	[tilespmem:s25], [sflag:$0x2] =	stream.indirect_vreg.gather [hbm4b:s24+s4], $0x80, v57, vm0, $0xb8;
	[tilespmem:$0x10880] =	vst v63  }
0x9c5: {  	s3 =	simm.s32 $0x7000;
	v57 =	vadd.s32 v3, v60;
	v60 =	vperm.xlane v56, v13  }
0x9c6: {  	[tilespmem:s3], [sflag:$0x2] =	stream.indirect_vreg.gather [hbm4b:s24+s4], $0x80, v58, vm0, $0xb8;
	[tilespmem:$0x10880] =	vst v63  }
0x9c7: {  	s5 =	simm.s32 $0x7080;
	v58 =	vadd.s32 v3, v60;
	v60 =	vperm.xlane v56, v15  }
0x9c8: {  	[tilespmem:s5], [sflag:$0x2] =	stream.indirect_vreg.gather [hbm4b:s24+s4], $0x80, v59, vm0, $0xb8;
	[tilespmem:$0x10880] =	vst v63  }
0x9c9: {  	s25 =	simm.s32 $0x7100;
	v59 =	vadd.s32 v3, v60;
	v60 =	vperm.xlane v56, v16  }
0x9ca: {  	[tilespmem:s25], [sflag:$0x2] =	stream.indirect_vreg.gather [hbm4b:s24+s4], $0x80, v57, vm0, $0xb8;
	[tilespmem:$0x10880] =	vst v63  }
0x9cb: {  	s3 =	simm.s32 $0x7180;
	v57 =	vadd.s32 v3, v60;
	v60 =	vperm.xlane v56, v17  }
0x9cc: {  	[tilespmem:s3], [sflag:$0x2] =	stream.indirect_vreg.gather [hbm4b:s24+s4], $0x80, v58, vm0, $0xb8;
	[tilespmem:$0x10880] =	vst v63  }
0x9cd: {  	s5 =	simm.s32 $0x7200;
	v58 =	vadd.s32 v3, v60;
	v60 =	vperm.xlane v56, v18  }
0x9ce: {  	[tilespmem:s5], [sflag:$0x2] =	stream.indirect_vreg.gather [hbm4b:s24+s4], $0x80, v59, vm0, $0xb8;
	[tilespmem:$0x10880] =	vst v63  }
0x9cf: {  	s25 =	simm.s32 $0x7280;
	v56 =	vperm.xlane v56, v19;
	v62 =	vadd.s32 v3, v60  }
0x9d0: {  	[tilespmem:s25], [sflag:$0x2] =	stream.indirect_vreg.gather [hbm4b:s24+s4], $0x80, v57, vm0, $0xb8;
	[tilespmem:$0x10880] =	vst v63  }
0x9d1: {  	s3 =	simm.s32 $0x7300;
	v56 =	vadd.s32 v3, v56  }
0x9d2: {  	[tilespmem:s3], [sflag:$0x2] =	stream.indirect_vreg.gather [hbm4b:s24+s4], $0x80, v58, vm0, $0xb8;
	[tilespmem:$0x10880] =	vst v63  }
0x9d3: {  	s5 =	simm.s32 $0x7380  }
0x9d4: {  	[tilespmem:s5], [sflag:$0x2] =	stream.indirect_vreg.gather [hbm4b:s24+s4], $0x80, v62, vm0, $0xb8;
	[tilespmem:$0x10880] =	vst v63  }
0x9d5: {  	(v2sf) =	vpush v54, $0xE;
	s25 =	simm.s32 $0x7400  }
0x9d6: {  	[tilespmem:s25], [sflag:$0x2] =	stream.indirect_vreg.gather [hbm4b:s24+s4], $0x80, v56, vm0, $0xb8;
	[tilespmem:$0x10880] =	vst v63  }
0x9d7: {  	v56 =	vld [tilespmem:$0x400];
	_ =	sdelay $0x4  }
0x9d8: {  	v63 =	vshrl.u32 v56, $0x3  }
0x9d9: {  	v57 =	vmul.u32 $0xF428, v63  }
0x9da: {  	v56 =	vand.u32 $0x7, v56  }
0x9db: {  	v56 =	vor.u32 v56, v57  }
0x9dc: {  	v57 =	vperm.xlane v56, v2;
	_ =	sdelay $0x1  }
0x9dd: {  	v60 =	vperm.xlane v56, v4;
	v57 =	vadd.s32 v3, v57;
	_ =	sdelay $0x1  }
0x9de: {  	s24 =	spop (v2sf);
	v61 =	vperm.xlane v56, v5;
	v58 =	vadd.s32 v3, v60  }
0x9df: {  	s0 =	sand.u32 $0xFFFFF80, s24  }
0x9e0: {  	s3 =	simm.s32 $0xE480;
	s25 =	sadd.s32 s2, s0;
	v59 =	vadd.s32 v3, v61;
	v60 =	vperm.xlane v56, v6  }
0x9e1: {  	[tilespmem:s3], [sflag:$0x2] =	stream.indirect_vreg.gather [hbm4b:s25+s4], $0x80, v57, vm0, $0xb8;
	[tilespmem:$0x10880] =	vst v63  }
0x9e2: {  	s5 =	simm.s32 $0xE500;
	v57 =	vadd.s32 v3, v60;
	v60 =	vperm.xlane v56, v7  }
0x9e3: {  	[tilespmem:s5], [sflag:$0x2] =	stream.indirect_vreg.gather [hbm4b:s25+s4], $0x80, v58, vm0, $0xb8;
	[tilespmem:$0x10880] =	vst v63  }
0x9e4: {  	s3 =	simm.s32 $0xE580;
	v58 =	vadd.s32 v3, v60;
	v60 =	vperm.xlane v56, v8  }
0x9e5: {  	[tilespmem:s3], [sflag:$0x2] =	stream.indirect_vreg.gather [hbm4b:s25+s4], $0x80, v59, vm0, $0xb8;
	[tilespmem:$0x10880] =	vst v63  }
0x9e6: {  	s5 =	simm.s32 $0xE600;
	v59 =	vadd.s32 v3, v60;
	v60 =	vperm.xlane v56, v9  }
0x9e7: {  	[tilespmem:s5], [sflag:$0x2] =	stream.indirect_vreg.gather [hbm4b:s25+s4], $0x80, v57, vm0, $0xb8;
	[tilespmem:$0x10880] =	vst v63  }
0x9e8: {  	s3 =	simm.s32 $0xE680;
	v57 =	vadd.s32 v3, v60;
	v60 =	vperm.xlane v56, v10  }
0x9e9: {  	[tilespmem:s3], [sflag:$0x2] =	stream.indirect_vreg.gather [hbm4b:s25+s4], $0x80, v58, vm0, $0xb8;
	[tilespmem:$0x10880] =	vst v63  }
0x9ea: {  	s5 =	simm.s32 $0xE700;
	v58 =	vadd.s32 v3, v60;
	v60 =	vperm.xlane v56, v11  }
0x9eb: {  	[tilespmem:s5], [sflag:$0x2] =	stream.indirect_vreg.gather [hbm4b:s25+s4], $0x80, v59, vm0, $0xb8;
	[tilespmem:$0x10880] =	vst v63  }
0x9ec: {  	s3 =	simm.s32 $0xE780;
	v59 =	vadd.s32 v3, v60;
	v60 =	vperm.xlane v56, v12  }
0x9ed: {  	[tilespmem:s3], [sflag:$0x2] =	stream.indirect_vreg.gather [hbm4b:s25+s4], $0x80, v57, vm0, $0xb8;
	[tilespmem:$0x10880] =	vst v63  }
0x9ee: {  	s5 =	simm.s32 $0xE800;
	v57 =	vadd.s32 v3, v60;
	v60 =	vperm.xlane v56, v13  }
0x9ef: {  	[tilespmem:s5], [sflag:$0x2] =	stream.indirect_vreg.gather [hbm4b:s25+s4], $0x80, v58, vm0, $0xb8;
	[tilespmem:$0x10880] =	vst v63  }
0x9f0: {  	s3 =	simm.s32 $0xE880;
	v58 =	vadd.s32 v3, v60;
	v60 =	vperm.xlane v56, v15  }
0x9f1: {  	[tilespmem:s3], [sflag:$0x2] =	stream.indirect_vreg.gather [hbm4b:s25+s4], $0x80, v59, vm0, $0xb8;
	[tilespmem:$0x10880] =	vst v63  }
0x9f2: {  	s5 =	simm.s32 $0xE900;
	v59 =	vadd.s32 v3, v60;
	v60 =	vperm.xlane v56, v16  }
0x9f3: {  	[tilespmem:s5], [sflag:$0x2] =	stream.indirect_vreg.gather [hbm4b:s25+s4], $0x80, v57, vm0, $0xb8;
	[tilespmem:$0x10880] =	vst v63  }
0x9f4: {  	s3 =	simm.s32 $0xE980;
	v57 =	vadd.s32 v3, v60;
	v60 =	vperm.xlane v56, v17  }
0x9f5: {  	[tilespmem:s3], [sflag:$0x2] =	stream.indirect_vreg.gather [hbm4b:s25+s4], $0x80, v58, vm0, $0xb8;
	[tilespmem:$0x10880] =	vst v63  }
0x9f6: {  	s5 =	simm.s32 $0xEA00;
	v58 =	vadd.s32 v3, v60;
	v60 =	vperm.xlane v56, v18  }
0x9f7: {  	[tilespmem:s5], [sflag:$0x2] =	stream.indirect_vreg.gather [hbm4b:s25+s4], $0x80, v59, vm0, $0xb8;
	[tilespmem:$0x10880] =	vst v63  }
0x9f8: {  	v56 =	vperm.xlane v56, v19;
	s3 =	simm.s32 $0xEA80;
	v62 =	vadd.s32 v3, v60  }
0x9f9: {  	[tilespmem:s3], [sflag:$0x2] =	stream.indirect_vreg.gather [hbm4b:s25+s4], $0x80, v57, vm0, $0xb8;
	[tilespmem:$0x10880] =	vst v63  }
0x9fa: {  	v56 =	vadd.s32 v3, v56;
	s5 =	simm.s32 $0xEB00  }
0x9fb: {  	[tilespmem:s5], [sflag:$0x2] =	stream.indirect_vreg.gather [hbm4b:s25+s4], $0x80, v58, vm0, $0xb8;
	[tilespmem:$0x10880] =	vst v63  }
0x9fc: {  	s3 =	simm.s32 $0xEB80  }
0x9fd: {  	[tilespmem:s3], [sflag:$0x2] =	stream.indirect_vreg.gather [hbm4b:s25+s4], $0x80, v62, vm0, $0xb8;
	[tilespmem:$0x10880] =	vst v63  }
0x9fe: {  	s5 =	simm.s32 $0xEC00  }
0x9ff: {  	[tilespmem:s5], [sflag:$0x2] =	stream.indirect_vreg.gather [hbm4b:s25+s4], $0x80, v56, vm0, $0xb8;
	[tilespmem:$0x10880] =	vst v63  }
0xa00: {  	v56 =	vld [tilespmem:$0x410];
	_ =	sdelay $0x4  }
0xa01: {  	v63 =	vshrl.u32 v56, $0x3  }
0xa02: {  	v57 =	vmul.u32 $0xF428, v63  }
0xa03: {  	v56 =	vand.u32 $0x7, v56  }
0xa04: {  	v56 =	vor.u32 v56, v57  }
0xa05: {  	v57 =	vperm.xlane v56, v2;
	_ =	sdelay $0x1  }
0xa06: {  	v60 =	vperm.xlane v56, v4;
	v57 =	vadd.s32 v3, v57;
	_ =	sdelay $0x1  }
0xa07: {  	v61 =	vperm.xlane v56, v5;
	v58 =	vadd.s32 v3, v60;
	_ =	sdelay $0x1  }
0xa08: {  	s3 =	simm.s32 $0xEC80;
	v59 =	vadd.s32 v3, v61;
	v60 =	vperm.xlane v56, v6  }
0xa09: {  	[tilespmem:s3], [sflag:$0x2] =	stream.indirect_vreg.gather [hbm4b:s25+s4], $0x80, v57, vm0, $0xb8;
	[tilespmem:$0x10880] =	vst v63  }
0xa0a: {  	s5 =	simm.s32 $0xED00;
	v57 =	vadd.s32 v3, v60;
	v60 =	vperm.xlane v56, v7  }
0xa0b: {  	[tilespmem:s5], [sflag:$0x2] =	stream.indirect_vreg.gather [hbm4b:s25+s4], $0x80, v58, vm0, $0xb8;
	[tilespmem:$0x10880] =	vst v63  }
0xa0c: {  	s3 =	simm.s32 $0xED80;
	v58 =	vadd.s32 v3, v60;
	v60 =	vperm.xlane v56, v8  }
0xa0d: {  	[tilespmem:s3], [sflag:$0x2] =	stream.indirect_vreg.gather [hbm4b:s25+s4], $0x80, v59, vm0, $0xb8;
	[tilespmem:$0x10880] =	vst v63  }
0xa0e: {  	s5 =	simm.s32 $0xEE00;
	v59 =	vadd.s32 v3, v60;
	v60 =	vperm.xlane v56, v9  }
0xa0f: {  	[tilespmem:s5], [sflag:$0x2] =	stream.indirect_vreg.gather [hbm4b:s25+s4], $0x80, v57, vm0, $0xb8;
	[tilespmem:$0x10880] =	vst v63  }
0xa10: {  	s3 =	simm.s32 $0xEE80;
	v57 =	vadd.s32 v3, v60;
	v60 =	vperm.xlane v56, v10  }
0xa11: {  	[tilespmem:s3], [sflag:$0x2] =	stream.indirect_vreg.gather [hbm4b:s25+s4], $0x80, v58, vm0, $0xb8;
	[tilespmem:$0x10880] =	vst v63  }
0xa12: {  	s5 =	simm.s32 $0xEF00;
	v58 =	vadd.s32 v3, v60;
	v60 =	vperm.xlane v56, v11  }
0xa13: {  	[tilespmem:s5], [sflag:$0x2] =	stream.indirect_vreg.gather [hbm4b:s25+s4], $0x80, v59, vm0, $0xb8;
	[tilespmem:$0x10880] =	vst v63  }
0xa14: {  	s3 =	simm.s32 $0xEF80;
	v59 =	vadd.s32 v3, v60;
	v60 =	vperm.xlane v56, v12  }
0xa15: {  	[tilespmem:s3], [sflag:$0x2] =	stream.indirect_vreg.gather [hbm4b:s25+s4], $0x80, v57, vm0, $0xb8;
	[tilespmem:$0x10880] =	vst v63  }
0xa16: {  	s5 =	simm.s32 $0xF000;
	v57 =	vadd.s32 v3, v60;
	v60 =	vperm.xlane v56, v13  }
0xa17: {  	[tilespmem:s5], [sflag:$0x2] =	stream.indirect_vreg.gather [hbm4b:s25+s4], $0x80, v58, vm0, $0xb8;
	[tilespmem:$0x10880] =	vst v63  }
0xa18: {  	s3 =	simm.s32 $0xF080;
	v58 =	vadd.s32 v3, v60;
	v60 =	vperm.xlane v56, v15  }
0xa19: {  	[tilespmem:s3], [sflag:$0x2] =	stream.indirect_vreg.gather [hbm4b:s25+s4], $0x80, v59, vm0, $0xb8;
	[tilespmem:$0x10880] =	vst v63  }
0xa1a: {  	s5 =	simm.s32 $0xF100;
	v59 =	vadd.s32 v3, v60;
	v60 =	vperm.xlane v56, v16  }
0xa1b: {  	[tilespmem:s5], [sflag:$0x2] =	stream.indirect_vreg.gather [hbm4b:s25+s4], $0x80, v57, vm0, $0xb8;
	[tilespmem:$0x10880] =	vst v63  }
0xa1c: {  	s3 =	simm.s32 $0xF180;
	v57 =	vadd.s32 v3, v60;
	v60 =	vperm.xlane v56, v17  }
0xa1d: {  	[tilespmem:s3], [sflag:$0x2] =	stream.indirect_vreg.gather [hbm4b:s25+s4], $0x80, v58, vm0, $0xb8;
	[tilespmem:$0x10880] =	vst v63  }
0xa1e: {  	s5 =	simm.s32 $0xF200;
	v58 =	vadd.s32 v3, v60;
	v60 =	vperm.xlane v56, v18  }
0xa1f: {  	[tilespmem:s5], [sflag:$0x2] =	stream.indirect_vreg.gather [hbm4b:s25+s4], $0x80, v59, vm0, $0xb8;
	[tilespmem:$0x10880] =	vst v63  }
0xa20: {  	v56 =	vperm.xlane v56, v19;
	s3 =	simm.s32 $0xF280;
	v62 =	vadd.s32 v3, v60  }
0xa21: {  	[tilespmem:s3], [sflag:$0x2] =	stream.indirect_vreg.gather [hbm4b:s25+s4], $0x80, v57, vm0, $0xb8;
	[tilespmem:$0x10880] =	vst v63  }
0xa22: {  	v56 =	vadd.s32 v3, v56;
	s5 =	simm.s32 $0xF300  }
0xa23: {  	[tilespmem:s5], [sflag:$0x2] =	stream.indirect_vreg.gather [hbm4b:s25+s4], $0x80, v58, vm0, $0xb8;
	[tilespmem:$0x10880] =	vst v63  }
0xa24: {  	s3 =	simm.s32 $0xF380  }
0xa25: {  	[tilespmem:s3], [sflag:$0x2] =	stream.indirect_vreg.gather [hbm4b:s25+s4], $0x80, v62, vm0, $0xb8;
	[tilespmem:$0x10880] =	vst v63  }
0xa26: {  	(v2sf) =	vpush v55, $0xF;
	s5 =	simm.s32 $0xF400  }
0xa27: {  	[tilespmem:s5], [sflag:$0x2] =	stream.indirect_vreg.gather [hbm4b:s25+s4], $0x80, v56, vm0, $0xb8;
	[tilespmem:$0x10880] =	vst v63  }
0xa28: {  	v63 =	vld [tilespmem:$0x400];
	_ =	sdelay $0x4  }
0xa29: {  	v60 =	vshrl.u32 v63, $0x3  }
0xa2a: {  	v56 =	vmul.u32 $0xF428, v60  }
0xa2b: {  	v55 =	vand.u32 $0x7, v63  }
0xa2c: {  	v55 =	vor.u32 v55, v56  }
0xa2d: {  	v56 =	vperm.xlane v55, v2;
	_ =	sdelay $0x1  }
0xa2e: {  	v61 =	vperm.xlane v55, v4;
	v56 =	vadd.s32 v3, v56;
	_ =	sdelay $0x1  }
0xa2f: {  	s25 =	spop (v2sf);
	v62 =	vperm.xlane v55, v5;
	v57 =	vadd.s32 v3, v61  }
0xa30: {  	s29 =	sand.u32 $0xFFFFF80, s25  }
0xa31: {  	s3 =	simm.s32 $0x7480;
	s29 =	sadd.s32 s1, s29;
	v63 =	vperm.xlane v55, v6;
	v58 =	vadd.s32 v3, v62  }
0xa32: {  	[tilespmem:s3], [sflag:$0x2] =	stream.indirect_vreg.gather [hbm4b:s29+s4], $0x80, v56, vm0, $0xb8;
	[tilespmem:$0x10880] =	vst v63  }
0xa33: {  	s5 =	simm.s32 $0x7500;
	v60 =	vperm.xlane v55, v7;
	v56 =	vadd.s32 v3, v63  }
0xa34: {  	[tilespmem:s5], [sflag:$0x2] =	stream.indirect_vreg.gather [hbm4b:s29+s4], $0x80, v57, vm0, $0xb8;
	[tilespmem:$0x10880] =	vst v63  }
0xa35: {  	v61 =	vadd.s32 v3, v60;
	v62 =	vperm.xlane v55, v8;
	s3 =	simm.s32 $0x7580  }
0xa36: {  	[tilespmem:s3], [sflag:$0x2] =	stream.indirect_vreg.gather [hbm4b:s29+s4], $0x80, v58, vm0, $0xb8;
	[tilespmem:$0x10880] =	vst v63  }
0xa37: {  	v63 =	vperm.xlane v55, v9;
	s5 =	simm.s32 $0x7600;
	v58 =	vadd.s32 v3, v62  }
0xa38: {  	[tilespmem:s5], [sflag:$0x2] =	stream.indirect_vreg.gather [hbm4b:s29+s4], $0x80, v56, vm0, $0xb8;
	[tilespmem:$0x10880] =	vst v63  }
0xa39: {  	v60 =	vperm.xlane v55, v10;
	s3 =	simm.s32 $0x7680;
	v56 =	vadd.s32 v3, v63  }
0xa3a: {  	[tilespmem:s3], [sflag:$0x2] =	stream.indirect_vreg.gather [hbm4b:s29+s4], $0x80, v61, vm0, $0xb8;
	[tilespmem:$0x10880] =	vst v63  }
0xa3b: {  	v62 =	vperm.xlane v55, v11;
	s5 =	simm.s32 $0x7700;
	v61 =	vadd.s32 v3, v60  }
0xa3c: {  	[tilespmem:s5], [sflag:$0x2] =	stream.indirect_vreg.gather [hbm4b:s29+s4], $0x80, v58, vm0, $0xb8;
	[tilespmem:$0x10880] =	vst v63  }
0xa3d: {  	v63 =	vperm.xlane v55, v12;
	s3 =	simm.s32 $0x7780;
	v58 =	vadd.s32 v3, v62  }
0xa3e: {  	[tilespmem:s3], [sflag:$0x2] =	stream.indirect_vreg.gather [hbm4b:s29+s4], $0x80, v56, vm0, $0xb8;
	[tilespmem:$0x10880] =	vst v63  }
0xa3f: {  	v60 =	vperm.xlane v55, v13;
	s5 =	simm.s32 $0x7800;
	v56 =	vadd.s32 v3, v63  }
0xa40: {  	[tilespmem:s5], [sflag:$0x2] =	stream.indirect_vreg.gather [hbm4b:s29+s4], $0x80, v61, vm0, $0xb8;
	[tilespmem:$0x10880] =	vst v63  }
0xa41: {  	v62 =	vperm.xlane v55, v15;
	s3 =	simm.s32 $0x7880;
	v61 =	vadd.s32 v3, v60  }
0xa42: {  	[tilespmem:s3], [sflag:$0x2] =	stream.indirect_vreg.gather [hbm4b:s29+s4], $0x80, v58, vm0, $0xb8;
	[tilespmem:$0x10880] =	vst v63  }
0xa43: {  	v63 =	vperm.xlane v55, v16;
	s5 =	simm.s32 $0x7900;
	v58 =	vadd.s32 v3, v62  }
0xa44: {  	[tilespmem:s5], [sflag:$0x2] =	stream.indirect_vreg.gather [hbm4b:s29+s4], $0x80, v56, vm0, $0xb8;
	[tilespmem:$0x10880] =	vst v63  }
0xa45: {  	v60 =	vperm.xlane v55, v17;
	s3 =	simm.s32 $0x7980;
	v56 =	vadd.s32 v3, v63  }
0xa46: {  	[tilespmem:s3], [sflag:$0x2] =	stream.indirect_vreg.gather [hbm4b:s29+s4], $0x80, v61, vm0, $0xb8;
	[tilespmem:$0x10880] =	vst v63  }
0xa47: {  	v62 =	vperm.xlane v55, v18;
	s5 =	simm.s32 $0x7A00;
	v61 =	vadd.s32 v3, v60  }
0xa48: {  	[tilespmem:s5], [sflag:$0x2] =	stream.indirect_vreg.gather [hbm4b:s29+s4], $0x80, v58, vm0, $0xb8;
	[tilespmem:$0x10880] =	vst v63  }
0xa49: {  	v55 =	vperm.xlane v55, v19;
	v63 =	vadd.s32 v3, v62;
	s3 =	simm.s32 $0x7A80  }
0xa4a: {  	[tilespmem:s3], [sflag:$0x2] =	stream.indirect_vreg.gather [hbm4b:s29+s4], $0x80, v56, vm0, $0xb8;
	[tilespmem:$0x10880] =	vst v63  }
0xa4b: {  	v55 =	vadd.s32 v3, v55;
	s5 =	simm.s32 $0x7B00  }
0xa4c: {  	[tilespmem:s5], [sflag:$0x2] =	stream.indirect_vreg.gather [hbm4b:s29+s4], $0x80, v61, vm0, $0xb8;
	[tilespmem:$0x10880] =	vst v63  }
0xa4d: {  	s3 =	simm.s32 $0x7B80  }
0xa4e: {  	[tilespmem:s3], [sflag:$0x2] =	stream.indirect_vreg.gather [hbm4b:s29+s4], $0x80, v63, vm0, $0xb8;
	[tilespmem:$0x10880] =	vst v63  }
0xa4f: {  	s5 =	simm.s32 $0x7C00  }
0xa50: {  	[tilespmem:s5], [sflag:$0x2] =	stream.indirect_vreg.gather [hbm4b:s29+s4], $0x80, v55, vm0, $0xb8;
	[tilespmem:$0x10880] =	vst v63  }
0xa51: {  	v55 =	vld [tilespmem:$0x410];
	_ =	sdelay $0x4  }
0xa52: {  	v60 =	vshrl.u32 v55, $0x3  }
0xa53: {  	v56 =	vmul.u32 $0xF428, v60  }
0xa54: {  	v55 =	vand.u32 $0x7, v55  }
0xa55: {  	v55 =	vor.u32 v55, v56  }
0xa56: {  	v56 =	vperm.xlane v55, v2;
	_ =	sdelay $0x1  }
0xa57: {  	v61 =	vperm.xlane v55, v4;
	v56 =	vadd.s32 v3, v56;
	_ =	sdelay $0x1  }
0xa58: {  	v62 =	vperm.xlane v55, v5;
	v57 =	vadd.s32 v3, v61;
	_ =	sdelay $0x1  }
0xa59: {  	s3 =	simm.s32 $0x7C80;
	v63 =	vperm.xlane v55, v6;
	v58 =	vadd.s32 v3, v62  }
0xa5a: {  	[tilespmem:s3], [sflag:$0x2] =	stream.indirect_vreg.gather [hbm4b:s29+s4], $0x80, v56, vm0, $0xb8;
	[tilespmem:$0x10880] =	vst v63  }
0xa5b: {  	s5 =	simm.s32 $0x7D00;
	v60 =	vperm.xlane v55, v7;
	v56 =	vadd.s32 v3, v63  }
0xa5c: {  	[tilespmem:s5], [sflag:$0x2] =	stream.indirect_vreg.gather [hbm4b:s29+s4], $0x80, v57, vm0, $0xb8;
	[tilespmem:$0x10880] =	vst v63  }
0xa5d: {  	v61 =	vadd.s32 v3, v60;
	v62 =	vperm.xlane v55, v8;
	s3 =	simm.s32 $0x7D80  }
0xa5e: {  	[tilespmem:s3], [sflag:$0x2] =	stream.indirect_vreg.gather [hbm4b:s29+s4], $0x80, v58, vm0, $0xb8;
	[tilespmem:$0x10880] =	vst v63  }
0xa5f: {  	v63 =	vperm.xlane v55, v9;
	s5 =	simm.s32 $0x7E00;
	v58 =	vadd.s32 v3, v62  }
0xa60: {  	[tilespmem:s5], [sflag:$0x2] =	stream.indirect_vreg.gather [hbm4b:s29+s4], $0x80, v56, vm0, $0xb8;
	[tilespmem:$0x10880] =	vst v63  }
0xa61: {  	v60 =	vperm.xlane v55, v10;
	s3 =	simm.s32 $0x7E80;
	v56 =	vadd.s32 v3, v63  }
0xa62: {  	[tilespmem:s3], [sflag:$0x2] =	stream.indirect_vreg.gather [hbm4b:s29+s4], $0x80, v61, vm0, $0xb8;
	[tilespmem:$0x10880] =	vst v63  }
0xa63: {  	v62 =	vperm.xlane v55, v11;
	s5 =	simm.s32 $0x7F00;
	v61 =	vadd.s32 v3, v60  }
0xa64: {  	[tilespmem:s5], [sflag:$0x2] =	stream.indirect_vreg.gather [hbm4b:s29+s4], $0x80, v58, vm0, $0xb8;
	[tilespmem:$0x10880] =	vst v63  }
0xa65: {  	v63 =	vperm.xlane v55, v12;
	s3 =	simm.s32 $0x7F80;
	v58 =	vadd.s32 v3, v62  }
0xa66: {  	[tilespmem:s3], [sflag:$0x2] =	stream.indirect_vreg.gather [hbm4b:s29+s4], $0x80, v56, vm0, $0xb8;
	[tilespmem:$0x10880] =	vst v63  }
0xa67: {  	v60 =	vperm.xlane v55, v13;
	s5 =	simm.s32 $0x8000;
	v56 =	vadd.s32 v3, v63  }
0xa68: {  	[tilespmem:s5], [sflag:$0x2] =	stream.indirect_vreg.gather [hbm4b:s29+s4], $0x80, v61, vm0, $0xb8;
	[tilespmem:$0x10880] =	vst v63  }
0xa69: {  	v62 =	vperm.xlane v55, v15;
	s3 =	simm.s32 $0x8080;
	v61 =	vadd.s32 v3, v60  }
0xa6a: {  	[tilespmem:s3], [sflag:$0x2] =	stream.indirect_vreg.gather [hbm4b:s29+s4], $0x80, v58, vm0, $0xb8;
	[tilespmem:$0x10880] =	vst v63  }
0xa6b: {  	v63 =	vperm.xlane v55, v16;
	s5 =	simm.s32 $0x8100;
	v58 =	vadd.s32 v3, v62  }
0xa6c: {  	[tilespmem:s5], [sflag:$0x2] =	stream.indirect_vreg.gather [hbm4b:s29+s4], $0x80, v56, vm0, $0xb8;
	[tilespmem:$0x10880] =	vst v63  }
0xa6d: {  	v60 =	vperm.xlane v55, v17;
	s3 =	simm.s32 $0x8180;
	v56 =	vadd.s32 v3, v63  }
0xa6e: {  	[tilespmem:s3], [sflag:$0x2] =	stream.indirect_vreg.gather [hbm4b:s29+s4], $0x80, v61, vm0, $0xb8;
	[tilespmem:$0x10880] =	vst v63  }
0xa6f: {  	v62 =	vperm.xlane v55, v18;
	s5 =	simm.s32 $0x8200;
	v61 =	vadd.s32 v3, v60  }
0xa70: {  	[tilespmem:s5], [sflag:$0x2] =	stream.indirect_vreg.gather [hbm4b:s29+s4], $0x80, v58, vm0, $0xb8;
	[tilespmem:$0x10880] =	vst v63  }
0xa71: {  	v55 =	vperm.xlane v55, v19;
	v63 =	vadd.s32 v3, v62;
	s3 =	simm.s32 $0x8280  }
0xa72: {  	[tilespmem:s3], [sflag:$0x2] =	stream.indirect_vreg.gather [hbm4b:s29+s4], $0x80, v56, vm0, $0xb8;
	[tilespmem:$0x10880] =	vst v63  }
0xa73: {  	v55 =	vadd.s32 v3, v55;
	s5 =	simm.s32 $0x8300  }
0xa74: {  	[tilespmem:s5], [sflag:$0x2] =	stream.indirect_vreg.gather [hbm4b:s29+s4], $0x80, v61, vm0, $0xb8;
	[tilespmem:$0x10880] =	vst v63  }
0xa75: {  	s3 =	simm.s32 $0x8380  }
0xa76: {  	[tilespmem:s3], [sflag:$0x2] =	stream.indirect_vreg.gather [hbm4b:s29+s4], $0x80, v63, vm0, $0xb8;
	[tilespmem:$0x10880] =	vst v63  }
0xa77: {  	(v2sf) =	vpush v54, $0xF;
	s5 =	simm.s32 $0x8400  }
0xa78: {  	[tilespmem:s5], [sflag:$0x2] =	stream.indirect_vreg.gather [hbm4b:s29+s4], $0x80, v55, vm0, $0xb8;
	[tilespmem:$0x10880] =	vst v63  }
0xa79: {  	v59 =	vld [tilespmem:$0x400];
	_ =	sdelay $0x4  }
0xa7a: {  	v60 =	vshrl.u32 v59, $0x3  }
0xa7b: {  	v55 =	vmul.u32 $0xF428, v60  }
0xa7c: {  	v54 =	vand.u32 $0x7, v59  }
0xa7d: {  	v54 =	vor.u32 v54, v55  }
0xa7e: {  	v55 =	vperm.xlane v54, v2;
	_ =	sdelay $0x1  }
0xa7f: {  	v61 =	vperm.xlane v54, v4;
	v55 =	vadd.s32 v3, v55;
	_ =	sdelay $0x1  }
0xa80: {  	s29 =	spop (v2sf);
	v62 =	vperm.xlane v54, v5;
	v56 =	vadd.s32 v3, v61  }
0xa81: {  	s30 =	sand.u32 $0xFFFFF80, s29  }
0xa82: {  	s3 =	simm.s32 $0xF480;
	s30 =	sadd.s32 s2, s30;
	v63 =	vperm.xlane v54, v6;
	v57 =	vadd.s32 v3, v62  }
0xa83: {  	[tilespmem:s3], [sflag:$0x2] =	stream.indirect_vreg.gather [hbm4b:s30+s4], $0x80, v55, vm0, $0xb8;
	[tilespmem:$0x10880] =	vst v63  }
0xa84: {  	s5 =	simm.s32 $0xF500;
	v60 =	vperm.xlane v54, v7;
	v55 =	vadd.s32 v3, v63  }
0xa85: {  	[tilespmem:s5], [sflag:$0x2] =	stream.indirect_vreg.gather [hbm4b:s30+s4], $0x80, v56, vm0, $0xb8;
	[tilespmem:$0x10880] =	vst v63  }
0xa86: {  	v61 =	vadd.s32 v3, v60;
	v62 =	vperm.xlane v54, v8;
	s3 =	simm.s32 $0xF580  }
0xa87: {  	[tilespmem:s3], [sflag:$0x2] =	stream.indirect_vreg.gather [hbm4b:s30+s4], $0x80, v57, vm0, $0xb8;
	[tilespmem:$0x10880] =	vst v63  }
0xa88: {  	v63 =	vperm.xlane v54, v9;
	s5 =	simm.s32 $0xF600;
	v57 =	vadd.s32 v3, v62  }
0xa89: {  	[tilespmem:s5], [sflag:$0x2] =	stream.indirect_vreg.gather [hbm4b:s30+s4], $0x80, v55, vm0, $0xb8;
	[tilespmem:$0x10880] =	vst v63  }
0xa8a: {  	v60 =	vperm.xlane v54, v10;
	s3 =	simm.s32 $0xF680;
	v55 =	vadd.s32 v3, v63  }
0xa8b: {  	[tilespmem:s3], [sflag:$0x2] =	stream.indirect_vreg.gather [hbm4b:s30+s4], $0x80, v61, vm0, $0xb8;
	[tilespmem:$0x10880] =	vst v63  }
0xa8c: {  	v62 =	vperm.xlane v54, v11;
	s5 =	simm.s32 $0xF700;
	v61 =	vadd.s32 v3, v60  }
0xa8d: {  	[tilespmem:s5], [sflag:$0x2] =	stream.indirect_vreg.gather [hbm4b:s30+s4], $0x80, v57, vm0, $0xb8;
	[tilespmem:$0x10880] =	vst v63  }
0xa8e: {  	v63 =	vperm.xlane v54, v12;
	s3 =	simm.s32 $0xF780;
	v57 =	vadd.s32 v3, v62  }
0xa8f: {  	[tilespmem:s3], [sflag:$0x2] =	stream.indirect_vreg.gather [hbm4b:s30+s4], $0x80, v55, vm0, $0xb8;
	[tilespmem:$0x10880] =	vst v63  }
0xa90: {  	v60 =	vperm.xlane v54, v13;
	s5 =	simm.s32 $0xF800;
	v55 =	vadd.s32 v3, v63  }
0xa91: {  	[tilespmem:s5], [sflag:$0x2] =	stream.indirect_vreg.gather [hbm4b:s30+s4], $0x80, v61, vm0, $0xb8;
	[tilespmem:$0x10880] =	vst v63  }
0xa92: {  	v62 =	vperm.xlane v54, v15;
	s3 =	simm.s32 $0xF880;
	v61 =	vadd.s32 v3, v60  }
0xa93: {  	[tilespmem:s3], [sflag:$0x2] =	stream.indirect_vreg.gather [hbm4b:s30+s4], $0x80, v57, vm0, $0xb8;
	[tilespmem:$0x10880] =	vst v63  }
0xa94: {  	v63 =	vperm.xlane v54, v16;
	s5 =	simm.s32 $0xF900;
	v57 =	vadd.s32 v3, v62  }
0xa95: {  	[tilespmem:s5], [sflag:$0x2] =	stream.indirect_vreg.gather [hbm4b:s30+s4], $0x80, v55, vm0, $0xb8;
	[tilespmem:$0x10880] =	vst v63  }
0xa96: {  	v60 =	vperm.xlane v54, v17;
	s3 =	simm.s32 $0xF980;
	v55 =	vadd.s32 v3, v63  }
0xa97: {  	[tilespmem:s3], [sflag:$0x2] =	stream.indirect_vreg.gather [hbm4b:s30+s4], $0x80, v61, vm0, $0xb8;
	[tilespmem:$0x10880] =	vst v63  }
0xa98: {  	v62 =	vperm.xlane v54, v18;
	s5 =	simm.s32 $0xFA00;
	v61 =	vadd.s32 v3, v60  }
0xa99: {  	[tilespmem:s5], [sflag:$0x2] =	stream.indirect_vreg.gather [hbm4b:s30+s4], $0x80, v57, vm0, $0xb8;
	[tilespmem:$0x10880] =	vst v63  }
0xa9a: {  	v54 =	vperm.xlane v54, v19;
	v63 =	vadd.s32 v3, v62;
	s3 =	simm.s32 $0xFA80  }
0xa9b: {  	[tilespmem:s3], [sflag:$0x2] =	stream.indirect_vreg.gather [hbm4b:s30+s4], $0x80, v55, vm0, $0xb8;
	[tilespmem:$0x10880] =	vst v63  }
0xa9c: {  	v54 =	vadd.s32 v3, v54;
	s5 =	simm.s32 $0xFB00  }
0xa9d: {  	[tilespmem:s5], [sflag:$0x2] =	stream.indirect_vreg.gather [hbm4b:s30+s4], $0x80, v61, vm0, $0xb8;
	[tilespmem:$0x10880] =	vst v63  }
0xa9e: {  	s3 =	simm.s32 $0xFB80  }
0xa9f: {  	[tilespmem:s3], [sflag:$0x2] =	stream.indirect_vreg.gather [hbm4b:s30+s4], $0x80, v63, vm0, $0xb8;
	[tilespmem:$0x10880] =	vst v63  }
0xaa0: {  	s5 =	simm.s32 $0xFC00  }
0xaa1: {  	[tilespmem:s5], [sflag:$0x2] =	stream.indirect_vreg.gather [hbm4b:s30+s4], $0x80, v54, vm0, $0xb8;
	[tilespmem:$0x10880] =	vst v63  }
0xaa2: {  	v54 =	vld [tilespmem:$0x410];
	_ =	sdelay $0x4  }
0xaa3: {  	v60 =	vshrl.u32 v54, $0x3  }
0xaa4: {  	v55 =	vmul.u32 $0xF428, v60  }
0xaa5: {  	v54 =	vand.u32 $0x7, v54  }
0xaa6: {  	v54 =	vor.u32 v54, v55  }
0xaa7: {  	v55 =	vperm.xlane v54, v2;
	_ =	sdelay $0x1  }
0xaa8: {  	v61 =	vperm.xlane v54, v4;
	v55 =	vadd.s32 v3, v55;
	_ =	sdelay $0x1  }
0xaa9: {  	v62 =	vperm.xlane v54, v5;
	v56 =	vadd.s32 v3, v61;
	_ =	sdelay $0x1  }
0xaaa: {  	s3 =	simm.s32 $0xFC80;
	v63 =	vperm.xlane v54, v6;
	v57 =	vadd.s32 v3, v62  }
0xaab: {  	[tilespmem:s3], [sflag:$0x2] =	stream.indirect_vreg.gather [hbm4b:s30+s4], $0x80, v55, vm0, $0xb8;
	[tilespmem:$0x10880] =	vst v63  }
0xaac: {  	s5 =	simm.s32 $0xFD00;
	v60 =	vperm.xlane v54, v7;
	v55 =	vadd.s32 v3, v63  }
0xaad: {  	[tilespmem:s5], [sflag:$0x2] =	stream.indirect_vreg.gather [hbm4b:s30+s4], $0x80, v56, vm0, $0xb8;
	[tilespmem:$0x10880] =	vst v63  }
0xaae: {  	v61 =	vadd.s32 v3, v60;
	v62 =	vperm.xlane v54, v8;
	s3 =	simm.s32 $0xFD80  }
0xaaf: {  	[tilespmem:s3], [sflag:$0x2] =	stream.indirect_vreg.gather [hbm4b:s30+s4], $0x80, v57, vm0, $0xb8;
	[tilespmem:$0x10880] =	vst v63  }
0xab0: {  	v63 =	vperm.xlane v54, v9;
	s5 =	simm.s32 $0xFE00;
	v57 =	vadd.s32 v3, v62  }
0xab1: {  	[tilespmem:s5], [sflag:$0x2] =	stream.indirect_vreg.gather [hbm4b:s30+s4], $0x80, v55, vm0, $0xb8;
	[tilespmem:$0x10880] =	vst v63  }
0xab2: {  	v60 =	vperm.xlane v54, v10;
	s3 =	simm.s32 $0xFE80;
	v55 =	vadd.s32 v3, v63  }
0xab3: {  	[tilespmem:s3], [sflag:$0x2] =	stream.indirect_vreg.gather [hbm4b:s30+s4], $0x80, v61, vm0, $0xb8;
	[tilespmem:$0x10880] =	vst v63  }
0xab4: {  	v62 =	vperm.xlane v54, v11;
	s5 =	simm.s32 $0xFF00;
	v61 =	vadd.s32 v3, v60  }
0xab5: {  	[tilespmem:s5], [sflag:$0x2] =	stream.indirect_vreg.gather [hbm4b:s30+s4], $0x80, v57, vm0, $0xb8;
	[tilespmem:$0x10880] =	vst v63  }
0xab6: {  	v63 =	vperm.xlane v54, v12;
	s3 =	simm.s32 $0xFF80;
	v57 =	vadd.s32 v3, v62  }
0xab7: {  	[tilespmem:s3], [sflag:$0x2] =	stream.indirect_vreg.gather [hbm4b:s30+s4], $0x80, v55, vm0, $0xb8;
	[tilespmem:$0x10880] =	vst v63  }
0xab8: {  	v60 =	vperm.xlane v54, v13;
	s5 =	simm.s32 $0x10000;
	v55 =	vadd.s32 v3, v63  }
0xab9: {  	[tilespmem:s5], [sflag:$0x2] =	stream.indirect_vreg.gather [hbm4b:s30+s4], $0x80, v61, vm0, $0xb8;
	[tilespmem:$0x10880] =	vst v63  }
0xaba: {  	v62 =	vperm.xlane v54, v15;
	s3 =	simm.s32 $0x10080;
	v61 =	vadd.s32 v3, v60  }
0xabb: {  	[tilespmem:s3], [sflag:$0x2] =	stream.indirect_vreg.gather [hbm4b:s30+s4], $0x80, v57, vm0, $0xb8;
	[tilespmem:$0x10880] =	vst v63  }
0xabc: {  	v63 =	vperm.xlane v54, v16;
	s5 =	simm.s32 $0x10100;
	v57 =	vadd.s32 v3, v62  }
0xabd: {  	[tilespmem:s5], [sflag:$0x2] =	stream.indirect_vreg.gather [hbm4b:s30+s4], $0x80, v55, vm0, $0xb8;
	[tilespmem:$0x10880] =	vst v63  }
0xabe: {  	v60 =	vperm.xlane v54, v17;
	s3 =	simm.s32 $0x10180;
	v55 =	vadd.s32 v3, v63  }
0xabf: {  	[tilespmem:s3], [sflag:$0x2] =	stream.indirect_vreg.gather [hbm4b:s30+s4], $0x80, v61, vm0, $0xb8;
	[tilespmem:$0x10880] =	vst v63  }
0xac0: {  	v62 =	vperm.xlane v54, v18;
	s5 =	simm.s32 $0x10200;
	v61 =	vadd.s32 v3, v60  }
0xac1: {  	[tilespmem:s5], [sflag:$0x2] =	stream.indirect_vreg.gather [hbm4b:s30+s4], $0x80, v57, vm0, $0xb8;
	[tilespmem:$0x10880] =	vst v63  }
0xac2: {  	v54 =	vperm.xlane v54, v19;
	v63 =	vadd.s32 v3, v62;
	s3 =	simm.s32 $0x10280  }
0xac3: {  	[tilespmem:s3], [sflag:$0x2] =	stream.indirect_vreg.gather [hbm4b:s30+s4], $0x80, v55, vm0, $0xb8;
	[tilespmem:$0x10880] =	vst v63  }
0xac4: {  	v54 =	vadd.s32 v3, v54;
	s5 =	simm.s32 $0x10300  }
0xac5: {  	[tilespmem:s5], [sflag:$0x2] =	stream.indirect_vreg.gather [hbm4b:s30+s4], $0x80, v61, vm0, $0xb8;
	[tilespmem:$0x10880] =	vst v63  }
0xac6: {  	s3 =	simm.s32 $0x10380  }
0xac7: {  	[tilespmem:s3], [sflag:$0x2] =	stream.indirect_vreg.gather [hbm4b:s30+s4], $0x80, v63, vm0, $0xb8;
	[tilespmem:$0x10880] =	vst v63  }
0xac8: {  	s5 =	simm.s32 $0x10400  }
0xac9: {  	[tilespmem:s5], [sflag:$0x2] =	stream.indirect_vreg.gather [hbm4b:s30+s4], $0x80, v54, vm0, $0xb8;
	[tilespmem:$0x10880] =	vst v63  }
0xaca: {  	_ =	swait.ge [sflag:s10], $0x1000  }
0xacb: {  	[sflag:s10] =	ssyncset.done $0x0  }
0xacc: {  	[sflag:s10] =	ssyncadd.s32 $0xFFFFF000  }
0xacd: {  	_ =	swait.ge [sflag:s10], $0x1000  }
0xace: {  	[sflag:s10] =	ssyncset.done $0x0  }
0xacf: {  	[sflag:s10] =	ssyncadd.s32 $0xFFFFF000  }
0xad0: {  	_ =	swait.ge [sflag:s10], $0x1000  }
0xad1: {  	[sflag:s10] =	ssyncset.done $0x0  }
0xad2: {  	[sflag:s10] =	ssyncadd.s32 $0xFFFFF000  }
0xad3: {  	_ =	swait.ge [sflag:s10], $0x1000  }
0xad4: {  	[sflag:s10] =	ssyncset.done $0x0  }
0xad5: {  	[sflag:s10] =	ssyncadd.s32 $0xFFFFF000  }
0xad6: {  	_ =	swait.ge [sflag:s10], $0x1000  }
0xad7: {  	[sflag:s10] =	ssyncset.done $0x0  }
0xad8: {  	[sflag:s10] =	ssyncadd.s32 $0xFFFFF000  }
0xad9: {  	_ =	swait.ge [sflag:s10], $0x1000  }
0xada: {  	[sflag:s10] =	ssyncset.done $0x0  }
0xadb: {  	[sflag:s10] =	ssyncadd.s32 $0xFFFFF000  }
0xadc: {  	s6 =	sand.u32 $0x7F, s6;
	_ =	swait.ge [sflag:s10], $0x1000  }
0xadd: {  	v60 =	vor.u32 s6, v14;
	[sflag:s10] =	ssyncset.done $0x0  }
0xade: {  	v61 =	vor.u32 s6, v20;
	s3 =	sand.u32 $0x7F, s11;
	[sflag:s10] =	ssyncadd.s32 $0xFFFFF000  }
0xadf: {  	v62 =	vor.u32 s3, v14;
	_ =	swait.ge [sflag:s10], $0x1000  }
0xae0: {  	v63 =	vor.u32 s3, v20;
	[sflag:s10] =	ssyncset.done $0x0  }
0xae1: {  	[sflag:s10] =	ssyncadd.s32 $0xFFFFF000  }
0xae2: {  	v54 =	vld.idx.msk [tilespmem:v60+s15+$0x0], $0xffff  }
0xae3: {  	v55 =	vld.idx.msk [tilespmem:v61+s15+$0x0], $0xffff  }
0xae4: {  	v56 =	vld.idx.msk [tilespmem:v62+s20+$0x0], $0xffff  }
0xae5: {  	v57 =	vld.idx.msk [tilespmem:v63+s20+$0x0], $0xffff;
	_ =	sdelay $0x4  }
0xae6: {  	v54 =	vmul.f32 v56, v54;
	v55 =	vmul.f32 v57, v55  }
0xae7: {  	s5 =	sand.u32 $0x7F, s17  }
0xae8: {  	v60 =	vor.u32 s5, v21;
	v54 =	vmul.f32 v54, v52;
	v55 =	vmul.f32 v55, v53  }
0xae9: {  	s0 =	sand.u32 $0x7F, s18;
	v61 =	vor.u32 s5, v22  }
0xaea: {  	v62 =	vor.u32 s0, v21;
	v54 =	vadd.f32 v55, v54  }
0xaeb: {  	v63 =	vor.u32 s0, v22  }
0xaec: {  	[tilespmem:$0x10600] =	vst v54  }
0xaed: {  	v54 =	vld.idx.msk [tilespmem:v60+s15+$0x0], $0xffff  }
0xaee: {  	v60 =	vld.idx.msk [tilespmem:v61+s15+$0x0], $0xffff  }
0xaef: {  	v55 =	vld.idx.msk [tilespmem:v62+s20+$0x0], $0xffff  }
0xaf0: {  	v61 =	vld.idx.msk [tilespmem:v63+s20+$0x0], $0xffff;
	_ =	sdelay $0x4  }
0xaf1: {  	v54 =	vmul.f32 v55, v54;
	v62 =	vmul.f32 v61, v60  }
0xaf2: {  	s3 =	sand.u32 $0x7F, s22  }
0xaf3: {  	v63 =	vor.u32 s3, v23;
	v54 =	vmul.f32 v54, v52;
	v55 =	vmul.f32 v62, v53  }
0xaf4: {  	s5 =	sand.u32 $0x7F, s23;
	v60 =	vor.u32 s3, v24  }
0xaf5: {  	v61 =	vor.u32 s5, v23;
	v54 =	vadd.f32 v55, v54  }
0xaf6: {  	v62 =	vor.u32 s5, v24  }
0xaf7: {  	[tilespmem:$0x10610] =	vst v54  }
0xaf8: {  	v54 =	vld.idx.msk [tilespmem:v63+s15+$0x0], $0xffff  }
0xaf9: {  	v63 =	vld.idx.msk [tilespmem:v60+s15+$0x0], $0xffff  }
0xafa: {  	v55 =	vld.idx.msk [tilespmem:v61+s20+$0x0], $0xffff  }
0xafb: {  	v60 =	vld.idx.msk [tilespmem:v62+s20+$0x0], $0xffff;
	_ =	sdelay $0x4  }
0xafc: {  	v54 =	vmul.f32 v55, v54;
	v61 =	vmul.f32 v60, v63  }
0xafd: {  	s0 =	sand.u32 $0x7F, s26  }
0xafe: {  	v62 =	vor.u32 s0, v25;
	v54 =	vmul.f32 v54, v52;
	v55 =	vmul.f32 v61, v53  }
0xaff: {  	s3 =	sand.u32 $0x7F, s28;
	v63 =	vor.u32 s0, v26  }
0xb00: {  	v60 =	vor.u32 s3, v25;
	v54 =	vadd.f32 v55, v54  }
0xb01: {  	v61 =	vor.u32 s3, v26  }
0xb02: {  	[tilespmem:$0x10620] =	vst v54  }
0xb03: {  	v54 =	vld.idx.msk [tilespmem:v62+s15+$0x0], $0xffff  }
0xb04: {  	v62 =	vld.idx.msk [tilespmem:v63+s15+$0x0], $0xffff  }
0xb05: {  	v55 =	vld.idx.msk [tilespmem:v60+s20+$0x0], $0xffff  }
0xb06: {  	v63 =	vld.idx.msk [tilespmem:v61+s20+$0x0], $0xffff;
	_ =	sdelay $0x4  }
0xb07: {  	v54 =	vmul.f32 v55, v54;
	v59 =	vmul.f32 v63, v62;
	_ =	sdelay $0x1  }
0xb08: {  	v54 =	vmul.f32 v54, v52;
	v55 =	vmul.f32 v59, v53;
	_ =	sdelay $0x1  }
0xb09: {  	v54 =	vadd.f32 v55, v54;
	_ =	sdelay $0x1  }
0xb0a: {  	[tilespmem:$0x10630] =	vst v54  }
0xb0b: {  	_ =	swait.ge [sflag:s8], $0x1000  }
0xb0c: {  	[sflag:s8] =	ssyncset.done $0x0  }
0xb0d: {  	[sflag:s8] =	ssyncadd.s32 $0xFFFFF000  }
0xb0e: {  	_ =	swait.ge [sflag:s8], $0x1000  }
0xb0f: {  	[sflag:s8] =	ssyncset.done $0x0  }
0xb10: {  	[sflag:s8] =	ssyncadd.s32 $0xFFFFF000  }
0xb11: {  	_ =	swait.ge [sflag:s8], $0x1000  }
0xb12: {  	[sflag:s8] =	ssyncset.done $0x0  }
0xb13: {  	[sflag:s8] =	ssyncadd.s32 $0xFFFFF000  }
0xb14: {  	_ =	swait.ge [sflag:s8], $0x1000  }
0xb15: {  	[sflag:s8] =	ssyncset.done $0x0  }
0xb16: {  	[sflag:s8] =	ssyncadd.s32 $0xFFFFF000  }
0xb17: {  	_ =	swait.ge [sflag:s8], $0x1000  }
0xb18: {  	[sflag:s8] =	ssyncset.done $0x0  }
0xb19: {  	[sflag:s8] =	ssyncadd.s32 $0xFFFFF000  }
0xb1a: {  	_ =	swait.ge [sflag:s8], $0x1000  }
0xb1b: {  	[sflag:s8] =	ssyncset.done $0x0  }
0xb1c: {  	[sflag:s8] =	ssyncadd.s32 $0xFFFFF000  }
0xb1d: {  	s5 =	sand.u32 $0x7F, s7;
	_ =	swait.ge [sflag:s8], $0x1000  }
0xb1e: {  	v60 =	vor.u32 s5, v27;
	[sflag:s8] =	ssyncset.done $0x0  }
0xb1f: {  	s7 =	sand.u32 $0x7F, s9;
	v61 =	vor.u32 s5, v28;
	[sflag:s8] =	ssyncadd.s32 $0xFFFFF000  }
0xb20: {  	v62 =	vor.u32 s7, v27;
	_ =	swait.ge [sflag:s8], $0x1000  }
0xb21: {  	v63 =	vor.u32 s7, v28;
	[sflag:s8] =	ssyncset.done $0x0  }
0xb22: {  	[sflag:s8] =	ssyncadd.s32 $0xFFFFF000  }
0xb23: {  	v54 =	vld.idx.msk [tilespmem:v60+s15+$0x0], $0xffff  }
0xb24: {  	v55 =	vld.idx.msk [tilespmem:v61+s15+$0x0], $0xffff  }
0xb25: {  	v56 =	vld.idx.msk [tilespmem:v62+s20+$0x0], $0xffff  }
0xb26: {  	v57 =	vld.idx.msk [tilespmem:v63+s20+$0x0], $0xffff;
	_ =	sdelay $0x4  }
0xb27: {  	v54 =	vmul.f32 v56, v54;
	v55 =	vmul.f32 v57, v55  }
0xb28: {  	s9 =	sand.u32 $0x7F, s16  }
0xb29: {  	v60 =	vor.u32 s9, v29;
	v54 =	vmul.f32 v54, v52;
	v55 =	vmul.f32 v55, v53  }
0xb2a: {  	s7 =	sand.u32 $0x7F, s19;
	v61 =	vor.u32 s9, v30  }
0xb2b: {  	v62 =	vor.u32 s7, v29;
	v54 =	vadd.f32 v55, v54  }
0xb2c: {  	v63 =	vor.u32 s7, v30  }
0xb2d: {  	[tilespmem:$0x10640] =	vst v54  }
0xb2e: {  	v54 =	vld.idx.msk [tilespmem:v60+s15+$0x0], $0xffff  }
0xb2f: {  	v60 =	vld.idx.msk [tilespmem:v61+s15+$0x0], $0xffff  }
0xb30: {  	v55 =	vld.idx.msk [tilespmem:v62+s20+$0x0], $0xffff  }
0xb31: {  	v61 =	vld.idx.msk [tilespmem:v63+s20+$0x0], $0xffff;
	_ =	sdelay $0x4  }
0xb32: {  	v54 =	vmul.f32 v55, v54;
	v62 =	vmul.f32 v61, v60  }
0xb33: {  	s9 =	sand.u32 $0x7F, s21  }
0xb34: {  	v63 =	vor.u32 s9, v31;
	v54 =	vmul.f32 v54, v52;
	v55 =	vmul.f32 v62, v53  }
0xb35: {  	s7 =	sand.u32 $0x7F, s24;
	v60 =	vor.u32 s9, v33  }
0xb36: {  	v61 =	vor.u32 s7, v31;
	v54 =	vadd.f32 v55, v54  }
0xb37: {  	v62 =	vor.u32 s7, v33  }
0xb38: {  	[tilespmem:$0x10650] =	vst v54  }
0xb39: {  	v54 =	vld.idx.msk [tilespmem:v63+s15+$0x0], $0xffff  }
0xb3a: {  	v63 =	vld.idx.msk [tilespmem:v60+s15+$0x0], $0xffff  }
0xb3b: {  	v55 =	vld.idx.msk [tilespmem:v61+s20+$0x0], $0xffff  }
0xb3c: {  	v60 =	vld.idx.msk [tilespmem:v62+s20+$0x0], $0xffff;
	_ =	sdelay $0x4  }
0xb3d: {  	v54 =	vmul.f32 v55, v54;
	v61 =	vmul.f32 v60, v63  }
0xb3e: {  	s9 =	sand.u32 $0x7F, s25  }
0xb3f: {  	v62 =	vor.u32 s9, v34;
	v54 =	vmul.f32 v54, v52;
	v55 =	vmul.f32 v61, v53  }
0xb40: {  	s7 =	sand.u32 $0x7F, s29;
	v63 =	vor.u32 s9, v35  }
0xb41: {  	v60 =	vor.u32 s7, v34;
	v54 =	vadd.f32 v55, v54  }
0xb42: {  	v61 =	vor.u32 s7, v35  }
0xb43: {  	[tilespmem:$0x10660] =	vst v54  }
0xb44: {  	v54 =	vld.idx.msk [tilespmem:v62+s15+$0x0], $0xffff  }
0xb45: {  	v62 =	vld.idx.msk [tilespmem:v63+s15+$0x0], $0xffff  }
0xb46: {  	v55 =	vld.idx.msk [tilespmem:v60+s20+$0x0], $0xffff  }
0xb47: {  	v63 =	vld.idx.msk [tilespmem:v61+s20+$0x0], $0xffff;
	_ =	sdelay $0x4  }
0xb48: {  	v54 =	vmul.f32 v55, v54;
	v60 =	vmul.f32 v63, v62;
	_ =	sdelay $0x1  }
0xb49: {  	v54 =	vmul.f32 v54, v52;
	v55 =	vmul.f32 v60, v53;
	_ =	sdelay $0x1  }
0xb4a: {  	v54 =	vadd.f32 v55, v54;
	_ =	sdelay $0x1  }
0xb4b: {  	[tilespmem:$0x10670] =	vst v54  }
0xb4c: {  	v54 =	vld.idx.msk [tilespmem:v32+s14+$0x0], $0xffff;
	_ =	sdelay $0x1  }
0xb4d: {  	v61 =	vld.idx.msk [tilespmem:v36+s14+$0x0], $0xffff;
	_ =	sdelay $0x1  }
0xb4e: {  	v62 =	vld.idx.msk [tilespmem:v37+s14+$0x0], $0xffff  }
0xb4f: {  	v54 =	vadd.f32 v54, v51  }
0xb50: {  	v63 =	vld.idx.msk [tilespmem:v38+s14+$0x0], $0xffff  }
0xb51: {  	v54 =	vadd.f32 v61, v54  }
0xb52: {  	v60 =	vld.idx.msk [tilespmem:v39+s14+$0x0], $0xffff  }
0xb53: {  	v54 =	vadd.f32 v62, v54  }
0xb54: {  	v61 =	vld.idx.msk [tilespmem:v40+s14+$0x0], $0xffff  }
0xb55: {  	v54 =	vadd.f32 v63, v54  }
0xb56: {  	v62 =	vld.idx.msk [tilespmem:v41+s14+$0x0], $0xffff  }
0xb57: {  	v54 =	vadd.f32 v60, v54  }
0xb58: {  	v63 =	vld.idx.msk [tilespmem:v42+s14+$0x0], $0xffff  }
0xb59: {  	v54 =	vadd.f32 v61, v54  }
0xb5a: {  	v60 =	vld.idx.msk [tilespmem:v43+s14+$0x0], $0xffff  }
0xb5b: {  	v54 =	vadd.f32 v62, v54  }
0xb5c: {  	v61 =	vld.idx.msk [tilespmem:v44+s14+$0x0], $0xffff  }
0xb5d: {  	v54 =	vadd.f32 v63, v54  }
0xb5e: {  	v62 =	vld.idx.msk [tilespmem:v45+s14+$0x0], $0xffff  }
0xb5f: {  	v54 =	vadd.f32 v60, v54  }
0xb60: {  	v63 =	vld.idx.msk [tilespmem:v46+s14+$0x0], $0xffff  }
0xb61: {  	v54 =	vadd.f32 v61, v54  }
0xb62: {  	v60 =	vld.idx.msk [tilespmem:v47+s14+$0x0], $0xffff  }
0xb63: {  	v54 =	vadd.f32 v62, v54  }
0xb64: {  	v61 =	vld.idx.msk [tilespmem:v48+s14+$0x0], $0xffff  }
0xb65: {  	v54 =	vadd.f32 v63, v54  }
0xb66: {  	v62 =	vld.idx.msk [tilespmem:v49+s14+$0x0], $0xffff  }
0xb67: {  	v54 =	vadd.f32 v60, v54  }
0xb68: {  	v63 =	vld.idx.msk [tilespmem:v50+s14+$0x0], $0xffff  }
0xb69: {  	v54 =	vadd.f32 v61, v54;
	_ =	sdelay $0x1  }
0xb6a: {  	v54 =	vadd.f32 v62, v54;
	_ =	sdelay $0x1  }
0xb6b: {  	v54 =	vadd.f32 v63, v54;
	_ =	sdelay $0x1  }
0xb6c: {  	v54 =	vsub.f32 $0.0e+00, v54;
	_ =	sdelay $0x1  }
0xb6d: {  	v54 =	vmul.f32 $1.442695020e+00, v54;
	_ =	sdelay $0x1  }
0xb6e: {  	(erf) = vpow2.f32 v54;
	_ =	sdelay $0x8  }
0xb6f: {  	v54 =	vpop (erf)  }
0xb70: {  	v54 =	vadd.f32 $1.000000000e+00, v54;
	_ =	sdelay $0x1  }
0xb71: {  	(erf) = vrcp.f32 v54;
	_ =	sdelay $0x3  }
0xb72: {  	p0 =	sne.s32 s13, $0x7C0;
	s13 =	sadd.s32 $0x40, s13;
	s18 =	simm.s32 $0x880  }
0xb73: {  	s11 =	simm.s32 $0x500;
	s22 =	simm.s32 $0xA00;
	s30 =	simm.s32 $0xE80  }
.Ltmp0:
0xb74: {  	s17 =	simm.s32 $0x800;
	s23 =	simm.s32 $0xA80;
	(pc) =	sbr.rel @p0 .LBB2_2-.Ltmp0, $4  }
0xb75: {  	s26 =	simm.s32 $0xC80;
	s28 =	simm.s32 $0xD00;
	s16 =	simm.s32 $0x780  }
0xb76: {  	s0 =	simm.s32 $0x600;
	s3 =	simm.s32 $0x700;
	s5 =	simm.s32 $0x680  }
0xb77: {  	s19 =	simm.s32 $0x900;
	s21 =	simm.s32 $0x980;
	s9 =	rddreg [dreg:$0xe];
	v54 =	vpop (erf)  }
0xb78: {  	s24 =	simm.s32 $0xB00;
	s25 =	simm.s32 $0xC00;
	s29 =	simm.s32 $0xD80;
	[tilespmem:s9+$0x10680] =	vst v54  }
0xb79: {  	s6 =	rddreg [dreg:$0xb];
	s7 =	simm.s32 $0x10680  }
0xb7a: {  	[hbm4b:s6+s4] =	stream.linear.scatter [tilespmem:s7], [sflag:$0x3], $0x200, $0x38;
	[tilespmem:$0x10880] =	vst v63  }
0xb7b: {  	s7 =	simm.s32 $0x3  }
0xb7c: {  	_ =	swait.ge [sflag:s7], $0x200  }
0xb7d: {  	s9 =	rddreg [dreg:$0xd]  }
0xb7e: {  	s13 =	rddreg [dreg:$0xc];
	s9 =	sadd.s32 $0x1, s9  }
0xb7f: {  	p0 =	sne.s32 s9, s13  }
.Ltmp1:
0xb80: {  	_ = 	snop;
	(pc) =	sbr.rel @p0 .LBB2_1-.Ltmp1, $3  }
0xb81: {  	_ =	sdelay $0x1  }
0xb82: {  	[sflag:s7] =	ssyncset.done $0x0  }
0xb83: {  	[sflag:s7] =	ssyncadd.s32 $0xFFFFFE00  }
0xb84: {  	_ =	sfence.sel $0x180000  }
0xb85: {  	[bflag:$0x0] =	sbarrier.arrive $0xFFFF  }
0xb86: {  	_ =	strace $0x90000047  }
0xb87: {  	s0 =	stileid.u32;
	[bflag:$0x2] =	sbarrier.arrive $0xFFFF  }
0xb88: {  	p0 =	sne.s32 s0, $0x0;
	s0 =	rddreg [dreg:$0x7]  }
0xb89: {  	s0 =	sadd.s32 @!p0 $0x100000, s0  }
0xb8a: {  	[sflag:s0] =	ssyncadd.tile.s32 @!p0 $0x1;
	_ =	shalt  }
.Lfunc_end2:
_tile_overlayer_lowered:
.L_overlay_start_2:
0xb8b: {  	(tag) =	ssettag $0x2  }
0xb8c: {  	s0 =	rddreg [dreg:$0x0];
	s2 =	stileid.u32  }
0xb8d: {  	s1 =	rddreg [dreg:$0x1];
	p0 =	sne.s32 s2, $0x0  }
0xb8e: {  	s3 =	rddreg [dreg:$0x2];
	[bflag:$0x3] =	sbarrier.arrive $0xFFFF;
	s2 =	simm.s32 @!p0 $0x1C03  }
0xb8f: {  	[timem:s3], [sflag:s2] =	dma.local @!p0 [hbm:s0], s1  }
0xb90: {  	s0 =	simm.s32 @!p0 $0x3  }
0xb91: {  	_ =	swait.ge @!p0 [sflag:s0], s1  }
0xb92: {  	s1 =	ssub.s32 @!p0 $0x0, s1;
	[sflag:s0] =	ssyncset.done @!p0 $0x0  }
0xb93: {  	[sflag:s0] =	ssyncadd.s32 @!p0 s1  }
0xb94: {  	[bflag:$0x3] =	sbarrier.arrive $0xFFFF  }
0xb95: {  	_ =	shalt  }

</sc_bundles>
